<compile_context>
chip_gen: v7x
topology: tpu7x:2x2x1
jax: 0.10.2.dev20260603
libtpu: 0.0.44.dev20260713+nightly
codegen_flags: <defaults>
</compile_context>

<pallas_src>
import jax
import jax.numpy as jnp
from jax import lax
from jax.experimental import pallas as pl
from jax.experimental.pallas import tpu as pltpu
from jax.experimental.pallas import tpu_sc as plsc

OUT = 7
C = 256
CW = C // 2
M = 1024
NC, NS, L = 2, 16, 16
NW = NC * NS
BOX_PER_W = M // NW
NPOS = OUT * OUT
SLOTS = 52
TAB = 2 * SLOTS
WTAB = 4 * 56
ETAB = 128
OUT_WORDS = C * NPOS
NPIX = 43520
NPAIR = NPIX // 2

_GRID = tuple((i + 0.5) / OUT for i in range(OUT))


def _sc_body(table, b1f, b2f, out_flat, coords_f, idx_all, w_all, e_all,
             rows_a, rows_b, out_v, sem_a, sem_b):
    wid = lax.axis_index("s") * NC + lax.axis_index("c")
    box0 = wid * BOX_PER_W
    iota = lax.iota(jnp.int32, L)
    zeros_i = jnp.zeros((L,), jnp.int32)
    ones_i = jnp.full((L,), 1, jnp.int32)

    @pl.loop(0, 2)
    def _groups(g):
        gb = box0 + g * L

        @pl.when(gb < 512)
        def _():
            pltpu.sync_copy(b1f.at[pl.ds(gb * 4, 4 * L)], coords_f)

        @pl.when(gb >= 512)
        def _():
            pltpu.sync_copy(b2f.at[pl.ds((gb - 512) * 4, 4 * L)], coords_f)

        ci = iota * 4
        x1 = plsc.load_gather(coords_f, [ci])
        y1 = plsc.load_gather(coords_f, [ci + 1])
        x2 = plsc.load_gather(coords_f, [ci + 2])
        y2 = plsc.load_gather(coords_f, [ci + 3])
        area = (x2 - x1) * (y2 - y1)
        lvm2 = (jnp.where(area >= 12544.0, ones_i, zeros_i)
                + jnp.where(area >= 50176.0, ones_i, zeros_i)
                + jnp.where(area >= 200704.0, ones_i, zeros_i))
        stridef = jnp.left_shift(jnp.full((L,), 4, jnp.int32),
                                 lvm2).astype(jnp.float32)
        wi = jnp.right_shift(jnp.full((L,), 128, jnp.int32), lvm2)
        hw = wi * wi
        base_rows = jnp.where(
            lvm2 == 0, zeros_i,
            jnp.where(lvm2 == 1, jnp.full((L,), 32768, jnp.int32),
                      jnp.where(lvm2 == 2, jnp.full((L,), 40960, jnp.int32),
                                jnp.full((L,), 43008, jnp.int32))))
        bvec = jnp.full((L,), gb, jnp.int32)
        rowbase = base_rows + jnp.where(bvec >= 512, hw, zeros_i)
        wim1 = wi - ones_i

        x1s = x1 / stridef
        x2s = x2 / stridef
        y1s = y1 / stridef
        y2s = y2 / stridef
        starts, e0l, e1l, wxl, omwxl = [], [], [], [], []
        rb0, rb1, wyl, omwyl = [], [], [], []
        for o in range(OUT):
            t = _GRID[o]
            px = x1s + t * (x2s - x1s)
            x0t = px.astype(jnp.int32)
            wx = px - x0t.astype(jnp.float32)
            start = jnp.minimum(x0t, wim1 - ones_i)
            e0l.append((jnp.minimum(x0t, wim1) - start) * CW)
            e1l.append((jnp.minimum(x0t + 1, wim1) - start) * CW)
            starts.append(start)
            wxl.append(wx)
            omwxl.append(1.0 - wx)
            py = y1s + t * (y2s - y1s)
            y0t = py.astype(jnp.int32)
            wy = py - y0t.astype(jnp.float32)
            rb0.append(rowbase + jnp.minimum(y0t, wim1) * wi)
            rb1.append(rowbase + jnp.minimum(y0t + 1, wim1) * wi)
            wyl.append(wy)
            omwyl.append(1.0 - wy)

        tb_i = (g * L + iota) * TAB
        tb_w = (g * L + iota) * WTAB
        tb_e = (g * L + iota) * ETAB
        npair_v = jnp.full((L,), NPAIR, jnp.int32)
        p = 0
        for oy in range(OUT):
            for ox in range(OUT):
                g0 = rb0[oy] + starts[ox]
                g1 = rb1[oy] + starts[ox]
                t0 = jnp.right_shift(g0, 1) + (g0 & 1) * npair_v
                t1 = jnp.right_shift(g1, 1) + (g1 & 1) * npair_v
                plsc.store_scatter(idx_all, [tb_i + p], t0)
                plsc.store_scatter(idx_all, [tb_i + (SLOTS + p)], t1)
                wvals = (omwyl[oy] * omwxl[ox], omwyl[oy] * wxl[ox],
                         wyl[oy] * omwxl[ox], wyl[oy] * wxl[ox])
                for c4, wv in enumerate(wvals):
                    plsc.store_scatter(w_all, [tb_w + (c4 * 56 + p)], wv)
                if oy == 0:
                    plsc.store_scatter(e_all, [tb_e + ox], e0l[ox])
                    plsc.store_scatter(e_all, [tb_e + (64 + ox)], e1l[ox])
                p += 1
        for p in range(NPOS, SLOTS):
            plsc.store_scatter(idx_all, [tb_i + p], zeros_i)
            plsc.store_scatter(idx_all, [tb_i + (SLOTS + p)], zeros_i)

    ce = [(jnp.full((L,), k * 32, jnp.int32) + 2 * iota) * NPOS
          for k in range(C // 32)]
    co = [(jnp.full((L,), k * 32 + 1, jnp.int32) + 2 * iota) * NPOS
          for k in range(C // 32)]

    def gather(b, rows_ref, sem):
        pltpu.async_copy(table.at[idx_all.at[pl.ds(b * TAB, TAB)]],
                         rows_ref, sem)

    def drain(rows_ref, sem):
        pltpu.make_async_copy(table.at[pl.ds(0, TAB)], rows_ref, sem).wait()

    def compute(b, rows_ref):
        wbase = jnp.full((L,), b * WTAB, jnp.int32)
        ebase = jnp.full((L,), b * ETAB, jnp.int32)

        @pl.loop(0, NPOS)
        def _pos(p):
            wp = wbase + p
            w00 = plsc.load_gather(w_all, [wp])
            w01 = plsc.load_gather(w_all, [wp + 56])
            w10 = plsc.load_gather(w_all, [wp + 2 * 56])
            w11 = plsc.load_gather(w_all, [wp + 3 * 56])
            ox = lax.rem(p, OUT)
            c0 = plsc.load_gather(e_all, [ebase + ox]) + iota
            c1 = plsc.load_gather(e_all, [ebase + (64 + ox)]) + iota
            r0 = jnp.full((L,), p, jnp.int32)
            r1 = jnp.full((L,), SLOTS + p, jnp.int32)
            for k in range(C // 32):
                k16 = k * L
                v00 = plsc.load_gather(rows_ref, [r0, c0 + k16])
                v01 = plsc.load_gather(rows_ref, [r0, c1 + k16])
                v10 = plsc.load_gather(rows_ref, [r1, c0 + k16])
                v11 = plsc.load_gather(rows_ref, [r1, c1 + k16])
                e0, o0 = plsc.unpack(
                    plsc.bitcast(v00, jnp.bfloat16),
                    format=plsc.PackFormat.INTERLEAVED,
                    preferred_element_type=jnp.float32)
                e1, o1 = plsc.unpack(
                    plsc.bitcast(v01, jnp.bfloat16),
                    format=plsc.PackFormat.INTERLEAVED,
                    preferred_element_type=jnp.float32)
                e2, o2 = plsc.unpack(
                    plsc.bitcast(v10, jnp.bfloat16),
                    format=plsc.PackFormat.INTERLEAVED,
                    preferred_element_type=jnp.float32)
                e3, o3 = plsc.unpack(
                    plsc.bitcast(v11, jnp.bfloat16),
                    format=plsc.PackFormat.INTERLEAVED,
                    preferred_element_type=jnp.float32)
                acc_e = e0 * w00 + e1 * w01 + e2 * w10 + e3 * w11
                acc_o = o0 * w00 + o1 * w01 + o2 * w10 + o3 * w11
                plsc.store_scatter(out_v, [ce[k] + p], acc_e)
                plsc.store_scatter(out_v, [co[k] + p], acc_o)

        pltpu.sync_copy(
            out_v, out_flat.at[pl.ds((box0 + b) * OUT_WORDS, OUT_WORDS)])

    gather(0, rows_a, sem_a)

    @pl.loop(0, BOX_PER_W, step=2)
    def _pairs(b0):
        b1 = b0 + 1
        gather(b1, rows_b, sem_b)
        drain(rows_a, sem_a)
        compute(b0, rows_a)
        bn = jnp.minimum(b0 + 2, BOX_PER_W - 1)
        gather(bn, rows_a, sem_a)
        drain(rows_b, sem_b)
        compute(b1, rows_b)

    drain(rows_a, sem_a)


_mesh = plsc.VectorSubcoreMesh(
    core_axis_name="c", subcore_axis_name="s", num_cores=NC, num_subcores=NS)

_run = pl.kernel(
    _sc_body,
    out_type=jax.ShapeDtypeStruct((M * OUT_WORDS,), jnp.float32),
    mesh=_mesh,
    compiler_params=pltpu.CompilerParams(needs_layout_passes=False),
    scratch_types=[
        pltpu.VMEM((4 * L,), jnp.float32),
        pltpu.VMEM((BOX_PER_W * TAB,), jnp.int32),
        pltpu.VMEM((BOX_PER_W * WTAB,), jnp.float32),
        pltpu.VMEM((BOX_PER_W * ETAB,), jnp.int32),
        pltpu.VMEM((TAB, 2 * CW), jnp.int32),
        pltpu.VMEM((TAB, 2 * CW), jnp.int32),
        pltpu.VMEM((OUT_WORDS,), jnp.float32),
        pltpu.SemaphoreType.DMA,
        pltpu.SemaphoreType.DMA,
    ],
)


@jax.jit
def kernel(fm2, fm3, fm4, fm5, boxes1, boxes2):
    evens, odds = [], []
    zpad = jnp.zeros((CW,), jnp.int32)
    for fm in (fm2, fm3, fm4, fm5):
        t = jnp.transpose(fm.astype(jnp.bfloat16), (0, 2, 3, 1))
        w = jax.lax.bitcast_convert_type(
            t.reshape(-1, CW, 2), jnp.int32).reshape(-1)
        evens.append(w.reshape(-1, 2 * CW))
        odds.append(jnp.concatenate([w[CW:], zpad]).reshape(-1, 2 * CW))
    table = jnp.concatenate(evens + odds, axis=0)
    out_flat = _run(table, boxes1.reshape(-1), boxes2.reshape(-1))
    return out_flat.reshape(M, C, OUT, OUT)

# --- scband reference (transcript-rebuilt; emitter-appended) ---
"""Pipeline reference for scband-ro-ipooler-25701084299944 (READ-ONLY COPY).

The authoritative reference and input builder live on the scoring server;
editing this copy changes nothing except your own understanding.
"""

import jax, jax.numpy as jnp
import numpy as np

OUT_SIZE = 7


def _compute_levels(boxes, canonical_box_size=224.0, canonical_level=4.0):
    areas = (boxes[:, 2] - boxes[:, 0]) * (boxes[:, 3] - boxes[:, 1])
    s = jnp.sqrt(areas) / canonical_box_size
    lv = jnp.floor(jnp.log2(s) + canonical_level)
    return jnp.clip(lv, 2, 5).astype(jnp.int32)


def _roi_align(fm, boxes, batch_idx, stride, out_size):
    N, C, H, W = fm.shape
    M = boxes.shape[0]
    x1 = boxes[:, 0] / stride
    y1 = boxes[:, 1] / stride
    x2 = boxes[:, 2] / stride
    y2 = boxes[:, 3] / stride
    grid = (jnp.arange(out_size, dtype=jnp.float32) + 0.5) / out_size
    px = x1[:, None] + grid[None, :] * (x2 - x1)[:, None]  # (M, out)
    py = y1[:, None] + grid[None, :] * (y2 - y1)[:, None]  # (M, out)
    X = jnp.broadcast_to(px[:, None, :], (M, out_size, out_size))
    Y = jnp.broadcast_to(py[:, :, None], (M, out_size, out_size))
    x0f = jnp.floor(X)
    y0f = jnp.floor(Y)
    wx = X - x0f
    wy = Y - y0f
    x0 = jnp.clip(x0f.astype(jnp.int32), 0, W - 1)
    x1i = jnp.clip(x0 + 1, 0, W - 1)
    y0 = jnp.clip(y0f.astype(jnp.int32), 0, H - 1)
    y1i = jnp.clip(y0 + 1, 0, H - 1)
    b = jnp.broadcast_to(batch_idx[:, None, None], (M, out_size, out_size))
    v00 = fm[b, :, y0, x0]    # (M, out, out, C)
    v01 = fm[b, :, y0, x1i]
    v10 = fm[b, :, y1i, x0]
    v11 = fm[b, :, y1i, x1i]
    out = (v00 * ((1.0 - wy) * (1.0 - wx))[..., None]
           + v01 * ((1.0 - wy) * wx)[..., None]
           + v10 * (wy * (1.0 - wx))[..., None]
           + v11 * (wy * wx)[..., None])
    return jnp.transpose(out, (0, 3, 1, 2))  # (M, C, out, out)


def reference(fm2, fm3, fm4, fm5, boxes1, boxes2):
    proposals = jnp.concatenate([boxes1, boxes2], axis=0)
    batch_idx = jnp.concatenate([
        jnp.zeros((boxes1.shape[0],), jnp.int32),
        jnp.ones((boxes2.shape[0],), jnp.int32)], axis=0)
    levels = _compute_levels(proposals)
    M = proposals.shape[0]
    C = fm2.shape[1]
    roi_features = jnp.zeros((M, C, OUT_SIZE, OUT_SIZE), jnp.float32)
    for lvl, fm, stride in ((2, fm2, 4.0), (3, fm3, 8.0), (4, fm4, 16.0), (5, fm5, 32.0)):
        pooled = _roi_align(fm, proposals, batch_idx, stride, OUT_SIZE)
        mask = (levels == lvl)[:, None, None, None]
        roi_features = jnp.where(mask, pooled, roi_features)
    return roi_features


def _make_boxes(k, m, img=512.0):
    k1, k2, k3, k4 = jax.random.split(k, 4)
    cx = jax.random.uniform(k1, (m,), minval=0.0, maxval=img)
    cy = jax.random.uniform(k2, (m,), minval=0.0, maxval=img)
    w = jax.random.uniform(k3, (m,), minval=16.0, maxval=480.0)
    h = jax.random.uniform(k4, (m,), minval=16.0, maxval=480.0)
    x1 = jnp.clip(cx - w / 2.0, 0.0, img - 2.0)
    y1 = jnp.clip(cy - h / 2.0, 0.0, img - 2.0)
    x2 = jnp.clip(cx + w / 2.0, x1 + 1.0, img)
    y2 = jnp.clip(cy + h / 2.0, y1 + 1.0, img)
    return jnp.stack([x1, y1, x2, y2], axis=1)


def setup_inputs(seed: int = 0) -> dict:
    key = jax.random.key(seed)
    ks = jax.random.split(key, 6)
    fm2 = jax.random.normal(ks[0], (2, 256, 128, 128), jnp.float32)
    fm3 = jax.random.normal(ks[1], (2, 256, 64, 64), jnp.float32)
    fm4 = jax.random.normal(ks[2], (2, 256, 32, 32), jnp.float32)
    fm5 = jax.random.normal(ks[3], (2, 256, 16, 16), jnp.float32)
    boxes1 = _make_boxes(ks[4], 512)
    boxes2 = _make_boxes(ks[5], 512)
    return {"fm2": fm2, "fm3": fm3, "fm4": fm4, "fm5": fm5, "boxes1": boxes1, "boxes2": boxes2}

if __name__ == "__main__":
    import jax
    _d = setup_inputs()
    print(jax.jit(kernel)(*tuple(_d.values())))

</pallas_src>

<mosaic_0001>
#map = affine_map<(d0, d1) -> (0, 0)>
#map1 = affine_map<(d0, d1) -> (0)>
module attributes {stable_mosaic.version = 14 : i64} {
  func.func @_sc_body(%arg0: i32, %arg1: i32, %arg2: memref<43520x256xi32, #tpu.memory_space<hbm>>, %arg3: memref<2048xf32, #tpu.memory_space<hbm>>, %arg4: memref<2048xf32, #tpu.memory_space<hbm>>, %arg5: memref<12845056xf32, #tpu.memory_space<hbm>>, %arg6: memref<64xf32, #tpu.memory_space<vmem>>, %arg7: memref<3328xi32, #tpu.memory_space<vmem>>, %arg8: memref<7168xf32, #tpu.memory_space<vmem>>, %arg9: memref<4096xi32, #tpu.memory_space<vmem>>, %arg10: memref<104x256xi32, #tpu.memory_space<vmem>>, %arg11: memref<104x256xi32, #tpu.memory_space<vmem>>, %arg12: memref<12544xf32, #tpu.memory_space<vmem>>, %arg13: memref<!tpu.dma_semaphore, #tpu.memory_space<semaphore_mem>>, %arg14: memref<!tpu.dma_semaphore, #tpu.memory_space<semaphore_mem>>) attributes {dimension_semantics = [#tpu.dimension_semantics<core_parallel>, #tpu.dimension_semantics<subcore_parallel>], iteration_bounds = array<i64: 2, 16>, scalar_prefetch = 0 : i64, scratch_operands = 9 : i64, tpu.core_type = #tpu.core_type<sc_vector_subcore>, window_params = [{transform_indices = #map}, {transform_indices = #map1}, {transform_indices = #map1}, {transform_indices = #map1}]} {
    %mul3A = arith.constant 2 : i32
    %mul3A_0 = arith.muli %arg1, %mul3A : i32
    %add3A = arith.addi %mul3A_0, %arg0 : i32
    %mul3A_1 = arith.constant 32 : i32
    %mul3A_2 = arith.muli %add3A, %mul3A_1 : i32
    %iota3A = tpu.iota {dimensions = array<i32: 0>} : vector<16xi32>
    %broadcast_in_dim3A = arith.constant 0 : i32
    %broadcast_in_dim3A_3 = vector.broadcast %broadcast_in_dim3A : i32 to vector<16xi32>
    %broadcast_in_dim3A_4 = arith.constant 1 : i32
    %broadcast_in_dim3A_5 = vector.broadcast %broadcast_in_dim3A_4 : i32 to vector<16xi32>
    %scan3A = arith.constant 0 : i32
    %scan3A_6 = arith.constant 2 : i32
    %scan3A_7 = arith.addi %scan3A, %scan3A_6 : i32
    %scan3A_8 = arith.constant 1 : i32
    scf.for %scan3A_168 = %scan3A to %scan3A_7 step %scan3A_8  : i32 {
      %mul3A_169 = arith.constant 1 : i32
      %mul3A_170 = arith.muli %scan3A_168, %mul3A_169 : i32
      %add3A_171 = arith.constant 0 : i32
      %add3A_172 = arith.addi %add3A_171, %mul3A_170 : i32
      %mul3A_173 = arith.constant 16 : i32
      %mul3A_174 = arith.muli %add3A_172, %mul3A_173 : i32
      %add3A_175 = arith.addi %mul3A_2, %mul3A_174 : i32
      %lt3A = arith.constant 512 : i32
      %lt3A_176 = arith.cmpi slt, %add3A_175, %lt3A : i32
      %convert_element_type3A = arith.extui %lt3A_176 : i1 to i32
      %cond3A = arith.constant 0 : i32
      %cond3A_177 = arith.cmpi ne, %convert_element_type3A, %cond3A : i32
      scf.if %cond3A_177 {
        %mul3A_2608 = arith.constant 4 : i32
        %mul3A_2609 = arith.muli %add3A_175, %mul3A_2608 : i32
        "tpu.region"() ({
          %run_scoped3A = tpu.sem_alloc : memref<!tpu.dma_semaphore, #tpu.memory_space<semaphore_mem>>
          %dma_start3A_2610 = tpu.memref_slice %arg3[%mul3A_2609] : memref<2048xf32, #tpu.memory_space<hbm>> -> memref<64xf32, #tpu.memory_space<hbm>>
          %dma_start3A_2611 = tpu.memref_slice %arg3[%mul3A_2609] : memref<2048xf32, #tpu.memory_space<hbm>> -> memref<64xf32, #tpu.memory_space<hbm>>
          tpu.enqueue_dma source(%dma_start3A_2611 : memref<64xf32, #tpu.memory_space<hbm>>) target(%arg6 : memref<64xf32, #tpu.memory_space<vmem>>) target_semaphore(%run_scoped3A : memref<!tpu.dma_semaphore, #tpu.memory_space<semaphore_mem>>)
          %dma_wait3A_2612 = tpu.memref_slice %arg3[%mul3A_2609] : memref<2048xf32, #tpu.memory_space<hbm>> -> memref<64xf32, #tpu.memory_space<hbm>>
          %dma_wait3A_2613 = tpu.memref_slice %arg3[%mul3A_2609] : memref<2048xf32, #tpu.memory_space<hbm>> -> memref<64xf32, #tpu.memory_space<hbm>>
          tpu.wait_dma2 semaphore(%run_scoped3A : memref<!tpu.dma_semaphore, #tpu.memory_space<semaphore_mem>>) src(%dma_wait3A_2613 : memref<64xf32, #tpu.memory_space<hbm>>) dst(%arg6 : memref<64xf32, #tpu.memory_space<vmem>>)
          tpu.yield
        }) : () -> ()
      } else {
      }
      %ge3A = arith.constant 512 : i32
      %ge3A_178 = arith.cmpi sge, %add3A_175, %ge3A : i32
      %convert_element_type3A_179 = arith.extui %ge3A_178 : i1 to i32
      %cond3A_180 = arith.constant 0 : i32
      %cond3A_181 = arith.cmpi ne, %convert_element_type3A_179, %cond3A_180 : i32
      scf.if %cond3A_181 {
        %sub3A_2608 = arith.constant 512 : i32
        %sub3A_2609 = arith.subi %add3A_175, %sub3A_2608 : i32
        %mul3A_2610 = arith.constant 4 : i32
        %mul3A_2611 = arith.muli %sub3A_2609, %mul3A_2610 : i32
        "tpu.region"() ({
          %run_scoped3A = tpu.sem_alloc : memref<!tpu.dma_semaphore, #tpu.memory_space<semaphore_mem>>
          %dma_start3A_2612 = tpu.memref_slice %arg4[%mul3A_2611] : memref<2048xf32, #tpu.memory_space<hbm>> -> memref<64xf32, #tpu.memory_space<hbm>>
          %dma_start3A_2613 = tpu.memref_slice %arg4[%mul3A_2611] : memref<2048xf32, #tpu.memory_space<hbm>> -> memref<64xf32, #tpu.memory_space<hbm>>
          tpu.enqueue_dma source(%dma_start3A_2613 : memref<64xf32, #tpu.memory_space<hbm>>) target(%arg6 : memref<64xf32, #tpu.memory_space<vmem>>) target_semaphore(%run_scoped3A : memref<!tpu.dma_semaphore, #tpu.memory_space<semaphore_mem>>)
          %dma_wait3A_2614 = tpu.memref_slice %arg4[%mul3A_2611] : memref<2048xf32, #tpu.memory_space<hbm>> -> memref<64xf32, #tpu.memory_space<hbm>>
          %dma_wait3A_2615 = tpu.memref_slice %arg4[%mul3A_2611] : memref<2048xf32, #tpu.memory_space<hbm>> -> memref<64xf32, #tpu.memory_space<hbm>>
          tpu.wait_dma2 semaphore(%run_scoped3A : memref<!tpu.dma_semaphore, #tpu.memory_space<semaphore_mem>>) src(%dma_wait3A_2615 : memref<64xf32, #tpu.memory_space<hbm>>) dst(%arg6 : memref<64xf32, #tpu.memory_space<vmem>>)
          tpu.yield
        }) : () -> ()
      } else {
      }
      %mul3A_182 = arith.constant 4 : i32
      %mul3A_183 = vector.broadcast %mul3A_182 : i32 to vector<16xi32>
      %mul3A_184 = arith.muli %iota3A, %mul3A_183 : vector<16xi32>
      %gather3A = tpu.vector_load_idx %arg6[%mul3A_184] : memref<64xf32, #tpu.memory_space<vmem>>[vector<16xi32>], vector<16xf32>,
      %add3A_185 = arith.constant 1 : i32
      %add3A_186 = vector.broadcast %add3A_185 : i32 to vector<16xi32>
      %add3A_187 = arith.addi %mul3A_184, %add3A_186 : vector<16xi32>
      %gather3A_188 = tpu.vector_load_idx %arg6[%add3A_187] : memref<64xf32, #tpu.memory_space<vmem>>[vector<16xi32>], vector<16xf32>,
      %add3A_189 = arith.constant 2 : i32
      %add3A_190 = vector.broadcast %add3A_189 : i32 to vector<16xi32>
      %add3A_191 = arith.addi %mul3A_184, %add3A_190 : vector<16xi32>
      %gather3A_192 = tpu.vector_load_idx %arg6[%add3A_191] : memref<64xf32, #tpu.memory_space<vmem>>[vector<16xi32>], vector<16xf32>,
      %add3A_193 = arith.constant 3 : i32
      %add3A_194 = vector.broadcast %add3A_193 : i32 to vector<16xi32>
      %add3A_195 = arith.addi %mul3A_184, %add3A_194 : vector<16xi32>
      %gather3A_196 = tpu.vector_load_idx %arg6[%add3A_195] : memref<64xf32, #tpu.memory_space<vmem>>[vector<16xi32>], vector<16xf32>,
      %sub3A = arith.subf %gather3A_192, %gather3A : vector<16xf32>
      %sub3A_197 = arith.subf %gather3A_196, %gather3A_188 : vector<16xf32>
      %mul3A_198 = arith.mulf %sub3A, %sub3A_197 : vector<16xf32>
      %ge3A_199 = arith.constant 1.254400e+04 : f32
      %ge3A_200 = vector.broadcast %ge3A_199 : f32 to vector<16xf32>
      %ge3A_201 = arith.cmpf oge, %mul3A_198, %ge3A_200 : vector<16xf32>
      %select_n3A = arith.select %ge3A_201, %broadcast_in_dim3A_5, %broadcast_in_dim3A_3 : vector<16xi1>, vector<16xi32>
      %ge3A_202 = arith.constant 5.017600e+04 : f32
      %ge3A_203 = vector.broadcast %ge3A_202 : f32 to vector<16xf32>
      %ge3A_204 = arith.cmpf oge, %mul3A_198, %ge3A_203 : vector<16xf32>
      %select_n3A_205 = arith.select %ge3A_204, %broadcast_in_dim3A_5, %broadcast_in_dim3A_3 : vector<16xi1>, vector<16xi32>
      %add3A_206 = arith.addi %select_n3A, %select_n3A_205 : vector<16xi32>
      %ge3A_207 = arith.constant 2.007040e+05 : f32
      %ge3A_208 = vector.broadcast %ge3A_207 : f32 to vector<16xf32>
      %ge3A_209 = arith.cmpf oge, %mul3A_198, %ge3A_208 : vector<16xf32>
      %select_n3A_210 = arith.select %ge3A_209, %broadcast_in_dim3A_5, %broadcast_in_dim3A_3 : vector<16xi1>, vector<16xi32>
      %add3A_211 = arith.addi %add3A_206, %select_n3A_210 : vector<16xi32>
      %broadcast_in_dim3A_212 = arith.constant 4 : i32
      %broadcast_in_dim3A_213 = vector.broadcast %broadcast_in_dim3A_212 : i32 to vector<16xi32>
      %shift_left3A = arith.shli %broadcast_in_dim3A_213, %add3A_211 : vector<16xi32>
      %convert_element_type3A_214 = arith.sitofp %shift_left3A : vector<16xi32> to vector<16xf32>
      %broadcast_in_dim3A_215 = arith.constant 128 : i32
      %broadcast_in_dim3A_216 = vector.broadcast %broadcast_in_dim3A_215 : i32 to vector<16xi32>
      %shift_right_arithmetic3A = arith.shrsi %broadcast_in_dim3A_216, %add3A_211 : vector<16xi32>
      %mul3A_217 = arith.muli %shift_right_arithmetic3A, %shift_right_arithmetic3A : vector<16xi32>
      %eq3A = arith.constant 0 : i32
      %eq3A_218 = vector.broadcast %eq3A : i32 to vector<16xi32>
      %eq3A_219 = arith.cmpi eq, %add3A_211, %eq3A_218 : vector<16xi32>
      %eq3A_220 = arith.constant 1 : i32
      %eq3A_221 = vector.broadcast %eq3A_220 : i32 to vector<16xi32>
      %eq3A_222 = arith.cmpi eq, %add3A_211, %eq3A_221 : vector<16xi32>
      %broadcast_in_dim3A_223 = arith.constant 32768 : i32
      %broadcast_in_dim3A_224 = vector.broadcast %broadcast_in_dim3A_223 : i32 to vector<16xi32>
      %eq3A_225 = arith.constant 2 : i32
      %eq3A_226 = vector.broadcast %eq3A_225 : i32 to vector<16xi32>
      %eq3A_227 = arith.cmpi eq, %add3A_211, %eq3A_226 : vector<16xi32>
      %broadcast_in_dim3A_228 = arith.constant 40960 : i32
      %broadcast_in_dim3A_229 = vector.broadcast %broadcast_in_dim3A_228 : i32 to vector<16xi32>
      %broadcast_in_dim3A_230 = arith.constant 43008 : i32
      %broadcast_in_dim3A_231 = vector.broadcast %broadcast_in_dim3A_230 : i32 to vector<16xi32>
      %select_n3A_232 = arith.select %eq3A_227, %broadcast_in_dim3A_229, %broadcast_in_dim3A_231 : vector<16xi1>, vector<16xi32>
      %select_n3A_233 = arith.select %eq3A_222, %broadcast_in_dim3A_224, %select_n3A_232 : vector<16xi1>, vector<16xi32>
      %select_n3A_234 = arith.select %eq3A_219, %broadcast_in_dim3A_3, %select_n3A_233 : vector<16xi1>, vector<16xi32>
      %broadcast_in_dim3A_235 = vector.broadcast %add3A_175 : i32 to vector<16xi32>
      %ge3A_236 = arith.constant 512 : i32
      %ge3A_237 = vector.broadcast %ge3A_236 : i32 to vector<16xi32>
      %ge3A_238 = arith.cmpi sge, %broadcast_in_dim3A_235, %ge3A_237 : vector<16xi32>
      %select_n3A_239 = arith.select %ge3A_238, %mul3A_217, %broadcast_in_dim3A_3 : vector<16xi1>, vector<16xi32>
      %add3A_240 = arith.addi %select_n3A_234, %select_n3A_239 : vector<16xi32>
      %sub3A_241 = arith.subi %shift_right_arithmetic3A, %broadcast_in_dim3A_5 : vector<16xi32>
      %div3A = arith.divf %gather3A, %convert_element_type3A_214 : vector<16xf32>
      %div3A_242 = arith.divf %gather3A_192, %convert_element_type3A_214 : vector<16xf32>
      %div3A_243 = arith.divf %gather3A_188, %convert_element_type3A_214 : vector<16xf32>
      %div3A_244 = arith.divf %gather3A_196, %convert_element_type3A_214 : vector<16xf32>
      %sub3A_245 = arith.subf %div3A_242, %div3A : vector<16xf32>
      %mul3A_246 = arith.constant 0.0714285746 : f32
      %mul3A_247 = vector.broadcast %mul3A_246 : f32 to vector<16xf32>
      %mul3A_248 = arith.mulf %mul3A_247, %sub3A_245 : vector<16xf32>
      %add3A_249 = arith.addf %div3A, %mul3A_248 : vector<16xf32>
      %convert_element_type3A_250 = arith.fptosi %add3A_249 : vector<16xf32> to vector<16xi32>
      %convert_element_type3A_251 = arith.sitofp %convert_element_type3A_250 : vector<16xi32> to vector<16xf32>
      %sub3A_252 = arith.subf %add3A_249, %convert_element_type3A_251 : vector<16xf32>
      %sub3A_253 = arith.subi %sub3A_241, %broadcast_in_dim3A_5 : vector<16xi32>
      %min3A = arith.minsi %convert_element_type3A_250, %sub3A_253 : vector<16xi32>
      %min3A_254 = arith.minsi %convert_element_type3A_250, %sub3A_241 : vector<16xi32>
      %sub3A_255 = arith.subi %min3A_254, %min3A : vector<16xi32>
      %mul3A_256 = arith.constant 128 : i32
      %mul3A_257 = vector.broadcast %mul3A_256 : i32 to vector<16xi32>
      %mul3A_258 = arith.muli %sub3A_255, %mul3A_257 : vector<16xi32>
      %add3A_259 = arith.constant 1 : i32
      %add3A_260 = vector.broadcast %add3A_259 : i32 to vector<16xi32>
      %add3A_261 = arith.addi %convert_element_type3A_250, %add3A_260 : vector<16xi32>
      %min3A_262 = arith.minsi %add3A_261, %sub3A_241 : vector<16xi32>
      %sub3A_263 = arith.subi %min3A_262, %min3A : vector<16xi32>
      %mul3A_264 = arith.constant 128 : i32
      %mul3A_265 = vector.broadcast %mul3A_264 : i32 to vector<16xi32>
      %mul3A_266 = arith.muli %sub3A_263, %mul3A_265 : vector<16xi32>
      %sub3A_267 = arith.constant 1.000000e+00 : f32
      %sub3A_268 = vector.broadcast %sub3A_267 : f32 to vector<16xf32>
      %sub3A_269 = arith.subf %sub3A_268, %sub3A_252 : vector<16xf32>
      %sub3A_270 = arith.subf %div3A_244, %div3A_243 : vector<16xf32>
      %mul3A_271 = arith.constant 0.0714285746 : f32
      %mul3A_272 = vector.broadcast %mul3A_271 : f32 to vector<16xf32>
      %mul3A_273 = arith.mulf %mul3A_272, %sub3A_270 : vector<16xf32>
      %add3A_274 = arith.addf %div3A_243, %mul3A_273 : vector<16xf32>
      %convert_element_type3A_275 = arith.fptosi %add3A_274 : vector<16xf32> to vector<16xi32>
      %convert_element_type3A_276 = arith.sitofp %convert_element_type3A_275 : vector<16xi32> to vector<16xf32>
      %sub3A_277 = arith.subf %add3A_274, %convert_element_type3A_276 : vector<16xf32>
      %min3A_278 = arith.minsi %convert_element_type3A_275, %sub3A_241 : vector<16xi32>
      %mul3A_279 = arith.muli %min3A_278, %shift_right_arithmetic3A : vector<16xi32>
      %add3A_280 = arith.addi %add3A_240, %mul3A_279 : vector<16xi32>
      %add3A_281 = arith.constant 1 : i32
      %add3A_282 = vector.broadcast %add3A_281 : i32 to vector<16xi32>
      %add3A_283 = arith.addi %convert_element_type3A_275, %add3A_282 : vector<16xi32>
      %min3A_284 = arith.minsi %add3A_283, %sub3A_241 : vector<16xi32>
      %mul3A_285 = arith.muli %min3A_284, %shift_right_arithmetic3A : vector<16xi32>
      %add3A_286 = arith.addi %add3A_240, %mul3A_285 : vector<16xi32>
      %sub3A_287 = arith.constant 1.000000e+00 : f32
      %sub3A_288 = vector.broadcast %sub3A_287 : f32 to vector<16xf32>
      %sub3A_289 = arith.subf %sub3A_288, %sub3A_277 : vector<16xf32>
      %sub3A_290 = arith.subf %div3A_242, %div3A : vector<16xf32>
      %mul3A_291 = arith.constant 0.214285716 : f32
      %mul3A_292 = vector.broadcast %mul3A_291 : f32 to vector<16xf32>
      %mul3A_293 = arith.mulf %mul3A_292, %sub3A_290 : vector<16xf32>
      %add3A_294 = arith.addf %div3A, %mul3A_293 : vector<16xf32>
      %convert_element_type3A_295 = arith.fptosi %add3A_294 : vector<16xf32> to vector<16xi32>
      %convert_element_type3A_296 = arith.sitofp %convert_element_type3A_295 : vector<16xi32> to vector<16xf32>
      %sub3A_297 = arith.subf %add3A_294, %convert_element_type3A_296 : vector<16xf32>
      %sub3A_298 = arith.subi %sub3A_241, %broadcast_in_dim3A_5 : vector<16xi32>
      %min3A_299 = arith.minsi %convert_element_type3A_295, %sub3A_298 : vector<16xi32>
      %min3A_300 = arith.minsi %convert_element_type3A_295, %sub3A_241 : vector<16xi32>
      %sub3A_301 = arith.subi %min3A_300, %min3A_299 : vector<16xi32>
      %mul3A_302 = arith.constant 128 : i32
      %mul3A_303 = vector.broadcast %mul3A_302 : i32 to vector<16xi32>
      %mul3A_304 = arith.muli %sub3A_301, %mul3A_303 : vector<16xi32>
      %add3A_305 = arith.constant 1 : i32
      %add3A_306 = vector.broadcast %add3A_305 : i32 to vector<16xi32>
      %add3A_307 = arith.addi %convert_element_type3A_295, %add3A_306 : vector<16xi32>
      %min3A_308 = arith.minsi %add3A_307, %sub3A_241 : vector<16xi32>
      %sub3A_309 = arith.subi %min3A_308, %min3A_299 : vector<16xi32>
      %mul3A_310 = arith.constant 128 : i32
      %mul3A_311 = vector.broadcast %mul3A_310 : i32 to vector<16xi32>
      %mul3A_312 = arith.muli %sub3A_309, %mul3A_311 : vector<16xi32>
      %sub3A_313 = arith.constant 1.000000e+00 : f32
      %sub3A_314 = vector.broadcast %sub3A_313 : f32 to vector<16xf32>
      %sub3A_315 = arith.subf %sub3A_314, %sub3A_297 : vector<16xf32>
      %sub3A_316 = arith.subf %div3A_244, %div3A_243 : vector<16xf32>
      %mul3A_317 = arith.constant 0.214285716 : f32
      %mul3A_318 = vector.broadcast %mul3A_317 : f32 to vector<16xf32>
      %mul3A_319 = arith.mulf %mul3A_318, %sub3A_316 : vector<16xf32>
      %add3A_320 = arith.addf %div3A_243, %mul3A_319 : vector<16xf32>
      %convert_element_type3A_321 = arith.fptosi %add3A_320 : vector<16xf32> to vector<16xi32>
      %convert_element_type3A_322 = arith.sitofp %convert_element_type3A_321 : vector<16xi32> to vector<16xf32>
      %sub3A_323 = arith.subf %add3A_320, %convert_element_type3A_322 : vector<16xf32>
      %min3A_324 = arith.minsi %convert_element_type3A_321, %sub3A_241 : vector<16xi32>
      %mul3A_325 = arith.muli %min3A_324, %shift_right_arithmetic3A : vector<16xi32>
      %add3A_326 = arith.addi %add3A_240, %mul3A_325 : vector<16xi32>
      %add3A_327 = arith.constant 1 : i32
      %add3A_328 = vector.broadcast %add3A_327 : i32 to vector<16xi32>
      %add3A_329 = arith.addi %convert_element_type3A_321, %add3A_328 : vector<16xi32>
      %min3A_330 = arith.minsi %add3A_329, %sub3A_241 : vector<16xi32>
      %mul3A_331 = arith.muli %min3A_330, %shift_right_arithmetic3A : vector<16xi32>
      %add3A_332 = arith.addi %add3A_240, %mul3A_331 : vector<16xi32>
      %sub3A_333 = arith.constant 1.000000e+00 : f32
      %sub3A_334 = vector.broadcast %sub3A_333 : f32 to vector<16xf32>
      %sub3A_335 = arith.subf %sub3A_334, %sub3A_323 : vector<16xf32>
      %sub3A_336 = arith.subf %div3A_242, %div3A : vector<16xf32>
      %mul3A_337 = arith.constant 0.357142866 : f32
      %mul3A_338 = vector.broadcast %mul3A_337 : f32 to vector<16xf32>
      %mul3A_339 = arith.mulf %mul3A_338, %sub3A_336 : vector<16xf32>
      %add3A_340 = arith.addf %div3A, %mul3A_339 : vector<16xf32>
      %convert_element_type3A_341 = arith.fptosi %add3A_340 : vector<16xf32> to vector<16xi32>
      %convert_element_type3A_342 = arith.sitofp %convert_element_type3A_341 : vector<16xi32> to vector<16xf32>
      %sub3A_343 = arith.subf %add3A_340, %convert_element_type3A_342 : vector<16xf32>
      %sub3A_344 = arith.subi %sub3A_241, %broadcast_in_dim3A_5 : vector<16xi32>
      %min3A_345 = arith.minsi %convert_element_type3A_341, %sub3A_344 : vector<16xi32>
      %min3A_346 = arith.minsi %convert_element_type3A_341, %sub3A_241 : vector<16xi32>
      %sub3A_347 = arith.subi %min3A_346, %min3A_345 : vector<16xi32>
      %mul3A_348 = arith.constant 128 : i32
      %mul3A_349 = vector.broadcast %mul3A_348 : i32 to vector<16xi32>
      %mul3A_350 = arith.muli %sub3A_347, %mul3A_349 : vector<16xi32>
      %add3A_351 = arith.constant 1 : i32
      %add3A_352 = vector.broadcast %add3A_351 : i32 to vector<16xi32>
      %add3A_353 = arith.addi %convert_element_type3A_341, %add3A_352 : vector<16xi32>
      %min3A_354 = arith.minsi %add3A_353, %sub3A_241 : vector<16xi32>
      %sub3A_355 = arith.subi %min3A_354, %min3A_345 : vector<16xi32>
      %mul3A_356 = arith.constant 128 : i32
      %mul3A_357 = vector.broadcast %mul3A_356 : i32 to vector<16xi32>
      %mul3A_358 = arith.muli %sub3A_355, %mul3A_357 : vector<16xi32>
      %sub3A_359 = arith.constant 1.000000e+00 : f32
      %sub3A_360 = vector.broadcast %sub3A_359 : f32 to vector<16xf32>
      %sub3A_361 = arith.subf %sub3A_360, %sub3A_343 : vector<16xf32>
      %sub3A_362 = arith.subf %div3A_244, %div3A_243 : vector<16xf32>
      %mul3A_363 = arith.constant 0.357142866 : f32
      %mul3A_364 = vector.broadcast %mul3A_363 : f32 to vector<16xf32>
      %mul3A_365 = arith.mulf %mul3A_364, %sub3A_362 : vector<16xf32>
      %add3A_366 = arith.addf %div3A_243, %mul3A_365 : vector<16xf32>
      %convert_element_type3A_367 = arith.fptosi %add3A_366 : vector<16xf32> to vector<16xi32>
      %convert_element_type3A_368 = arith.sitofp %convert_element_type3A_367 : vector<16xi32> to vector<16xf32>
      %sub3A_369 = arith.subf %add3A_366, %convert_element_type3A_368 : vector<16xf32>
      %min3A_370 = arith.minsi %convert_element_type3A_367, %sub3A_241 : vector<16xi32>
      %mul3A_371 = arith.muli %min3A_370, %shift_right_arithmetic3A : vector<16xi32>
      %add3A_372 = arith.addi %add3A_240, %mul3A_371 : vector<16xi32>
      %add3A_373 = arith.constant 1 : i32
      %add3A_374 = vector.broadcast %add3A_373 : i32 to vector<16xi32>
      %add3A_375 = arith.addi %convert_element_type3A_367, %add3A_374 : vector<16xi32>
      %min3A_376 = arith.minsi %add3A_375, %sub3A_241 : vector<16xi32>
      %mul3A_377 = arith.muli %min3A_376, %shift_right_arithmetic3A : vector<16xi32>
      %add3A_378 = arith.addi %add3A_240, %mul3A_377 : vector<16xi32>
      %sub3A_379 = arith.constant 1.000000e+00 : f32
      %sub3A_380 = vector.broadcast %sub3A_379 : f32 to vector<16xf32>
      %sub3A_381 = arith.subf %sub3A_380, %sub3A_369 : vector<16xf32>
      %sub3A_382 = arith.subf %div3A_242, %div3A : vector<16xf32>
      %mul3A_383 = arith.constant 5.000000e-01 : f32
      %mul3A_384 = vector.broadcast %mul3A_383 : f32 to vector<16xf32>
      %mul3A_385 = arith.mulf %mul3A_384, %sub3A_382 : vector<16xf32>
      %add3A_386 = arith.addf %div3A, %mul3A_385 : vector<16xf32>
      %convert_element_type3A_387 = arith.fptosi %add3A_386 : vector<16xf32> to vector<16xi32>
      %convert_element_type3A_388 = arith.sitofp %convert_element_type3A_387 : vector<16xi32> to vector<16xf32>
      %sub3A_389 = arith.subf %add3A_386, %convert_element_type3A_388 : vector<16xf32>
      %sub3A_390 = arith.subi %sub3A_241, %broadcast_in_dim3A_5 : vector<16xi32>
      %min3A_391 = arith.minsi %convert_element_type3A_387, %sub3A_390 : vector<16xi32>
      %min3A_392 = arith.minsi %convert_element_type3A_387, %sub3A_241 : vector<16xi32>
      %sub3A_393 = arith.subi %min3A_392, %min3A_391 : vector<16xi32>
      %mul3A_394 = arith.constant 128 : i32
      %mul3A_395 = vector.broadcast %mul3A_394 : i32 to vector<16xi32>
      %mul3A_396 = arith.muli %sub3A_393, %mul3A_395 : vector<16xi32>
      %add3A_397 = arith.constant 1 : i32
      %add3A_398 = vector.broadcast %add3A_397 : i32 to vector<16xi32>
      %add3A_399 = arith.addi %convert_element_type3A_387, %add3A_398 : vector<16xi32>
      %min3A_400 = arith.minsi %add3A_399, %sub3A_241 : vector<16xi32>
      %sub3A_401 = arith.subi %min3A_400, %min3A_391 : vector<16xi32>
      %mul3A_402 = arith.constant 128 : i32
      %mul3A_403 = vector.broadcast %mul3A_402 : i32 to vector<16xi32>
      %mul3A_404 = arith.muli %sub3A_401, %mul3A_403 : vector<16xi32>
      %sub3A_405 = arith.constant 1.000000e+00 : f32
      %sub3A_406 = vector.broadcast %sub3A_405 : f32 to vector<16xf32>
      %sub3A_407 = arith.subf %sub3A_406, %sub3A_389 : vector<16xf32>
      %sub3A_408 = arith.subf %div3A_244, %div3A_243 : vector<16xf32>
      %mul3A_409 = arith.constant 5.000000e-01 : f32
      %mul3A_410 = vector.broadcast %mul3A_409 : f32 to vector<16xf32>
      %mul3A_411 = arith.mulf %mul3A_410, %sub3A_408 : vector<16xf32>
      %add3A_412 = arith.addf %div3A_243, %mul3A_411 : vector<16xf32>
      %convert_element_type3A_413 = arith.fptosi %add3A_412 : vector<16xf32> to vector<16xi32>
      %convert_element_type3A_414 = arith.sitofp %convert_element_type3A_413 : vector<16xi32> to vector<16xf32>
      %sub3A_415 = arith.subf %add3A_412, %convert_element_type3A_414 : vector<16xf32>
      %min3A_416 = arith.minsi %convert_element_type3A_413, %sub3A_241 : vector<16xi32>
      %mul3A_417 = arith.muli %min3A_416, %shift_right_arithmetic3A : vector<16xi32>
      %add3A_418 = arith.addi %add3A_240, %mul3A_417 : vector<16xi32>
      %add3A_419 = arith.constant 1 : i32
      %add3A_420 = vector.broadcast %add3A_419 : i32 to vector<16xi32>
      %add3A_421 = arith.addi %convert_element_type3A_413, %add3A_420 : vector<16xi32>
      %min3A_422 = arith.minsi %add3A_421, %sub3A_241 : vector<16xi32>
      %mul3A_423 = arith.muli %min3A_422, %shift_right_arithmetic3A : vector<16xi32>
      %add3A_424 = arith.addi %add3A_240, %mul3A_423 : vector<16xi32>
      %sub3A_425 = arith.constant 1.000000e+00 : f32
      %sub3A_426 = vector.broadcast %sub3A_425 : f32 to vector<16xf32>
      %sub3A_427 = arith.subf %sub3A_426, %sub3A_415 : vector<16xf32>
      %sub3A_428 = arith.subf %div3A_242, %div3A : vector<16xf32>
      %mul3A_429 = arith.constant 0.642857134 : f32
      %mul3A_430 = vector.broadcast %mul3A_429 : f32 to vector<16xf32>
      %mul3A_431 = arith.mulf %mul3A_430, %sub3A_428 : vector<16xf32>
      %add3A_432 = arith.addf %div3A, %mul3A_431 : vector<16xf32>
      %convert_element_type3A_433 = arith.fptosi %add3A_432 : vector<16xf32> to vector<16xi32>
      %convert_element_type3A_434 = arith.sitofp %convert_element_type3A_433 : vector<16xi32> to vector<16xf32>
      %sub3A_435 = arith.subf %add3A_432, %convert_element_type3A_434 : vector<16xf32>
      %sub3A_436 = arith.subi %sub3A_241, %broadcast_in_dim3A_5 : vector<16xi32>
      %min3A_437 = arith.minsi %convert_element_type3A_433, %sub3A_436 : vector<16xi32>
      %min3A_438 = arith.minsi %convert_element_type3A_433, %sub3A_241 : vector<16xi32>
      %sub3A_439 = arith.subi %min3A_438, %min3A_437 : vector<16xi32>
      %mul3A_440 = arith.constant 128 : i32
      %mul3A_441 = vector.broadcast %mul3A_440 : i32 to vector<16xi32>
      %mul3A_442 = arith.muli %sub3A_439, %mul3A_441 : vector<16xi32>
      %add3A_443 = arith.constant 1 : i32
      %add3A_444 = vector.broadcast %add3A_443 : i32 to vector<16xi32>
      %add3A_445 = arith.addi %convert_element_type3A_433, %add3A_444 : vector<16xi32>
      %min3A_446 = arith.minsi %add3A_445, %sub3A_241 : vector<16xi32>
      %sub3A_447 = arith.subi %min3A_446, %min3A_437 : vector<16xi32>
      %mul3A_448 = arith.constant 128 : i32
      %mul3A_449 = vector.broadcast %mul3A_448 : i32 to vector<16xi32>
      %mul3A_450 = arith.muli %sub3A_447, %mul3A_449 : vector<16xi32>
      %sub3A_451 = arith.constant 1.000000e+00 : f32
      %sub3A_452 = vector.broadcast %sub3A_451 : f32 to vector<16xf32>
      %sub3A_453 = arith.subf %sub3A_452, %sub3A_435 : vector<16xf32>
      %sub3A_454 = arith.subf %div3A_244, %div3A_243 : vector<16xf32>
      %mul3A_455 = arith.constant 0.642857134 : f32
      %mul3A_456 = vector.broadcast %mul3A_455 : f32 to vector<16xf32>
      %mul3A_457 = arith.mulf %mul3A_456, %sub3A_454 : vector<16xf32>
      %add3A_458 = arith.addf %div3A_243, %mul3A_457 : vector<16xf32>
      %convert_element_type3A_459 = arith.fptosi %add3A_458 : vector<16xf32> to vector<16xi32>
      %convert_element_type3A_460 = arith.sitofp %convert_element_type3A_459 : vector<16xi32> to vector<16xf32>
      %sub3A_461 = arith.subf %add3A_458, %convert_element_type3A_460 : vector<16xf32>
      %min3A_462 = arith.minsi %convert_element_type3A_459, %sub3A_241 : vector<16xi32>
      %mul3A_463 = arith.muli %min3A_462, %shift_right_arithmetic3A : vector<16xi32>
      %add3A_464 = arith.addi %add3A_240, %mul3A_463 : vector<16xi32>
      %add3A_465 = arith.constant 1 : i32
      %add3A_466 = vector.broadcast %add3A_465 : i32 to vector<16xi32>
      %add3A_467 = arith.addi %convert_element_type3A_459, %add3A_466 : vector<16xi32>
      %min3A_468 = arith.minsi %add3A_467, %sub3A_241 : vector<16xi32>
      %mul3A_469 = arith.muli %min3A_468, %shift_right_arithmetic3A : vector<16xi32>
      %add3A_470 = arith.addi %add3A_240, %mul3A_469 : vector<16xi32>
      %sub3A_471 = arith.constant 1.000000e+00 : f32
      %sub3A_472 = vector.broadcast %sub3A_471 : f32 to vector<16xf32>
      %sub3A_473 = arith.subf %sub3A_472, %sub3A_461 : vector<16xf32>
      %sub3A_474 = arith.subf %div3A_242, %div3A : vector<16xf32>
      %mul3A_475 = arith.constant 0.785714268 : f32
      %mul3A_476 = vector.broadcast %mul3A_475 : f32 to vector<16xf32>
      %mul3A_477 = arith.mulf %mul3A_476, %sub3A_474 : vector<16xf32>
      %add3A_478 = arith.addf %div3A, %mul3A_477 : vector<16xf32>
      %convert_element_type3A_479 = arith.fptosi %add3A_478 : vector<16xf32> to vector<16xi32>
      %convert_element_type3A_480 = arith.sitofp %convert_element_type3A_479 : vector<16xi32> to vector<16xf32>
      %sub3A_481 = arith.subf %add3A_478, %convert_element_type3A_480 : vector<16xf32>
      %sub3A_482 = arith.subi %sub3A_241, %broadcast_in_dim3A_5 : vector<16xi32>
      %min3A_483 = arith.minsi %convert_element_type3A_479, %sub3A_482 : vector<16xi32>
      %min3A_484 = arith.minsi %convert_element_type3A_479, %sub3A_241 : vector<16xi32>
      %sub3A_485 = arith.subi %min3A_484, %min3A_483 : vector<16xi32>
      %mul3A_486 = arith.constant 128 : i32
      %mul3A_487 = vector.broadcast %mul3A_486 : i32 to vector<16xi32>
      %mul3A_488 = arith.muli %sub3A_485, %mul3A_487 : vector<16xi32>
      %add3A_489 = arith.constant 1 : i32
      %add3A_490 = vector.broadcast %add3A_489 : i32 to vector<16xi32>
      %add3A_491 = arith.addi %convert_element_type3A_479, %add3A_490 : vector<16xi32>
      %min3A_492 = arith.minsi %add3A_491, %sub3A_241 : vector<16xi32>
      %sub3A_493 = arith.subi %min3A_492, %min3A_483 : vector<16xi32>
      %mul3A_494 = arith.constant 128 : i32
      %mul3A_495 = vector.broadcast %mul3A_494 : i32 to vector<16xi32>
      %mul3A_496 = arith.muli %sub3A_493, %mul3A_495 : vector<16xi32>
      %sub3A_497 = arith.constant 1.000000e+00 : f32
      %sub3A_498 = vector.broadcast %sub3A_497 : f32 to vector<16xf32>
      %sub3A_499 = arith.subf %sub3A_498, %sub3A_481 : vector<16xf32>
      %sub3A_500 = arith.subf %div3A_244, %div3A_243 : vector<16xf32>
      %mul3A_501 = arith.constant 0.785714268 : f32
      %mul3A_502 = vector.broadcast %mul3A_501 : f32 to vector<16xf32>
      %mul3A_503 = arith.mulf %mul3A_502, %sub3A_500 : vector<16xf32>
      %add3A_504 = arith.addf %div3A_243, %mul3A_503 : vector<16xf32>
      %convert_element_type3A_505 = arith.fptosi %add3A_504 : vector<16xf32> to vector<16xi32>
      %convert_element_type3A_506 = arith.sitofp %convert_element_type3A_505 : vector<16xi32> to vector<16xf32>
      %sub3A_507 = arith.subf %add3A_504, %convert_element_type3A_506 : vector<16xf32>
      %min3A_508 = arith.minsi %convert_element_type3A_505, %sub3A_241 : vector<16xi32>
      %mul3A_509 = arith.muli %min3A_508, %shift_right_arithmetic3A : vector<16xi32>
      %add3A_510 = arith.addi %add3A_240, %mul3A_509 : vector<16xi32>
      %add3A_511 = arith.constant 1 : i32
      %add3A_512 = vector.broadcast %add3A_511 : i32 to vector<16xi32>
      %add3A_513 = arith.addi %convert_element_type3A_505, %add3A_512 : vector<16xi32>
      %min3A_514 = arith.minsi %add3A_513, %sub3A_241 : vector<16xi32>
      %mul3A_515 = arith.muli %min3A_514, %shift_right_arithmetic3A : vector<16xi32>
      %add3A_516 = arith.addi %add3A_240, %mul3A_515 : vector<16xi32>
      %sub3A_517 = arith.constant 1.000000e+00 : f32
      %sub3A_518 = vector.broadcast %sub3A_517 : f32 to vector<16xf32>
      %sub3A_519 = arith.subf %sub3A_518, %sub3A_507 : vector<16xf32>
      %sub3A_520 = arith.subf %div3A_242, %div3A : vector<16xf32>
      %mul3A_521 = arith.constant 0.928571403 : f32
      %mul3A_522 = vector.broadcast %mul3A_521 : f32 to vector<16xf32>
      %mul3A_523 = arith.mulf %mul3A_522, %sub3A_520 : vector<16xf32>
      %add3A_524 = arith.addf %div3A, %mul3A_523 : vector<16xf32>
      %convert_element_type3A_525 = arith.fptosi %add3A_524 : vector<16xf32> to vector<16xi32>
      %convert_element_type3A_526 = arith.sitofp %convert_element_type3A_525 : vector<16xi32> to vector<16xf32>
      %sub3A_527 = arith.subf %add3A_524, %convert_element_type3A_526 : vector<16xf32>
      %sub3A_528 = arith.subi %sub3A_241, %broadcast_in_dim3A_5 : vector<16xi32>
      %min3A_529 = arith.minsi %convert_element_type3A_525, %sub3A_528 : vector<16xi32>
      %min3A_530 = arith.minsi %convert_element_type3A_525, %sub3A_241 : vector<16xi32>
      %sub3A_531 = arith.subi %min3A_530, %min3A_529 : vector<16xi32>
      %mul3A_532 = arith.constant 128 : i32
      %mul3A_533 = vector.broadcast %mul3A_532 : i32 to vector<16xi32>
      %mul3A_534 = arith.muli %sub3A_531, %mul3A_533 : vector<16xi32>
      %add3A_535 = arith.constant 1 : i32
      %add3A_536 = vector.broadcast %add3A_535 : i32 to vector<16xi32>
      %add3A_537 = arith.addi %convert_element_type3A_525, %add3A_536 : vector<16xi32>
      %min3A_538 = arith.minsi %add3A_537, %sub3A_241 : vector<16xi32>
      %sub3A_539 = arith.subi %min3A_538, %min3A_529 : vector<16xi32>
      %mul3A_540 = arith.constant 128 : i32
      %mul3A_541 = vector.broadcast %mul3A_540 : i32 to vector<16xi32>
      %mul3A_542 = arith.muli %sub3A_539, %mul3A_541 : vector<16xi32>
      %sub3A_543 = arith.constant 1.000000e+00 : f32
      %sub3A_544 = vector.broadcast %sub3A_543 : f32 to vector<16xf32>
      %sub3A_545 = arith.subf %sub3A_544, %sub3A_527 : vector<16xf32>
      %sub3A_546 = arith.subf %div3A_244, %div3A_243 : vector<16xf32>
      %mul3A_547 = arith.constant 0.928571403 : f32
      %mul3A_548 = vector.broadcast %mul3A_547 : f32 to vector<16xf32>
      %mul3A_549 = arith.mulf %mul3A_548, %sub3A_546 : vector<16xf32>
      %add3A_550 = arith.addf %div3A_243, %mul3A_549 : vector<16xf32>
      %convert_element_type3A_551 = arith.fptosi %add3A_550 : vector<16xf32> to vector<16xi32>
      %convert_element_type3A_552 = arith.sitofp %convert_element_type3A_551 : vector<16xi32> to vector<16xf32>
      %sub3A_553 = arith.subf %add3A_550, %convert_element_type3A_552 : vector<16xf32>
      %min3A_554 = arith.minsi %convert_element_type3A_551, %sub3A_241 : vector<16xi32>
      %mul3A_555 = arith.muli %min3A_554, %shift_right_arithmetic3A : vector<16xi32>
      %add3A_556 = arith.addi %add3A_240, %mul3A_555 : vector<16xi32>
      %add3A_557 = arith.constant 1 : i32
      %add3A_558 = vector.broadcast %add3A_557 : i32 to vector<16xi32>
      %add3A_559 = arith.addi %convert_element_type3A_551, %add3A_558 : vector<16xi32>
      %min3A_560 = arith.minsi %add3A_559, %sub3A_241 : vector<16xi32>
      %mul3A_561 = arith.muli %min3A_560, %shift_right_arithmetic3A : vector<16xi32>
      %add3A_562 = arith.addi %add3A_240, %mul3A_561 : vector<16xi32>
      %sub3A_563 = arith.constant 1.000000e+00 : f32
      %sub3A_564 = vector.broadcast %sub3A_563 : f32 to vector<16xf32>
      %sub3A_565 = arith.subf %sub3A_564, %sub3A_553 : vector<16xf32>
      %mul3A_566 = arith.constant 16 : i32
      %mul3A_567 = arith.muli %add3A_172, %mul3A_566 : i32
      %add3A_568 = vector.broadcast %mul3A_567 : i32 to vector<16xi32>
      %add3A_569 = arith.addi %add3A_568, %iota3A : vector<16xi32>
      %mul3A_570 = arith.constant 104 : i32
      %mul3A_571 = vector.broadcast %mul3A_570 : i32 to vector<16xi32>
      %mul3A_572 = arith.muli %add3A_569, %mul3A_571 : vector<16xi32>
      %mul3A_573 = arith.constant 16 : i32
      %mul3A_574 = arith.muli %add3A_172, %mul3A_573 : i32
      %add3A_575 = vector.broadcast %mul3A_574 : i32 to vector<16xi32>
      %add3A_576 = arith.addi %add3A_575, %iota3A : vector<16xi32>
      %mul3A_577 = arith.constant 224 : i32
      %mul3A_578 = vector.broadcast %mul3A_577 : i32 to vector<16xi32>
      %mul3A_579 = arith.muli %add3A_576, %mul3A_578 : vector<16xi32>
      %mul3A_580 = arith.constant 16 : i32
      %mul3A_581 = arith.muli %add3A_172, %mul3A_580 : i32
      %add3A_582 = vector.broadcast %mul3A_581 : i32 to vector<16xi32>
      %add3A_583 = arith.addi %add3A_582, %iota3A : vector<16xi32>
      %mul3A_584 = arith.constant 128 : i32
      %mul3A_585 = vector.broadcast %mul3A_584 : i32 to vector<16xi32>
      %mul3A_586 = arith.muli %add3A_583, %mul3A_585 : vector<16xi32>
      %broadcast_in_dim3A_587 = arith.constant 21760 : i32
      %broadcast_in_dim3A_588 = vector.broadcast %broadcast_in_dim3A_587 : i32 to vector<16xi32>
      %add3A_589 = arith.addi %add3A_280, %min3A : vector<16xi32>
      %add3A_590 = arith.addi %add3A_286, %min3A : vector<16xi32>
      %shift_right_arithmetic3A_591 = arith.constant 1 : i32
      %shift_right_arithmetic3A_592 = vector.broadcast %shift_right_arithmetic3A_591 : i32 to vector<16xi32>
      %shift_right_arithmetic3A_593 = arith.shrsi %add3A_589, %shift_right_arithmetic3A_592 : vector<16xi32>
      %and3A = arith.constant 1 : i32
      %and3A_594 = vector.broadcast %and3A : i32 to vector<16xi32>
      %and3A_595 = arith.andi %add3A_589, %and3A_594 : vector<16xi32>
      %mul3A_596 = arith.muli %and3A_595, %broadcast_in_dim3A_588 : vector<16xi32>
      %add3A_597 = arith.addi %shift_right_arithmetic3A_593, %mul3A_596 : vector<16xi32>
      %shift_right_arithmetic3A_598 = arith.constant 1 : i32
      %shift_right_arithmetic3A_599 = vector.broadcast %shift_right_arithmetic3A_598 : i32 to vector<16xi32>
      %shift_right_arithmetic3A_600 = arith.shrsi %add3A_590, %shift_right_arithmetic3A_599 : vector<16xi32>
      %and3A_601 = arith.constant 1 : i32
      %and3A_602 = vector.broadcast %and3A_601 : i32 to vector<16xi32>
      %and3A_603 = arith.andi %add3A_590, %and3A_602 : vector<16xi32>
      %mul3A_604 = arith.muli %and3A_603, %broadcast_in_dim3A_588 : vector<16xi32>
      %add3A_605 = arith.addi %shift_right_arithmetic3A_600, %mul3A_604 : vector<16xi32>
      %add3A_606 = arith.constant 0 : i32
      %add3A_607 = vector.broadcast %add3A_606 : i32 to vector<16xi32>
      %add3A_608 = arith.addi %mul3A_572, %add3A_607 : vector<16xi32>
      tpu.vector_store_idx %arg7[%add3A_608], %add3A_597 : memref<3328xi32, #tpu.memory_space<vmem>>[vector<16xi32>], vector<16xi32>,
      %add3A_609 = arith.constant 52 : i32
      %add3A_610 = vector.broadcast %add3A_609 : i32 to vector<16xi32>
      %add3A_611 = arith.addi %mul3A_572, %add3A_610 : vector<16xi32>
      tpu.vector_store_idx %arg7[%add3A_611], %add3A_605 : memref<3328xi32, #tpu.memory_space<vmem>>[vector<16xi32>], vector<16xi32>,
      %mul3A_612 = arith.mulf %sub3A_289, %sub3A_269 : vector<16xf32>
      %mul3A_613 = arith.mulf %sub3A_289, %sub3A_252 : vector<16xf32>
      %mul3A_614 = arith.mulf %sub3A_277, %sub3A_269 : vector<16xf32>
      %mul3A_615 = arith.mulf %sub3A_277, %sub3A_252 : vector<16xf32>
      %add3A_616 = arith.constant 0 : i32
      %add3A_617 = vector.broadcast %add3A_616 : i32 to vector<16xi32>
      %add3A_618 = arith.addi %mul3A_579, %add3A_617 : vector<16xi32>
      tpu.vector_store_idx %arg8[%add3A_618], %mul3A_612 : memref<7168xf32, #tpu.memory_space<vmem>>[vector<16xi32>], vector<16xf32>,
      %add3A_619 = arith.constant 56 : i32
      %add3A_620 = vector.broadcast %add3A_619 : i32 to vector<16xi32>
      %add3A_621 = arith.addi %mul3A_579, %add3A_620 : vector<16xi32>
      tpu.vector_store_idx %arg8[%add3A_621], %mul3A_613 : memref<7168xf32, #tpu.memory_space<vmem>>[vector<16xi32>], vector<16xf32>,
      %add3A_622 = arith.constant 112 : i32
      %add3A_623 = vector.broadcast %add3A_622 : i32 to vector<16xi32>
      %add3A_624 = arith.addi %mul3A_579, %add3A_623 : vector<16xi32>
      tpu.vector_store_idx %arg8[%add3A_624], %mul3A_614 : memref<7168xf32, #tpu.memory_space<vmem>>[vector<16xi32>], vector<16xf32>,
      %add3A_625 = arith.constant 168 : i32
      %add3A_626 = vector.broadcast %add3A_625 : i32 to vector<16xi32>
      %add3A_627 = arith.addi %mul3A_579, %add3A_626 : vector<16xi32>
      tpu.vector_store_idx %arg8[%add3A_627], %mul3A_615 : memref<7168xf32, #tpu.memory_space<vmem>>[vector<16xi32>], vector<16xf32>,
      %add3A_628 = arith.constant 0 : i32
      %add3A_629 = vector.broadcast %add3A_628 : i32 to vector<16xi32>
      %add3A_630 = arith.addi %mul3A_586, %add3A_629 : vector<16xi32>
      tpu.vector_store_idx %arg9[%add3A_630], %mul3A_258 : memref<4096xi32, #tpu.memory_space<vmem>>[vector<16xi32>], vector<16xi32>,
      %add3A_631 = arith.constant 64 : i32
      %add3A_632 = vector.broadcast %add3A_631 : i32 to vector<16xi32>
      %add3A_633 = arith.addi %mul3A_586, %add3A_632 : vector<16xi32>
      tpu.vector_store_idx %arg9[%add3A_633], %mul3A_266 : memref<4096xi32, #tpu.memory_space<vmem>>[vector<16xi32>], vector<16xi32>,
      %add3A_634 = arith.addi %add3A_280, %min3A_299 : vector<16xi32>
      %add3A_635 = arith.addi %add3A_286, %min3A_299 : vector<16xi32>
      %shift_right_arithmetic3A_636 = arith.constant 1 : i32
      %shift_right_arithmetic3A_637 = vector.broadcast %shift_right_arithmetic3A_636 : i32 to vector<16xi32>
      %shift_right_arithmetic3A_638 = arith.shrsi %add3A_634, %shift_right_arithmetic3A_637 : vector<16xi32>
      %and3A_639 = arith.constant 1 : i32
      %and3A_640 = vector.broadcast %and3A_639 : i32 to vector<16xi32>
      %and3A_641 = arith.andi %add3A_634, %and3A_640 : vector<16xi32>
      %mul3A_642 = arith.muli %and3A_641, %broadcast_in_dim3A_588 : vector<16xi32>
      %add3A_643 = arith.addi %shift_right_arithmetic3A_638, %mul3A_642 : vector<16xi32>
      %shift_right_arithmetic3A_644 = arith.constant 1 : i32
      %shift_right_arithmetic3A_645 = vector.broadcast %shift_right_arithmetic3A_644 : i32 to vector<16xi32>
      %shift_right_arithmetic3A_646 = arith.shrsi %add3A_635, %shift_right_arithmetic3A_645 : vector<16xi32>
      %and3A_647 = arith.constant 1 : i32
      %and3A_648 = vector.broadcast %and3A_647 : i32 to vector<16xi32>
      %and3A_649 = arith.andi %add3A_635, %and3A_648 : vector<16xi32>
      %mul3A_650 = arith.muli %and3A_649, %broadcast_in_dim3A_588 : vector<16xi32>
      %add3A_651 = arith.addi %shift_right_arithmetic3A_646, %mul3A_650 : vector<16xi32>
      %add3A_652 = arith.constant 1 : i32
      %add3A_653 = vector.broadcast %add3A_652 : i32 to vector<16xi32>
      %add3A_654 = arith.addi %mul3A_572, %add3A_653 : vector<16xi32>
      tpu.vector_store_idx %arg7[%add3A_654], %add3A_643 : memref<3328xi32, #tpu.memory_space<vmem>>[vector<16xi32>], vector<16xi32>,
      %add3A_655 = arith.constant 53 : i32
      %add3A_656 = vector.broadcast %add3A_655 : i32 to vector<16xi32>
      %add3A_657 = arith.addi %mul3A_572, %add3A_656 : vector<16xi32>
      tpu.vector_store_idx %arg7[%add3A_657], %add3A_651 : memref<3328xi32, #tpu.memory_space<vmem>>[vector<16xi32>], vector<16xi32>,
      %mul3A_658 = arith.mulf %sub3A_289, %sub3A_315 : vector<16xf32>
      %mul3A_659 = arith.mulf %sub3A_289, %sub3A_297 : vector<16xf32>
      %mul3A_660 = arith.mulf %sub3A_277, %sub3A_315 : vector<16xf32>
      %mul3A_661 = arith.mulf %sub3A_277, %sub3A_297 : vector<16xf32>
      %add3A_662 = arith.constant 1 : i32
      %add3A_663 = vector.broadcast %add3A_662 : i32 to vector<16xi32>
      %add3A_664 = arith.addi %mul3A_579, %add3A_663 : vector<16xi32>
      tpu.vector_store_idx %arg8[%add3A_664], %mul3A_658 : memref<7168xf32, #tpu.memory_space<vmem>>[vector<16xi32>], vector<16xf32>,
      %add3A_665 = arith.constant 57 : i32
      %add3A_666 = vector.broadcast %add3A_665 : i32 to vector<16xi32>
      %add3A_667 = arith.addi %mul3A_579, %add3A_666 : vector<16xi32>
      tpu.vector_store_idx %arg8[%add3A_667], %mul3A_659 : memref<7168xf32, #tpu.memory_space<vmem>>[vector<16xi32>], vector<16xf32>,
      %add3A_668 = arith.constant 113 : i32
      %add3A_669 = vector.broadcast %add3A_668 : i32 to vector<16xi32>
      %add3A_670 = arith.addi %mul3A_579, %add3A_669 : vector<16xi32>
      tpu.vector_store_idx %arg8[%add3A_670], %mul3A_660 : memref<7168xf32, #tpu.memory_space<vmem>>[vector<16xi32>], vector<16xf32>,
      %add3A_671 = arith.constant 169 : i32
      %add3A_672 = vector.broadcast %add3A_671 : i32 to vector<16xi32>
      %add3A_673 = arith.addi %mul3A_579, %add3A_672 : vector<16xi32>
      tpu.vector_store_idx %arg8[%add3A_673], %mul3A_661 : memref<7168xf32, #tpu.memory_space<vmem>>[vector<16xi32>], vector<16xf32>,
      %add3A_674 = arith.constant 1 : i32
      %add3A_675 = vector.broadcast %add3A_674 : i32 to vector<16xi32>
      %add3A_676 = arith.addi %mul3A_586, %add3A_675 : vector<16xi32>
      tpu.vector_store_idx %arg9[%add3A_676], %mul3A_304 : memref<4096xi32, #tpu.memory_space<vmem>>[vector<16xi32>], vector<16xi32>,
      %add3A_677 = arith.constant 65 : i32
      %add3A_678 = vector.broadcast %add3A_677 : i32 to vector<16xi32>
      %add3A_679 = arith.addi %mul3A_586, %add3A_678 : vector<16xi32>
      tpu.vector_store_idx %arg9[%add3A_679], %mul3A_312 : memref<4096xi32, #tpu.memory_space<vmem>>[vector<16xi32>], vector<16xi32>,
      %add3A_680 = arith.addi %add3A_280, %min3A_345 : vector<16xi32>
      %add3A_681 = arith.addi %add3A_286, %min3A_345 : vector<16xi32>
      %shift_right_arithmetic3A_682 = arith.constant 1 : i32
      %shift_right_arithmetic3A_683 = vector.broadcast %shift_right_arithmetic3A_682 : i32 to vector<16xi32>
      %shift_right_arithmetic3A_684 = arith.shrsi %add3A_680, %shift_right_arithmetic3A_683 : vector<16xi32>
      %and3A_685 = arith.constant 1 : i32
      %and3A_686 = vector.broadcast %and3A_685 : i32 to vector<16xi32>
      %and3A_687 = arith.andi %add3A_680, %and3A_686 : vector<16xi32>
      %mul3A_688 = arith.muli %and3A_687, %broadcast_in_dim3A_588 : vector<16xi32>
      %add3A_689 = arith.addi %shift_right_arithmetic3A_684, %mul3A_688 : vector<16xi32>
      %shift_right_arithmetic3A_690 = arith.constant 1 : i32
      %shift_right_arithmetic3A_691 = vector.broadcast %shift_right_arithmetic3A_690 : i32 to vector<16xi32>
      %shift_right_arithmetic3A_692 = arith.shrsi %add3A_681, %shift_right_arithmetic3A_691 : vector<16xi32>
      %and3A_693 = arith.constant 1 : i32
      %and3A_694 = vector.broadcast %and3A_693 : i32 to vector<16xi32>
      %and3A_695 = arith.andi %add3A_681, %and3A_694 : vector<16xi32>
      %mul3A_696 = arith.muli %and3A_695, %broadcast_in_dim3A_588 : vector<16xi32>
      %add3A_697 = arith.addi %shift_right_arithmetic3A_692, %mul3A_696 : vector<16xi32>
      %add3A_698 = arith.constant 2 : i32
      %add3A_699 = vector.broadcast %add3A_698 : i32 to vector<16xi32>
      %add3A_700 = arith.addi %mul3A_572, %add3A_699 : vector<16xi32>
      tpu.vector_store_idx %arg7[%add3A_700], %add3A_689 : memref<3328xi32, #tpu.memory_space<vmem>>[vector<16xi32>], vector<16xi32>,
      %add3A_701 = arith.constant 54 : i32
      %add3A_702 = vector.broadcast %add3A_701 : i32 to vector<16xi32>
      %add3A_703 = arith.addi %mul3A_572, %add3A_702 : vector<16xi32>
      tpu.vector_store_idx %arg7[%add3A_703], %add3A_697 : memref<3328xi32, #tpu.memory_space<vmem>>[vector<16xi32>], vector<16xi32>,
      %mul3A_704 = arith.mulf %sub3A_289, %sub3A_361 : vector<16xf32>
      %mul3A_705 = arith.mulf %sub3A_289, %sub3A_343 : vector<16xf32>
      %mul3A_706 = arith.mulf %sub3A_277, %sub3A_361 : vector<16xf32>
      %mul3A_707 = arith.mulf %sub3A_277, %sub3A_343 : vector<16xf32>
      %add3A_708 = arith.constant 2 : i32
      %add3A_709 = vector.broadcast %add3A_708 : i32 to vector<16xi32>
      %add3A_710 = arith.addi %mul3A_579, %add3A_709 : vector<16xi32>
      tpu.vector_store_idx %arg8[%add3A_710], %mul3A_704 : memref<7168xf32, #tpu.memory_space<vmem>>[vector<16xi32>], vector<16xf32>,
      %add3A_711 = arith.constant 58 : i32
      %add3A_712 = vector.broadcast %add3A_711 : i32 to vector<16xi32>
      %add3A_713 = arith.addi %mul3A_579, %add3A_712 : vector<16xi32>
      tpu.vector_store_idx %arg8[%add3A_713], %mul3A_705 : memref<7168xf32, #tpu.memory_space<vmem>>[vector<16xi32>], vector<16xf32>,
      %add3A_714 = arith.constant 114 : i32
      %add3A_715 = vector.broadcast %add3A_714 : i32 to vector<16xi32>
      %add3A_716 = arith.addi %mul3A_579, %add3A_715 : vector<16xi32>
      tpu.vector_store_idx %arg8[%add3A_716], %mul3A_706 : memref<7168xf32, #tpu.memory_space<vmem>>[vector<16xi32>], vector<16xf32>,
      %add3A_717 = arith.constant 170 : i32
      %add3A_718 = vector.broadcast %add3A_717 : i32 to vector<16xi32>
      %add3A_719 = arith.addi %mul3A_579, %add3A_718 : vector<16xi32>
      tpu.vector_store_idx %arg8[%add3A_719], %mul3A_707 : memref<7168xf32, #tpu.memory_space<vmem>>[vector<16xi32>], vector<16xf32>,
      %add3A_720 = arith.constant 2 : i32
      %add3A_721 = vector.broadcast %add3A_720 : i32 to vector<16xi32>
      %add3A_722 = arith.addi %mul3A_586, %add3A_721 : vector<16xi32>
      tpu.vector_store_idx %arg9[%add3A_722], %mul3A_350 : memref<4096xi32, #tpu.memory_space<vmem>>[vector<16xi32>], vector<16xi32>,
      %add3A_723 = arith.constant 66 : i32
      %add3A_724 = vector.broadcast %add3A_723 : i32 to vector<16xi32>
      %add3A_725 = arith.addi %mul3A_586, %add3A_724 : vector<16xi32>
      tpu.vector_store_idx %arg9[%add3A_725], %mul3A_358 : memref<4096xi32, #tpu.memory_space<vmem>>[vector<16xi32>], vector<16xi32>,
      %add3A_726 = arith.addi %add3A_280, %min3A_391 : vector<16xi32>
      %add3A_727 = arith.addi %add3A_286, %min3A_391 : vector<16xi32>
      %shift_right_arithmetic3A_728 = arith.constant 1 : i32
      %shift_right_arithmetic3A_729 = vector.broadcast %shift_right_arithmetic3A_728 : i32 to vector<16xi32>
      %shift_right_arithmetic3A_730 = arith.shrsi %add3A_726, %shift_right_arithmetic3A_729 : vector<16xi32>
      %and3A_731 = arith.constant 1 : i32
      %and3A_732 = vector.broadcast %and3A_731 : i32 to vector<16xi32>
      %and3A_733 = arith.andi %add3A_726, %and3A_732 : vector<16xi32>
      %mul3A_734 = arith.muli %and3A_733, %broadcast_in_dim3A_588 : vector<16xi32>
      %add3A_735 = arith.addi %shift_right_arithmetic3A_730, %mul3A_734 : vector<16xi32>
      %shift_right_arithmetic3A_736 = arith.constant 1 : i32
      %shift_right_arithmetic3A_737 = vector.broadcast %shift_right_arithmetic3A_736 : i32 to vector<16xi32>
      %shift_right_arithmetic3A_738 = arith.shrsi %add3A_727, %shift_right_arithmetic3A_737 : vector<16xi32>
      %and3A_739 = arith.constant 1 : i32
      %and3A_740 = vector.broadcast %and3A_739 : i32 to vector<16xi32>
      %and3A_741 = arith.andi %add3A_727, %and3A_740 : vector<16xi32>
      %mul3A_742 = arith.muli %and3A_741, %broadcast_in_dim3A_588 : vector<16xi32>
      %add3A_743 = arith.addi %shift_right_arithmetic3A_738, %mul3A_742 : vector<16xi32>
      %add3A_744 = arith.constant 3 : i32
      %add3A_745 = vector.broadcast %add3A_744 : i32 to vector<16xi32>
      %add3A_746 = arith.addi %mul3A_572, %add3A_745 : vector<16xi32>
      tpu.vector_store_idx %arg7[%add3A_746], %add3A_735 : memref<3328xi32, #tpu.memory_space<vmem>>[vector<16xi32>], vector<16xi32>,
      %add3A_747 = arith.constant 55 : i32
      %add3A_748 = vector.broadcast %add3A_747 : i32 to vector<16xi32>
      %add3A_749 = arith.addi %mul3A_572, %add3A_748 : vector<16xi32>
      tpu.vector_store_idx %arg7[%add3A_749], %add3A_743 : memref<3328xi32, #tpu.memory_space<vmem>>[vector<16xi32>], vector<16xi32>,
      %mul3A_750 = arith.mulf %sub3A_289, %sub3A_407 : vector<16xf32>
      %mul3A_751 = arith.mulf %sub3A_289, %sub3A_389 : vector<16xf32>
      %mul3A_752 = arith.mulf %sub3A_277, %sub3A_407 : vector<16xf32>
      %mul3A_753 = arith.mulf %sub3A_277, %sub3A_389 : vector<16xf32>
      %add3A_754 = arith.constant 3 : i32
      %add3A_755 = vector.broadcast %add3A_754 : i32 to vector<16xi32>
      %add3A_756 = arith.addi %mul3A_579, %add3A_755 : vector<16xi32>
      tpu.vector_store_idx %arg8[%add3A_756], %mul3A_750 : memref<7168xf32, #tpu.memory_space<vmem>>[vector<16xi32>], vector<16xf32>,
      %add3A_757 = arith.constant 59 : i32
      %add3A_758 = vector.broadcast %add3A_757 : i32 to vector<16xi32>
      %add3A_759 = arith.addi %mul3A_579, %add3A_758 : vector<16xi32>
      tpu.vector_store_idx %arg8[%add3A_759], %mul3A_751 : memref<7168xf32, #tpu.memory_space<vmem>>[vector<16xi32>], vector<16xf32>,
      %add3A_760 = arith.constant 115 : i32
      %add3A_761 = vector.broadcast %add3A_760 : i32 to vector<16xi32>
      %add3A_762 = arith.addi %mul3A_579, %add3A_761 : vector<16xi32>
      tpu.vector_store_idx %arg8[%add3A_762], %mul3A_752 : memref<7168xf32, #tpu.memory_space<vmem>>[vector<16xi32>], vector<16xf32>,
      %add3A_763 = arith.constant 171 : i32
      %add3A_764 = vector.broadcast %add3A_763 : i32 to vector<16xi32>
      %add3A_765 = arith.addi %mul3A_579, %add3A_764 : vector<16xi32>
      tpu.vector_store_idx %arg8[%add3A_765], %mul3A_753 : memref<7168xf32, #tpu.memory_space<vmem>>[vector<16xi32>], vector<16xf32>,
      %add3A_766 = arith.constant 3 : i32
      %add3A_767 = vector.broadcast %add3A_766 : i32 to vector<16xi32>
      %add3A_768 = arith.addi %mul3A_586, %add3A_767 : vector<16xi32>
      tpu.vector_store_idx %arg9[%add3A_768], %mul3A_396 : memref<4096xi32, #tpu.memory_space<vmem>>[vector<16xi32>], vector<16xi32>,
      %add3A_769 = arith.constant 67 : i32
      %add3A_770 = vector.broadcast %add3A_769 : i32 to vector<16xi32>
      %add3A_771 = arith.addi %mul3A_586, %add3A_770 : vector<16xi32>
      tpu.vector_store_idx %arg9[%add3A_771], %mul3A_404 : memref<4096xi32, #tpu.memory_space<vmem>>[vector<16xi32>], vector<16xi32>,
      %add3A_772 = arith.addi %add3A_280, %min3A_437 : vector<16xi32>
      %add3A_773 = arith.addi %add3A_286, %min3A_437 : vector<16xi32>
      %shift_right_arithmetic3A_774 = arith.constant 1 : i32
      %shift_right_arithmetic3A_775 = vector.broadcast %shift_right_arithmetic3A_774 : i32 to vector<16xi32>
      %shift_right_arithmetic3A_776 = arith.shrsi %add3A_772, %shift_right_arithmetic3A_775 : vector<16xi32>
      %and3A_777 = arith.constant 1 : i32
      %and3A_778 = vector.broadcast %and3A_777 : i32 to vector<16xi32>
      %and3A_779 = arith.andi %add3A_772, %and3A_778 : vector<16xi32>
      %mul3A_780 = arith.muli %and3A_779, %broadcast_in_dim3A_588 : vector<16xi32>
      %add3A_781 = arith.addi %shift_right_arithmetic3A_776, %mul3A_780 : vector<16xi32>
      %shift_right_arithmetic3A_782 = arith.constant 1 : i32
      %shift_right_arithmetic3A_783 = vector.broadcast %shift_right_arithmetic3A_782 : i32 to vector<16xi32>
      %shift_right_arithmetic3A_784 = arith.shrsi %add3A_773, %shift_right_arithmetic3A_783 : vector<16xi32>
      %and3A_785 = arith.constant 1 : i32
      %and3A_786 = vector.broadcast %and3A_785 : i32 to vector<16xi32>
      %and3A_787 = arith.andi %add3A_773, %and3A_786 : vector<16xi32>
      %mul3A_788 = arith.muli %and3A_787, %broadcast_in_dim3A_588 : vector<16xi32>
      %add3A_789 = arith.addi %shift_right_arithmetic3A_784, %mul3A_788 : vector<16xi32>
      %add3A_790 = arith.constant 4 : i32
      %add3A_791 = vector.broadcast %add3A_790 : i32 to vector<16xi32>
      %add3A_792 = arith.addi %mul3A_572, %add3A_791 : vector<16xi32>
      tpu.vector_store_idx %arg7[%add3A_792], %add3A_781 : memref<3328xi32, #tpu.memory_space<vmem>>[vector<16xi32>], vector<16xi32>,
      %add3A_793 = arith.constant 56 : i32
      %add3A_794 = vector.broadcast %add3A_793 : i32 to vector<16xi32>
      %add3A_795 = arith.addi %mul3A_572, %add3A_794 : vector<16xi32>
      tpu.vector_store_idx %arg7[%add3A_795], %add3A_789 : memref<3328xi32, #tpu.memory_space<vmem>>[vector<16xi32>], vector<16xi32>,
      %mul3A_796 = arith.mulf %sub3A_289, %sub3A_453 : vector<16xf32>
      %mul3A_797 = arith.mulf %sub3A_289, %sub3A_435 : vector<16xf32>
      %mul3A_798 = arith.mulf %sub3A_277, %sub3A_453 : vector<16xf32>
      %mul3A_799 = arith.mulf %sub3A_277, %sub3A_435 : vector<16xf32>
      %add3A_800 = arith.constant 4 : i32
      %add3A_801 = vector.broadcast %add3A_800 : i32 to vector<16xi32>
      %add3A_802 = arith.addi %mul3A_579, %add3A_801 : vector<16xi32>
      tpu.vector_store_idx %arg8[%add3A_802], %mul3A_796 : memref<7168xf32, #tpu.memory_space<vmem>>[vector<16xi32>], vector<16xf32>,
      %add3A_803 = arith.constant 60 : i32
      %add3A_804 = vector.broadcast %add3A_803 : i32 to vector<16xi32>
      %add3A_805 = arith.addi %mul3A_579, %add3A_804 : vector<16xi32>
      tpu.vector_store_idx %arg8[%add3A_805], %mul3A_797 : memref<7168xf32, #tpu.memory_space<vmem>>[vector<16xi32>], vector<16xf32>,
      %add3A_806 = arith.constant 116 : i32
      %add3A_807 = vector.broadcast %add3A_806 : i32 to vector<16xi32>
      %add3A_808 = arith.addi %mul3A_579, %add3A_807 : vector<16xi32>
      tpu.vector_store_idx %arg8[%add3A_808], %mul3A_798 : memref<7168xf32, #tpu.memory_space<vmem>>[vector<16xi32>], vector<16xf32>,
      %add3A_809 = arith.constant 172 : i32
      %add3A_810 = vector.broadcast %add3A_809 : i32 to vector<16xi32>
      %add3A_811 = arith.addi %mul3A_579, %add3A_810 : vector<16xi32>
      tpu.vector_store_idx %arg8[%add3A_811], %mul3A_799 : memref<7168xf32, #tpu.memory_space<vmem>>[vector<16xi32>], vector<16xf32>,
      %add3A_812 = arith.constant 4 : i32
      %add3A_813 = vector.broadcast %add3A_812 : i32 to vector<16xi32>
      %add3A_814 = arith.addi %mul3A_586, %add3A_813 : vector<16xi32>
      tpu.vector_store_idx %arg9[%add3A_814], %mul3A_442 : memref<4096xi32, #tpu.memory_space<vmem>>[vector<16xi32>], vector<16xi32>,
      %add3A_815 = arith.constant 68 : i32
      %add3A_816 = vector.broadcast %add3A_815 : i32 to vector<16xi32>
      %add3A_817 = arith.addi %mul3A_586, %add3A_816 : vector<16xi32>
      tpu.vector_store_idx %arg9[%add3A_817], %mul3A_450 : memref<4096xi32, #tpu.memory_space<vmem>>[vector<16xi32>], vector<16xi32>,
      %add3A_818 = arith.addi %add3A_280, %min3A_483 : vector<16xi32>
      %add3A_819 = arith.addi %add3A_286, %min3A_483 : vector<16xi32>
      %shift_right_arithmetic3A_820 = arith.constant 1 : i32
      %shift_right_arithmetic3A_821 = vector.broadcast %shift_right_arithmetic3A_820 : i32 to vector<16xi32>
      %shift_right_arithmetic3A_822 = arith.shrsi %add3A_818, %shift_right_arithmetic3A_821 : vector<16xi32>
      %and3A_823 = arith.constant 1 : i32
      %and3A_824 = vector.broadcast %and3A_823 : i32 to vector<16xi32>
      %and3A_825 = arith.andi %add3A_818, %and3A_824 : vector<16xi32>
      %mul3A_826 = arith.muli %and3A_825, %broadcast_in_dim3A_588 : vector<16xi32>
      %add3A_827 = arith.addi %shift_right_arithmetic3A_822, %mul3A_826 : vector<16xi32>
      %shift_right_arithmetic3A_828 = arith.constant 1 : i32
      %shift_right_arithmetic3A_829 = vector.broadcast %shift_right_arithmetic3A_828 : i32 to vector<16xi32>
      %shift_right_arithmetic3A_830 = arith.shrsi %add3A_819, %shift_right_arithmetic3A_829 : vector<16xi32>
      %and3A_831 = arith.constant 1 : i32
      %and3A_832 = vector.broadcast %and3A_831 : i32 to vector<16xi32>
      %and3A_833 = arith.andi %add3A_819, %and3A_832 : vector<16xi32>
      %mul3A_834 = arith.muli %and3A_833, %broadcast_in_dim3A_588 : vector<16xi32>
      %add3A_835 = arith.addi %shift_right_arithmetic3A_830, %mul3A_834 : vector<16xi32>
      %add3A_836 = arith.constant 5 : i32
      %add3A_837 = vector.broadcast %add3A_836 : i32 to vector<16xi32>
      %add3A_838 = arith.addi %mul3A_572, %add3A_837 : vector<16xi32>
      tpu.vector_store_idx %arg7[%add3A_838], %add3A_827 : memref<3328xi32, #tpu.memory_space<vmem>>[vector<16xi32>], vector<16xi32>,
      %add3A_839 = arith.constant 57 : i32
      %add3A_840 = vector.broadcast %add3A_839 : i32 to vector<16xi32>
      %add3A_841 = arith.addi %mul3A_572, %add3A_840 : vector<16xi32>
      tpu.vector_store_idx %arg7[%add3A_841], %add3A_835 : memref<3328xi32, #tpu.memory_space<vmem>>[vector<16xi32>], vector<16xi32>,
      %mul3A_842 = arith.mulf %sub3A_289, %sub3A_499 : vector<16xf32>
      %mul3A_843 = arith.mulf %sub3A_289, %sub3A_481 : vector<16xf32>
      %mul3A_844 = arith.mulf %sub3A_277, %sub3A_499 : vector<16xf32>
      %mul3A_845 = arith.mulf %sub3A_277, %sub3A_481 : vector<16xf32>
      %add3A_846 = arith.constant 5 : i32
      %add3A_847 = vector.broadcast %add3A_846 : i32 to vector<16xi32>
      %add3A_848 = arith.addi %mul3A_579, %add3A_847 : vector<16xi32>
      tpu.vector_store_idx %arg8[%add3A_848], %mul3A_842 : memref<7168xf32, #tpu.memory_space<vmem>>[vector<16xi32>], vector<16xf32>,
      %add3A_849 = arith.constant 61 : i32
      %add3A_850 = vector.broadcast %add3A_849 : i32 to vector<16xi32>
      %add3A_851 = arith.addi %mul3A_579, %add3A_850 : vector<16xi32>
      tpu.vector_store_idx %arg8[%add3A_851], %mul3A_843 : memref<7168xf32, #tpu.memory_space<vmem>>[vector<16xi32>], vector<16xf32>,
      %add3A_852 = arith.constant 117 : i32
      %add3A_853 = vector.broadcast %add3A_852 : i32 to vector<16xi32>
      %add3A_854 = arith.addi %mul3A_579, %add3A_853 : vector<16xi32>
      tpu.vector_store_idx %arg8[%add3A_854], %mul3A_844 : memref<7168xf32, #tpu.memory_space<vmem>>[vector<16xi32>], vector<16xf32>,
      %add3A_855 = arith.constant 173 : i32
      %add3A_856 = vector.broadcast %add3A_855 : i32 to vector<16xi32>
      %add3A_857 = arith.addi %mul3A_579, %add3A_856 : vector<16xi32>
      tpu.vector_store_idx %arg8[%add3A_857], %mul3A_845 : memref<7168xf32, #tpu.memory_space<vmem>>[vector<16xi32>], vector<16xf32>,
      %add3A_858 = arith.constant 5 : i32
      %add3A_859 = vector.broadcast %add3A_858 : i32 to vector<16xi32>
      %add3A_860 = arith.addi %mul3A_586, %add3A_859 : vector<16xi32>
      tpu.vector_store_idx %arg9[%add3A_860], %mul3A_488 : memref<4096xi32, #tpu.memory_space<vmem>>[vector<16xi32>], vector<16xi32>,
      %add3A_861 = arith.constant 69 : i32
      %add3A_862 = vector.broadcast %add3A_861 : i32 to vector<16xi32>
      %add3A_863 = arith.addi %mul3A_586, %add3A_862 : vector<16xi32>
      tpu.vector_store_idx %arg9[%add3A_863], %mul3A_496 : memref<4096xi32, #tpu.memory_space<vmem>>[vector<16xi32>], vector<16xi32>,
      %add3A_864 = arith.addi %add3A_280, %min3A_529 : vector<16xi32>
      %add3A_865 = arith.addi %add3A_286, %min3A_529 : vector<16xi32>
      %shift_right_arithmetic3A_866 = arith.constant 1 : i32
      %shift_right_arithmetic3A_867 = vector.broadcast %shift_right_arithmetic3A_866 : i32 to vector<16xi32>
      %shift_right_arithmetic3A_868 = arith.shrsi %add3A_864, %shift_right_arithmetic3A_867 : vector<16xi32>
      %and3A_869 = arith.constant 1 : i32
      %and3A_870 = vector.broadcast %and3A_869 : i32 to vector<16xi32>
      %and3A_871 = arith.andi %add3A_864, %and3A_870 : vector<16xi32>
      %mul3A_872 = arith.muli %and3A_871, %broadcast_in_dim3A_588 : vector<16xi32>
      %add3A_873 = arith.addi %shift_right_arithmetic3A_868, %mul3A_872 : vector<16xi32>
      %shift_right_arithmetic3A_874 = arith.constant 1 : i32
      %shift_right_arithmetic3A_875 = vector.broadcast %shift_right_arithmetic3A_874 : i32 to vector<16xi32>
      %shift_right_arithmetic3A_876 = arith.shrsi %add3A_865, %shift_right_arithmetic3A_875 : vector<16xi32>
      %and3A_877 = arith.constant 1 : i32
      %and3A_878 = vector.broadcast %and3A_877 : i32 to vector<16xi32>
      %and3A_879 = arith.andi %add3A_865, %and3A_878 : vector<16xi32>
      %mul3A_880 = arith.muli %and3A_879, %broadcast_in_dim3A_588 : vector<16xi32>
      %add3A_881 = arith.addi %shift_right_arithmetic3A_876, %mul3A_880 : vector<16xi32>
      %add3A_882 = arith.constant 6 : i32
      %add3A_883 = vector.broadcast %add3A_882 : i32 to vector<16xi32>
      %add3A_884 = arith.addi %mul3A_572, %add3A_883 : vector<16xi32>
      tpu.vector_store_idx %arg7[%add3A_884], %add3A_873 : memref<3328xi32, #tpu.memory_space<vmem>>[vector<16xi32>], vector<16xi32>,
      %add3A_885 = arith.constant 58 : i32
      %add3A_886 = vector.broadcast %add3A_885 : i32 to vector<16xi32>
      %add3A_887 = arith.addi %mul3A_572, %add3A_886 : vector<16xi32>
      tpu.vector_store_idx %arg7[%add3A_887], %add3A_881 : memref<3328xi32, #tpu.memory_space<vmem>>[vector<16xi32>], vector<16xi32>,
      %mul3A_888 = arith.mulf %sub3A_289, %sub3A_545 : vector<16xf32>
      %mul3A_889 = arith.mulf %sub3A_289, %sub3A_527 : vector<16xf32>
      %mul3A_890 = arith.mulf %sub3A_277, %sub3A_545 : vector<16xf32>
      %mul3A_891 = arith.mulf %sub3A_277, %sub3A_527 : vector<16xf32>
      %add3A_892 = arith.constant 6 : i32
      %add3A_893 = vector.broadcast %add3A_892 : i32 to vector<16xi32>
      %add3A_894 = arith.addi %mul3A_579, %add3A_893 : vector<16xi32>
      tpu.vector_store_idx %arg8[%add3A_894], %mul3A_888 : memref<7168xf32, #tpu.memory_space<vmem>>[vector<16xi32>], vector<16xf32>,
      %add3A_895 = arith.constant 62 : i32
      %add3A_896 = vector.broadcast %add3A_895 : i32 to vector<16xi32>
      %add3A_897 = arith.addi %mul3A_579, %add3A_896 : vector<16xi32>
      tpu.vector_store_idx %arg8[%add3A_897], %mul3A_889 : memref<7168xf32, #tpu.memory_space<vmem>>[vector<16xi32>], vector<16xf32>,
      %add3A_898 = arith.constant 118 : i32
      %add3A_899 = vector.broadcast %add3A_898 : i32 to vector<16xi32>
      %add3A_900 = arith.addi %mul3A_579, %add3A_899 : vector<16xi32>
      tpu.vector_store_idx %arg8[%add3A_900], %mul3A_890 : memref<7168xf32, #tpu.memory_space<vmem>>[vector<16xi32>], vector<16xf32>,
      %add3A_901 = arith.constant 174 : i32
      %add3A_902 = vector.broadcast %add3A_901 : i32 to vector<16xi32>
      %add3A_903 = arith.addi %mul3A_579, %add3A_902 : vector<16xi32>
      tpu.vector_store_idx %arg8[%add3A_903], %mul3A_891 : memref<7168xf32, #tpu.memory_space<vmem>>[vector<16xi32>], vector<16xf32>,
      %add3A_904 = arith.constant 6 : i32
      %add3A_905 = vector.broadcast %add3A_904 : i32 to vector<16xi32>
      %add3A_906 = arith.addi %mul3A_586, %add3A_905 : vector<16xi32>
      tpu.vector_store_idx %arg9[%add3A_906], %mul3A_534 : memref<4096xi32, #tpu.memory_space<vmem>>[vector<16xi32>], vector<16xi32>,
      %add3A_907 = arith.constant 70 : i32
      %add3A_908 = vector.broadcast %add3A_907 : i32 to vector<16xi32>
      %add3A_909 = arith.addi %mul3A_586, %add3A_908 : vector<16xi32>
      tpu.vector_store_idx %arg9[%add3A_909], %mul3A_542 : memref<4096xi32, #tpu.memory_space<vmem>>[vector<16xi32>], vector<16xi32>,
      %add3A_910 = arith.addi %add3A_326, %min3A : vector<16xi32>
      %add3A_911 = arith.addi %add3A_332, %min3A : vector<16xi32>
      %shift_right_arithmetic3A_912 = arith.constant 1 : i32
      %shift_right_arithmetic3A_913 = vector.broadcast %shift_right_arithmetic3A_912 : i32 to vector<16xi32>
      %shift_right_arithmetic3A_914 = arith.shrsi %add3A_910, %shift_right_arithmetic3A_913 : vector<16xi32>
      %and3A_915 = arith.constant 1 : i32
      %and3A_916 = vector.broadcast %and3A_915 : i32 to vector<16xi32>
      %and3A_917 = arith.andi %add3A_910, %and3A_916 : vector<16xi32>
      %mul3A_918 = arith.muli %and3A_917, %broadcast_in_dim3A_588 : vector<16xi32>
      %add3A_919 = arith.addi %shift_right_arithmetic3A_914, %mul3A_918 : vector<16xi32>
      %shift_right_arithmetic3A_920 = arith.constant 1 : i32
      %shift_right_arithmetic3A_921 = vector.broadcast %shift_right_arithmetic3A_920 : i32 to vector<16xi32>
      %shift_right_arithmetic3A_922 = arith.shrsi %add3A_911, %shift_right_arithmetic3A_921 : vector<16xi32>
      %and3A_923 = arith.constant 1 : i32
      %and3A_924 = vector.broadcast %and3A_923 : i32 to vector<16xi32>
      %and3A_925 = arith.andi %add3A_911, %and3A_924 : vector<16xi32>
      %mul3A_926 = arith.muli %and3A_925, %broadcast_in_dim3A_588 : vector<16xi32>
      %add3A_927 = arith.addi %shift_right_arithmetic3A_922, %mul3A_926 : vector<16xi32>
      %add3A_928 = arith.constant 7 : i32
      %add3A_929 = vector.broadcast %add3A_928 : i32 to vector<16xi32>
      %add3A_930 = arith.addi %mul3A_572, %add3A_929 : vector<16xi32>
      tpu.vector_store_idx %arg7[%add3A_930], %add3A_919 : memref<3328xi32, #tpu.memory_space<vmem>>[vector<16xi32>], vector<16xi32>,
      %add3A_931 = arith.constant 59 : i32
      %add3A_932 = vector.broadcast %add3A_931 : i32 to vector<16xi32>
      %add3A_933 = arith.addi %mul3A_572, %add3A_932 : vector<16xi32>
      tpu.vector_store_idx %arg7[%add3A_933], %add3A_927 : memref<3328xi32, #tpu.memory_space<vmem>>[vector<16xi32>], vector<16xi32>,
      %mul3A_934 = arith.mulf %sub3A_335, %sub3A_269 : vector<16xf32>
      %mul3A_935 = arith.mulf %sub3A_335, %sub3A_252 : vector<16xf32>
      %mul3A_936 = arith.mulf %sub3A_323, %sub3A_269 : vector<16xf32>
      %mul3A_937 = arith.mulf %sub3A_323, %sub3A_252 : vector<16xf32>
      %add3A_938 = arith.constant 7 : i32
      %add3A_939 = vector.broadcast %add3A_938 : i32 to vector<16xi32>
      %add3A_940 = arith.addi %mul3A_579, %add3A_939 : vector<16xi32>
      tpu.vector_store_idx %arg8[%add3A_940], %mul3A_934 : memref<7168xf32, #tpu.memory_space<vmem>>[vector<16xi32>], vector<16xf32>,
      %add3A_941 = arith.constant 63 : i32
      %add3A_942 = vector.broadcast %add3A_941 : i32 to vector<16xi32>
      %add3A_943 = arith.addi %mul3A_579, %add3A_942 : vector<16xi32>
      tpu.vector_store_idx %arg8[%add3A_943], %mul3A_935 : memref<7168xf32, #tpu.memory_space<vmem>>[vector<16xi32>], vector<16xf32>,
      %add3A_944 = arith.constant 119 : i32
      %add3A_945 = vector.broadcast %add3A_944 : i32 to vector<16xi32>
      %add3A_946 = arith.addi %mul3A_579, %add3A_945 : vector<16xi32>
      tpu.vector_store_idx %arg8[%add3A_946], %mul3A_936 : memref<7168xf32, #tpu.memory_space<vmem>>[vector<16xi32>], vector<16xf32>,
      %add3A_947 = arith.constant 175 : i32
      %add3A_948 = vector.broadcast %add3A_947 : i32 to vector<16xi32>
      %add3A_949 = arith.addi %mul3A_579, %add3A_948 : vector<16xi32>
      tpu.vector_store_idx %arg8[%add3A_949], %mul3A_937 : memref<7168xf32, #tpu.memory_space<vmem>>[vector<16xi32>], vector<16xf32>,
      %add3A_950 = arith.addi %add3A_326, %min3A_299 : vector<16xi32>
      %add3A_951 = arith.addi %add3A_332, %min3A_299 : vector<16xi32>
      %shift_right_arithmetic3A_952 = arith.constant 1 : i32
      %shift_right_arithmetic3A_953 = vector.broadcast %shift_right_arithmetic3A_952 : i32 to vector<16xi32>
      %shift_right_arithmetic3A_954 = arith.shrsi %add3A_950, %shift_right_arithmetic3A_953 : vector<16xi32>
      %and3A_955 = arith.constant 1 : i32
      %and3A_956 = vector.broadcast %and3A_955 : i32 to vector<16xi32>
      %and3A_957 = arith.andi %add3A_950, %and3A_956 : vector<16xi32>
      %mul3A_958 = arith.muli %and3A_957, %broadcast_in_dim3A_588 : vector<16xi32>
      %add3A_959 = arith.addi %shift_right_arithmetic3A_954, %mul3A_958 : vector<16xi32>
      %shift_right_arithmetic3A_960 = arith.constant 1 : i32
      %shift_right_arithmetic3A_961 = vector.broadcast %shift_right_arithmetic3A_960 : i32 to vector<16xi32>
      %shift_right_arithmetic3A_962 = arith.shrsi %add3A_951, %shift_right_arithmetic3A_961 : vector<16xi32>
      %and3A_963 = arith.constant 1 : i32
      %and3A_964 = vector.broadcast %and3A_963 : i32 to vector<16xi32>
      %and3A_965 = arith.andi %add3A_951, %and3A_964 : vector<16xi32>
      %mul3A_966 = arith.muli %and3A_965, %broadcast_in_dim3A_588 : vector<16xi32>
      %add3A_967 = arith.addi %shift_right_arithmetic3A_962, %mul3A_966 : vector<16xi32>
      %add3A_968 = arith.constant 8 : i32
      %add3A_969 = vector.broadcast %add3A_968 : i32 to vector<16xi32>
      %add3A_970 = arith.addi %mul3A_572, %add3A_969 : vector<16xi32>
      tpu.vector_store_idx %arg7[%add3A_970], %add3A_959 : memref<3328xi32, #tpu.memory_space<vmem>>[vector<16xi32>], vector<16xi32>,
      %add3A_971 = arith.constant 60 : i32
      %add3A_972 = vector.broadcast %add3A_971 : i32 to vector<16xi32>
      %add3A_973 = arith.addi %mul3A_572, %add3A_972 : vector<16xi32>
      tpu.vector_store_idx %arg7[%add3A_973], %add3A_967 : memref<3328xi32, #tpu.memory_space<vmem>>[vector<16xi32>], vector<16xi32>,
      %mul3A_974 = arith.mulf %sub3A_335, %sub3A_315 : vector<16xf32>
      %mul3A_975 = arith.mulf %sub3A_335, %sub3A_297 : vector<16xf32>
      %mul3A_976 = arith.mulf %sub3A_323, %sub3A_315 : vector<16xf32>
      %mul3A_977 = arith.mulf %sub3A_323, %sub3A_297 : vector<16xf32>
      %add3A_978 = arith.constant 8 : i32
      %add3A_979 = vector.broadcast %add3A_978 : i32 to vector<16xi32>
      %add3A_980 = arith.addi %mul3A_579, %add3A_979 : vector<16xi32>
      tpu.vector_store_idx %arg8[%add3A_980], %mul3A_974 : memref<7168xf32, #tpu.memory_space<vmem>>[vector<16xi32>], vector<16xf32>,
      %add3A_981 = arith.constant 64 : i32
      %add3A_982 = vector.broadcast %add3A_981 : i32 to vector<16xi32>
      %add3A_983 = arith.addi %mul3A_579, %add3A_982 : vector<16xi32>
      tpu.vector_store_idx %arg8[%add3A_983], %mul3A_975 : memref<7168xf32, #tpu.memory_space<vmem>>[vector<16xi32>], vector<16xf32>,
      %add3A_984 = arith.constant 120 : i32
      %add3A_985 = vector.broadcast %add3A_984 : i32 to vector<16xi32>
      %add3A_986 = arith.addi %mul3A_579, %add3A_985 : vector<16xi32>
      tpu.vector_store_idx %arg8[%add3A_986], %mul3A_976 : memref<7168xf32, #tpu.memory_space<vmem>>[vector<16xi32>], vector<16xf32>,
      %add3A_987 = arith.constant 176 : i32
      %add3A_988 = vector.broadcast %add3A_987 : i32 to vector<16xi32>
      %add3A_989 = arith.addi %mul3A_579, %add3A_988 : vector<16xi32>
      tpu.vector_store_idx %arg8[%add3A_989], %mul3A_977 : memref<7168xf32, #tpu.memory_space<vmem>>[vector<16xi32>], vector<16xf32>,
      %add3A_990 = arith.addi %add3A_326, %min3A_345 : vector<16xi32>
      %add3A_991 = arith.addi %add3A_332, %min3A_345 : vector<16xi32>
      %shift_right_arithmetic3A_992 = arith.constant 1 : i32
      %shift_right_arithmetic3A_993 = vector.broadcast %shift_right_arithmetic3A_992 : i32 to vector<16xi32>
      %shift_right_arithmetic3A_994 = arith.shrsi %add3A_990, %shift_right_arithmetic3A_993 : vector<16xi32>
      %and3A_995 = arith.constant 1 : i32
      %and3A_996 = vector.broadcast %and3A_995 : i32 to vector<16xi32>
      %and3A_997 = arith.andi %add3A_990, %and3A_996 : vector<16xi32>
      %mul3A_998 = arith.muli %and3A_997, %broadcast_in_dim3A_588 : vector<16xi32>
      %add3A_999 = arith.addi %shift_right_arithmetic3A_994, %mul3A_998 : vector<16xi32>
      %shift_right_arithmetic3A_1000 = arith.constant 1 : i32
      %shift_right_arithmetic3A_1001 = vector.broadcast %shift_right_arithmetic3A_1000 : i32 to vector<16xi32>
      %shift_right_arithmetic3A_1002 = arith.shrsi %add3A_991, %shift_right_arithmetic3A_1001 : vector<16xi32>
      %and3A_1003 = arith.constant 1 : i32
      %and3A_1004 = vector.broadcast %and3A_1003 : i32 to vector<16xi32>
      %and3A_1005 = arith.andi %add3A_991, %and3A_1004 : vector<16xi32>
      %mul3A_1006 = arith.muli %and3A_1005, %broadcast_in_dim3A_588 : vector<16xi32>
      %add3A_1007 = arith.addi %shift_right_arithmetic3A_1002, %mul3A_1006 : vector<16xi32>
      %add3A_1008 = arith.constant 9 : i32
      %add3A_1009 = vector.broadcast %add3A_1008 : i32 to vector<16xi32>
      %add3A_1010 = arith.addi %mul3A_572, %add3A_1009 : vector<16xi32>
      tpu.vector_store_idx %arg7[%add3A_1010], %add3A_999 : memref<3328xi32, #tpu.memory_space<vmem>>[vector<16xi32>], vector<16xi32>,
      %add3A_1011 = arith.constant 61 : i32
      %add3A_1012 = vector.broadcast %add3A_1011 : i32 to vector<16xi32>
      %add3A_1013 = arith.addi %mul3A_572, %add3A_1012 : vector<16xi32>
      tpu.vector_store_idx %arg7[%add3A_1013], %add3A_1007 : memref<3328xi32, #tpu.memory_space<vmem>>[vector<16xi32>], vector<16xi32>,
      %mul3A_1014 = arith.mulf %sub3A_335, %sub3A_361 : vector<16xf32>
      %mul3A_1015 = arith.mulf %sub3A_335, %sub3A_343 : vector<16xf32>
      %mul3A_1016 = arith.mulf %sub3A_323, %sub3A_361 : vector<16xf32>
      %mul3A_1017 = arith.mulf %sub3A_323, %sub3A_343 : vector<16xf32>
      %add3A_1018 = arith.constant 9 : i32
      %add3A_1019 = vector.broadcast %add3A_1018 : i32 to vector<16xi32>
      %add3A_1020 = arith.addi %mul3A_579, %add3A_1019 : vector<16xi32>
      tpu.vector_store_idx %arg8[%add3A_1020], %mul3A_1014 : memref<7168xf32, #tpu.memory_space<vmem>>[vector<16xi32>], vector<16xf32>,
      %add3A_1021 = arith.constant 65 : i32
      %add3A_1022 = vector.broadcast %add3A_1021 : i32 to vector<16xi32>
      %add3A_1023 = arith.addi %mul3A_579, %add3A_1022 : vector<16xi32>
      tpu.vector_store_idx %arg8[%add3A_1023], %mul3A_1015 : memref<7168xf32, #tpu.memory_space<vmem>>[vector<16xi32>], vector<16xf32>,
      %add3A_1024 = arith.constant 121 : i32
      %add3A_1025 = vector.broadcast %add3A_1024 : i32 to vector<16xi32>
      %add3A_1026 = arith.addi %mul3A_579, %add3A_1025 : vector<16xi32>
      tpu.vector_store_idx %arg8[%add3A_1026], %mul3A_1016 : memref<7168xf32, #tpu.memory_space<vmem>>[vector<16xi32>], vector<16xf32>,
      %add3A_1027 = arith.constant 177 : i32
      %add3A_1028 = vector.broadcast %add3A_1027 : i32 to vector<16xi32>
      %add3A_1029 = arith.addi %mul3A_579, %add3A_1028 : vector<16xi32>
      tpu.vector_store_idx %arg8[%add3A_1029], %mul3A_1017 : memref<7168xf32, #tpu.memory_space<vmem>>[vector<16xi32>], vector<16xf32>,
      %add3A_1030 = arith.addi %add3A_326, %min3A_391 : vector<16xi32>
      %add3A_1031 = arith.addi %add3A_332, %min3A_391 : vector<16xi32>
      %shift_right_arithmetic3A_1032 = arith.constant 1 : i32
      %shift_right_arithmetic3A_1033 = vector.broadcast %shift_right_arithmetic3A_1032 : i32 to vector<16xi32>
      %shift_right_arithmetic3A_1034 = arith.shrsi %add3A_1030, %shift_right_arithmetic3A_1033 : vector<16xi32>
      %and3A_1035 = arith.constant 1 : i32
      %and3A_1036 = vector.broadcast %and3A_1035 : i32 to vector<16xi32>
      %and3A_1037 = arith.andi %add3A_1030, %and3A_1036 : vector<16xi32>
      %mul3A_1038 = arith.muli %and3A_1037, %broadcast_in_dim3A_588 : vector<16xi32>
      %add3A_1039 = arith.addi %shift_right_arithmetic3A_1034, %mul3A_1038 : vector<16xi32>
      %shift_right_arithmetic3A_1040 = arith.constant 1 : i32
      %shift_right_arithmetic3A_1041 = vector.broadcast %shift_right_arithmetic3A_1040 : i32 to vector<16xi32>
      %shift_right_arithmetic3A_1042 = arith.shrsi %add3A_1031, %shift_right_arithmetic3A_1041 : vector<16xi32>
      %and3A_1043 = arith.constant 1 : i32
      %and3A_1044 = vector.broadcast %and3A_1043 : i32 to vector<16xi32>
      %and3A_1045 = arith.andi %add3A_1031, %and3A_1044 : vector<16xi32>
      %mul3A_1046 = arith.muli %and3A_1045, %broadcast_in_dim3A_588 : vector<16xi32>
      %add3A_1047 = arith.addi %shift_right_arithmetic3A_1042, %mul3A_1046 : vector<16xi32>
      %add3A_1048 = arith.constant 10 : i32
      %add3A_1049 = vector.broadcast %add3A_1048 : i32 to vector<16xi32>
      %add3A_1050 = arith.addi %mul3A_572, %add3A_1049 : vector<16xi32>
      tpu.vector_store_idx %arg7[%add3A_1050], %add3A_1039 : memref<3328xi32, #tpu.memory_space<vmem>>[vector<16xi32>], vector<16xi32>,
      %add3A_1051 = arith.constant 62 : i32
      %add3A_1052 = vector.broadcast %add3A_1051 : i32 to vector<16xi32>
      %add3A_1053 = arith.addi %mul3A_572, %add3A_1052 : vector<16xi32>
      tpu.vector_store_idx %arg7[%add3A_1053], %add3A_1047 : memref<3328xi32, #tpu.memory_space<vmem>>[vector<16xi32>], vector<16xi32>,
      %mul3A_1054 = arith.mulf %sub3A_335, %sub3A_407 : vector<16xf32>
      %mul3A_1055 = arith.mulf %sub3A_335, %sub3A_389 : vector<16xf32>
      %mul3A_1056 = arith.mulf %sub3A_323, %sub3A_407 : vector<16xf32>
      %mul3A_1057 = arith.mulf %sub3A_323, %sub3A_389 : vector<16xf32>
      %add3A_1058 = arith.constant 10 : i32
      %add3A_1059 = vector.broadcast %add3A_1058 : i32 to vector<16xi32>
      %add3A_1060 = arith.addi %mul3A_579, %add3A_1059 : vector<16xi32>
      tpu.vector_store_idx %arg8[%add3A_1060], %mul3A_1054 : memref<7168xf32, #tpu.memory_space<vmem>>[vector<16xi32>], vector<16xf32>,
      %add3A_1061 = arith.constant 66 : i32
      %add3A_1062 = vector.broadcast %add3A_1061 : i32 to vector<16xi32>
      %add3A_1063 = arith.addi %mul3A_579, %add3A_1062 : vector<16xi32>
      tpu.vector_store_idx %arg8[%add3A_1063], %mul3A_1055 : memref<7168xf32, #tpu.memory_space<vmem>>[vector<16xi32>], vector<16xf32>,
      %add3A_1064 = arith.constant 122 : i32
      %add3A_1065 = vector.broadcast %add3A_1064 : i32 to vector<16xi32>
      %add3A_1066 = arith.addi %mul3A_579, %add3A_1065 : vector<16xi32>
      tpu.vector_store_idx %arg8[%add3A_1066], %mul3A_1056 : memref<7168xf32, #tpu.memory_space<vmem>>[vector<16xi32>], vector<16xf32>,
      %add3A_1067 = arith.constant 178 : i32
      %add3A_1068 = vector.broadcast %add3A_1067 : i32 to vector<16xi32>
      %add3A_1069 = arith.addi %mul3A_579, %add3A_1068 : vector<16xi32>
      tpu.vector_store_idx %arg8[%add3A_1069], %mul3A_1057 : memref<7168xf32, #tpu.memory_space<vmem>>[vector<16xi32>], vector<16xf32>,
      %add3A_1070 = arith.addi %add3A_326, %min3A_437 : vector<16xi32>
      %add3A_1071 = arith.addi %add3A_332, %min3A_437 : vector<16xi32>
      %shift_right_arithmetic3A_1072 = arith.constant 1 : i32
      %shift_right_arithmetic3A_1073 = vector.broadcast %shift_right_arithmetic3A_1072 : i32 to vector<16xi32>
      %shift_right_arithmetic3A_1074 = arith.shrsi %add3A_1070, %shift_right_arithmetic3A_1073 : vector<16xi32>
      %and3A_1075 = arith.constant 1 : i32
      %and3A_1076 = vector.broadcast %and3A_1075 : i32 to vector<16xi32>
      %and3A_1077 = arith.andi %add3A_1070, %and3A_1076 : vector<16xi32>
      %mul3A_1078 = arith.muli %and3A_1077, %broadcast_in_dim3A_588 : vector<16xi32>
      %add3A_1079 = arith.addi %shift_right_arithmetic3A_1074, %mul3A_1078 : vector<16xi32>
      %shift_right_arithmetic3A_1080 = arith.constant 1 : i32
      %shift_right_arithmetic3A_1081 = vector.broadcast %shift_right_arithmetic3A_1080 : i32 to vector<16xi32>
      %shift_right_arithmetic3A_1082 = arith.shrsi %add3A_1071, %shift_right_arithmetic3A_1081 : vector<16xi32>
      %and3A_1083 = arith.constant 1 : i32
      %and3A_1084 = vector.broadcast %and3A_1083 : i32 to vector<16xi32>
      %and3A_1085 = arith.andi %add3A_1071, %and3A_1084 : vector<16xi32>
      %mul3A_1086 = arith.muli %and3A_1085, %broadcast_in_dim3A_588 : vector<16xi32>
      %add3A_1087 = arith.addi %shift_right_arithmetic3A_1082, %mul3A_1086 : vector<16xi32>
      %add3A_1088 = arith.constant 11 : i32
      %add3A_1089 = vector.broadcast %add3A_1088 : i32 to vector<16xi32>
      %add3A_1090 = arith.addi %mul3A_572, %add3A_1089 : vector<16xi32>
      tpu.vector_store_idx %arg7[%add3A_1090], %add3A_1079 : memref<3328xi32, #tpu.memory_space<vmem>>[vector<16xi32>], vector<16xi32>,
      %add3A_1091 = arith.constant 63 : i32
      %add3A_1092 = vector.broadcast %add3A_1091 : i32 to vector<16xi32>
      %add3A_1093 = arith.addi %mul3A_572, %add3A_1092 : vector<16xi32>
      tpu.vector_store_idx %arg7[%add3A_1093], %add3A_1087 : memref<3328xi32, #tpu.memory_space<vmem>>[vector<16xi32>], vector<16xi32>,
      %mul3A_1094 = arith.mulf %sub3A_335, %sub3A_453 : vector<16xf32>
      %mul3A_1095 = arith.mulf %sub3A_335, %sub3A_435 : vector<16xf32>
      %mul3A_1096 = arith.mulf %sub3A_323, %sub3A_453 : vector<16xf32>
      %mul3A_1097 = arith.mulf %sub3A_323, %sub3A_435 : vector<16xf32>
      %add3A_1098 = arith.constant 11 : i32
      %add3A_1099 = vector.broadcast %add3A_1098 : i32 to vector<16xi32>
      %add3A_1100 = arith.addi %mul3A_579, %add3A_1099 : vector<16xi32>
      tpu.vector_store_idx %arg8[%add3A_1100], %mul3A_1094 : memref<7168xf32, #tpu.memory_space<vmem>>[vector<16xi32>], vector<16xf32>,
      %add3A_1101 = arith.constant 67 : i32
      %add3A_1102 = vector.broadcast %add3A_1101 : i32 to vector<16xi32>
      %add3A_1103 = arith.addi %mul3A_579, %add3A_1102 : vector<16xi32>
      tpu.vector_store_idx %arg8[%add3A_1103], %mul3A_1095 : memref<7168xf32, #tpu.memory_space<vmem>>[vector<16xi32>], vector<16xf32>,
      %add3A_1104 = arith.constant 123 : i32
      %add3A_1105 = vector.broadcast %add3A_1104 : i32 to vector<16xi32>
      %add3A_1106 = arith.addi %mul3A_579, %add3A_1105 : vector<16xi32>
      tpu.vector_store_idx %arg8[%add3A_1106], %mul3A_1096 : memref<7168xf32, #tpu.memory_space<vmem>>[vector<16xi32>], vector<16xf32>,
      %add3A_1107 = arith.constant 179 : i32
      %add3A_1108 = vector.broadcast %add3A_1107 : i32 to vector<16xi32>
      %add3A_1109 = arith.addi %mul3A_579, %add3A_1108 : vector<16xi32>
      tpu.vector_store_idx %arg8[%add3A_1109], %mul3A_1097 : memref<7168xf32, #tpu.memory_space<vmem>>[vector<16xi32>], vector<16xf32>,
      %add3A_1110 = arith.addi %add3A_326, %min3A_483 : vector<16xi32>
      %add3A_1111 = arith.addi %add3A_332, %min3A_483 : vector<16xi32>
      %shift_right_arithmetic3A_1112 = arith.constant 1 : i32
      %shift_right_arithmetic3A_1113 = vector.broadcast %shift_right_arithmetic3A_1112 : i32 to vector<16xi32>
      %shift_right_arithmetic3A_1114 = arith.shrsi %add3A_1110, %shift_right_arithmetic3A_1113 : vector<16xi32>
      %and3A_1115 = arith.constant 1 : i32
      %and3A_1116 = vector.broadcast %and3A_1115 : i32 to vector<16xi32>
      %and3A_1117 = arith.andi %add3A_1110, %and3A_1116 : vector<16xi32>
      %mul3A_1118 = arith.muli %and3A_1117, %broadcast_in_dim3A_588 : vector<16xi32>
      %add3A_1119 = arith.addi %shift_right_arithmetic3A_1114, %mul3A_1118 : vector<16xi32>
      %shift_right_arithmetic3A_1120 = arith.constant 1 : i32
      %shift_right_arithmetic3A_1121 = vector.broadcast %shift_right_arithmetic3A_1120 : i32 to vector<16xi32>
      %shift_right_arithmetic3A_1122 = arith.shrsi %add3A_1111, %shift_right_arithmetic3A_1121 : vector<16xi32>
      %and3A_1123 = arith.constant 1 : i32
      %and3A_1124 = vector.broadcast %and3A_1123 : i32 to vector<16xi32>
      %and3A_1125 = arith.andi %add3A_1111, %and3A_1124 : vector<16xi32>
      %mul3A_1126 = arith.muli %and3A_1125, %broadcast_in_dim3A_588 : vector<16xi32>
      %add3A_1127 = arith.addi %shift_right_arithmetic3A_1122, %mul3A_1126 : vector<16xi32>
      %add3A_1128 = arith.constant 12 : i32
      %add3A_1129 = vector.broadcast %add3A_1128 : i32 to vector<16xi32>
      %add3A_1130 = arith.addi %mul3A_572, %add3A_1129 : vector<16xi32>
      tpu.vector_store_idx %arg7[%add3A_1130], %add3A_1119 : memref<3328xi32, #tpu.memory_space<vmem>>[vector<16xi32>], vector<16xi32>,
      %add3A_1131 = arith.constant 64 : i32
      %add3A_1132 = vector.broadcast %add3A_1131 : i32 to vector<16xi32>
      %add3A_1133 = arith.addi %mul3A_572, %add3A_1132 : vector<16xi32>
      tpu.vector_store_idx %arg7[%add3A_1133], %add3A_1127 : memref<3328xi32, #tpu.memory_space<vmem>>[vector<16xi32>], vector<16xi32>,
      %mul3A_1134 = arith.mulf %sub3A_335, %sub3A_499 : vector<16xf32>
      %mul3A_1135 = arith.mulf %sub3A_335, %sub3A_481 : vector<16xf32>
      %mul3A_1136 = arith.mulf %sub3A_323, %sub3A_499 : vector<16xf32>
      %mul3A_1137 = arith.mulf %sub3A_323, %sub3A_481 : vector<16xf32>
      %add3A_1138 = arith.constant 12 : i32
      %add3A_1139 = vector.broadcast %add3A_1138 : i32 to vector<16xi32>
      %add3A_1140 = arith.addi %mul3A_579, %add3A_1139 : vector<16xi32>
      tpu.vector_store_idx %arg8[%add3A_1140], %mul3A_1134 : memref<7168xf32, #tpu.memory_space<vmem>>[vector<16xi32>], vector<16xf32>,
      %add3A_1141 = arith.constant 68 : i32
      %add3A_1142 = vector.broadcast %add3A_1141 : i32 to vector<16xi32>
      %add3A_1143 = arith.addi %mul3A_579, %add3A_1142 : vector<16xi32>
      tpu.vector_store_idx %arg8[%add3A_1143], %mul3A_1135 : memref<7168xf32, #tpu.memory_space<vmem>>[vector<16xi32>], vector<16xf32>,
      %add3A_1144 = arith.constant 124 : i32
      %add3A_1145 = vector.broadcast %add3A_1144 : i32 to vector<16xi32>
      %add3A_1146 = arith.addi %mul3A_579, %add3A_1145 : vector<16xi32>
      tpu.vector_store_idx %arg8[%add3A_1146], %mul3A_1136 : memref<7168xf32, #tpu.memory_space<vmem>>[vector<16xi32>], vector<16xf32>,
      %add3A_1147 = arith.constant 180 : i32
      %add3A_1148 = vector.broadcast %add3A_1147 : i32 to vector<16xi32>
      %add3A_1149 = arith.addi %mul3A_579, %add3A_1148 : vector<16xi32>
      tpu.vector_store_idx %arg8[%add3A_1149], %mul3A_1137 : memref<7168xf32, #tpu.memory_space<vmem>>[vector<16xi32>], vector<16xf32>,
      %add3A_1150 = arith.addi %add3A_326, %min3A_529 : vector<16xi32>
      %add3A_1151 = arith.addi %add3A_332, %min3A_529 : vector<16xi32>
      %shift_right_arithmetic3A_1152 = arith.constant 1 : i32
      %shift_right_arithmetic3A_1153 = vector.broadcast %shift_right_arithmetic3A_1152 : i32 to vector<16xi32>
      %shift_right_arithmetic3A_1154 = arith.shrsi %add3A_1150, %shift_right_arithmetic3A_1153 : vector<16xi32>
      %and3A_1155 = arith.constant 1 : i32
      %and3A_1156 = vector.broadcast %and3A_1155 : i32 to vector<16xi32>
      %and3A_1157 = arith.andi %add3A_1150, %and3A_1156 : vector<16xi32>
      %mul3A_1158 = arith.muli %and3A_1157, %broadcast_in_dim3A_588 : vector<16xi32>
      %add3A_1159 = arith.addi %shift_right_arithmetic3A_1154, %mul3A_1158 : vector<16xi32>
      %shift_right_arithmetic3A_1160 = arith.constant 1 : i32
      %shift_right_arithmetic3A_1161 = vector.broadcast %shift_right_arithmetic3A_1160 : i32 to vector<16xi32>
      %shift_right_arithmetic3A_1162 = arith.shrsi %add3A_1151, %shift_right_arithmetic3A_1161 : vector<16xi32>
      %and3A_1163 = arith.constant 1 : i32
      %and3A_1164 = vector.broadcast %and3A_1163 : i32 to vector<16xi32>
      %and3A_1165 = arith.andi %add3A_1151, %and3A_1164 : vector<16xi32>
      %mul3A_1166 = arith.muli %and3A_1165, %broadcast_in_dim3A_588 : vector<16xi32>
      %add3A_1167 = arith.addi %shift_right_arithmetic3A_1162, %mul3A_1166 : vector<16xi32>
      %add3A_1168 = arith.constant 13 : i32
      %add3A_1169 = vector.broadcast %add3A_1168 : i32 to vector<16xi32>
      %add3A_1170 = arith.addi %mul3A_572, %add3A_1169 : vector<16xi32>
      tpu.vector_store_idx %arg7[%add3A_1170], %add3A_1159 : memref<3328xi32, #tpu.memory_space<vmem>>[vector<16xi32>], vector<16xi32>,
      %add3A_1171 = arith.constant 65 : i32
      %add3A_1172 = vector.broadcast %add3A_1171 : i32 to vector<16xi32>
      %add3A_1173 = arith.addi %mul3A_572, %add3A_1172 : vector<16xi32>
      tpu.vector_store_idx %arg7[%add3A_1173], %add3A_1167 : memref<3328xi32, #tpu.memory_space<vmem>>[vector<16xi32>], vector<16xi32>,
      %mul3A_1174 = arith.mulf %sub3A_335, %sub3A_545 : vector<16xf32>
      %mul3A_1175 = arith.mulf %sub3A_335, %sub3A_527 : vector<16xf32>
      %mul3A_1176 = arith.mulf %sub3A_323, %sub3A_545 : vector<16xf32>
      %mul3A_1177 = arith.mulf %sub3A_323, %sub3A_527 : vector<16xf32>
      %add3A_1178 = arith.constant 13 : i32
      %add3A_1179 = vector.broadcast %add3A_1178 : i32 to vector<16xi32>
      %add3A_1180 = arith.addi %mul3A_579, %add3A_1179 : vector<16xi32>
      tpu.vector_store_idx %arg8[%add3A_1180], %mul3A_1174 : memref<7168xf32, #tpu.memory_space<vmem>>[vector<16xi32>], vector<16xf32>,
      %add3A_1181 = arith.constant 69 : i32
      %add3A_1182 = vector.broadcast %add3A_1181 : i32 to vector<16xi32>
      %add3A_1183 = arith.addi %mul3A_579, %add3A_1182 : vector<16xi32>
      tpu.vector_store_idx %arg8[%add3A_1183], %mul3A_1175 : memref<7168xf32, #tpu.memory_space<vmem>>[vector<16xi32>], vector<16xf32>,
      %add3A_1184 = arith.constant 125 : i32
      %add3A_1185 = vector.broadcast %add3A_1184 : i32 to vector<16xi32>
      %add3A_1186 = arith.addi %mul3A_579, %add3A_1185 : vector<16xi32>
      tpu.vector_store_idx %arg8[%add3A_1186], %mul3A_1176 : memref<7168xf32, #tpu.memory_space<vmem>>[vector<16xi32>], vector<16xf32>,
      %add3A_1187 = arith.constant 181 : i32
      %add3A_1188 = vector.broadcast %add3A_1187 : i32 to vector<16xi32>
      %add3A_1189 = arith.addi %mul3A_579, %add3A_1188 : vector<16xi32>
      tpu.vector_store_idx %arg8[%add3A_1189], %mul3A_1177 : memref<7168xf32, #tpu.memory_space<vmem>>[vector<16xi32>], vector<16xf32>,
      %add3A_1190 = arith.addi %add3A_372, %min3A : vector<16xi32>
      %add3A_1191 = arith.addi %add3A_378, %min3A : vector<16xi32>
      %shift_right_arithmetic3A_1192 = arith.constant 1 : i32
      %shift_right_arithmetic3A_1193 = vector.broadcast %shift_right_arithmetic3A_1192 : i32 to vector<16xi32>
      %shift_right_arithmetic3A_1194 = arith.shrsi %add3A_1190, %shift_right_arithmetic3A_1193 : vector<16xi32>
      %and3A_1195 = arith.constant 1 : i32
      %and3A_1196 = vector.broadcast %and3A_1195 : i32 to vector<16xi32>
      %and3A_1197 = arith.andi %add3A_1190, %and3A_1196 : vector<16xi32>
      %mul3A_1198 = arith.muli %and3A_1197, %broadcast_in_dim3A_588 : vector<16xi32>
      %add3A_1199 = arith.addi %shift_right_arithmetic3A_1194, %mul3A_1198 : vector<16xi32>
      %shift_right_arithmetic3A_1200 = arith.constant 1 : i32
      %shift_right_arithmetic3A_1201 = vector.broadcast %shift_right_arithmetic3A_1200 : i32 to vector<16xi32>
      %shift_right_arithmetic3A_1202 = arith.shrsi %add3A_1191, %shift_right_arithmetic3A_1201 : vector<16xi32>
      %and3A_1203 = arith.constant 1 : i32
      %and3A_1204 = vector.broadcast %and3A_1203 : i32 to vector<16xi32>
      %and3A_1205 = arith.andi %add3A_1191, %and3A_1204 : vector<16xi32>
      %mul3A_1206 = arith.muli %and3A_1205, %broadcast_in_dim3A_588 : vector<16xi32>
      %add3A_1207 = arith.addi %shift_right_arithmetic3A_1202, %mul3A_1206 : vector<16xi32>
      %add3A_1208 = arith.constant 14 : i32
      %add3A_1209 = vector.broadcast %add3A_1208 : i32 to vector<16xi32>
      %add3A_1210 = arith.addi %mul3A_572, %add3A_1209 : vector<16xi32>
      tpu.vector_store_idx %arg7[%add3A_1210], %add3A_1199 : memref<3328xi32, #tpu.memory_space<vmem>>[vector<16xi32>], vector<16xi32>,
      %add3A_1211 = arith.constant 66 : i32
      %add3A_1212 = vector.broadcast %add3A_1211 : i32 to vector<16xi32>
      %add3A_1213 = arith.addi %mul3A_572, %add3A_1212 : vector<16xi32>
      tpu.vector_store_idx %arg7[%add3A_1213], %add3A_1207 : memref<3328xi32, #tpu.memory_space<vmem>>[vector<16xi32>], vector<16xi32>,
      %mul3A_1214 = arith.mulf %sub3A_381, %sub3A_269 : vector<16xf32>
      %mul3A_1215 = arith.mulf %sub3A_381, %sub3A_252 : vector<16xf32>
      %mul3A_1216 = arith.mulf %sub3A_369, %sub3A_269 : vector<16xf32>
      %mul3A_1217 = arith.mulf %sub3A_369, %sub3A_252 : vector<16xf32>
      %add3A_1218 = arith.constant 14 : i32
      %add3A_1219 = vector.broadcast %add3A_1218 : i32 to vector<16xi32>
      %add3A_1220 = arith.addi %mul3A_579, %add3A_1219 : vector<16xi32>
      tpu.vector_store_idx %arg8[%add3A_1220], %mul3A_1214 : memref<7168xf32, #tpu.memory_space<vmem>>[vector<16xi32>], vector<16xf32>,
      %add3A_1221 = arith.constant 70 : i32
      %add3A_1222 = vector.broadcast %add3A_1221 : i32 to vector<16xi32>
      %add3A_1223 = arith.addi %mul3A_579, %add3A_1222 : vector<16xi32>
      tpu.vector_store_idx %arg8[%add3A_1223], %mul3A_1215 : memref<7168xf32, #tpu.memory_space<vmem>>[vector<16xi32>], vector<16xf32>,
      %add3A_1224 = arith.constant 126 : i32
      %add3A_1225 = vector.broadcast %add3A_1224 : i32 to vector<16xi32>
      %add3A_1226 = arith.addi %mul3A_579, %add3A_1225 : vector<16xi32>
      tpu.vector_store_idx %arg8[%add3A_1226], %mul3A_1216 : memref<7168xf32, #tpu.memory_space<vmem>>[vector<16xi32>], vector<16xf32>,
      %add3A_1227 = arith.constant 182 : i32
      %add3A_1228 = vector.broadcast %add3A_1227 : i32 to vector<16xi32>
      %add3A_1229 = arith.addi %mul3A_579, %add3A_1228 : vector<16xi32>
      tpu.vector_store_idx %arg8[%add3A_1229], %mul3A_1217 : memref<7168xf32, #tpu.memory_space<vmem>>[vector<16xi32>], vector<16xf32>,
      %add3A_1230 = arith.addi %add3A_372, %min3A_299 : vector<16xi32>
      %add3A_1231 = arith.addi %add3A_378, %min3A_299 : vector<16xi32>
      %shift_right_arithmetic3A_1232 = arith.constant 1 : i32
      %shift_right_arithmetic3A_1233 = vector.broadcast %shift_right_arithmetic3A_1232 : i32 to vector<16xi32>
      %shift_right_arithmetic3A_1234 = arith.shrsi %add3A_1230, %shift_right_arithmetic3A_1233 : vector<16xi32>
      %and3A_1235 = arith.constant 1 : i32
      %and3A_1236 = vector.broadcast %and3A_1235 : i32 to vector<16xi32>
      %and3A_1237 = arith.andi %add3A_1230, %and3A_1236 : vector<16xi32>
      %mul3A_1238 = arith.muli %and3A_1237, %broadcast_in_dim3A_588 : vector<16xi32>
      %add3A_1239 = arith.addi %shift_right_arithmetic3A_1234, %mul3A_1238 : vector<16xi32>
      %shift_right_arithmetic3A_1240 = arith.constant 1 : i32
      %shift_right_arithmetic3A_1241 = vector.broadcast %shift_right_arithmetic3A_1240 : i32 to vector<16xi32>
      %shift_right_arithmetic3A_1242 = arith.shrsi %add3A_1231, %shift_right_arithmetic3A_1241 : vector<16xi32>
      %and3A_1243 = arith.constant 1 : i32
      %and3A_1244 = vector.broadcast %and3A_1243 : i32 to vector<16xi32>
      %and3A_1245 = arith.andi %add3A_1231, %and3A_1244 : vector<16xi32>
      %mul3A_1246 = arith.muli %and3A_1245, %broadcast_in_dim3A_588 : vector<16xi32>
      %add3A_1247 = arith.addi %shift_right_arithmetic3A_1242, %mul3A_1246 : vector<16xi32>
      %add3A_1248 = arith.constant 15 : i32
      %add3A_1249 = vector.broadcast %add3A_1248 : i32 to vector<16xi32>
      %add3A_1250 = arith.addi %mul3A_572, %add3A_1249 : vector<16xi32>
      tpu.vector_store_idx %arg7[%add3A_1250], %add3A_1239 : memref<3328xi32, #tpu.memory_space<vmem>>[vector<16xi32>], vector<16xi32>,
      %add3A_1251 = arith.constant 67 : i32
      %add3A_1252 = vector.broadcast %add3A_1251 : i32 to vector<16xi32>
      %add3A_1253 = arith.addi %mul3A_572, %add3A_1252 : vector<16xi32>
      tpu.vector_store_idx %arg7[%add3A_1253], %add3A_1247 : memref<3328xi32, #tpu.memory_space<vmem>>[vector<16xi32>], vector<16xi32>,
      %mul3A_1254 = arith.mulf %sub3A_381, %sub3A_315 : vector<16xf32>
      %mul3A_1255 = arith.mulf %sub3A_381, %sub3A_297 : vector<16xf32>
      %mul3A_1256 = arith.mulf %sub3A_369, %sub3A_315 : vector<16xf32>
      %mul3A_1257 = arith.mulf %sub3A_369, %sub3A_297 : vector<16xf32>
      %add3A_1258 = arith.constant 15 : i32
      %add3A_1259 = vector.broadcast %add3A_1258 : i32 to vector<16xi32>
      %add3A_1260 = arith.addi %mul3A_579, %add3A_1259 : vector<16xi32>
      tpu.vector_store_idx %arg8[%add3A_1260], %mul3A_1254 : memref<7168xf32, #tpu.memory_space<vmem>>[vector<16xi32>], vector<16xf32>,
      %add3A_1261 = arith.constant 71 : i32
      %add3A_1262 = vector.broadcast %add3A_1261 : i32 to vector<16xi32>
      %add3A_1263 = arith.addi %mul3A_579, %add3A_1262 : vector<16xi32>
      tpu.vector_store_idx %arg8[%add3A_1263], %mul3A_1255 : memref<7168xf32, #tpu.memory_space<vmem>>[vector<16xi32>], vector<16xf32>,
      %add3A_1264 = arith.constant 127 : i32
      %add3A_1265 = vector.broadcast %add3A_1264 : i32 to vector<16xi32>
      %add3A_1266 = arith.addi %mul3A_579, %add3A_1265 : vector<16xi32>
      tpu.vector_store_idx %arg8[%add3A_1266], %mul3A_1256 : memref<7168xf32, #tpu.memory_space<vmem>>[vector<16xi32>], vector<16xf32>,
      %add3A_1267 = arith.constant 183 : i32
      %add3A_1268 = vector.broadcast %add3A_1267 : i32 to vector<16xi32>
      %add3A_1269 = arith.addi %mul3A_579, %add3A_1268 : vector<16xi32>
      tpu.vector_store_idx %arg8[%add3A_1269], %mul3A_1257 : memref<7168xf32, #tpu.memory_space<vmem>>[vector<16xi32>], vector<16xf32>,
      %add3A_1270 = arith.addi %add3A_372, %min3A_345 : vector<16xi32>
      %add3A_1271 = arith.addi %add3A_378, %min3A_345 : vector<16xi32>
      %shift_right_arithmetic3A_1272 = arith.constant 1 : i32
      %shift_right_arithmetic3A_1273 = vector.broadcast %shift_right_arithmetic3A_1272 : i32 to vector<16xi32>
      %shift_right_arithmetic3A_1274 = arith.shrsi %add3A_1270, %shift_right_arithmetic3A_1273 : vector<16xi32>
      %and3A_1275 = arith.constant 1 : i32
      %and3A_1276 = vector.broadcast %and3A_1275 : i32 to vector<16xi32>
      %and3A_1277 = arith.andi %add3A_1270, %and3A_1276 : vector<16xi32>
      %mul3A_1278 = arith.muli %and3A_1277, %broadcast_in_dim3A_588 : vector<16xi32>
      %add3A_1279 = arith.addi %shift_right_arithmetic3A_1274, %mul3A_1278 : vector<16xi32>
      %shift_right_arithmetic3A_1280 = arith.constant 1 : i32
      %shift_right_arithmetic3A_1281 = vector.broadcast %shift_right_arithmetic3A_1280 : i32 to vector<16xi32>
      %shift_right_arithmetic3A_1282 = arith.shrsi %add3A_1271, %shift_right_arithmetic3A_1281 : vector<16xi32>
      %and3A_1283 = arith.constant 1 : i32
      %and3A_1284 = vector.broadcast %and3A_1283 : i32 to vector<16xi32>
      %and3A_1285 = arith.andi %add3A_1271, %and3A_1284 : vector<16xi32>
      %mul3A_1286 = arith.muli %and3A_1285, %broadcast_in_dim3A_588 : vector<16xi32>
      %add3A_1287 = arith.addi %shift_right_arithmetic3A_1282, %mul3A_1286 : vector<16xi32>
      %add3A_1288 = arith.constant 16 : i32
      %add3A_1289 = vector.broadcast %add3A_1288 : i32 to vector<16xi32>
      %add3A_1290 = arith.addi %mul3A_572, %add3A_1289 : vector<16xi32>
      tpu.vector_store_idx %arg7[%add3A_1290], %add3A_1279 : memref<3328xi32, #tpu.memory_space<vmem>>[vector<16xi32>], vector<16xi32>,
      %add3A_1291 = arith.constant 68 : i32
      %add3A_1292 = vector.broadcast %add3A_1291 : i32 to vector<16xi32>
      %add3A_1293 = arith.addi %mul3A_572, %add3A_1292 : vector<16xi32>
      tpu.vector_store_idx %arg7[%add3A_1293], %add3A_1287 : memref<3328xi32, #tpu.memory_space<vmem>>[vector<16xi32>], vector<16xi32>,
      %mul3A_1294 = arith.mulf %sub3A_381, %sub3A_361 : vector<16xf32>
      %mul3A_1295 = arith.mulf %sub3A_381, %sub3A_343 : vector<16xf32>
      %mul3A_1296 = arith.mulf %sub3A_369, %sub3A_361 : vector<16xf32>
      %mul3A_1297 = arith.mulf %sub3A_369, %sub3A_343 : vector<16xf32>
      %add3A_1298 = arith.constant 16 : i32
      %add3A_1299 = vector.broadcast %add3A_1298 : i32 to vector<16xi32>
      %add3A_1300 = arith.addi %mul3A_579, %add3A_1299 : vector<16xi32>
      tpu.vector_store_idx %arg8[%add3A_1300], %mul3A_1294 : memref<7168xf32, #tpu.memory_space<vmem>>[vector<16xi32>], vector<16xf32>,
      %add3A_1301 = arith.constant 72 : i32
      %add3A_1302 = vector.broadcast %add3A_1301 : i32 to vector<16xi32>
      %add3A_1303 = arith.addi %mul3A_579, %add3A_1302 : vector<16xi32>
      tpu.vector_store_idx %arg8[%add3A_1303], %mul3A_1295 : memref<7168xf32, #tpu.memory_space<vmem>>[vector<16xi32>], vector<16xf32>,
      %add3A_1304 = arith.constant 128 : i32
      %add3A_1305 = vector.broadcast %add3A_1304 : i32 to vector<16xi32>
      %add3A_1306 = arith.addi %mul3A_579, %add3A_1305 : vector<16xi32>
      tpu.vector_store_idx %arg8[%add3A_1306], %mul3A_1296 : memref<7168xf32, #tpu.memory_space<vmem>>[vector<16xi32>], vector<16xf32>,
      %add3A_1307 = arith.constant 184 : i32
      %add3A_1308 = vector.broadcast %add3A_1307 : i32 to vector<16xi32>
      %add3A_1309 = arith.addi %mul3A_579, %add3A_1308 : vector<16xi32>
      tpu.vector_store_idx %arg8[%add3A_1309], %mul3A_1297 : memref<7168xf32, #tpu.memory_space<vmem>>[vector<16xi32>], vector<16xf32>,
      %add3A_1310 = arith.addi %add3A_372, %min3A_391 : vector<16xi32>
      %add3A_1311 = arith.addi %add3A_378, %min3A_391 : vector<16xi32>
      %shift_right_arithmetic3A_1312 = arith.constant 1 : i32
      %shift_right_arithmetic3A_1313 = vector.broadcast %shift_right_arithmetic3A_1312 : i32 to vector<16xi32>
      %shift_right_arithmetic3A_1314 = arith.shrsi %add3A_1310, %shift_right_arithmetic3A_1313 : vector<16xi32>
      %and3A_1315 = arith.constant 1 : i32
      %and3A_1316 = vector.broadcast %and3A_1315 : i32 to vector<16xi32>
      %and3A_1317 = arith.andi %add3A_1310, %and3A_1316 : vector<16xi32>
      %mul3A_1318 = arith.muli %and3A_1317, %broadcast_in_dim3A_588 : vector<16xi32>
      %add3A_1319 = arith.addi %shift_right_arithmetic3A_1314, %mul3A_1318 : vector<16xi32>
      %shift_right_arithmetic3A_1320 = arith.constant 1 : i32
      %shift_right_arithmetic3A_1321 = vector.broadcast %shift_right_arithmetic3A_1320 : i32 to vector<16xi32>
      %shift_right_arithmetic3A_1322 = arith.shrsi %add3A_1311, %shift_right_arithmetic3A_1321 : vector<16xi32>
      %and3A_1323 = arith.constant 1 : i32
      %and3A_1324 = vector.broadcast %and3A_1323 : i32 to vector<16xi32>
      %and3A_1325 = arith.andi %add3A_1311, %and3A_1324 : vector<16xi32>
      %mul3A_1326 = arith.muli %and3A_1325, %broadcast_in_dim3A_588 : vector<16xi32>
      %add3A_1327 = arith.addi %shift_right_arithmetic3A_1322, %mul3A_1326 : vector<16xi32>
      %add3A_1328 = arith.constant 17 : i32
      %add3A_1329 = vector.broadcast %add3A_1328 : i32 to vector<16xi32>
      %add3A_1330 = arith.addi %mul3A_572, %add3A_1329 : vector<16xi32>
      tpu.vector_store_idx %arg7[%add3A_1330], %add3A_1319 : memref<3328xi32, #tpu.memory_space<vmem>>[vector<16xi32>], vector<16xi32>,
      %add3A_1331 = arith.constant 69 : i32
      %add3A_1332 = vector.broadcast %add3A_1331 : i32 to vector<16xi32>
      %add3A_1333 = arith.addi %mul3A_572, %add3A_1332 : vector<16xi32>
      tpu.vector_store_idx %arg7[%add3A_1333], %add3A_1327 : memref<3328xi32, #tpu.memory_space<vmem>>[vector<16xi32>], vector<16xi32>,
      %mul3A_1334 = arith.mulf %sub3A_381, %sub3A_407 : vector<16xf32>
      %mul3A_1335 = arith.mulf %sub3A_381, %sub3A_389 : vector<16xf32>
      %mul3A_1336 = arith.mulf %sub3A_369, %sub3A_407 : vector<16xf32>
      %mul3A_1337 = arith.mulf %sub3A_369, %sub3A_389 : vector<16xf32>
      %add3A_1338 = arith.constant 17 : i32
      %add3A_1339 = vector.broadcast %add3A_1338 : i32 to vector<16xi32>
      %add3A_1340 = arith.addi %mul3A_579, %add3A_1339 : vector<16xi32>
      tpu.vector_store_idx %arg8[%add3A_1340], %mul3A_1334 : memref<7168xf32, #tpu.memory_space<vmem>>[vector<16xi32>], vector<16xf32>,
      %add3A_1341 = arith.constant 73 : i32
      %add3A_1342 = vector.broadcast %add3A_1341 : i32 to vector<16xi32>
      %add3A_1343 = arith.addi %mul3A_579, %add3A_1342 : vector<16xi32>
      tpu.vector_store_idx %arg8[%add3A_1343], %mul3A_1335 : memref<7168xf32, #tpu.memory_space<vmem>>[vector<16xi32>], vector<16xf32>,
      %add3A_1344 = arith.constant 129 : i32
      %add3A_1345 = vector.broadcast %add3A_1344 : i32 to vector<16xi32>
      %add3A_1346 = arith.addi %mul3A_579, %add3A_1345 : vector<16xi32>
      tpu.vector_store_idx %arg8[%add3A_1346], %mul3A_1336 : memref<7168xf32, #tpu.memory_space<vmem>>[vector<16xi32>], vector<16xf32>,
      %add3A_1347 = arith.constant 185 : i32
      %add3A_1348 = vector.broadcast %add3A_1347 : i32 to vector<16xi32>
      %add3A_1349 = arith.addi %mul3A_579, %add3A_1348 : vector<16xi32>
      tpu.vector_store_idx %arg8[%add3A_1349], %mul3A_1337 : memref<7168xf32, #tpu.memory_space<vmem>>[vector<16xi32>], vector<16xf32>,
      %add3A_1350 = arith.addi %add3A_372, %min3A_437 : vector<16xi32>
      %add3A_1351 = arith.addi %add3A_378, %min3A_437 : vector<16xi32>
      %shift_right_arithmetic3A_1352 = arith.constant 1 : i32
      %shift_right_arithmetic3A_1353 = vector.broadcast %shift_right_arithmetic3A_1352 : i32 to vector<16xi32>
      %shift_right_arithmetic3A_1354 = arith.shrsi %add3A_1350, %shift_right_arithmetic3A_1353 : vector<16xi32>
      %and3A_1355 = arith.constant 1 : i32
      %and3A_1356 = vector.broadcast %and3A_1355 : i32 to vector<16xi32>
      %and3A_1357 = arith.andi %add3A_1350, %and3A_1356 : vector<16xi32>
      %mul3A_1358 = arith.muli %and3A_1357, %broadcast_in_dim3A_588 : vector<16xi32>
      %add3A_1359 = arith.addi %shift_right_arithmetic3A_1354, %mul3A_1358 : vector<16xi32>
      %shift_right_arithmetic3A_1360 = arith.constant 1 : i32
      %shift_right_arithmetic3A_1361 = vector.broadcast %shift_right_arithmetic3A_1360 : i32 to vector<16xi32>
      %shift_right_arithmetic3A_1362 = arith.shrsi %add3A_1351, %shift_right_arithmetic3A_1361 : vector<16xi32>
      %and3A_1363 = arith.constant 1 : i32
      %and3A_1364 = vector.broadcast %and3A_1363 : i32 to vector<16xi32>
      %and3A_1365 = arith.andi %add3A_1351, %and3A_1364 : vector<16xi32>
      %mul3A_1366 = arith.muli %and3A_1365, %broadcast_in_dim3A_588 : vector<16xi32>
      %add3A_1367 = arith.addi %shift_right_arithmetic3A_1362, %mul3A_1366 : vector<16xi32>
      %add3A_1368 = arith.constant 18 : i32
      %add3A_1369 = vector.broadcast %add3A_1368 : i32 to vector<16xi32>
      %add3A_1370 = arith.addi %mul3A_572, %add3A_1369 : vector<16xi32>
      tpu.vector_store_idx %arg7[%add3A_1370], %add3A_1359 : memref<3328xi32, #tpu.memory_space<vmem>>[vector<16xi32>], vector<16xi32>,
      %add3A_1371 = arith.constant 70 : i32
      %add3A_1372 = vector.broadcast %add3A_1371 : i32 to vector<16xi32>
      %add3A_1373 = arith.addi %mul3A_572, %add3A_1372 : vector<16xi32>
      tpu.vector_store_idx %arg7[%add3A_1373], %add3A_1367 : memref<3328xi32, #tpu.memory_space<vmem>>[vector<16xi32>], vector<16xi32>,
      %mul3A_1374 = arith.mulf %sub3A_381, %sub3A_453 : vector<16xf32>
      %mul3A_1375 = arith.mulf %sub3A_381, %sub3A_435 : vector<16xf32>
      %mul3A_1376 = arith.mulf %sub3A_369, %sub3A_453 : vector<16xf32>
      %mul3A_1377 = arith.mulf %sub3A_369, %sub3A_435 : vector<16xf32>
      %add3A_1378 = arith.constant 18 : i32
      %add3A_1379 = vector.broadcast %add3A_1378 : i32 to vector<16xi32>
      %add3A_1380 = arith.addi %mul3A_579, %add3A_1379 : vector<16xi32>
      tpu.vector_store_idx %arg8[%add3A_1380], %mul3A_1374 : memref<7168xf32, #tpu.memory_space<vmem>>[vector<16xi32>], vector<16xf32>,
      %add3A_1381 = arith.constant 74 : i32
      %add3A_1382 = vector.broadcast %add3A_1381 : i32 to vector<16xi32>
      %add3A_1383 = arith.addi %mul3A_579, %add3A_1382 : vector<16xi32>
      tpu.vector_store_idx %arg8[%add3A_1383], %mul3A_1375 : memref<7168xf32, #tpu.memory_space<vmem>>[vector<16xi32>], vector<16xf32>,
      %add3A_1384 = arith.constant 130 : i32
      %add3A_1385 = vector.broadcast %add3A_1384 : i32 to vector<16xi32>
      %add3A_1386 = arith.addi %mul3A_579, %add3A_1385 : vector<16xi32>
      tpu.vector_store_idx %arg8[%add3A_1386], %mul3A_1376 : memref<7168xf32, #tpu.memory_space<vmem>>[vector<16xi32>], vector<16xf32>,
      %add3A_1387 = arith.constant 186 : i32
      %add3A_1388 = vector.broadcast %add3A_1387 : i32 to vector<16xi32>
      %add3A_1389 = arith.addi %mul3A_579, %add3A_1388 : vector<16xi32>
      tpu.vector_store_idx %arg8[%add3A_1389], %mul3A_1377 : memref<7168xf32, #tpu.memory_space<vmem>>[vector<16xi32>], vector<16xf32>,
      %add3A_1390 = arith.addi %add3A_372, %min3A_483 : vector<16xi32>
      %add3A_1391 = arith.addi %add3A_378, %min3A_483 : vector<16xi32>
      %shift_right_arithmetic3A_1392 = arith.constant 1 : i32
      %shift_right_arithmetic3A_1393 = vector.broadcast %shift_right_arithmetic3A_1392 : i32 to vector<16xi32>
      %shift_right_arithmetic3A_1394 = arith.shrsi %add3A_1390, %shift_right_arithmetic3A_1393 : vector<16xi32>
      %and3A_1395 = arith.constant 1 : i32
      %and3A_1396 = vector.broadcast %and3A_1395 : i32 to vector<16xi32>
      %and3A_1397 = arith.andi %add3A_1390, %and3A_1396 : vector<16xi32>
      %mul3A_1398 = arith.muli %and3A_1397, %broadcast_in_dim3A_588 : vector<16xi32>
      %add3A_1399 = arith.addi %shift_right_arithmetic3A_1394, %mul3A_1398 : vector<16xi32>
      %shift_right_arithmetic3A_1400 = arith.constant 1 : i32
      %shift_right_arithmetic3A_1401 = vector.broadcast %shift_right_arithmetic3A_1400 : i32 to vector<16xi32>
      %shift_right_arithmetic3A_1402 = arith.shrsi %add3A_1391, %shift_right_arithmetic3A_1401 : vector<16xi32>
      %and3A_1403 = arith.constant 1 : i32
      %and3A_1404 = vector.broadcast %and3A_1403 : i32 to vector<16xi32>
      %and3A_1405 = arith.andi %add3A_1391, %and3A_1404 : vector<16xi32>
      %mul3A_1406 = arith.muli %and3A_1405, %broadcast_in_dim3A_588 : vector<16xi32>
      %add3A_1407 = arith.addi %shift_right_arithmetic3A_1402, %mul3A_1406 : vector<16xi32>
      %add3A_1408 = arith.constant 19 : i32
      %add3A_1409 = vector.broadcast %add3A_1408 : i32 to vector<16xi32>
      %add3A_1410 = arith.addi %mul3A_572, %add3A_1409 : vector<16xi32>
      tpu.vector_store_idx %arg7[%add3A_1410], %add3A_1399 : memref<3328xi32, #tpu.memory_space<vmem>>[vector<16xi32>], vector<16xi32>,
      %add3A_1411 = arith.constant 71 : i32
      %add3A_1412 = vector.broadcast %add3A_1411 : i32 to vector<16xi32>
      %add3A_1413 = arith.addi %mul3A_572, %add3A_1412 : vector<16xi32>
      tpu.vector_store_idx %arg7[%add3A_1413], %add3A_1407 : memref<3328xi32, #tpu.memory_space<vmem>>[vector<16xi32>], vector<16xi32>,
      %mul3A_1414 = arith.mulf %sub3A_381, %sub3A_499 : vector<16xf32>
      %mul3A_1415 = arith.mulf %sub3A_381, %sub3A_481 : vector<16xf32>
      %mul3A_1416 = arith.mulf %sub3A_369, %sub3A_499 : vector<16xf32>
      %mul3A_1417 = arith.mulf %sub3A_369, %sub3A_481 : vector<16xf32>
      %add3A_1418 = arith.constant 19 : i32
      %add3A_1419 = vector.broadcast %add3A_1418 : i32 to vector<16xi32>
      %add3A_1420 = arith.addi %mul3A_579, %add3A_1419 : vector<16xi32>
      tpu.vector_store_idx %arg8[%add3A_1420], %mul3A_1414 : memref<7168xf32, #tpu.memory_space<vmem>>[vector<16xi32>], vector<16xf32>,
      %add3A_1421 = arith.constant 75 : i32
      %add3A_1422 = vector.broadcast %add3A_1421 : i32 to vector<16xi32>
      %add3A_1423 = arith.addi %mul3A_579, %add3A_1422 : vector<16xi32>
      tpu.vector_store_idx %arg8[%add3A_1423], %mul3A_1415 : memref<7168xf32, #tpu.memory_space<vmem>>[vector<16xi32>], vector<16xf32>,
      %add3A_1424 = arith.constant 131 : i32
      %add3A_1425 = vector.broadcast %add3A_1424 : i32 to vector<16xi32>
      %add3A_1426 = arith.addi %mul3A_579, %add3A_1425 : vector<16xi32>
      tpu.vector_store_idx %arg8[%add3A_1426], %mul3A_1416 : memref<7168xf32, #tpu.memory_space<vmem>>[vector<16xi32>], vector<16xf32>,
      %add3A_1427 = arith.constant 187 : i32
      %add3A_1428 = vector.broadcast %add3A_1427 : i32 to vector<16xi32>
      %add3A_1429 = arith.addi %mul3A_579, %add3A_1428 : vector<16xi32>
      tpu.vector_store_idx %arg8[%add3A_1429], %mul3A_1417 : memref<7168xf32, #tpu.memory_space<vmem>>[vector<16xi32>], vector<16xf32>,
      %add3A_1430 = arith.addi %add3A_372, %min3A_529 : vector<16xi32>
      %add3A_1431 = arith.addi %add3A_378, %min3A_529 : vector<16xi32>
      %shift_right_arithmetic3A_1432 = arith.constant 1 : i32
      %shift_right_arithmetic3A_1433 = vector.broadcast %shift_right_arithmetic3A_1432 : i32 to vector<16xi32>
      %shift_right_arithmetic3A_1434 = arith.shrsi %add3A_1430, %shift_right_arithmetic3A_1433 : vector<16xi32>
      %and3A_1435 = arith.constant 1 : i32
      %and3A_1436 = vector.broadcast %and3A_1435 : i32 to vector<16xi32>
      %and3A_1437 = arith.andi %add3A_1430, %and3A_1436 : vector<16xi32>
      %mul3A_1438 = arith.muli %and3A_1437, %broadcast_in_dim3A_588 : vector<16xi32>
      %add3A_1439 = arith.addi %shift_right_arithmetic3A_1434, %mul3A_1438 : vector<16xi32>
      %shift_right_arithmetic3A_1440 = arith.constant 1 : i32
      %shift_right_arithmetic3A_1441 = vector.broadcast %shift_right_arithmetic3A_1440 : i32 to vector<16xi32>
      %shift_right_arithmetic3A_1442 = arith.shrsi %add3A_1431, %shift_right_arithmetic3A_1441 : vector<16xi32>
      %and3A_1443 = arith.constant 1 : i32
      %and3A_1444 = vector.broadcast %and3A_1443 : i32 to vector<16xi32>
      %and3A_1445 = arith.andi %add3A_1431, %and3A_1444 : vector<16xi32>
      %mul3A_1446 = arith.muli %and3A_1445, %broadcast_in_dim3A_588 : vector<16xi32>
      %add3A_1447 = arith.addi %shift_right_arithmetic3A_1442, %mul3A_1446 : vector<16xi32>
      %add3A_1448 = arith.constant 20 : i32
      %add3A_1449 = vector.broadcast %add3A_1448 : i32 to vector<16xi32>
      %add3A_1450 = arith.addi %mul3A_572, %add3A_1449 : vector<16xi32>
      tpu.vector_store_idx %arg7[%add3A_1450], %add3A_1439 : memref<3328xi32, #tpu.memory_space<vmem>>[vector<16xi32>], vector<16xi32>,
      %add3A_1451 = arith.constant 72 : i32
      %add3A_1452 = vector.broadcast %add3A_1451 : i32 to vector<16xi32>
      %add3A_1453 = arith.addi %mul3A_572, %add3A_1452 : vector<16xi32>
      tpu.vector_store_idx %arg7[%add3A_1453], %add3A_1447 : memref<3328xi32, #tpu.memory_space<vmem>>[vector<16xi32>], vector<16xi32>,
      %mul3A_1454 = arith.mulf %sub3A_381, %sub3A_545 : vector<16xf32>
      %mul3A_1455 = arith.mulf %sub3A_381, %sub3A_527 : vector<16xf32>
      %mul3A_1456 = arith.mulf %sub3A_369, %sub3A_545 : vector<16xf32>
      %mul3A_1457 = arith.mulf %sub3A_369, %sub3A_527 : vector<16xf32>
      %add3A_1458 = arith.constant 20 : i32
      %add3A_1459 = vector.broadcast %add3A_1458 : i32 to vector<16xi32>
      %add3A_1460 = arith.addi %mul3A_579, %add3A_1459 : vector<16xi32>
      tpu.vector_store_idx %arg8[%add3A_1460], %mul3A_1454 : memref<7168xf32, #tpu.memory_space<vmem>>[vector<16xi32>], vector<16xf32>,
      %add3A_1461 = arith.constant 76 : i32
      %add3A_1462 = vector.broadcast %add3A_1461 : i32 to vector<16xi32>
      %add3A_1463 = arith.addi %mul3A_579, %add3A_1462 : vector<16xi32>
      tpu.vector_store_idx %arg8[%add3A_1463], %mul3A_1455 : memref<7168xf32, #tpu.memory_space<vmem>>[vector<16xi32>], vector<16xf32>,
      %add3A_1464 = arith.constant 132 : i32
      %add3A_1465 = vector.broadcast %add3A_1464 : i32 to vector<16xi32>
      %add3A_1466 = arith.addi %mul3A_579, %add3A_1465 : vector<16xi32>
      tpu.vector_store_idx %arg8[%add3A_1466], %mul3A_1456 : memref<7168xf32, #tpu.memory_space<vmem>>[vector<16xi32>], vector<16xf32>,
      %add3A_1467 = arith.constant 188 : i32
      %add3A_1468 = vector.broadcast %add3A_1467 : i32 to vector<16xi32>
      %add3A_1469 = arith.addi %mul3A_579, %add3A_1468 : vector<16xi32>
      tpu.vector_store_idx %arg8[%add3A_1469], %mul3A_1457 : memref<7168xf32, #tpu.memory_space<vmem>>[vector<16xi32>], vector<16xf32>,
      %add3A_1470 = arith.addi %add3A_418, %min3A : vector<16xi32>
      %add3A_1471 = arith.addi %add3A_424, %min3A : vector<16xi32>
      %shift_right_arithmetic3A_1472 = arith.constant 1 : i32
      %shift_right_arithmetic3A_1473 = vector.broadcast %shift_right_arithmetic3A_1472 : i32 to vector<16xi32>
      %shift_right_arithmetic3A_1474 = arith.shrsi %add3A_1470, %shift_right_arithmetic3A_1473 : vector<16xi32>
      %and3A_1475 = arith.constant 1 : i32
      %and3A_1476 = vector.broadcast %and3A_1475 : i32 to vector<16xi32>
      %and3A_1477 = arith.andi %add3A_1470, %and3A_1476 : vector<16xi32>
      %mul3A_1478 = arith.muli %and3A_1477, %broadcast_in_dim3A_588 : vector<16xi32>
      %add3A_1479 = arith.addi %shift_right_arithmetic3A_1474, %mul3A_1478 : vector<16xi32>
      %shift_right_arithmetic3A_1480 = arith.constant 1 : i32
      %shift_right_arithmetic3A_1481 = vector.broadcast %shift_right_arithmetic3A_1480 : i32 to vector<16xi32>
      %shift_right_arithmetic3A_1482 = arith.shrsi %add3A_1471, %shift_right_arithmetic3A_1481 : vector<16xi32>
      %and3A_1483 = arith.constant 1 : i32
      %and3A_1484 = vector.broadcast %and3A_1483 : i32 to vector<16xi32>
      %and3A_1485 = arith.andi %add3A_1471, %and3A_1484 : vector<16xi32>
      %mul3A_1486 = arith.muli %and3A_1485, %broadcast_in_dim3A_588 : vector<16xi32>
      %add3A_1487 = arith.addi %shift_right_arithmetic3A_1482, %mul3A_1486 : vector<16xi32>
      %add3A_1488 = arith.constant 21 : i32
      %add3A_1489 = vector.broadcast %add3A_1488 : i32 to vector<16xi32>
      %add3A_1490 = arith.addi %mul3A_572, %add3A_1489 : vector<16xi32>
      tpu.vector_store_idx %arg7[%add3A_1490], %add3A_1479 : memref<3328xi32, #tpu.memory_space<vmem>>[vector<16xi32>], vector<16xi32>,
      %add3A_1491 = arith.constant 73 : i32
      %add3A_1492 = vector.broadcast %add3A_1491 : i32 to vector<16xi32>
      %add3A_1493 = arith.addi %mul3A_572, %add3A_1492 : vector<16xi32>
      tpu.vector_store_idx %arg7[%add3A_1493], %add3A_1487 : memref<3328xi32, #tpu.memory_space<vmem>>[vector<16xi32>], vector<16xi32>,
      %mul3A_1494 = arith.mulf %sub3A_427, %sub3A_269 : vector<16xf32>
      %mul3A_1495 = arith.mulf %sub3A_427, %sub3A_252 : vector<16xf32>
      %mul3A_1496 = arith.mulf %sub3A_415, %sub3A_269 : vector<16xf32>
      %mul3A_1497 = arith.mulf %sub3A_415, %sub3A_252 : vector<16xf32>
      %add3A_1498 = arith.constant 21 : i32
      %add3A_1499 = vector.broadcast %add3A_1498 : i32 to vector<16xi32>
      %add3A_1500 = arith.addi %mul3A_579, %add3A_1499 : vector<16xi32>
      tpu.vector_store_idx %arg8[%add3A_1500], %mul3A_1494 : memref<7168xf32, #tpu.memory_space<vmem>>[vector<16xi32>], vector<16xf32>,
      %add3A_1501 = arith.constant 77 : i32
      %add3A_1502 = vector.broadcast %add3A_1501 : i32 to vector<16xi32>
      %add3A_1503 = arith.addi %mul3A_579, %add3A_1502 : vector<16xi32>
      tpu.vector_store_idx %arg8[%add3A_1503], %mul3A_1495 : memref<7168xf32, #tpu.memory_space<vmem>>[vector<16xi32>], vector<16xf32>,
      %add3A_1504 = arith.constant 133 : i32
      %add3A_1505 = vector.broadcast %add3A_1504 : i32 to vector<16xi32>
      %add3A_1506 = arith.addi %mul3A_579, %add3A_1505 : vector<16xi32>
      tpu.vector_store_idx %arg8[%add3A_1506], %mul3A_1496 : memref<7168xf32, #tpu.memory_space<vmem>>[vector<16xi32>], vector<16xf32>,
      %add3A_1507 = arith.constant 189 : i32
      %add3A_1508 = vector.broadcast %add3A_1507 : i32 to vector<16xi32>
      %add3A_1509 = arith.addi %mul3A_579, %add3A_1508 : vector<16xi32>
      tpu.vector_store_idx %arg8[%add3A_1509], %mul3A_1497 : memref<7168xf32, #tpu.memory_space<vmem>>[vector<16xi32>], vector<16xf32>,
      %add3A_1510 = arith.addi %add3A_418, %min3A_299 : vector<16xi32>
      %add3A_1511 = arith.addi %add3A_424, %min3A_299 : vector<16xi32>
      %shift_right_arithmetic3A_1512 = arith.constant 1 : i32
      %shift_right_arithmetic3A_1513 = vector.broadcast %shift_right_arithmetic3A_1512 : i32 to vector<16xi32>
      %shift_right_arithmetic3A_1514 = arith.shrsi %add3A_1510, %shift_right_arithmetic3A_1513 : vector<16xi32>
      %and3A_1515 = arith.constant 1 : i32
      %and3A_1516 = vector.broadcast %and3A_1515 : i32 to vector<16xi32>
      %and3A_1517 = arith.andi %add3A_1510, %and3A_1516 : vector<16xi32>
      %mul3A_1518 = arith.muli %and3A_1517, %broadcast_in_dim3A_588 : vector<16xi32>
      %add3A_1519 = arith.addi %shift_right_arithmetic3A_1514, %mul3A_1518 : vector<16xi32>
      %shift_right_arithmetic3A_1520 = arith.constant 1 : i32
      %shift_right_arithmetic3A_1521 = vector.broadcast %shift_right_arithmetic3A_1520 : i32 to vector<16xi32>
      %shift_right_arithmetic3A_1522 = arith.shrsi %add3A_1511, %shift_right_arithmetic3A_1521 : vector<16xi32>
      %and3A_1523 = arith.constant 1 : i32
      %and3A_1524 = vector.broadcast %and3A_1523 : i32 to vector<16xi32>
      %and3A_1525 = arith.andi %add3A_1511, %and3A_1524 : vector<16xi32>
      %mul3A_1526 = arith.muli %and3A_1525, %broadcast_in_dim3A_588 : vector<16xi32>
      %add3A_1527 = arith.addi %shift_right_arithmetic3A_1522, %mul3A_1526 : vector<16xi32>
      %add3A_1528 = arith.constant 22 : i32
      %add3A_1529 = vector.broadcast %add3A_1528 : i32 to vector<16xi32>
      %add3A_1530 = arith.addi %mul3A_572, %add3A_1529 : vector<16xi32>
      tpu.vector_store_idx %arg7[%add3A_1530], %add3A_1519 : memref<3328xi32, #tpu.memory_space<vmem>>[vector<16xi32>], vector<16xi32>,
      %add3A_1531 = arith.constant 74 : i32
      %add3A_1532 = vector.broadcast %add3A_1531 : i32 to vector<16xi32>
      %add3A_1533 = arith.addi %mul3A_572, %add3A_1532 : vector<16xi32>
      tpu.vector_store_idx %arg7[%add3A_1533], %add3A_1527 : memref<3328xi32, #tpu.memory_space<vmem>>[vector<16xi32>], vector<16xi32>,
      %mul3A_1534 = arith.mulf %sub3A_427, %sub3A_315 : vector<16xf32>
      %mul3A_1535 = arith.mulf %sub3A_427, %sub3A_297 : vector<16xf32>
      %mul3A_1536 = arith.mulf %sub3A_415, %sub3A_315 : vector<16xf32>
      %mul3A_1537 = arith.mulf %sub3A_415, %sub3A_297 : vector<16xf32>
      %add3A_1538 = arith.constant 22 : i32
      %add3A_1539 = vector.broadcast %add3A_1538 : i32 to vector<16xi32>
      %add3A_1540 = arith.addi %mul3A_579, %add3A_1539 : vector<16xi32>
      tpu.vector_store_idx %arg8[%add3A_1540], %mul3A_1534 : memref<7168xf32, #tpu.memory_space<vmem>>[vector<16xi32>], vector<16xf32>,
      %add3A_1541 = arith.constant 78 : i32
      %add3A_1542 = vector.broadcast %add3A_1541 : i32 to vector<16xi32>
      %add3A_1543 = arith.addi %mul3A_579, %add3A_1542 : vector<16xi32>
      tpu.vector_store_idx %arg8[%add3A_1543], %mul3A_1535 : memref<7168xf32, #tpu.memory_space<vmem>>[vector<16xi32>], vector<16xf32>,
      %add3A_1544 = arith.constant 134 : i32
      %add3A_1545 = vector.broadcast %add3A_1544 : i32 to vector<16xi32>
      %add3A_1546 = arith.addi %mul3A_579, %add3A_1545 : vector<16xi32>
      tpu.vector_store_idx %arg8[%add3A_1546], %mul3A_1536 : memref<7168xf32, #tpu.memory_space<vmem>>[vector<16xi32>], vector<16xf32>,
      %add3A_1547 = arith.constant 190 : i32
      %add3A_1548 = vector.broadcast %add3A_1547 : i32 to vector<16xi32>
      %add3A_1549 = arith.addi %mul3A_579, %add3A_1548 : vector<16xi32>
      tpu.vector_store_idx %arg8[%add3A_1549], %mul3A_1537 : memref<7168xf32, #tpu.memory_space<vmem>>[vector<16xi32>], vector<16xf32>,
      %add3A_1550 = arith.addi %add3A_418, %min3A_345 : vector<16xi32>
      %add3A_1551 = arith.addi %add3A_424, %min3A_345 : vector<16xi32>
      %shift_right_arithmetic3A_1552 = arith.constant 1 : i32
      %shift_right_arithmetic3A_1553 = vector.broadcast %shift_right_arithmetic3A_1552 : i32 to vector<16xi32>
      %shift_right_arithmetic3A_1554 = arith.shrsi %add3A_1550, %shift_right_arithmetic3A_1553 : vector<16xi32>
      %and3A_1555 = arith.constant 1 : i32
      %and3A_1556 = vector.broadcast %and3A_1555 : i32 to vector<16xi32>
      %and3A_1557 = arith.andi %add3A_1550, %and3A_1556 : vector<16xi32>
      %mul3A_1558 = arith.muli %and3A_1557, %broadcast_in_dim3A_588 : vector<16xi32>
      %add3A_1559 = arith.addi %shift_right_arithmetic3A_1554, %mul3A_1558 : vector<16xi32>
      %shift_right_arithmetic3A_1560 = arith.constant 1 : i32
      %shift_right_arithmetic3A_1561 = vector.broadcast %shift_right_arithmetic3A_1560 : i32 to vector<16xi32>
      %shift_right_arithmetic3A_1562 = arith.shrsi %add3A_1551, %shift_right_arithmetic3A_1561 : vector<16xi32>
      %and3A_1563 = arith.constant 1 : i32
      %and3A_1564 = vector.broadcast %and3A_1563 : i32 to vector<16xi32>
      %and3A_1565 = arith.andi %add3A_1551, %and3A_1564 : vector<16xi32>
      %mul3A_1566 = arith.muli %and3A_1565, %broadcast_in_dim3A_588 : vector<16xi32>
      %add3A_1567 = arith.addi %shift_right_arithmetic3A_1562, %mul3A_1566 : vector<16xi32>
      %add3A_1568 = arith.constant 23 : i32
      %add3A_1569 = vector.broadcast %add3A_1568 : i32 to vector<16xi32>
      %add3A_1570 = arith.addi %mul3A_572, %add3A_1569 : vector<16xi32>
      tpu.vector_store_idx %arg7[%add3A_1570], %add3A_1559 : memref<3328xi32, #tpu.memory_space<vmem>>[vector<16xi32>], vector<16xi32>,
      %add3A_1571 = arith.constant 75 : i32
      %add3A_1572 = vector.broadcast %add3A_1571 : i32 to vector<16xi32>
      %add3A_1573 = arith.addi %mul3A_572, %add3A_1572 : vector<16xi32>
      tpu.vector_store_idx %arg7[%add3A_1573], %add3A_1567 : memref<3328xi32, #tpu.memory_space<vmem>>[vector<16xi32>], vector<16xi32>,
      %mul3A_1574 = arith.mulf %sub3A_427, %sub3A_361 : vector<16xf32>
      %mul3A_1575 = arith.mulf %sub3A_427, %sub3A_343 : vector<16xf32>
      %mul3A_1576 = arith.mulf %sub3A_415, %sub3A_361 : vector<16xf32>
      %mul3A_1577 = arith.mulf %sub3A_415, %sub3A_343 : vector<16xf32>
      %add3A_1578 = arith.constant 23 : i32
      %add3A_1579 = vector.broadcast %add3A_1578 : i32 to vector<16xi32>
      %add3A_1580 = arith.addi %mul3A_579, %add3A_1579 : vector<16xi32>
      tpu.vector_store_idx %arg8[%add3A_1580], %mul3A_1574 : memref<7168xf32, #tpu.memory_space<vmem>>[vector<16xi32>], vector<16xf32>,
      %add3A_1581 = arith.constant 79 : i32
      %add3A_1582 = vector.broadcast %add3A_1581 : i32 to vector<16xi32>
      %add3A_1583 = arith.addi %mul3A_579, %add3A_1582 : vector<16xi32>
      tpu.vector_store_idx %arg8[%add3A_1583], %mul3A_1575 : memref<7168xf32, #tpu.memory_space<vmem>>[vector<16xi32>], vector<16xf32>,
      %add3A_1584 = arith.constant 135 : i32
      %add3A_1585 = vector.broadcast %add3A_1584 : i32 to vector<16xi32>
      %add3A_1586 = arith.addi %mul3A_579, %add3A_1585 : vector<16xi32>
      tpu.vector_store_idx %arg8[%add3A_1586], %mul3A_1576 : memref<7168xf32, #tpu.memory_space<vmem>>[vector<16xi32>], vector<16xf32>,
      %add3A_1587 = arith.constant 191 : i32
      %add3A_1588 = vector.broadcast %add3A_1587 : i32 to vector<16xi32>
      %add3A_1589 = arith.addi %mul3A_579, %add3A_1588 : vector<16xi32>
      tpu.vector_store_idx %arg8[%add3A_1589], %mul3A_1577 : memref<7168xf32, #tpu.memory_space<vmem>>[vector<16xi32>], vector<16xf32>,
      %add3A_1590 = arith.addi %add3A_418, %min3A_391 : vector<16xi32>
      %add3A_1591 = arith.addi %add3A_424, %min3A_391 : vector<16xi32>
      %shift_right_arithmetic3A_1592 = arith.constant 1 : i32
      %shift_right_arithmetic3A_1593 = vector.broadcast %shift_right_arithmetic3A_1592 : i32 to vector<16xi32>
      %shift_right_arithmetic3A_1594 = arith.shrsi %add3A_1590, %shift_right_arithmetic3A_1593 : vector<16xi32>
      %and3A_1595 = arith.constant 1 : i32
      %and3A_1596 = vector.broadcast %and3A_1595 : i32 to vector<16xi32>
      %and3A_1597 = arith.andi %add3A_1590, %and3A_1596 : vector<16xi32>
      %mul3A_1598 = arith.muli %and3A_1597, %broadcast_in_dim3A_588 : vector<16xi32>
      %add3A_1599 = arith.addi %shift_right_arithmetic3A_1594, %mul3A_1598 : vector<16xi32>
      %shift_right_arithmetic3A_1600 = arith.constant 1 : i32
      %shift_right_arithmetic3A_1601 = vector.broadcast %shift_right_arithmetic3A_1600 : i32 to vector<16xi32>
      %shift_right_arithmetic3A_1602 = arith.shrsi %add3A_1591, %shift_right_arithmetic3A_1601 : vector<16xi32>
      %and3A_1603 = arith.constant 1 : i32
      %and3A_1604 = vector.broadcast %and3A_1603 : i32 to vector<16xi32>
      %and3A_1605 = arith.andi %add3A_1591, %and3A_1604 : vector<16xi32>
      %mul3A_1606 = arith.muli %and3A_1605, %broadcast_in_dim3A_588 : vector<16xi32>
      %add3A_1607 = arith.addi %shift_right_arithmetic3A_1602, %mul3A_1606 : vector<16xi32>
      %add3A_1608 = arith.constant 24 : i32
      %add3A_1609 = vector.broadcast %add3A_1608 : i32 to vector<16xi32>
      %add3A_1610 = arith.addi %mul3A_572, %add3A_1609 : vector<16xi32>
      tpu.vector_store_idx %arg7[%add3A_1610], %add3A_1599 : memref<3328xi32, #tpu.memory_space<vmem>>[vector<16xi32>], vector<16xi32>,
      %add3A_1611 = arith.constant 76 : i32
      %add3A_1612 = vector.broadcast %add3A_1611 : i32 to vector<16xi32>
      %add3A_1613 = arith.addi %mul3A_572, %add3A_1612 : vector<16xi32>
      tpu.vector_store_idx %arg7[%add3A_1613], %add3A_1607 : memref<3328xi32, #tpu.memory_space<vmem>>[vector<16xi32>], vector<16xi32>,
      %mul3A_1614 = arith.mulf %sub3A_427, %sub3A_407 : vector<16xf32>
      %mul3A_1615 = arith.mulf %sub3A_427, %sub3A_389 : vector<16xf32>
      %mul3A_1616 = arith.mulf %sub3A_415, %sub3A_407 : vector<16xf32>
      %mul3A_1617 = arith.mulf %sub3A_415, %sub3A_389 : vector<16xf32>
      %add3A_1618 = arith.constant 24 : i32
      %add3A_1619 = vector.broadcast %add3A_1618 : i32 to vector<16xi32>
      %add3A_1620 = arith.addi %mul3A_579, %add3A_1619 : vector<16xi32>
      tpu.vector_store_idx %arg8[%add3A_1620], %mul3A_1614 : memref<7168xf32, #tpu.memory_space<vmem>>[vector<16xi32>], vector<16xf32>,
      %add3A_1621 = arith.constant 80 : i32
      %add3A_1622 = vector.broadcast %add3A_1621 : i32 to vector<16xi32>
      %add3A_1623 = arith.addi %mul3A_579, %add3A_1622 : vector<16xi32>
      tpu.vector_store_idx %arg8[%add3A_1623], %mul3A_1615 : memref<7168xf32, #tpu.memory_space<vmem>>[vector<16xi32>], vector<16xf32>,
      %add3A_1624 = arith.constant 136 : i32
      %add3A_1625 = vector.broadcast %add3A_1624 : i32 to vector<16xi32>
      %add3A_1626 = arith.addi %mul3A_579, %add3A_1625 : vector<16xi32>
      tpu.vector_store_idx %arg8[%add3A_1626], %mul3A_1616 : memref<7168xf32, #tpu.memory_space<vmem>>[vector<16xi32>], vector<16xf32>,
      %add3A_1627 = arith.constant 192 : i32
      %add3A_1628 = vector.broadcast %add3A_1627 : i32 to vector<16xi32>
      %add3A_1629 = arith.addi %mul3A_579, %add3A_1628 : vector<16xi32>
      tpu.vector_store_idx %arg8[%add3A_1629], %mul3A_1617 : memref<7168xf32, #tpu.memory_space<vmem>>[vector<16xi32>], vector<16xf32>,
      %add3A_1630 = arith.addi %add3A_418, %min3A_437 : vector<16xi32>
      %add3A_1631 = arith.addi %add3A_424, %min3A_437 : vector<16xi32>
      %shift_right_arithmetic3A_1632 = arith.constant 1 : i32
      %shift_right_arithmetic3A_1633 = vector.broadcast %shift_right_arithmetic3A_1632 : i32 to vector<16xi32>
      %shift_right_arithmetic3A_1634 = arith.shrsi %add3A_1630, %shift_right_arithmetic3A_1633 : vector<16xi32>
      %and3A_1635 = arith.constant 1 : i32
      %and3A_1636 = vector.broadcast %and3A_1635 : i32 to vector<16xi32>
      %and3A_1637 = arith.andi %add3A_1630, %and3A_1636 : vector<16xi32>
      %mul3A_1638 = arith.muli %and3A_1637, %broadcast_in_dim3A_588 : vector<16xi32>
      %add3A_1639 = arith.addi %shift_right_arithmetic3A_1634, %mul3A_1638 : vector<16xi32>
      %shift_right_arithmetic3A_1640 = arith.constant 1 : i32
      %shift_right_arithmetic3A_1641 = vector.broadcast %shift_right_arithmetic3A_1640 : i32 to vector<16xi32>
      %shift_right_arithmetic3A_1642 = arith.shrsi %add3A_1631, %shift_right_arithmetic3A_1641 : vector<16xi32>
      %and3A_1643 = arith.constant 1 : i32
      %and3A_1644 = vector.broadcast %and3A_1643 : i32 to vector<16xi32>
      %and3A_1645 = arith.andi %add3A_1631, %and3A_1644 : vector<16xi32>
      %mul3A_1646 = arith.muli %and3A_1645, %broadcast_in_dim3A_588 : vector<16xi32>
      %add3A_1647 = arith.addi %shift_right_arithmetic3A_1642, %mul3A_1646 : vector<16xi32>
      %add3A_1648 = arith.constant 25 : i32
      %add3A_1649 = vector.broadcast %add3A_1648 : i32 to vector<16xi32>
      %add3A_1650 = arith.addi %mul3A_572, %add3A_1649 : vector<16xi32>
      tpu.vector_store_idx %arg7[%add3A_1650], %add3A_1639 : memref<3328xi32, #tpu.memory_space<vmem>>[vector<16xi32>], vector<16xi32>,
      %add3A_1651 = arith.constant 77 : i32
      %add3A_1652 = vector.broadcast %add3A_1651 : i32 to vector<16xi32>
      %add3A_1653 = arith.addi %mul3A_572, %add3A_1652 : vector<16xi32>
      tpu.vector_store_idx %arg7[%add3A_1653], %add3A_1647 : memref<3328xi32, #tpu.memory_space<vmem>>[vector<16xi32>], vector<16xi32>,
      %mul3A_1654 = arith.mulf %sub3A_427, %sub3A_453 : vector<16xf32>
      %mul3A_1655 = arith.mulf %sub3A_427, %sub3A_435 : vector<16xf32>
      %mul3A_1656 = arith.mulf %sub3A_415, %sub3A_453 : vector<16xf32>
      %mul3A_1657 = arith.mulf %sub3A_415, %sub3A_435 : vector<16xf32>
      %add3A_1658 = arith.constant 25 : i32
      %add3A_1659 = vector.broadcast %add3A_1658 : i32 to vector<16xi32>
      %add3A_1660 = arith.addi %mul3A_579, %add3A_1659 : vector<16xi32>
      tpu.vector_store_idx %arg8[%add3A_1660], %mul3A_1654 : memref<7168xf32, #tpu.memory_space<vmem>>[vector<16xi32>], vector<16xf32>,
      %add3A_1661 = arith.constant 81 : i32
      %add3A_1662 = vector.broadcast %add3A_1661 : i32 to vector<16xi32>
      %add3A_1663 = arith.addi %mul3A_579, %add3A_1662 : vector<16xi32>
      tpu.vector_store_idx %arg8[%add3A_1663], %mul3A_1655 : memref<7168xf32, #tpu.memory_space<vmem>>[vector<16xi32>], vector<16xf32>,
      %add3A_1664 = arith.constant 137 : i32
      %add3A_1665 = vector.broadcast %add3A_1664 : i32 to vector<16xi32>
      %add3A_1666 = arith.addi %mul3A_579, %add3A_1665 : vector<16xi32>
      tpu.vector_store_idx %arg8[%add3A_1666], %mul3A_1656 : memref<7168xf32, #tpu.memory_space<vmem>>[vector<16xi32>], vector<16xf32>,
      %add3A_1667 = arith.constant 193 : i32
      %add3A_1668 = vector.broadcast %add3A_1667 : i32 to vector<16xi32>
      %add3A_1669 = arith.addi %mul3A_579, %add3A_1668 : vector<16xi32>
      tpu.vector_store_idx %arg8[%add3A_1669], %mul3A_1657 : memref<7168xf32, #tpu.memory_space<vmem>>[vector<16xi32>], vector<16xf32>,
      %add3A_1670 = arith.addi %add3A_418, %min3A_483 : vector<16xi32>
      %add3A_1671 = arith.addi %add3A_424, %min3A_483 : vector<16xi32>
      %shift_right_arithmetic3A_1672 = arith.constant 1 : i32
      %shift_right_arithmetic3A_1673 = vector.broadcast %shift_right_arithmetic3A_1672 : i32 to vector<16xi32>
      %shift_right_arithmetic3A_1674 = arith.shrsi %add3A_1670, %shift_right_arithmetic3A_1673 : vector<16xi32>
      %and3A_1675 = arith.constant 1 : i32
      %and3A_1676 = vector.broadcast %and3A_1675 : i32 to vector<16xi32>
      %and3A_1677 = arith.andi %add3A_1670, %and3A_1676 : vector<16xi32>
      %mul3A_1678 = arith.muli %and3A_1677, %broadcast_in_dim3A_588 : vector<16xi32>
      %add3A_1679 = arith.addi %shift_right_arithmetic3A_1674, %mul3A_1678 : vector<16xi32>
      %shift_right_arithmetic3A_1680 = arith.constant 1 : i32
      %shift_right_arithmetic3A_1681 = vector.broadcast %shift_right_arithmetic3A_1680 : i32 to vector<16xi32>
      %shift_right_arithmetic3A_1682 = arith.shrsi %add3A_1671, %shift_right_arithmetic3A_1681 : vector<16xi32>
      %and3A_1683 = arith.constant 1 : i32
      %and3A_1684 = vector.broadcast %and3A_1683 : i32 to vector<16xi32>
      %and3A_1685 = arith.andi %add3A_1671, %and3A_1684 : vector<16xi32>
      %mul3A_1686 = arith.muli %and3A_1685, %broadcast_in_dim3A_588 : vector<16xi32>
      %add3A_1687 = arith.addi %shift_right_arithmetic3A_1682, %mul3A_1686 : vector<16xi32>
      %add3A_1688 = arith.constant 26 : i32
      %add3A_1689 = vector.broadcast %add3A_1688 : i32 to vector<16xi32>
      %add3A_1690 = arith.addi %mul3A_572, %add3A_1689 : vector<16xi32>
      tpu.vector_store_idx %arg7[%add3A_1690], %add3A_1679 : memref<3328xi32, #tpu.memory_space<vmem>>[vector<16xi32>], vector<16xi32>,
      %add3A_1691 = arith.constant 78 : i32
      %add3A_1692 = vector.broadcast %add3A_1691 : i32 to vector<16xi32>
      %add3A_1693 = arith.addi %mul3A_572, %add3A_1692 : vector<16xi32>
      tpu.vector_store_idx %arg7[%add3A_1693], %add3A_1687 : memref<3328xi32, #tpu.memory_space<vmem>>[vector<16xi32>], vector<16xi32>,
      %mul3A_1694 = arith.mulf %sub3A_427, %sub3A_499 : vector<16xf32>
      %mul3A_1695 = arith.mulf %sub3A_427, %sub3A_481 : vector<16xf32>
      %mul3A_1696 = arith.mulf %sub3A_415, %sub3A_499 : vector<16xf32>
      %mul3A_1697 = arith.mulf %sub3A_415, %sub3A_481 : vector<16xf32>
      %add3A_1698 = arith.constant 26 : i32
      %add3A_1699 = vector.broadcast %add3A_1698 : i32 to vector<16xi32>
      %add3A_1700 = arith.addi %mul3A_579, %add3A_1699 : vector<16xi32>
      tpu.vector_store_idx %arg8[%add3A_1700], %mul3A_1694 : memref<7168xf32, #tpu.memory_space<vmem>>[vector<16xi32>], vector<16xf32>,
      %add3A_1701 = arith.constant 82 : i32
      %add3A_1702 = vector.broadcast %add3A_1701 : i32 to vector<16xi32>
      %add3A_1703 = arith.addi %mul3A_579, %add3A_1702 : vector<16xi32>
      tpu.vector_store_idx %arg8[%add3A_1703], %mul3A_1695 : memref<7168xf32, #tpu.memory_space<vmem>>[vector<16xi32>], vector<16xf32>,
      %add3A_1704 = arith.constant 138 : i32
      %add3A_1705 = vector.broadcast %add3A_1704 : i32 to vector<16xi32>
      %add3A_1706 = arith.addi %mul3A_579, %add3A_1705 : vector<16xi32>
      tpu.vector_store_idx %arg8[%add3A_1706], %mul3A_1696 : memref<7168xf32, #tpu.memory_space<vmem>>[vector<16xi32>], vector<16xf32>,
      %add3A_1707 = arith.constant 194 : i32
      %add3A_1708 = vector.broadcast %add3A_1707 : i32 to vector<16xi32>
      %add3A_1709 = arith.addi %mul3A_579, %add3A_1708 : vector<16xi32>
      tpu.vector_store_idx %arg8[%add3A_1709], %mul3A_1697 : memref<7168xf32, #tpu.memory_space<vmem>>[vector<16xi32>], vector<16xf32>,
      %add3A_1710 = arith.addi %add3A_418, %min3A_529 : vector<16xi32>
      %add3A_1711 = arith.addi %add3A_424, %min3A_529 : vector<16xi32>
      %shift_right_arithmetic3A_1712 = arith.constant 1 : i32
      %shift_right_arithmetic3A_1713 = vector.broadcast %shift_right_arithmetic3A_1712 : i32 to vector<16xi32>
      %shift_right_arithmetic3A_1714 = arith.shrsi %add3A_1710, %shift_right_arithmetic3A_1713 : vector<16xi32>
      %and3A_1715 = arith.constant 1 : i32
      %and3A_1716 = vector.broadcast %and3A_1715 : i32 to vector<16xi32>
      %and3A_1717 = arith.andi %add3A_1710, %and3A_1716 : vector<16xi32>
      %mul3A_1718 = arith.muli %and3A_1717, %broadcast_in_dim3A_588 : vector<16xi32>
      %add3A_1719 = arith.addi %shift_right_arithmetic3A_1714, %mul3A_1718 : vector<16xi32>
      %shift_right_arithmetic3A_1720 = arith.constant 1 : i32
      %shift_right_arithmetic3A_1721 = vector.broadcast %shift_right_arithmetic3A_1720 : i32 to vector<16xi32>
      %shift_right_arithmetic3A_1722 = arith.shrsi %add3A_1711, %shift_right_arithmetic3A_1721 : vector<16xi32>
      %and3A_1723 = arith.constant 1 : i32
      %and3A_1724 = vector.broadcast %and3A_1723 : i32 to vector<16xi32>
      %and3A_1725 = arith.andi %add3A_1711, %and3A_1724 : vector<16xi32>
      %mul3A_1726 = arith.muli %and3A_1725, %broadcast_in_dim3A_588 : vector<16xi32>
      %add3A_1727 = arith.addi %shift_right_arithmetic3A_1722, %mul3A_1726 : vector<16xi32>
      %add3A_1728 = arith.constant 27 : i32
      %add3A_1729 = vector.broadcast %add3A_1728 : i32 to vector<16xi32>
      %add3A_1730 = arith.addi %mul3A_572, %add3A_1729 : vector<16xi32>
      tpu.vector_store_idx %arg7[%add3A_1730], %add3A_1719 : memref<3328xi32, #tpu.memory_space<vmem>>[vector<16xi32>], vector<16xi32>,
      %add3A_1731 = arith.constant 79 : i32
      %add3A_1732 = vector.broadcast %add3A_1731 : i32 to vector<16xi32>
      %add3A_1733 = arith.addi %mul3A_572, %add3A_1732 : vector<16xi32>
      tpu.vector_store_idx %arg7[%add3A_1733], %add3A_1727 : memref<3328xi32, #tpu.memory_space<vmem>>[vector<16xi32>], vector<16xi32>,
      %mul3A_1734 = arith.mulf %sub3A_427, %sub3A_545 : vector<16xf32>
      %mul3A_1735 = arith.mulf %sub3A_427, %sub3A_527 : vector<16xf32>
      %mul3A_1736 = arith.mulf %sub3A_415, %sub3A_545 : vector<16xf32>
      %mul3A_1737 = arith.mulf %sub3A_415, %sub3A_527 : vector<16xf32>
      %add3A_1738 = arith.constant 27 : i32
      %add3A_1739 = vector.broadcast %add3A_1738 : i32 to vector<16xi32>
      %add3A_1740 = arith.addi %mul3A_579, %add3A_1739 : vector<16xi32>
      tpu.vector_store_idx %arg8[%add3A_1740], %mul3A_1734 : memref<7168xf32, #tpu.memory_space<vmem>>[vector<16xi32>], vector<16xf32>,
      %add3A_1741 = arith.constant 83 : i32
      %add3A_1742 = vector.broadcast %add3A_1741 : i32 to vector<16xi32>
      %add3A_1743 = arith.addi %mul3A_579, %add3A_1742 : vector<16xi32>
      tpu.vector_store_idx %arg8[%add3A_1743], %mul3A_1735 : memref<7168xf32, #tpu.memory_space<vmem>>[vector<16xi32>], vector<16xf32>,
      %add3A_1744 = arith.constant 139 : i32
      %add3A_1745 = vector.broadcast %add3A_1744 : i32 to vector<16xi32>
      %add3A_1746 = arith.addi %mul3A_579, %add3A_1745 : vector<16xi32>
      tpu.vector_store_idx %arg8[%add3A_1746], %mul3A_1736 : memref<7168xf32, #tpu.memory_space<vmem>>[vector<16xi32>], vector<16xf32>,
      %add3A_1747 = arith.constant 195 : i32
      %add3A_1748 = vector.broadcast %add3A_1747 : i32 to vector<16xi32>
      %add3A_1749 = arith.addi %mul3A_579, %add3A_1748 : vector<16xi32>
      tpu.vector_store_idx %arg8[%add3A_1749], %mul3A_1737 : memref<7168xf32, #tpu.memory_space<vmem>>[vector<16xi32>], vector<16xf32>,
      %add3A_1750 = arith.addi %add3A_464, %min3A : vector<16xi32>
      %add3A_1751 = arith.addi %add3A_470, %min3A : vector<16xi32>
      %shift_right_arithmetic3A_1752 = arith.constant 1 : i32
      %shift_right_arithmetic3A_1753 = vector.broadcast %shift_right_arithmetic3A_1752 : i32 to vector<16xi32>
      %shift_right_arithmetic3A_1754 = arith.shrsi %add3A_1750, %shift_right_arithmetic3A_1753 : vector<16xi32>
      %and3A_1755 = arith.constant 1 : i32
      %and3A_1756 = vector.broadcast %and3A_1755 : i32 to vector<16xi32>
      %and3A_1757 = arith.andi %add3A_1750, %and3A_1756 : vector<16xi32>
      %mul3A_1758 = arith.muli %and3A_1757, %broadcast_in_dim3A_588 : vector<16xi32>
      %add3A_1759 = arith.addi %shift_right_arithmetic3A_1754, %mul3A_1758 : vector<16xi32>
      %shift_right_arithmetic3A_1760 = arith.constant 1 : i32
      %shift_right_arithmetic3A_1761 = vector.broadcast %shift_right_arithmetic3A_1760 : i32 to vector<16xi32>
      %shift_right_arithmetic3A_1762 = arith.shrsi %add3A_1751, %shift_right_arithmetic3A_1761 : vector<16xi32>
      %and3A_1763 = arith.constant 1 : i32
      %and3A_1764 = vector.broadcast %and3A_1763 : i32 to vector<16xi32>
      %and3A_1765 = arith.andi %add3A_1751, %and3A_1764 : vector<16xi32>
      %mul3A_1766 = arith.muli %and3A_1765, %broadcast_in_dim3A_588 : vector<16xi32>
      %add3A_1767 = arith.addi %shift_right_arithmetic3A_1762, %mul3A_1766 : vector<16xi32>
      %add3A_1768 = arith.constant 28 : i32
      %add3A_1769 = vector.broadcast %add3A_1768 : i32 to vector<16xi32>
      %add3A_1770 = arith.addi %mul3A_572, %add3A_1769 : vector<16xi32>
      tpu.vector_store_idx %arg7[%add3A_1770], %add3A_1759 : memref<3328xi32, #tpu.memory_space<vmem>>[vector<16xi32>], vector<16xi32>,
      %add3A_1771 = arith.constant 80 : i32
      %add3A_1772 = vector.broadcast %add3A_1771 : i32 to vector<16xi32>
      %add3A_1773 = arith.addi %mul3A_572, %add3A_1772 : vector<16xi32>
      tpu.vector_store_idx %arg7[%add3A_1773], %add3A_1767 : memref<3328xi32, #tpu.memory_space<vmem>>[vector<16xi32>], vector<16xi32>,
      %mul3A_1774 = arith.mulf %sub3A_473, %sub3A_269 : vector<16xf32>
      %mul3A_1775 = arith.mulf %sub3A_473, %sub3A_252 : vector<16xf32>
      %mul3A_1776 = arith.mulf %sub3A_461, %sub3A_269 : vector<16xf32>
      %mul3A_1777 = arith.mulf %sub3A_461, %sub3A_252 : vector<16xf32>
      %add3A_1778 = arith.constant 28 : i32
      %add3A_1779 = vector.broadcast %add3A_1778 : i32 to vector<16xi32>
      %add3A_1780 = arith.addi %mul3A_579, %add3A_1779 : vector<16xi32>
      tpu.vector_store_idx %arg8[%add3A_1780], %mul3A_1774 : memref<7168xf32, #tpu.memory_space<vmem>>[vector<16xi32>], vector<16xf32>,
      %add3A_1781 = arith.constant 84 : i32
      %add3A_1782 = vector.broadcast %add3A_1781 : i32 to vector<16xi32>
      %add3A_1783 = arith.addi %mul3A_579, %add3A_1782 : vector<16xi32>
      tpu.vector_store_idx %arg8[%add3A_1783], %mul3A_1775 : memref<7168xf32, #tpu.memory_space<vmem>>[vector<16xi32>], vector<16xf32>,
      %add3A_1784 = arith.constant 140 : i32
      %add3A_1785 = vector.broadcast %add3A_1784 : i32 to vector<16xi32>
      %add3A_1786 = arith.addi %mul3A_579, %add3A_1785 : vector<16xi32>
      tpu.vector_store_idx %arg8[%add3A_1786], %mul3A_1776 : memref<7168xf32, #tpu.memory_space<vmem>>[vector<16xi32>], vector<16xf32>,
      %add3A_1787 = arith.constant 196 : i32
      %add3A_1788 = vector.broadcast %add3A_1787 : i32 to vector<16xi32>
      %add3A_1789 = arith.addi %mul3A_579, %add3A_1788 : vector<16xi32>
      tpu.vector_store_idx %arg8[%add3A_1789], %mul3A_1777 : memref<7168xf32, #tpu.memory_space<vmem>>[vector<16xi32>], vector<16xf32>,
      %add3A_1790 = arith.addi %add3A_464, %min3A_299 : vector<16xi32>
      %add3A_1791 = arith.addi %add3A_470, %min3A_299 : vector<16xi32>
      %shift_right_arithmetic3A_1792 = arith.constant 1 : i32
      %shift_right_arithmetic3A_1793 = vector.broadcast %shift_right_arithmetic3A_1792 : i32 to vector<16xi32>
      %shift_right_arithmetic3A_1794 = arith.shrsi %add3A_1790, %shift_right_arithmetic3A_1793 : vector<16xi32>
      %and3A_1795 = arith.constant 1 : i32
      %and3A_1796 = vector.broadcast %and3A_1795 : i32 to vector<16xi32>
      %and3A_1797 = arith.andi %add3A_1790, %and3A_1796 : vector<16xi32>
      %mul3A_1798 = arith.muli %and3A_1797, %broadcast_in_dim3A_588 : vector<16xi32>
      %add3A_1799 = arith.addi %shift_right_arithmetic3A_1794, %mul3A_1798 : vector<16xi32>
      %shift_right_arithmetic3A_1800 = arith.constant 1 : i32
      %shift_right_arithmetic3A_1801 = vector.broadcast %shift_right_arithmetic3A_1800 : i32 to vector<16xi32>
      %shift_right_arithmetic3A_1802 = arith.shrsi %add3A_1791, %shift_right_arithmetic3A_1801 : vector<16xi32>
      %and3A_1803 = arith.constant 1 : i32
      %and3A_1804 = vector.broadcast %and3A_1803 : i32 to vector<16xi32>
      %and3A_1805 = arith.andi %add3A_1791, %and3A_1804 : vector<16xi32>
      %mul3A_1806 = arith.muli %and3A_1805, %broadcast_in_dim3A_588 : vector<16xi32>
      %add3A_1807 = arith.addi %shift_right_arithmetic3A_1802, %mul3A_1806 : vector<16xi32>
      %add3A_1808 = arith.constant 29 : i32
      %add3A_1809 = vector.broadcast %add3A_1808 : i32 to vector<16xi32>
      %add3A_1810 = arith.addi %mul3A_572, %add3A_1809 : vector<16xi32>
      tpu.vector_store_idx %arg7[%add3A_1810], %add3A_1799 : memref<3328xi32, #tpu.memory_space<vmem>>[vector<16xi32>], vector<16xi32>,
      %add3A_1811 = arith.constant 81 : i32
      %add3A_1812 = vector.broadcast %add3A_1811 : i32 to vector<16xi32>
      %add3A_1813 = arith.addi %mul3A_572, %add3A_1812 : vector<16xi32>
      tpu.vector_store_idx %arg7[%add3A_1813], %add3A_1807 : memref<3328xi32, #tpu.memory_space<vmem>>[vector<16xi32>], vector<16xi32>,
      %mul3A_1814 = arith.mulf %sub3A_473, %sub3A_315 : vector<16xf32>
      %mul3A_1815 = arith.mulf %sub3A_473, %sub3A_297 : vector<16xf32>
      %mul3A_1816 = arith.mulf %sub3A_461, %sub3A_315 : vector<16xf32>
      %mul3A_1817 = arith.mulf %sub3A_461, %sub3A_297 : vector<16xf32>
      %add3A_1818 = arith.constant 29 : i32
      %add3A_1819 = vector.broadcast %add3A_1818 : i32 to vector<16xi32>
      %add3A_1820 = arith.addi %mul3A_579, %add3A_1819 : vector<16xi32>
      tpu.vector_store_idx %arg8[%add3A_1820], %mul3A_1814 : memref<7168xf32, #tpu.memory_space<vmem>>[vector<16xi32>], vector<16xf32>,
      %add3A_1821 = arith.constant 85 : i32
      %add3A_1822 = vector.broadcast %add3A_1821 : i32 to vector<16xi32>
      %add3A_1823 = arith.addi %mul3A_579, %add3A_1822 : vector<16xi32>
      tpu.vector_store_idx %arg8[%add3A_1823], %mul3A_1815 : memref<7168xf32, #tpu.memory_space<vmem>>[vector<16xi32>], vector<16xf32>,
      %add3A_1824 = arith.constant 141 : i32
      %add3A_1825 = vector.broadcast %add3A_1824 : i32 to vector<16xi32>
      %add3A_1826 = arith.addi %mul3A_579, %add3A_1825 : vector<16xi32>
      tpu.vector_store_idx %arg8[%add3A_1826], %mul3A_1816 : memref<7168xf32, #tpu.memory_space<vmem>>[vector<16xi32>], vector<16xf32>,
      %add3A_1827 = arith.constant 197 : i32
      %add3A_1828 = vector.broadcast %add3A_1827 : i32 to vector<16xi32>
      %add3A_1829 = arith.addi %mul3A_579, %add3A_1828 : vector<16xi32>
      tpu.vector_store_idx %arg8[%add3A_1829], %mul3A_1817 : memref<7168xf32, #tpu.memory_space<vmem>>[vector<16xi32>], vector<16xf32>,
      %add3A_1830 = arith.addi %add3A_464, %min3A_345 : vector<16xi32>
      %add3A_1831 = arith.addi %add3A_470, %min3A_345 : vector<16xi32>
      %shift_right_arithmetic3A_1832 = arith.constant 1 : i32
      %shift_right_arithmetic3A_1833 = vector.broadcast %shift_right_arithmetic3A_1832 : i32 to vector<16xi32>
      %shift_right_arithmetic3A_1834 = arith.shrsi %add3A_1830, %shift_right_arithmetic3A_1833 : vector<16xi32>
      %and3A_1835 = arith.constant 1 : i32
      %and3A_1836 = vector.broadcast %and3A_1835 : i32 to vector<16xi32>
      %and3A_1837 = arith.andi %add3A_1830, %and3A_1836 : vector<16xi32>
      %mul3A_1838 = arith.muli %and3A_1837, %broadcast_in_dim3A_588 : vector<16xi32>
      %add3A_1839 = arith.addi %shift_right_arithmetic3A_1834, %mul3A_1838 : vector<16xi32>
      %shift_right_arithmetic3A_1840 = arith.constant 1 : i32
      %shift_right_arithmetic3A_1841 = vector.broadcast %shift_right_arithmetic3A_1840 : i32 to vector<16xi32>
      %shift_right_arithmetic3A_1842 = arith.shrsi %add3A_1831, %shift_right_arithmetic3A_1841 : vector<16xi32>
      %and3A_1843 = arith.constant 1 : i32
      %and3A_1844 = vector.broadcast %and3A_1843 : i32 to vector<16xi32>
      %and3A_1845 = arith.andi %add3A_1831, %and3A_1844 : vector<16xi32>
      %mul3A_1846 = arith.muli %and3A_1845, %broadcast_in_dim3A_588 : vector<16xi32>
      %add3A_1847 = arith.addi %shift_right_arithmetic3A_1842, %mul3A_1846 : vector<16xi32>
      %add3A_1848 = arith.constant 30 : i32
      %add3A_1849 = vector.broadcast %add3A_1848 : i32 to vector<16xi32>
      %add3A_1850 = arith.addi %mul3A_572, %add3A_1849 : vector<16xi32>
      tpu.vector_store_idx %arg7[%add3A_1850], %add3A_1839 : memref<3328xi32, #tpu.memory_space<vmem>>[vector<16xi32>], vector<16xi32>,
      %add3A_1851 = arith.constant 82 : i32
      %add3A_1852 = vector.broadcast %add3A_1851 : i32 to vector<16xi32>
      %add3A_1853 = arith.addi %mul3A_572, %add3A_1852 : vector<16xi32>
      tpu.vector_store_idx %arg7[%add3A_1853], %add3A_1847 : memref<3328xi32, #tpu.memory_space<vmem>>[vector<16xi32>], vector<16xi32>,
      %mul3A_1854 = arith.mulf %sub3A_473, %sub3A_361 : vector<16xf32>
      %mul3A_1855 = arith.mulf %sub3A_473, %sub3A_343 : vector<16xf32>
      %mul3A_1856 = arith.mulf %sub3A_461, %sub3A_361 : vector<16xf32>
      %mul3A_1857 = arith.mulf %sub3A_461, %sub3A_343 : vector<16xf32>
      %add3A_1858 = arith.constant 30 : i32
      %add3A_1859 = vector.broadcast %add3A_1858 : i32 to vector<16xi32>
      %add3A_1860 = arith.addi %mul3A_579, %add3A_1859 : vector<16xi32>
      tpu.vector_store_idx %arg8[%add3A_1860], %mul3A_1854 : memref<7168xf32, #tpu.memory_space<vmem>>[vector<16xi32>], vector<16xf32>,
      %add3A_1861 = arith.constant 86 : i32
      %add3A_1862 = vector.broadcast %add3A_1861 : i32 to vector<16xi32>
      %add3A_1863 = arith.addi %mul3A_579, %add3A_1862 : vector<16xi32>
      tpu.vector_store_idx %arg8[%add3A_1863], %mul3A_1855 : memref<7168xf32, #tpu.memory_space<vmem>>[vector<16xi32>], vector<16xf32>,
      %add3A_1864 = arith.constant 142 : i32
      %add3A_1865 = vector.broadcast %add3A_1864 : i32 to vector<16xi32>
      %add3A_1866 = arith.addi %mul3A_579, %add3A_1865 : vector<16xi32>
      tpu.vector_store_idx %arg8[%add3A_1866], %mul3A_1856 : memref<7168xf32, #tpu.memory_space<vmem>>[vector<16xi32>], vector<16xf32>,
      %add3A_1867 = arith.constant 198 : i32
      %add3A_1868 = vector.broadcast %add3A_1867 : i32 to vector<16xi32>
      %add3A_1869 = arith.addi %mul3A_579, %add3A_1868 : vector<16xi32>
      tpu.vector_store_idx %arg8[%add3A_1869], %mul3A_1857 : memref<7168xf32, #tpu.memory_space<vmem>>[vector<16xi32>], vector<16xf32>,
      %add3A_1870 = arith.addi %add3A_464, %min3A_391 : vector<16xi32>
      %add3A_1871 = arith.addi %add3A_470, %min3A_391 : vector<16xi32>
      %shift_right_arithmetic3A_1872 = arith.constant 1 : i32
      %shift_right_arithmetic3A_1873 = vector.broadcast %shift_right_arithmetic3A_1872 : i32 to vector<16xi32>
      %shift_right_arithmetic3A_1874 = arith.shrsi %add3A_1870, %shift_right_arithmetic3A_1873 : vector<16xi32>
      %and3A_1875 = arith.constant 1 : i32
      %and3A_1876 = vector.broadcast %and3A_1875 : i32 to vector<16xi32>
      %and3A_1877 = arith.andi %add3A_1870, %and3A_1876 : vector<16xi32>
      %mul3A_1878 = arith.muli %and3A_1877, %broadcast_in_dim3A_588 : vector<16xi32>
      %add3A_1879 = arith.addi %shift_right_arithmetic3A_1874, %mul3A_1878 : vector<16xi32>
      %shift_right_arithmetic3A_1880 = arith.constant 1 : i32
      %shift_right_arithmetic3A_1881 = vector.broadcast %shift_right_arithmetic3A_1880 : i32 to vector<16xi32>
      %shift_right_arithmetic3A_1882 = arith.shrsi %add3A_1871, %shift_right_arithmetic3A_1881 : vector<16xi32>
      %and3A_1883 = arith.constant 1 : i32
      %and3A_1884 = vector.broadcast %and3A_1883 : i32 to vector<16xi32>
      %and3A_1885 = arith.andi %add3A_1871, %and3A_1884 : vector<16xi32>
      %mul3A_1886 = arith.muli %and3A_1885, %broadcast_in_dim3A_588 : vector<16xi32>
      %add3A_1887 = arith.addi %shift_right_arithmetic3A_1882, %mul3A_1886 : vector<16xi32>
      %add3A_1888 = arith.constant 31 : i32
      %add3A_1889 = vector.broadcast %add3A_1888 : i32 to vector<16xi32>
      %add3A_1890 = arith.addi %mul3A_572, %add3A_1889 : vector<16xi32>
      tpu.vector_store_idx %arg7[%add3A_1890], %add3A_1879 : memref<3328xi32, #tpu.memory_space<vmem>>[vector<16xi32>], vector<16xi32>,
      %add3A_1891 = arith.constant 83 : i32
      %add3A_1892 = vector.broadcast %add3A_1891 : i32 to vector<16xi32>
      %add3A_1893 = arith.addi %mul3A_572, %add3A_1892 : vector<16xi32>
      tpu.vector_store_idx %arg7[%add3A_1893], %add3A_1887 : memref<3328xi32, #tpu.memory_space<vmem>>[vector<16xi32>], vector<16xi32>,
      %mul3A_1894 = arith.mulf %sub3A_473, %sub3A_407 : vector<16xf32>
      %mul3A_1895 = arith.mulf %sub3A_473, %sub3A_389 : vector<16xf32>
      %mul3A_1896 = arith.mulf %sub3A_461, %sub3A_407 : vector<16xf32>
      %mul3A_1897 = arith.mulf %sub3A_461, %sub3A_389 : vector<16xf32>
      %add3A_1898 = arith.constant 31 : i32
      %add3A_1899 = vector.broadcast %add3A_1898 : i32 to vector<16xi32>
      %add3A_1900 = arith.addi %mul3A_579, %add3A_1899 : vector<16xi32>
      tpu.vector_store_idx %arg8[%add3A_1900], %mul3A_1894 : memref<7168xf32, #tpu.memory_space<vmem>>[vector<16xi32>], vector<16xf32>,
      %add3A_1901 = arith.constant 87 : i32
      %add3A_1902 = vector.broadcast %add3A_1901 : i32 to vector<16xi32>
      %add3A_1903 = arith.addi %mul3A_579, %add3A_1902 : vector<16xi32>
      tpu.vector_store_idx %arg8[%add3A_1903], %mul3A_1895 : memref<7168xf32, #tpu.memory_space<vmem>>[vector<16xi32>], vector<16xf32>,
      %add3A_1904 = arith.constant 143 : i32
      %add3A_1905 = vector.broadcast %add3A_1904 : i32 to vector<16xi32>
      %add3A_1906 = arith.addi %mul3A_579, %add3A_1905 : vector<16xi32>
      tpu.vector_store_idx %arg8[%add3A_1906], %mul3A_1896 : memref<7168xf32, #tpu.memory_space<vmem>>[vector<16xi32>], vector<16xf32>,
      %add3A_1907 = arith.constant 199 : i32
      %add3A_1908 = vector.broadcast %add3A_1907 : i32 to vector<16xi32>
      %add3A_1909 = arith.addi %mul3A_579, %add3A_1908 : vector<16xi32>
      tpu.vector_store_idx %arg8[%add3A_1909], %mul3A_1897 : memref<7168xf32, #tpu.memory_space<vmem>>[vector<16xi32>], vector<16xf32>,
      %add3A_1910 = arith.addi %add3A_464, %min3A_437 : vector<16xi32>
      %add3A_1911 = arith.addi %add3A_470, %min3A_437 : vector<16xi32>
      %shift_right_arithmetic3A_1912 = arith.constant 1 : i32
      %shift_right_arithmetic3A_1913 = vector.broadcast %shift_right_arithmetic3A_1912 : i32 to vector<16xi32>
      %shift_right_arithmetic3A_1914 = arith.shrsi %add3A_1910, %shift_right_arithmetic3A_1913 : vector<16xi32>
      %and3A_1915 = arith.constant 1 : i32
      %and3A_1916 = vector.broadcast %and3A_1915 : i32 to vector<16xi32>
      %and3A_1917 = arith.andi %add3A_1910, %and3A_1916 : vector<16xi32>
      %mul3A_1918 = arith.muli %and3A_1917, %broadcast_in_dim3A_588 : vector<16xi32>
      %add3A_1919 = arith.addi %shift_right_arithmetic3A_1914, %mul3A_1918 : vector<16xi32>
      %shift_right_arithmetic3A_1920 = arith.constant 1 : i32
      %shift_right_arithmetic3A_1921 = vector.broadcast %shift_right_arithmetic3A_1920 : i32 to vector<16xi32>
      %shift_right_arithmetic3A_1922 = arith.shrsi %add3A_1911, %shift_right_arithmetic3A_1921 : vector<16xi32>
      %and3A_1923 = arith.constant 1 : i32
      %and3A_1924 = vector.broadcast %and3A_1923 : i32 to vector<16xi32>
      %and3A_1925 = arith.andi %add3A_1911, %and3A_1924 : vector<16xi32>
      %mul3A_1926 = arith.muli %and3A_1925, %broadcast_in_dim3A_588 : vector<16xi32>
      %add3A_1927 = arith.addi %shift_right_arithmetic3A_1922, %mul3A_1926 : vector<16xi32>
      %add3A_1928 = arith.constant 32 : i32
      %add3A_1929 = vector.broadcast %add3A_1928 : i32 to vector<16xi32>
      %add3A_1930 = arith.addi %mul3A_572, %add3A_1929 : vector<16xi32>
      tpu.vector_store_idx %arg7[%add3A_1930], %add3A_1919 : memref<3328xi32, #tpu.memory_space<vmem>>[vector<16xi32>], vector<16xi32>,
      %add3A_1931 = arith.constant 84 : i32
      %add3A_1932 = vector.broadcast %add3A_1931 : i32 to vector<16xi32>
      %add3A_1933 = arith.addi %mul3A_572, %add3A_1932 : vector<16xi32>
      tpu.vector_store_idx %arg7[%add3A_1933], %add3A_1927 : memref<3328xi32, #tpu.memory_space<vmem>>[vector<16xi32>], vector<16xi32>,
      %mul3A_1934 = arith.mulf %sub3A_473, %sub3A_453 : vector<16xf32>
      %mul3A_1935 = arith.mulf %sub3A_473, %sub3A_435 : vector<16xf32>
      %mul3A_1936 = arith.mulf %sub3A_461, %sub3A_453 : vector<16xf32>
      %mul3A_1937 = arith.mulf %sub3A_461, %sub3A_435 : vector<16xf32>
      %add3A_1938 = arith.constant 32 : i32
      %add3A_1939 = vector.broadcast %add3A_1938 : i32 to vector<16xi32>
      %add3A_1940 = arith.addi %mul3A_579, %add3A_1939 : vector<16xi32>
      tpu.vector_store_idx %arg8[%add3A_1940], %mul3A_1934 : memref<7168xf32, #tpu.memory_space<vmem>>[vector<16xi32>], vector<16xf32>,
      %add3A_1941 = arith.constant 88 : i32
      %add3A_1942 = vector.broadcast %add3A_1941 : i32 to vector<16xi32>
      %add3A_1943 = arith.addi %mul3A_579, %add3A_1942 : vector<16xi32>
      tpu.vector_store_idx %arg8[%add3A_1943], %mul3A_1935 : memref<7168xf32, #tpu.memory_space<vmem>>[vector<16xi32>], vector<16xf32>,
      %add3A_1944 = arith.constant 144 : i32
      %add3A_1945 = vector.broadcast %add3A_1944 : i32 to vector<16xi32>
      %add3A_1946 = arith.addi %mul3A_579, %add3A_1945 : vector<16xi32>
      tpu.vector_store_idx %arg8[%add3A_1946], %mul3A_1936 : memref<7168xf32, #tpu.memory_space<vmem>>[vector<16xi32>], vector<16xf32>,
      %add3A_1947 = arith.constant 200 : i32
      %add3A_1948 = vector.broadcast %add3A_1947 : i32 to vector<16xi32>
      %add3A_1949 = arith.addi %mul3A_579, %add3A_1948 : vector<16xi32>
      tpu.vector_store_idx %arg8[%add3A_1949], %mul3A_1937 : memref<7168xf32, #tpu.memory_space<vmem>>[vector<16xi32>], vector<16xf32>,
      %add3A_1950 = arith.addi %add3A_464, %min3A_483 : vector<16xi32>
      %add3A_1951 = arith.addi %add3A_470, %min3A_483 : vector<16xi32>
      %shift_right_arithmetic3A_1952 = arith.constant 1 : i32
      %shift_right_arithmetic3A_1953 = vector.broadcast %shift_right_arithmetic3A_1952 : i32 to vector<16xi32>
      %shift_right_arithmetic3A_1954 = arith.shrsi %add3A_1950, %shift_right_arithmetic3A_1953 : vector<16xi32>
      %and3A_1955 = arith.constant 1 : i32
      %and3A_1956 = vector.broadcast %and3A_1955 : i32 to vector<16xi32>
      %and3A_1957 = arith.andi %add3A_1950, %and3A_1956 : vector<16xi32>
      %mul3A_1958 = arith.muli %and3A_1957, %broadcast_in_dim3A_588 : vector<16xi32>
      %add3A_1959 = arith.addi %shift_right_arithmetic3A_1954, %mul3A_1958 : vector<16xi32>
      %shift_right_arithmetic3A_1960 = arith.constant 1 : i32
      %shift_right_arithmetic3A_1961 = vector.broadcast %shift_right_arithmetic3A_1960 : i32 to vector<16xi32>
      %shift_right_arithmetic3A_1962 = arith.shrsi %add3A_1951, %shift_right_arithmetic3A_1961 : vector<16xi32>
      %and3A_1963 = arith.constant 1 : i32
      %and3A_1964 = vector.broadcast %and3A_1963 : i32 to vector<16xi32>
      %and3A_1965 = arith.andi %add3A_1951, %and3A_1964 : vector<16xi32>
      %mul3A_1966 = arith.muli %and3A_1965, %broadcast_in_dim3A_588 : vector<16xi32>
      %add3A_1967 = arith.addi %shift_right_arithmetic3A_1962, %mul3A_1966 : vector<16xi32>
      %add3A_1968 = arith.constant 33 : i32
      %add3A_1969 = vector.broadcast %add3A_1968 : i32 to vector<16xi32>
      %add3A_1970 = arith.addi %mul3A_572, %add3A_1969 : vector<16xi32>
      tpu.vector_store_idx %arg7[%add3A_1970], %add3A_1959 : memref<3328xi32, #tpu.memory_space<vmem>>[vector<16xi32>], vector<16xi32>,
      %add3A_1971 = arith.constant 85 : i32
      %add3A_1972 = vector.broadcast %add3A_1971 : i32 to vector<16xi32>
      %add3A_1973 = arith.addi %mul3A_572, %add3A_1972 : vector<16xi32>
      tpu.vector_store_idx %arg7[%add3A_1973], %add3A_1967 : memref<3328xi32, #tpu.memory_space<vmem>>[vector<16xi32>], vector<16xi32>,
      %mul3A_1974 = arith.mulf %sub3A_473, %sub3A_499 : vector<16xf32>
      %mul3A_1975 = arith.mulf %sub3A_473, %sub3A_481 : vector<16xf32>
      %mul3A_1976 = arith.mulf %sub3A_461, %sub3A_499 : vector<16xf32>
      %mul3A_1977 = arith.mulf %sub3A_461, %sub3A_481 : vector<16xf32>
      %add3A_1978 = arith.constant 33 : i32
      %add3A_1979 = vector.broadcast %add3A_1978 : i32 to vector<16xi32>
      %add3A_1980 = arith.addi %mul3A_579, %add3A_1979 : vector<16xi32>
      tpu.vector_store_idx %arg8[%add3A_1980], %mul3A_1974 : memref<7168xf32, #tpu.memory_space<vmem>>[vector<16xi32>], vector<16xf32>,
      %add3A_1981 = arith.constant 89 : i32
      %add3A_1982 = vector.broadcast %add3A_1981 : i32 to vector<16xi32>
      %add3A_1983 = arith.addi %mul3A_579, %add3A_1982 : vector<16xi32>
      tpu.vector_store_idx %arg8[%add3A_1983], %mul3A_1975 : memref<7168xf32, #tpu.memory_space<vmem>>[vector<16xi32>], vector<16xf32>,
      %add3A_1984 = arith.constant 145 : i32
      %add3A_1985 = vector.broadcast %add3A_1984 : i32 to vector<16xi32>
      %add3A_1986 = arith.addi %mul3A_579, %add3A_1985 : vector<16xi32>
      tpu.vector_store_idx %arg8[%add3A_1986], %mul3A_1976 : memref<7168xf32, #tpu.memory_space<vmem>>[vector<16xi32>], vector<16xf32>,
      %add3A_1987 = arith.constant 201 : i32
      %add3A_1988 = vector.broadcast %add3A_1987 : i32 to vector<16xi32>
      %add3A_1989 = arith.addi %mul3A_579, %add3A_1988 : vector<16xi32>
      tpu.vector_store_idx %arg8[%add3A_1989], %mul3A_1977 : memref<7168xf32, #tpu.memory_space<vmem>>[vector<16xi32>], vector<16xf32>,
      %add3A_1990 = arith.addi %add3A_464, %min3A_529 : vector<16xi32>
      %add3A_1991 = arith.addi %add3A_470, %min3A_529 : vector<16xi32>
      %shift_right_arithmetic3A_1992 = arith.constant 1 : i32
      %shift_right_arithmetic3A_1993 = vector.broadcast %shift_right_arithmetic3A_1992 : i32 to vector<16xi32>
      %shift_right_arithmetic3A_1994 = arith.shrsi %add3A_1990, %shift_right_arithmetic3A_1993 : vector<16xi32>
      %and3A_1995 = arith.constant 1 : i32
      %and3A_1996 = vector.broadcast %and3A_1995 : i32 to vector<16xi32>
      %and3A_1997 = arith.andi %add3A_1990, %and3A_1996 : vector<16xi32>
      %mul3A_1998 = arith.muli %and3A_1997, %broadcast_in_dim3A_588 : vector<16xi32>
      %add3A_1999 = arith.addi %shift_right_arithmetic3A_1994, %mul3A_1998 : vector<16xi32>
      %shift_right_arithmetic3A_2000 = arith.constant 1 : i32
      %shift_right_arithmetic3A_2001 = vector.broadcast %shift_right_arithmetic3A_2000 : i32 to vector<16xi32>
      %shift_right_arithmetic3A_2002 = arith.shrsi %add3A_1991, %shift_right_arithmetic3A_2001 : vector<16xi32>
      %and3A_2003 = arith.constant 1 : i32
      %and3A_2004 = vector.broadcast %and3A_2003 : i32 to vector<16xi32>
      %and3A_2005 = arith.andi %add3A_1991, %and3A_2004 : vector<16xi32>
      %mul3A_2006 = arith.muli %and3A_2005, %broadcast_in_dim3A_588 : vector<16xi32>
      %add3A_2007 = arith.addi %shift_right_arithmetic3A_2002, %mul3A_2006 : vector<16xi32>
      %add3A_2008 = arith.constant 34 : i32
      %add3A_2009 = vector.broadcast %add3A_2008 : i32 to vector<16xi32>
      %add3A_2010 = arith.addi %mul3A_572, %add3A_2009 : vector<16xi32>
      tpu.vector_store_idx %arg7[%add3A_2010], %add3A_1999 : memref<3328xi32, #tpu.memory_space<vmem>>[vector<16xi32>], vector<16xi32>,
      %add3A_2011 = arith.constant 86 : i32
      %add3A_2012 = vector.broadcast %add3A_2011 : i32 to vector<16xi32>
      %add3A_2013 = arith.addi %mul3A_572, %add3A_2012 : vector<16xi32>
      tpu.vector_store_idx %arg7[%add3A_2013], %add3A_2007 : memref<3328xi32, #tpu.memory_space<vmem>>[vector<16xi32>], vector<16xi32>,
      %mul3A_2014 = arith.mulf %sub3A_473, %sub3A_545 : vector<16xf32>
      %mul3A_2015 = arith.mulf %sub3A_473, %sub3A_527 : vector<16xf32>
      %mul3A_2016 = arith.mulf %sub3A_461, %sub3A_545 : vector<16xf32>
      %mul3A_2017 = arith.mulf %sub3A_461, %sub3A_527 : vector<16xf32>
      %add3A_2018 = arith.constant 34 : i32
      %add3A_2019 = vector.broadcast %add3A_2018 : i32 to vector<16xi32>
      %add3A_2020 = arith.addi %mul3A_579, %add3A_2019 : vector<16xi32>
      tpu.vector_store_idx %arg8[%add3A_2020], %mul3A_2014 : memref<7168xf32, #tpu.memory_space<vmem>>[vector<16xi32>], vector<16xf32>,
      %add3A_2021 = arith.constant 90 : i32
      %add3A_2022 = vector.broadcast %add3A_2021 : i32 to vector<16xi32>
      %add3A_2023 = arith.addi %mul3A_579, %add3A_2022 : vector<16xi32>
      tpu.vector_store_idx %arg8[%add3A_2023], %mul3A_2015 : memref<7168xf32, #tpu.memory_space<vmem>>[vector<16xi32>], vector<16xf32>,
      %add3A_2024 = arith.constant 146 : i32
      %add3A_2025 = vector.broadcast %add3A_2024 : i32 to vector<16xi32>
      %add3A_2026 = arith.addi %mul3A_579, %add3A_2025 : vector<16xi32>
      tpu.vector_store_idx %arg8[%add3A_2026], %mul3A_2016 : memref<7168xf32, #tpu.memory_space<vmem>>[vector<16xi32>], vector<16xf32>,
      %add3A_2027 = arith.constant 202 : i32
      %add3A_2028 = vector.broadcast %add3A_2027 : i32 to vector<16xi32>
      %add3A_2029 = arith.addi %mul3A_579, %add3A_2028 : vector<16xi32>
      tpu.vector_store_idx %arg8[%add3A_2029], %mul3A_2017 : memref<7168xf32, #tpu.memory_space<vmem>>[vector<16xi32>], vector<16xf32>,
      %add3A_2030 = arith.addi %add3A_510, %min3A : vector<16xi32>
      %add3A_2031 = arith.addi %add3A_516, %min3A : vector<16xi32>
      %shift_right_arithmetic3A_2032 = arith.constant 1 : i32
      %shift_right_arithmetic3A_2033 = vector.broadcast %shift_right_arithmetic3A_2032 : i32 to vector<16xi32>
      %shift_right_arithmetic3A_2034 = arith.shrsi %add3A_2030, %shift_right_arithmetic3A_2033 : vector<16xi32>
      %and3A_2035 = arith.constant 1 : i32
      %and3A_2036 = vector.broadcast %and3A_2035 : i32 to vector<16xi32>
      %and3A_2037 = arith.andi %add3A_2030, %and3A_2036 : vector<16xi32>
      %mul3A_2038 = arith.muli %and3A_2037, %broadcast_in_dim3A_588 : vector<16xi32>
      %add3A_2039 = arith.addi %shift_right_arithmetic3A_2034, %mul3A_2038 : vector<16xi32>
      %shift_right_arithmetic3A_2040 = arith.constant 1 : i32
      %shift_right_arithmetic3A_2041 = vector.broadcast %shift_right_arithmetic3A_2040 : i32 to vector<16xi32>
      %shift_right_arithmetic3A_2042 = arith.shrsi %add3A_2031, %shift_right_arithmetic3A_2041 : vector<16xi32>
      %and3A_2043 = arith.constant 1 : i32
      %and3A_2044 = vector.broadcast %and3A_2043 : i32 to vector<16xi32>
      %and3A_2045 = arith.andi %add3A_2031, %and3A_2044 : vector<16xi32>
      %mul3A_2046 = arith.muli %and3A_2045, %broadcast_in_dim3A_588 : vector<16xi32>
      %add3A_2047 = arith.addi %shift_right_arithmetic3A_2042, %mul3A_2046 : vector<16xi32>
      %add3A_2048 = arith.constant 35 : i32
      %add3A_2049 = vector.broadcast %add3A_2048 : i32 to vector<16xi32>
      %add3A_2050 = arith.addi %mul3A_572, %add3A_2049 : vector<16xi32>
      tpu.vector_store_idx %arg7[%add3A_2050], %add3A_2039 : memref<3328xi32, #tpu.memory_space<vmem>>[vector<16xi32>], vector<16xi32>,
      %add3A_2051 = arith.constant 87 : i32
      %add3A_2052 = vector.broadcast %add3A_2051 : i32 to vector<16xi32>
      %add3A_2053 = arith.addi %mul3A_572, %add3A_2052 : vector<16xi32>
      tpu.vector_store_idx %arg7[%add3A_2053], %add3A_2047 : memref<3328xi32, #tpu.memory_space<vmem>>[vector<16xi32>], vector<16xi32>,
      %mul3A_2054 = arith.mulf %sub3A_519, %sub3A_269 : vector<16xf32>
      %mul3A_2055 = arith.mulf %sub3A_519, %sub3A_252 : vector<16xf32>
      %mul3A_2056 = arith.mulf %sub3A_507, %sub3A_269 : vector<16xf32>
      %mul3A_2057 = arith.mulf %sub3A_507, %sub3A_252 : vector<16xf32>
      %add3A_2058 = arith.constant 35 : i32
      %add3A_2059 = vector.broadcast %add3A_2058 : i32 to vector<16xi32>
      %add3A_2060 = arith.addi %mul3A_579, %add3A_2059 : vector<16xi32>
      tpu.vector_store_idx %arg8[%add3A_2060], %mul3A_2054 : memref<7168xf32, #tpu.memory_space<vmem>>[vector<16xi32>], vector<16xf32>,
      %add3A_2061 = arith.constant 91 : i32
      %add3A_2062 = vector.broadcast %add3A_2061 : i32 to vector<16xi32>
      %add3A_2063 = arith.addi %mul3A_579, %add3A_2062 : vector<16xi32>
      tpu.vector_store_idx %arg8[%add3A_2063], %mul3A_2055 : memref<7168xf32, #tpu.memory_space<vmem>>[vector<16xi32>], vector<16xf32>,
      %add3A_2064 = arith.constant 147 : i32
      %add3A_2065 = vector.broadcast %add3A_2064 : i32 to vector<16xi32>
      %add3A_2066 = arith.addi %mul3A_579, %add3A_2065 : vector<16xi32>
      tpu.vector_store_idx %arg8[%add3A_2066], %mul3A_2056 : memref<7168xf32, #tpu.memory_space<vmem>>[vector<16xi32>], vector<16xf32>,
      %add3A_2067 = arith.constant 203 : i32
      %add3A_2068 = vector.broadcast %add3A_2067 : i32 to vector<16xi32>
      %add3A_2069 = arith.addi %mul3A_579, %add3A_2068 : vector<16xi32>
      tpu.vector_store_idx %arg8[%add3A_2069], %mul3A_2057 : memref<7168xf32, #tpu.memory_space<vmem>>[vector<16xi32>], vector<16xf32>,
      %add3A_2070 = arith.addi %add3A_510, %min3A_299 : vector<16xi32>
      %add3A_2071 = arith.addi %add3A_516, %min3A_299 : vector<16xi32>
      %shift_right_arithmetic3A_2072 = arith.constant 1 : i32
      %shift_right_arithmetic3A_2073 = vector.broadcast %shift_right_arithmetic3A_2072 : i32 to vector<16xi32>
      %shift_right_arithmetic3A_2074 = arith.shrsi %add3A_2070, %shift_right_arithmetic3A_2073 : vector<16xi32>
      %and3A_2075 = arith.constant 1 : i32
      %and3A_2076 = vector.broadcast %and3A_2075 : i32 to vector<16xi32>
      %and3A_2077 = arith.andi %add3A_2070, %and3A_2076 : vector<16xi32>
      %mul3A_2078 = arith.muli %and3A_2077, %broadcast_in_dim3A_588 : vector<16xi32>
      %add3A_2079 = arith.addi %shift_right_arithmetic3A_2074, %mul3A_2078 : vector<16xi32>
      %shift_right_arithmetic3A_2080 = arith.constant 1 : i32
      %shift_right_arithmetic3A_2081 = vector.broadcast %shift_right_arithmetic3A_2080 : i32 to vector<16xi32>
      %shift_right_arithmetic3A_2082 = arith.shrsi %add3A_2071, %shift_right_arithmetic3A_2081 : vector<16xi32>
      %and3A_2083 = arith.constant 1 : i32
      %and3A_2084 = vector.broadcast %and3A_2083 : i32 to vector<16xi32>
      %and3A_2085 = arith.andi %add3A_2071, %and3A_2084 : vector<16xi32>
      %mul3A_2086 = arith.muli %and3A_2085, %broadcast_in_dim3A_588 : vector<16xi32>
      %add3A_2087 = arith.addi %shift_right_arithmetic3A_2082, %mul3A_2086 : vector<16xi32>
      %add3A_2088 = arith.constant 36 : i32
      %add3A_2089 = vector.broadcast %add3A_2088 : i32 to vector<16xi32>
      %add3A_2090 = arith.addi %mul3A_572, %add3A_2089 : vector<16xi32>
      tpu.vector_store_idx %arg7[%add3A_2090], %add3A_2079 : memref<3328xi32, #tpu.memory_space<vmem>>[vector<16xi32>], vector<16xi32>,
      %add3A_2091 = arith.constant 88 : i32
      %add3A_2092 = vector.broadcast %add3A_2091 : i32 to vector<16xi32>
      %add3A_2093 = arith.addi %mul3A_572, %add3A_2092 : vector<16xi32>
      tpu.vector_store_idx %arg7[%add3A_2093], %add3A_2087 : memref<3328xi32, #tpu.memory_space<vmem>>[vector<16xi32>], vector<16xi32>,
      %mul3A_2094 = arith.mulf %sub3A_519, %sub3A_315 : vector<16xf32>
      %mul3A_2095 = arith.mulf %sub3A_519, %sub3A_297 : vector<16xf32>
      %mul3A_2096 = arith.mulf %sub3A_507, %sub3A_315 : vector<16xf32>
      %mul3A_2097 = arith.mulf %sub3A_507, %sub3A_297 : vector<16xf32>
      %add3A_2098 = arith.constant 36 : i32
      %add3A_2099 = vector.broadcast %add3A_2098 : i32 to vector<16xi32>
      %add3A_2100 = arith.addi %mul3A_579, %add3A_2099 : vector<16xi32>
      tpu.vector_store_idx %arg8[%add3A_2100], %mul3A_2094 : memref<7168xf32, #tpu.memory_space<vmem>>[vector<16xi32>], vector<16xf32>,
      %add3A_2101 = arith.constant 92 : i32
      %add3A_2102 = vector.broadcast %add3A_2101 : i32 to vector<16xi32>
      %add3A_2103 = arith.addi %mul3A_579, %add3A_2102 : vector<16xi32>
      tpu.vector_store_idx %arg8[%add3A_2103], %mul3A_2095 : memref<7168xf32, #tpu.memory_space<vmem>>[vector<16xi32>], vector<16xf32>,
      %add3A_2104 = arith.constant 148 : i32
      %add3A_2105 = vector.broadcast %add3A_2104 : i32 to vector<16xi32>
      %add3A_2106 = arith.addi %mul3A_579, %add3A_2105 : vector<16xi32>
      tpu.vector_store_idx %arg8[%add3A_2106], %mul3A_2096 : memref<7168xf32, #tpu.memory_space<vmem>>[vector<16xi32>], vector<16xf32>,
      %add3A_2107 = arith.constant 204 : i32
      %add3A_2108 = vector.broadcast %add3A_2107 : i32 to vector<16xi32>
      %add3A_2109 = arith.addi %mul3A_579, %add3A_2108 : vector<16xi32>
      tpu.vector_store_idx %arg8[%add3A_2109], %mul3A_2097 : memref<7168xf32, #tpu.memory_space<vmem>>[vector<16xi32>], vector<16xf32>,
      %add3A_2110 = arith.addi %add3A_510, %min3A_345 : vector<16xi32>
      %add3A_2111 = arith.addi %add3A_516, %min3A_345 : vector<16xi32>
      %shift_right_arithmetic3A_2112 = arith.constant 1 : i32
      %shift_right_arithmetic3A_2113 = vector.broadcast %shift_right_arithmetic3A_2112 : i32 to vector<16xi32>
      %shift_right_arithmetic3A_2114 = arith.shrsi %add3A_2110, %shift_right_arithmetic3A_2113 : vector<16xi32>
      %and3A_2115 = arith.constant 1 : i32
      %and3A_2116 = vector.broadcast %and3A_2115 : i32 to vector<16xi32>
      %and3A_2117 = arith.andi %add3A_2110, %and3A_2116 : vector<16xi32>
      %mul3A_2118 = arith.muli %and3A_2117, %broadcast_in_dim3A_588 : vector<16xi32>
      %add3A_2119 = arith.addi %shift_right_arithmetic3A_2114, %mul3A_2118 : vector<16xi32>
      %shift_right_arithmetic3A_2120 = arith.constant 1 : i32
      %shift_right_arithmetic3A_2121 = vector.broadcast %shift_right_arithmetic3A_2120 : i32 to vector<16xi32>
      %shift_right_arithmetic3A_2122 = arith.shrsi %add3A_2111, %shift_right_arithmetic3A_2121 : vector<16xi32>
      %and3A_2123 = arith.constant 1 : i32
      %and3A_2124 = vector.broadcast %and3A_2123 : i32 to vector<16xi32>
      %and3A_2125 = arith.andi %add3A_2111, %and3A_2124 : vector<16xi32>
      %mul3A_2126 = arith.muli %and3A_2125, %broadcast_in_dim3A_588 : vector<16xi32>
      %add3A_2127 = arith.addi %shift_right_arithmetic3A_2122, %mul3A_2126 : vector<16xi32>
      %add3A_2128 = arith.constant 37 : i32
      %add3A_2129 = vector.broadcast %add3A_2128 : i32 to vector<16xi32>
      %add3A_2130 = arith.addi %mul3A_572, %add3A_2129 : vector<16xi32>
      tpu.vector_store_idx %arg7[%add3A_2130], %add3A_2119 : memref<3328xi32, #tpu.memory_space<vmem>>[vector<16xi32>], vector<16xi32>,
      %add3A_2131 = arith.constant 89 : i32
      %add3A_2132 = vector.broadcast %add3A_2131 : i32 to vector<16xi32>
      %add3A_2133 = arith.addi %mul3A_572, %add3A_2132 : vector<16xi32>
      tpu.vector_store_idx %arg7[%add3A_2133], %add3A_2127 : memref<3328xi32, #tpu.memory_space<vmem>>[vector<16xi32>], vector<16xi32>,
      %mul3A_2134 = arith.mulf %sub3A_519, %sub3A_361 : vector<16xf32>
      %mul3A_2135 = arith.mulf %sub3A_519, %sub3A_343 : vector<16xf32>
      %mul3A_2136 = arith.mulf %sub3A_507, %sub3A_361 : vector<16xf32>
      %mul3A_2137 = arith.mulf %sub3A_507, %sub3A_343 : vector<16xf32>
      %add3A_2138 = arith.constant 37 : i32
      %add3A_2139 = vector.broadcast %add3A_2138 : i32 to vector<16xi32>
      %add3A_2140 = arith.addi %mul3A_579, %add3A_2139 : vector<16xi32>
      tpu.vector_store_idx %arg8[%add3A_2140], %mul3A_2134 : memref<7168xf32, #tpu.memory_space<vmem>>[vector<16xi32>], vector<16xf32>,
      %add3A_2141 = arith.constant 93 : i32
      %add3A_2142 = vector.broadcast %add3A_2141 : i32 to vector<16xi32>
      %add3A_2143 = arith.addi %mul3A_579, %add3A_2142 : vector<16xi32>
      tpu.vector_store_idx %arg8[%add3A_2143], %mul3A_2135 : memref<7168xf32, #tpu.memory_space<vmem>>[vector<16xi32>], vector<16xf32>,
      %add3A_2144 = arith.constant 149 : i32
      %add3A_2145 = vector.broadcast %add3A_2144 : i32 to vector<16xi32>
      %add3A_2146 = arith.addi %mul3A_579, %add3A_2145 : vector<16xi32>
      tpu.vector_store_idx %arg8[%add3A_2146], %mul3A_2136 : memref<7168xf32, #tpu.memory_space<vmem>>[vector<16xi32>], vector<16xf32>,
      %add3A_2147 = arith.constant 205 : i32
      %add3A_2148 = vector.broadcast %add3A_2147 : i32 to vector<16xi32>
      %add3A_2149 = arith.addi %mul3A_579, %add3A_2148 : vector<16xi32>
      tpu.vector_store_idx %arg8[%add3A_2149], %mul3A_2137 : memref<7168xf32, #tpu.memory_space<vmem>>[vector<16xi32>], vector<16xf32>,
      %add3A_2150 = arith.addi %add3A_510, %min3A_391 : vector<16xi32>
      %add3A_2151 = arith.addi %add3A_516, %min3A_391 : vector<16xi32>
      %shift_right_arithmetic3A_2152 = arith.constant 1 : i32
      %shift_right_arithmetic3A_2153 = vector.broadcast %shift_right_arithmetic3A_2152 : i32 to vector<16xi32>
      %shift_right_arithmetic3A_2154 = arith.shrsi %add3A_2150, %shift_right_arithmetic3A_2153 : vector<16xi32>
      %and3A_2155 = arith.constant 1 : i32
      %and3A_2156 = vector.broadcast %and3A_2155 : i32 to vector<16xi32>
      %and3A_2157 = arith.andi %add3A_2150, %and3A_2156 : vector<16xi32>
      %mul3A_2158 = arith.muli %and3A_2157, %broadcast_in_dim3A_588 : vector<16xi32>
      %add3A_2159 = arith.addi %shift_right_arithmetic3A_2154, %mul3A_2158 : vector<16xi32>
      %shift_right_arithmetic3A_2160 = arith.constant 1 : i32
      %shift_right_arithmetic3A_2161 = vector.broadcast %shift_right_arithmetic3A_2160 : i32 to vector<16xi32>
      %shift_right_arithmetic3A_2162 = arith.shrsi %add3A_2151, %shift_right_arithmetic3A_2161 : vector<16xi32>
      %and3A_2163 = arith.constant 1 : i32
      %and3A_2164 = vector.broadcast %and3A_2163 : i32 to vector<16xi32>
      %and3A_2165 = arith.andi %add3A_2151, %and3A_2164 : vector<16xi32>
      %mul3A_2166 = arith.muli %and3A_2165, %broadcast_in_dim3A_588 : vector<16xi32>
      %add3A_2167 = arith.addi %shift_right_arithmetic3A_2162, %mul3A_2166 : vector<16xi32>
      %add3A_2168 = arith.constant 38 : i32
      %add3A_2169 = vector.broadcast %add3A_2168 : i32 to vector<16xi32>
      %add3A_2170 = arith.addi %mul3A_572, %add3A_2169 : vector<16xi32>
      tpu.vector_store_idx %arg7[%add3A_2170], %add3A_2159 : memref<3328xi32, #tpu.memory_space<vmem>>[vector<16xi32>], vector<16xi32>,
      %add3A_2171 = arith.constant 90 : i32
      %add3A_2172 = vector.broadcast %add3A_2171 : i32 to vector<16xi32>
      %add3A_2173 = arith.addi %mul3A_572, %add3A_2172 : vector<16xi32>
      tpu.vector_store_idx %arg7[%add3A_2173], %add3A_2167 : memref<3328xi32, #tpu.memory_space<vmem>>[vector<16xi32>], vector<16xi32>,
      %mul3A_2174 = arith.mulf %sub3A_519, %sub3A_407 : vector<16xf32>
      %mul3A_2175 = arith.mulf %sub3A_519, %sub3A_389 : vector<16xf32>
      %mul3A_2176 = arith.mulf %sub3A_507, %sub3A_407 : vector<16xf32>
      %mul3A_2177 = arith.mulf %sub3A_507, %sub3A_389 : vector<16xf32>
      %add3A_2178 = arith.constant 38 : i32
      %add3A_2179 = vector.broadcast %add3A_2178 : i32 to vector<16xi32>
      %add3A_2180 = arith.addi %mul3A_579, %add3A_2179 : vector<16xi32>
      tpu.vector_store_idx %arg8[%add3A_2180], %mul3A_2174 : memref<7168xf32, #tpu.memory_space<vmem>>[vector<16xi32>], vector<16xf32>,
      %add3A_2181 = arith.constant 94 : i32
      %add3A_2182 = vector.broadcast %add3A_2181 : i32 to vector<16xi32>
      %add3A_2183 = arith.addi %mul3A_579, %add3A_2182 : vector<16xi32>
      tpu.vector_store_idx %arg8[%add3A_2183], %mul3A_2175 : memref<7168xf32, #tpu.memory_space<vmem>>[vector<16xi32>], vector<16xf32>,
      %add3A_2184 = arith.constant 150 : i32
      %add3A_2185 = vector.broadcast %add3A_2184 : i32 to vector<16xi32>
      %add3A_2186 = arith.addi %mul3A_579, %add3A_2185 : vector<16xi32>
      tpu.vector_store_idx %arg8[%add3A_2186], %mul3A_2176 : memref<7168xf32, #tpu.memory_space<vmem>>[vector<16xi32>], vector<16xf32>,
      %add3A_2187 = arith.constant 206 : i32
      %add3A_2188 = vector.broadcast %add3A_2187 : i32 to vector<16xi32>
      %add3A_2189 = arith.addi %mul3A_579, %add3A_2188 : vector<16xi32>
      tpu.vector_store_idx %arg8[%add3A_2189], %mul3A_2177 : memref<7168xf32, #tpu.memory_space<vmem>>[vector<16xi32>], vector<16xf32>,
      %add3A_2190 = arith.addi %add3A_510, %min3A_437 : vector<16xi32>
      %add3A_2191 = arith.addi %add3A_516, %min3A_437 : vector<16xi32>
      %shift_right_arithmetic3A_2192 = arith.constant 1 : i32
      %shift_right_arithmetic3A_2193 = vector.broadcast %shift_right_arithmetic3A_2192 : i32 to vector<16xi32>
      %shift_right_arithmetic3A_2194 = arith.shrsi %add3A_2190, %shift_right_arithmetic3A_2193 : vector<16xi32>
      %and3A_2195 = arith.constant 1 : i32
      %and3A_2196 = vector.broadcast %and3A_2195 : i32 to vector<16xi32>
      %and3A_2197 = arith.andi %add3A_2190, %and3A_2196 : vector<16xi32>
      %mul3A_2198 = arith.muli %and3A_2197, %broadcast_in_dim3A_588 : vector<16xi32>
      %add3A_2199 = arith.addi %shift_right_arithmetic3A_2194, %mul3A_2198 : vector<16xi32>
      %shift_right_arithmetic3A_2200 = arith.constant 1 : i32
      %shift_right_arithmetic3A_2201 = vector.broadcast %shift_right_arithmetic3A_2200 : i32 to vector<16xi32>
      %shift_right_arithmetic3A_2202 = arith.shrsi %add3A_2191, %shift_right_arithmetic3A_2201 : vector<16xi32>
      %and3A_2203 = arith.constant 1 : i32
      %and3A_2204 = vector.broadcast %and3A_2203 : i32 to vector<16xi32>
      %and3A_2205 = arith.andi %add3A_2191, %and3A_2204 : vector<16xi32>
      %mul3A_2206 = arith.muli %and3A_2205, %broadcast_in_dim3A_588 : vector<16xi32>
      %add3A_2207 = arith.addi %shift_right_arithmetic3A_2202, %mul3A_2206 : vector<16xi32>
      %add3A_2208 = arith.constant 39 : i32
      %add3A_2209 = vector.broadcast %add3A_2208 : i32 to vector<16xi32>
      %add3A_2210 = arith.addi %mul3A_572, %add3A_2209 : vector<16xi32>
      tpu.vector_store_idx %arg7[%add3A_2210], %add3A_2199 : memref<3328xi32, #tpu.memory_space<vmem>>[vector<16xi32>], vector<16xi32>,
      %add3A_2211 = arith.constant 91 : i32
      %add3A_2212 = vector.broadcast %add3A_2211 : i32 to vector<16xi32>
      %add3A_2213 = arith.addi %mul3A_572, %add3A_2212 : vector<16xi32>
      tpu.vector_store_idx %arg7[%add3A_2213], %add3A_2207 : memref<3328xi32, #tpu.memory_space<vmem>>[vector<16xi32>], vector<16xi32>,
      %mul3A_2214 = arith.mulf %sub3A_519, %sub3A_453 : vector<16xf32>
      %mul3A_2215 = arith.mulf %sub3A_519, %sub3A_435 : vector<16xf32>
      %mul3A_2216 = arith.mulf %sub3A_507, %sub3A_453 : vector<16xf32>
      %mul3A_2217 = arith.mulf %sub3A_507, %sub3A_435 : vector<16xf32>
      %add3A_2218 = arith.constant 39 : i32
      %add3A_2219 = vector.broadcast %add3A_2218 : i32 to vector<16xi32>
      %add3A_2220 = arith.addi %mul3A_579, %add3A_2219 : vector<16xi32>
      tpu.vector_store_idx %arg8[%add3A_2220], %mul3A_2214 : memref<7168xf32, #tpu.memory_space<vmem>>[vector<16xi32>], vector<16xf32>,
      %add3A_2221 = arith.constant 95 : i32
      %add3A_2222 = vector.broadcast %add3A_2221 : i32 to vector<16xi32>
      %add3A_2223 = arith.addi %mul3A_579, %add3A_2222 : vector<16xi32>
      tpu.vector_store_idx %arg8[%add3A_2223], %mul3A_2215 : memref<7168xf32, #tpu.memory_space<vmem>>[vector<16xi32>], vector<16xf32>,
      %add3A_2224 = arith.constant 151 : i32
      %add3A_2225 = vector.broadcast %add3A_2224 : i32 to vector<16xi32>
      %add3A_2226 = arith.addi %mul3A_579, %add3A_2225 : vector<16xi32>
      tpu.vector_store_idx %arg8[%add3A_2226], %mul3A_2216 : memref<7168xf32, #tpu.memory_space<vmem>>[vector<16xi32>], vector<16xf32>,
      %add3A_2227 = arith.constant 207 : i32
      %add3A_2228 = vector.broadcast %add3A_2227 : i32 to vector<16xi32>
      %add3A_2229 = arith.addi %mul3A_579, %add3A_2228 : vector<16xi32>
      tpu.vector_store_idx %arg8[%add3A_2229], %mul3A_2217 : memref<7168xf32, #tpu.memory_space<vmem>>[vector<16xi32>], vector<16xf32>,
      %add3A_2230 = arith.addi %add3A_510, %min3A_483 : vector<16xi32>
      %add3A_2231 = arith.addi %add3A_516, %min3A_483 : vector<16xi32>
      %shift_right_arithmetic3A_2232 = arith.constant 1 : i32
      %shift_right_arithmetic3A_2233 = vector.broadcast %shift_right_arithmetic3A_2232 : i32 to vector<16xi32>
      %shift_right_arithmetic3A_2234 = arith.shrsi %add3A_2230, %shift_right_arithmetic3A_2233 : vector<16xi32>
      %and3A_2235 = arith.constant 1 : i32
      %and3A_2236 = vector.broadcast %and3A_2235 : i32 to vector<16xi32>
      %and3A_2237 = arith.andi %add3A_2230, %and3A_2236 : vector<16xi32>
      %mul3A_2238 = arith.muli %and3A_2237, %broadcast_in_dim3A_588 : vector<16xi32>
      %add3A_2239 = arith.addi %shift_right_arithmetic3A_2234, %mul3A_2238 : vector<16xi32>
      %shift_right_arithmetic3A_2240 = arith.constant 1 : i32
      %shift_right_arithmetic3A_2241 = vector.broadcast %shift_right_arithmetic3A_2240 : i32 to vector<16xi32>
      %shift_right_arithmetic3A_2242 = arith.shrsi %add3A_2231, %shift_right_arithmetic3A_2241 : vector<16xi32>
      %and3A_2243 = arith.constant 1 : i32
      %and3A_2244 = vector.broadcast %and3A_2243 : i32 to vector<16xi32>
      %and3A_2245 = arith.andi %add3A_2231, %and3A_2244 : vector<16xi32>
      %mul3A_2246 = arith.muli %and3A_2245, %broadcast_in_dim3A_588 : vector<16xi32>
      %add3A_2247 = arith.addi %shift_right_arithmetic3A_2242, %mul3A_2246 : vector<16xi32>
      %add3A_2248 = arith.constant 40 : i32
      %add3A_2249 = vector.broadcast %add3A_2248 : i32 to vector<16xi32>
      %add3A_2250 = arith.addi %mul3A_572, %add3A_2249 : vector<16xi32>
      tpu.vector_store_idx %arg7[%add3A_2250], %add3A_2239 : memref<3328xi32, #tpu.memory_space<vmem>>[vector<16xi32>], vector<16xi32>,
      %add3A_2251 = arith.constant 92 : i32
      %add3A_2252 = vector.broadcast %add3A_2251 : i32 to vector<16xi32>
      %add3A_2253 = arith.addi %mul3A_572, %add3A_2252 : vector<16xi32>
      tpu.vector_store_idx %arg7[%add3A_2253], %add3A_2247 : memref<3328xi32, #tpu.memory_space<vmem>>[vector<16xi32>], vector<16xi32>,
      %mul3A_2254 = arith.mulf %sub3A_519, %sub3A_499 : vector<16xf32>
      %mul3A_2255 = arith.mulf %sub3A_519, %sub3A_481 : vector<16xf32>
      %mul3A_2256 = arith.mulf %sub3A_507, %sub3A_499 : vector<16xf32>
      %mul3A_2257 = arith.mulf %sub3A_507, %sub3A_481 : vector<16xf32>
      %add3A_2258 = arith.constant 40 : i32
      %add3A_2259 = vector.broadcast %add3A_2258 : i32 to vector<16xi32>
      %add3A_2260 = arith.addi %mul3A_579, %add3A_2259 : vector<16xi32>
      tpu.vector_store_idx %arg8[%add3A_2260], %mul3A_2254 : memref<7168xf32, #tpu.memory_space<vmem>>[vector<16xi32>], vector<16xf32>,
      %add3A_2261 = arith.constant 96 : i32
      %add3A_2262 = vector.broadcast %add3A_2261 : i32 to vector<16xi32>
      %add3A_2263 = arith.addi %mul3A_579, %add3A_2262 : vector<16xi32>
      tpu.vector_store_idx %arg8[%add3A_2263], %mul3A_2255 : memref<7168xf32, #tpu.memory_space<vmem>>[vector<16xi32>], vector<16xf32>,
      %add3A_2264 = arith.constant 152 : i32
      %add3A_2265 = vector.broadcast %add3A_2264 : i32 to vector<16xi32>
      %add3A_2266 = arith.addi %mul3A_579, %add3A_2265 : vector<16xi32>
      tpu.vector_store_idx %arg8[%add3A_2266], %mul3A_2256 : memref<7168xf32, #tpu.memory_space<vmem>>[vector<16xi32>], vector<16xf32>,
      %add3A_2267 = arith.constant 208 : i32
      %add3A_2268 = vector.broadcast %add3A_2267 : i32 to vector<16xi32>
      %add3A_2269 = arith.addi %mul3A_579, %add3A_2268 : vector<16xi32>
      tpu.vector_store_idx %arg8[%add3A_2269], %mul3A_2257 : memref<7168xf32, #tpu.memory_space<vmem>>[vector<16xi32>], vector<16xf32>,
      %add3A_2270 = arith.addi %add3A_510, %min3A_529 : vector<16xi32>
      %add3A_2271 = arith.addi %add3A_516, %min3A_529 : vector<16xi32>
      %shift_right_arithmetic3A_2272 = arith.constant 1 : i32
      %shift_right_arithmetic3A_2273 = vector.broadcast %shift_right_arithmetic3A_2272 : i32 to vector<16xi32>
      %shift_right_arithmetic3A_2274 = arith.shrsi %add3A_2270, %shift_right_arithmetic3A_2273 : vector<16xi32>
      %and3A_2275 = arith.constant 1 : i32
      %and3A_2276 = vector.broadcast %and3A_2275 : i32 to vector<16xi32>
      %and3A_2277 = arith.andi %add3A_2270, %and3A_2276 : vector<16xi32>
      %mul3A_2278 = arith.muli %and3A_2277, %broadcast_in_dim3A_588 : vector<16xi32>
      %add3A_2279 = arith.addi %shift_right_arithmetic3A_2274, %mul3A_2278 : vector<16xi32>
      %shift_right_arithmetic3A_2280 = arith.constant 1 : i32
      %shift_right_arithmetic3A_2281 = vector.broadcast %shift_right_arithmetic3A_2280 : i32 to vector<16xi32>
      %shift_right_arithmetic3A_2282 = arith.shrsi %add3A_2271, %shift_right_arithmetic3A_2281 : vector<16xi32>
      %and3A_2283 = arith.constant 1 : i32
      %and3A_2284 = vector.broadcast %and3A_2283 : i32 to vector<16xi32>
      %and3A_2285 = arith.andi %add3A_2271, %and3A_2284 : vector<16xi32>
      %mul3A_2286 = arith.muli %and3A_2285, %broadcast_in_dim3A_588 : vector<16xi32>
      %add3A_2287 = arith.addi %shift_right_arithmetic3A_2282, %mul3A_2286 : vector<16xi32>
      %add3A_2288 = arith.constant 41 : i32
      %add3A_2289 = vector.broadcast %add3A_2288 : i32 to vector<16xi32>
      %add3A_2290 = arith.addi %mul3A_572, %add3A_2289 : vector<16xi32>
      tpu.vector_store_idx %arg7[%add3A_2290], %add3A_2279 : memref<3328xi32, #tpu.memory_space<vmem>>[vector<16xi32>], vector<16xi32>,
      %add3A_2291 = arith.constant 93 : i32
      %add3A_2292 = vector.broadcast %add3A_2291 : i32 to vector<16xi32>
      %add3A_2293 = arith.addi %mul3A_572, %add3A_2292 : vector<16xi32>
      tpu.vector_store_idx %arg7[%add3A_2293], %add3A_2287 : memref<3328xi32, #tpu.memory_space<vmem>>[vector<16xi32>], vector<16xi32>,
      %mul3A_2294 = arith.mulf %sub3A_519, %sub3A_545 : vector<16xf32>
      %mul3A_2295 = arith.mulf %sub3A_519, %sub3A_527 : vector<16xf32>
      %mul3A_2296 = arith.mulf %sub3A_507, %sub3A_545 : vector<16xf32>
      %mul3A_2297 = arith.mulf %sub3A_507, %sub3A_527 : vector<16xf32>
      %add3A_2298 = arith.constant 41 : i32
      %add3A_2299 = vector.broadcast %add3A_2298 : i32 to vector<16xi32>
      %add3A_2300 = arith.addi %mul3A_579, %add3A_2299 : vector<16xi32>
      tpu.vector_store_idx %arg8[%add3A_2300], %mul3A_2294 : memref<7168xf32, #tpu.memory_space<vmem>>[vector<16xi32>], vector<16xf32>,
      %add3A_2301 = arith.constant 97 : i32
      %add3A_2302 = vector.broadcast %add3A_2301 : i32 to vector<16xi32>
      %add3A_2303 = arith.addi %mul3A_579, %add3A_2302 : vector<16xi32>
      tpu.vector_store_idx %arg8[%add3A_2303], %mul3A_2295 : memref<7168xf32, #tpu.memory_space<vmem>>[vector<16xi32>], vector<16xf32>,
      %add3A_2304 = arith.constant 153 : i32
      %add3A_2305 = vector.broadcast %add3A_2304 : i32 to vector<16xi32>
      %add3A_2306 = arith.addi %mul3A_579, %add3A_2305 : vector<16xi32>
      tpu.vector_store_idx %arg8[%add3A_2306], %mul3A_2296 : memref<7168xf32, #tpu.memory_space<vmem>>[vector<16xi32>], vector<16xf32>,
      %add3A_2307 = arith.constant 209 : i32
      %add3A_2308 = vector.broadcast %add3A_2307 : i32 to vector<16xi32>
      %add3A_2309 = arith.addi %mul3A_579, %add3A_2308 : vector<16xi32>
      tpu.vector_store_idx %arg8[%add3A_2309], %mul3A_2297 : memref<7168xf32, #tpu.memory_space<vmem>>[vector<16xi32>], vector<16xf32>,
      %add3A_2310 = arith.addi %add3A_556, %min3A : vector<16xi32>
      %add3A_2311 = arith.addi %add3A_562, %min3A : vector<16xi32>
      %shift_right_arithmetic3A_2312 = arith.constant 1 : i32
      %shift_right_arithmetic3A_2313 = vector.broadcast %shift_right_arithmetic3A_2312 : i32 to vector<16xi32>
      %shift_right_arithmetic3A_2314 = arith.shrsi %add3A_2310, %shift_right_arithmetic3A_2313 : vector<16xi32>
      %and3A_2315 = arith.constant 1 : i32
      %and3A_2316 = vector.broadcast %and3A_2315 : i32 to vector<16xi32>
      %and3A_2317 = arith.andi %add3A_2310, %and3A_2316 : vector<16xi32>
      %mul3A_2318 = arith.muli %and3A_2317, %broadcast_in_dim3A_588 : vector<16xi32>
      %add3A_2319 = arith.addi %shift_right_arithmetic3A_2314, %mul3A_2318 : vector<16xi32>
      %shift_right_arithmetic3A_2320 = arith.constant 1 : i32
      %shift_right_arithmetic3A_2321 = vector.broadcast %shift_right_arithmetic3A_2320 : i32 to vector<16xi32>
      %shift_right_arithmetic3A_2322 = arith.shrsi %add3A_2311, %shift_right_arithmetic3A_2321 : vector<16xi32>
      %and3A_2323 = arith.constant 1 : i32
      %and3A_2324 = vector.broadcast %and3A_2323 : i32 to vector<16xi32>
      %and3A_2325 = arith.andi %add3A_2311, %and3A_2324 : vector<16xi32>
      %mul3A_2326 = arith.muli %and3A_2325, %broadcast_in_dim3A_588 : vector<16xi32>
      %add3A_2327 = arith.addi %shift_right_arithmetic3A_2322, %mul3A_2326 : vector<16xi32>
      %add3A_2328 = arith.constant 42 : i32
      %add3A_2329 = vector.broadcast %add3A_2328 : i32 to vector<16xi32>
      %add3A_2330 = arith.addi %mul3A_572, %add3A_2329 : vector<16xi32>
      tpu.vector_store_idx %arg7[%add3A_2330], %add3A_2319 : memref<3328xi32, #tpu.memory_space<vmem>>[vector<16xi32>], vector<16xi32>,
      %add3A_2331 = arith.constant 94 : i32
      %add3A_2332 = vector.broadcast %add3A_2331 : i32 to vector<16xi32>
      %add3A_2333 = arith.addi %mul3A_572, %add3A_2332 : vector<16xi32>
      tpu.vector_store_idx %arg7[%add3A_2333], %add3A_2327 : memref<3328xi32, #tpu.memory_space<vmem>>[vector<16xi32>], vector<16xi32>,
      %mul3A_2334 = arith.mulf %sub3A_565, %sub3A_269 : vector<16xf32>
      %mul3A_2335 = arith.mulf %sub3A_565, %sub3A_252 : vector<16xf32>
      %mul3A_2336 = arith.mulf %sub3A_553, %sub3A_269 : vector<16xf32>
      %mul3A_2337 = arith.mulf %sub3A_553, %sub3A_252 : vector<16xf32>
      %add3A_2338 = arith.constant 42 : i32
      %add3A_2339 = vector.broadcast %add3A_2338 : i32 to vector<16xi32>
      %add3A_2340 = arith.addi %mul3A_579, %add3A_2339 : vector<16xi32>
      tpu.vector_store_idx %arg8[%add3A_2340], %mul3A_2334 : memref<7168xf32, #tpu.memory_space<vmem>>[vector<16xi32>], vector<16xf32>,
      %add3A_2341 = arith.constant 98 : i32
      %add3A_2342 = vector.broadcast %add3A_2341 : i32 to vector<16xi32>
      %add3A_2343 = arith.addi %mul3A_579, %add3A_2342 : vector<16xi32>
      tpu.vector_store_idx %arg8[%add3A_2343], %mul3A_2335 : memref<7168xf32, #tpu.memory_space<vmem>>[vector<16xi32>], vector<16xf32>,
      %add3A_2344 = arith.constant 154 : i32
      %add3A_2345 = vector.broadcast %add3A_2344 : i32 to vector<16xi32>
      %add3A_2346 = arith.addi %mul3A_579, %add3A_2345 : vector<16xi32>
      tpu.vector_store_idx %arg8[%add3A_2346], %mul3A_2336 : memref<7168xf32, #tpu.memory_space<vmem>>[vector<16xi32>], vector<16xf32>,
      %add3A_2347 = arith.constant 210 : i32
      %add3A_2348 = vector.broadcast %add3A_2347 : i32 to vector<16xi32>
      %add3A_2349 = arith.addi %mul3A_579, %add3A_2348 : vector<16xi32>
      tpu.vector_store_idx %arg8[%add3A_2349], %mul3A_2337 : memref<7168xf32, #tpu.memory_space<vmem>>[vector<16xi32>], vector<16xf32>,
      %add3A_2350 = arith.addi %add3A_556, %min3A_299 : vector<16xi32>
      %add3A_2351 = arith.addi %add3A_562, %min3A_299 : vector<16xi32>
      %shift_right_arithmetic3A_2352 = arith.constant 1 : i32
      %shift_right_arithmetic3A_2353 = vector.broadcast %shift_right_arithmetic3A_2352 : i32 to vector<16xi32>
      %shift_right_arithmetic3A_2354 = arith.shrsi %add3A_2350, %shift_right_arithmetic3A_2353 : vector<16xi32>
      %and3A_2355 = arith.constant 1 : i32
      %and3A_2356 = vector.broadcast %and3A_2355 : i32 to vector<16xi32>
      %and3A_2357 = arith.andi %add3A_2350, %and3A_2356 : vector<16xi32>
      %mul3A_2358 = arith.muli %and3A_2357, %broadcast_in_dim3A_588 : vector<16xi32>
      %add3A_2359 = arith.addi %shift_right_arithmetic3A_2354, %mul3A_2358 : vector<16xi32>
      %shift_right_arithmetic3A_2360 = arith.constant 1 : i32
      %shift_right_arithmetic3A_2361 = vector.broadcast %shift_right_arithmetic3A_2360 : i32 to vector<16xi32>
      %shift_right_arithmetic3A_2362 = arith.shrsi %add3A_2351, %shift_right_arithmetic3A_2361 : vector<16xi32>
      %and3A_2363 = arith.constant 1 : i32
      %and3A_2364 = vector.broadcast %and3A_2363 : i32 to vector<16xi32>
      %and3A_2365 = arith.andi %add3A_2351, %and3A_2364 : vector<16xi32>
      %mul3A_2366 = arith.muli %and3A_2365, %broadcast_in_dim3A_588 : vector<16xi32>
      %add3A_2367 = arith.addi %shift_right_arithmetic3A_2362, %mul3A_2366 : vector<16xi32>
      %add3A_2368 = arith.constant 43 : i32
      %add3A_2369 = vector.broadcast %add3A_2368 : i32 to vector<16xi32>
      %add3A_2370 = arith.addi %mul3A_572, %add3A_2369 : vector<16xi32>
      tpu.vector_store_idx %arg7[%add3A_2370], %add3A_2359 : memref<3328xi32, #tpu.memory_space<vmem>>[vector<16xi32>], vector<16xi32>,
      %add3A_2371 = arith.constant 95 : i32
      %add3A_2372 = vector.broadcast %add3A_2371 : i32 to vector<16xi32>
      %add3A_2373 = arith.addi %mul3A_572, %add3A_2372 : vector<16xi32>
      tpu.vector_store_idx %arg7[%add3A_2373], %add3A_2367 : memref<3328xi32, #tpu.memory_space<vmem>>[vector<16xi32>], vector<16xi32>,
      %mul3A_2374 = arith.mulf %sub3A_565, %sub3A_315 : vector<16xf32>
      %mul3A_2375 = arith.mulf %sub3A_565, %sub3A_297 : vector<16xf32>
      %mul3A_2376 = arith.mulf %sub3A_553, %sub3A_315 : vector<16xf32>
      %mul3A_2377 = arith.mulf %sub3A_553, %sub3A_297 : vector<16xf32>
      %add3A_2378 = arith.constant 43 : i32
      %add3A_2379 = vector.broadcast %add3A_2378 : i32 to vector<16xi32>
      %add3A_2380 = arith.addi %mul3A_579, %add3A_2379 : vector<16xi32>
      tpu.vector_store_idx %arg8[%add3A_2380], %mul3A_2374 : memref<7168xf32, #tpu.memory_space<vmem>>[vector<16xi32>], vector<16xf32>,
      %add3A_2381 = arith.constant 99 : i32
      %add3A_2382 = vector.broadcast %add3A_2381 : i32 to vector<16xi32>
      %add3A_2383 = arith.addi %mul3A_579, %add3A_2382 : vector<16xi32>
      tpu.vector_store_idx %arg8[%add3A_2383], %mul3A_2375 : memref<7168xf32, #tpu.memory_space<vmem>>[vector<16xi32>], vector<16xf32>,
      %add3A_2384 = arith.constant 155 : i32
      %add3A_2385 = vector.broadcast %add3A_2384 : i32 to vector<16xi32>
      %add3A_2386 = arith.addi %mul3A_579, %add3A_2385 : vector<16xi32>
      tpu.vector_store_idx %arg8[%add3A_2386], %mul3A_2376 : memref<7168xf32, #tpu.memory_space<vmem>>[vector<16xi32>], vector<16xf32>,
      %add3A_2387 = arith.constant 211 : i32
      %add3A_2388 = vector.broadcast %add3A_2387 : i32 to vector<16xi32>
      %add3A_2389 = arith.addi %mul3A_579, %add3A_2388 : vector<16xi32>
      tpu.vector_store_idx %arg8[%add3A_2389], %mul3A_2377 : memref<7168xf32, #tpu.memory_space<vmem>>[vector<16xi32>], vector<16xf32>,
      %add3A_2390 = arith.addi %add3A_556, %min3A_345 : vector<16xi32>
      %add3A_2391 = arith.addi %add3A_562, %min3A_345 : vector<16xi32>
      %shift_right_arithmetic3A_2392 = arith.constant 1 : i32
      %shift_right_arithmetic3A_2393 = vector.broadcast %shift_right_arithmetic3A_2392 : i32 to vector<16xi32>
      %shift_right_arithmetic3A_2394 = arith.shrsi %add3A_2390, %shift_right_arithmetic3A_2393 : vector<16xi32>
      %and3A_2395 = arith.constant 1 : i32
      %and3A_2396 = vector.broadcast %and3A_2395 : i32 to vector<16xi32>
      %and3A_2397 = arith.andi %add3A_2390, %and3A_2396 : vector<16xi32>
      %mul3A_2398 = arith.muli %and3A_2397, %broadcast_in_dim3A_588 : vector<16xi32>
      %add3A_2399 = arith.addi %shift_right_arithmetic3A_2394, %mul3A_2398 : vector<16xi32>
      %shift_right_arithmetic3A_2400 = arith.constant 1 : i32
      %shift_right_arithmetic3A_2401 = vector.broadcast %shift_right_arithmetic3A_2400 : i32 to vector<16xi32>
      %shift_right_arithmetic3A_2402 = arith.shrsi %add3A_2391, %shift_right_arithmetic3A_2401 : vector<16xi32>
      %and3A_2403 = arith.constant 1 : i32
      %and3A_2404 = vector.broadcast %and3A_2403 : i32 to vector<16xi32>
      %and3A_2405 = arith.andi %add3A_2391, %and3A_2404 : vector<16xi32>
      %mul3A_2406 = arith.muli %and3A_2405, %broadcast_in_dim3A_588 : vector<16xi32>
      %add3A_2407 = arith.addi %shift_right_arithmetic3A_2402, %mul3A_2406 : vector<16xi32>
      %add3A_2408 = arith.constant 44 : i32
      %add3A_2409 = vector.broadcast %add3A_2408 : i32 to vector<16xi32>
      %add3A_2410 = arith.addi %mul3A_572, %add3A_2409 : vector<16xi32>
      tpu.vector_store_idx %arg7[%add3A_2410], %add3A_2399 : memref<3328xi32, #tpu.memory_space<vmem>>[vector<16xi32>], vector<16xi32>,
      %add3A_2411 = arith.constant 96 : i32
      %add3A_2412 = vector.broadcast %add3A_2411 : i32 to vector<16xi32>
      %add3A_2413 = arith.addi %mul3A_572, %add3A_2412 : vector<16xi32>
      tpu.vector_store_idx %arg7[%add3A_2413], %add3A_2407 : memref<3328xi32, #tpu.memory_space<vmem>>[vector<16xi32>], vector<16xi32>,
      %mul3A_2414 = arith.mulf %sub3A_565, %sub3A_361 : vector<16xf32>
      %mul3A_2415 = arith.mulf %sub3A_565, %sub3A_343 : vector<16xf32>
      %mul3A_2416 = arith.mulf %sub3A_553, %sub3A_361 : vector<16xf32>
      %mul3A_2417 = arith.mulf %sub3A_553, %sub3A_343 : vector<16xf32>
      %add3A_2418 = arith.constant 44 : i32
      %add3A_2419 = vector.broadcast %add3A_2418 : i32 to vector<16xi32>
      %add3A_2420 = arith.addi %mul3A_579, %add3A_2419 : vector<16xi32>
      tpu.vector_store_idx %arg8[%add3A_2420], %mul3A_2414 : memref<7168xf32, #tpu.memory_space<vmem>>[vector<16xi32>], vector<16xf32>,
      %add3A_2421 = arith.constant 100 : i32
      %add3A_2422 = vector.broadcast %add3A_2421 : i32 to vector<16xi32>
      %add3A_2423 = arith.addi %mul3A_579, %add3A_2422 : vector<16xi32>
      tpu.vector_store_idx %arg8[%add3A_2423], %mul3A_2415 : memref<7168xf32, #tpu.memory_space<vmem>>[vector<16xi32>], vector<16xf32>,
      %add3A_2424 = arith.constant 156 : i32
      %add3A_2425 = vector.broadcast %add3A_2424 : i32 to vector<16xi32>
      %add3A_2426 = arith.addi %mul3A_579, %add3A_2425 : vector<16xi32>
      tpu.vector_store_idx %arg8[%add3A_2426], %mul3A_2416 : memref<7168xf32, #tpu.memory_space<vmem>>[vector<16xi32>], vector<16xf32>,
      %add3A_2427 = arith.constant 212 : i32
      %add3A_2428 = vector.broadcast %add3A_2427 : i32 to vector<16xi32>
      %add3A_2429 = arith.addi %mul3A_579, %add3A_2428 : vector<16xi32>
      tpu.vector_store_idx %arg8[%add3A_2429], %mul3A_2417 : memref<7168xf32, #tpu.memory_space<vmem>>[vector<16xi32>], vector<16xf32>,
      %add3A_2430 = arith.addi %add3A_556, %min3A_391 : vector<16xi32>
      %add3A_2431 = arith.addi %add3A_562, %min3A_391 : vector<16xi32>
      %shift_right_arithmetic3A_2432 = arith.constant 1 : i32
      %shift_right_arithmetic3A_2433 = vector.broadcast %shift_right_arithmetic3A_2432 : i32 to vector<16xi32>
      %shift_right_arithmetic3A_2434 = arith.shrsi %add3A_2430, %shift_right_arithmetic3A_2433 : vector<16xi32>
      %and3A_2435 = arith.constant 1 : i32
      %and3A_2436 = vector.broadcast %and3A_2435 : i32 to vector<16xi32>
      %and3A_2437 = arith.andi %add3A_2430, %and3A_2436 : vector<16xi32>
      %mul3A_2438 = arith.muli %and3A_2437, %broadcast_in_dim3A_588 : vector<16xi32>
      %add3A_2439 = arith.addi %shift_right_arithmetic3A_2434, %mul3A_2438 : vector<16xi32>
      %shift_right_arithmetic3A_2440 = arith.constant 1 : i32
      %shift_right_arithmetic3A_2441 = vector.broadcast %shift_right_arithmetic3A_2440 : i32 to vector<16xi32>
      %shift_right_arithmetic3A_2442 = arith.shrsi %add3A_2431, %shift_right_arithmetic3A_2441 : vector<16xi32>
      %and3A_2443 = arith.constant 1 : i32
      %and3A_2444 = vector.broadcast %and3A_2443 : i32 to vector<16xi32>
      %and3A_2445 = arith.andi %add3A_2431, %and3A_2444 : vector<16xi32>
      %mul3A_2446 = arith.muli %and3A_2445, %broadcast_in_dim3A_588 : vector<16xi32>
      %add3A_2447 = arith.addi %shift_right_arithmetic3A_2442, %mul3A_2446 : vector<16xi32>
      %add3A_2448 = arith.constant 45 : i32
      %add3A_2449 = vector.broadcast %add3A_2448 : i32 to vector<16xi32>
      %add3A_2450 = arith.addi %mul3A_572, %add3A_2449 : vector<16xi32>
      tpu.vector_store_idx %arg7[%add3A_2450], %add3A_2439 : memref<3328xi32, #tpu.memory_space<vmem>>[vector<16xi32>], vector<16xi32>,
      %add3A_2451 = arith.constant 97 : i32
      %add3A_2452 = vector.broadcast %add3A_2451 : i32 to vector<16xi32>
      %add3A_2453 = arith.addi %mul3A_572, %add3A_2452 : vector<16xi32>
      tpu.vector_store_idx %arg7[%add3A_2453], %add3A_2447 : memref<3328xi32, #tpu.memory_space<vmem>>[vector<16xi32>], vector<16xi32>,
      %mul3A_2454 = arith.mulf %sub3A_565, %sub3A_407 : vector<16xf32>
      %mul3A_2455 = arith.mulf %sub3A_565, %sub3A_389 : vector<16xf32>
      %mul3A_2456 = arith.mulf %sub3A_553, %sub3A_407 : vector<16xf32>
      %mul3A_2457 = arith.mulf %sub3A_553, %sub3A_389 : vector<16xf32>
      %add3A_2458 = arith.constant 45 : i32
      %add3A_2459 = vector.broadcast %add3A_2458 : i32 to vector<16xi32>
      %add3A_2460 = arith.addi %mul3A_579, %add3A_2459 : vector<16xi32>
      tpu.vector_store_idx %arg8[%add3A_2460], %mul3A_2454 : memref<7168xf32, #tpu.memory_space<vmem>>[vector<16xi32>], vector<16xf32>,
      %add3A_2461 = arith.constant 101 : i32
      %add3A_2462 = vector.broadcast %add3A_2461 : i32 to vector<16xi32>
      %add3A_2463 = arith.addi %mul3A_579, %add3A_2462 : vector<16xi32>
      tpu.vector_store_idx %arg8[%add3A_2463], %mul3A_2455 : memref<7168xf32, #tpu.memory_space<vmem>>[vector<16xi32>], vector<16xf32>,
      %add3A_2464 = arith.constant 157 : i32
      %add3A_2465 = vector.broadcast %add3A_2464 : i32 to vector<16xi32>
      %add3A_2466 = arith.addi %mul3A_579, %add3A_2465 : vector<16xi32>
      tpu.vector_store_idx %arg8[%add3A_2466], %mul3A_2456 : memref<7168xf32, #tpu.memory_space<vmem>>[vector<16xi32>], vector<16xf32>,
      %add3A_2467 = arith.constant 213 : i32
      %add3A_2468 = vector.broadcast %add3A_2467 : i32 to vector<16xi32>
      %add3A_2469 = arith.addi %mul3A_579, %add3A_2468 : vector<16xi32>
      tpu.vector_store_idx %arg8[%add3A_2469], %mul3A_2457 : memref<7168xf32, #tpu.memory_space<vmem>>[vector<16xi32>], vector<16xf32>,
      %add3A_2470 = arith.addi %add3A_556, %min3A_437 : vector<16xi32>
      %add3A_2471 = arith.addi %add3A_562, %min3A_437 : vector<16xi32>
      %shift_right_arithmetic3A_2472 = arith.constant 1 : i32
      %shift_right_arithmetic3A_2473 = vector.broadcast %shift_right_arithmetic3A_2472 : i32 to vector<16xi32>
      %shift_right_arithmetic3A_2474 = arith.shrsi %add3A_2470, %shift_right_arithmetic3A_2473 : vector<16xi32>
      %and3A_2475 = arith.constant 1 : i32
      %and3A_2476 = vector.broadcast %and3A_2475 : i32 to vector<16xi32>
      %and3A_2477 = arith.andi %add3A_2470, %and3A_2476 : vector<16xi32>
      %mul3A_2478 = arith.muli %and3A_2477, %broadcast_in_dim3A_588 : vector<16xi32>
      %add3A_2479 = arith.addi %shift_right_arithmetic3A_2474, %mul3A_2478 : vector<16xi32>
      %shift_right_arithmetic3A_2480 = arith.constant 1 : i32
      %shift_right_arithmetic3A_2481 = vector.broadcast %shift_right_arithmetic3A_2480 : i32 to vector<16xi32>
      %shift_right_arithmetic3A_2482 = arith.shrsi %add3A_2471, %shift_right_arithmetic3A_2481 : vector<16xi32>
      %and3A_2483 = arith.constant 1 : i32
      %and3A_2484 = vector.broadcast %and3A_2483 : i32 to vector<16xi32>
      %and3A_2485 = arith.andi %add3A_2471, %and3A_2484 : vector<16xi32>
      %mul3A_2486 = arith.muli %and3A_2485, %broadcast_in_dim3A_588 : vector<16xi32>
      %add3A_2487 = arith.addi %shift_right_arithmetic3A_2482, %mul3A_2486 : vector<16xi32>
      %add3A_2488 = arith.constant 46 : i32
      %add3A_2489 = vector.broadcast %add3A_2488 : i32 to vector<16xi32>
      %add3A_2490 = arith.addi %mul3A_572, %add3A_2489 : vector<16xi32>
      tpu.vector_store_idx %arg7[%add3A_2490], %add3A_2479 : memref<3328xi32, #tpu.memory_space<vmem>>[vector<16xi32>], vector<16xi32>,
      %add3A_2491 = arith.constant 98 : i32
      %add3A_2492 = vector.broadcast %add3A_2491 : i32 to vector<16xi32>
      %add3A_2493 = arith.addi %mul3A_572, %add3A_2492 : vector<16xi32>
      tpu.vector_store_idx %arg7[%add3A_2493], %add3A_2487 : memref<3328xi32, #tpu.memory_space<vmem>>[vector<16xi32>], vector<16xi32>,
      %mul3A_2494 = arith.mulf %sub3A_565, %sub3A_453 : vector<16xf32>
      %mul3A_2495 = arith.mulf %sub3A_565, %sub3A_435 : vector<16xf32>
      %mul3A_2496 = arith.mulf %sub3A_553, %sub3A_453 : vector<16xf32>
      %mul3A_2497 = arith.mulf %sub3A_553, %sub3A_435 : vector<16xf32>
      %add3A_2498 = arith.constant 46 : i32
      %add3A_2499 = vector.broadcast %add3A_2498 : i32 to vector<16xi32>
      %add3A_2500 = arith.addi %mul3A_579, %add3A_2499 : vector<16xi32>
      tpu.vector_store_idx %arg8[%add3A_2500], %mul3A_2494 : memref<7168xf32, #tpu.memory_space<vmem>>[vector<16xi32>], vector<16xf32>,
      %add3A_2501 = arith.constant 102 : i32
      %add3A_2502 = vector.broadcast %add3A_2501 : i32 to vector<16xi32>
      %add3A_2503 = arith.addi %mul3A_579, %add3A_2502 : vector<16xi32>
      tpu.vector_store_idx %arg8[%add3A_2503], %mul3A_2495 : memref<7168xf32, #tpu.memory_space<vmem>>[vector<16xi32>], vector<16xf32>,
      %add3A_2504 = arith.constant 158 : i32
      %add3A_2505 = vector.broadcast %add3A_2504 : i32 to vector<16xi32>
      %add3A_2506 = arith.addi %mul3A_579, %add3A_2505 : vector<16xi32>
      tpu.vector_store_idx %arg8[%add3A_2506], %mul3A_2496 : memref<7168xf32, #tpu.memory_space<vmem>>[vector<16xi32>], vector<16xf32>,
      %add3A_2507 = arith.constant 214 : i32
      %add3A_2508 = vector.broadcast %add3A_2507 : i32 to vector<16xi32>
      %add3A_2509 = arith.addi %mul3A_579, %add3A_2508 : vector<16xi32>
      tpu.vector_store_idx %arg8[%add3A_2509], %mul3A_2497 : memref<7168xf32, #tpu.memory_space<vmem>>[vector<16xi32>], vector<16xf32>,
      %add3A_2510 = arith.addi %add3A_556, %min3A_483 : vector<16xi32>
      %add3A_2511 = arith.addi %add3A_562, %min3A_483 : vector<16xi32>
      %shift_right_arithmetic3A_2512 = arith.constant 1 : i32
      %shift_right_arithmetic3A_2513 = vector.broadcast %shift_right_arithmetic3A_2512 : i32 to vector<16xi32>
      %shift_right_arithmetic3A_2514 = arith.shrsi %add3A_2510, %shift_right_arithmetic3A_2513 : vector<16xi32>
      %and3A_2515 = arith.constant 1 : i32
      %and3A_2516 = vector.broadcast %and3A_2515 : i32 to vector<16xi32>
      %and3A_2517 = arith.andi %add3A_2510, %and3A_2516 : vector<16xi32>
      %mul3A_2518 = arith.muli %and3A_2517, %broadcast_in_dim3A_588 : vector<16xi32>
      %add3A_2519 = arith.addi %shift_right_arithmetic3A_2514, %mul3A_2518 : vector<16xi32>
      %shift_right_arithmetic3A_2520 = arith.constant 1 : i32
      %shift_right_arithmetic3A_2521 = vector.broadcast %shift_right_arithmetic3A_2520 : i32 to vector<16xi32>
      %shift_right_arithmetic3A_2522 = arith.shrsi %add3A_2511, %shift_right_arithmetic3A_2521 : vector<16xi32>
      %and3A_2523 = arith.constant 1 : i32
      %and3A_2524 = vector.broadcast %and3A_2523 : i32 to vector<16xi32>
      %and3A_2525 = arith.andi %add3A_2511, %and3A_2524 : vector<16xi32>
      %mul3A_2526 = arith.muli %and3A_2525, %broadcast_in_dim3A_588 : vector<16xi32>
      %add3A_2527 = arith.addi %shift_right_arithmetic3A_2522, %mul3A_2526 : vector<16xi32>
      %add3A_2528 = arith.constant 47 : i32
      %add3A_2529 = vector.broadcast %add3A_2528 : i32 to vector<16xi32>
      %add3A_2530 = arith.addi %mul3A_572, %add3A_2529 : vector<16xi32>
      tpu.vector_store_idx %arg7[%add3A_2530], %add3A_2519 : memref<3328xi32, #tpu.memory_space<vmem>>[vector<16xi32>], vector<16xi32>,
      %add3A_2531 = arith.constant 99 : i32
      %add3A_2532 = vector.broadcast %add3A_2531 : i32 to vector<16xi32>
      %add3A_2533 = arith.addi %mul3A_572, %add3A_2532 : vector<16xi32>
      tpu.vector_store_idx %arg7[%add3A_2533], %add3A_2527 : memref<3328xi32, #tpu.memory_space<vmem>>[vector<16xi32>], vector<16xi32>,
      %mul3A_2534 = arith.mulf %sub3A_565, %sub3A_499 : vector<16xf32>
      %mul3A_2535 = arith.mulf %sub3A_565, %sub3A_481 : vector<16xf32>
      %mul3A_2536 = arith.mulf %sub3A_553, %sub3A_499 : vector<16xf32>
      %mul3A_2537 = arith.mulf %sub3A_553, %sub3A_481 : vector<16xf32>
      %add3A_2538 = arith.constant 47 : i32
      %add3A_2539 = vector.broadcast %add3A_2538 : i32 to vector<16xi32>
      %add3A_2540 = arith.addi %mul3A_579, %add3A_2539 : vector<16xi32>
      tpu.vector_store_idx %arg8[%add3A_2540], %mul3A_2534 : memref<7168xf32, #tpu.memory_space<vmem>>[vector<16xi32>], vector<16xf32>,
      %add3A_2541 = arith.constant 103 : i32
      %add3A_2542 = vector.broadcast %add3A_2541 : i32 to vector<16xi32>
      %add3A_2543 = arith.addi %mul3A_579, %add3A_2542 : vector<16xi32>
      tpu.vector_store_idx %arg8[%add3A_2543], %mul3A_2535 : memref<7168xf32, #tpu.memory_space<vmem>>[vector<16xi32>], vector<16xf32>,
      %add3A_2544 = arith.constant 159 : i32
      %add3A_2545 = vector.broadcast %add3A_2544 : i32 to vector<16xi32>
      %add3A_2546 = arith.addi %mul3A_579, %add3A_2545 : vector<16xi32>
      tpu.vector_store_idx %arg8[%add3A_2546], %mul3A_2536 : memref<7168xf32, #tpu.memory_space<vmem>>[vector<16xi32>], vector<16xf32>,
      %add3A_2547 = arith.constant 215 : i32
      %add3A_2548 = vector.broadcast %add3A_2547 : i32 to vector<16xi32>
      %add3A_2549 = arith.addi %mul3A_579, %add3A_2548 : vector<16xi32>
      tpu.vector_store_idx %arg8[%add3A_2549], %mul3A_2537 : memref<7168xf32, #tpu.memory_space<vmem>>[vector<16xi32>], vector<16xf32>,
      %add3A_2550 = arith.addi %add3A_556, %min3A_529 : vector<16xi32>
      %add3A_2551 = arith.addi %add3A_562, %min3A_529 : vector<16xi32>
      %shift_right_arithmetic3A_2552 = arith.constant 1 : i32
      %shift_right_arithmetic3A_2553 = vector.broadcast %shift_right_arithmetic3A_2552 : i32 to vector<16xi32>
      %shift_right_arithmetic3A_2554 = arith.shrsi %add3A_2550, %shift_right_arithmetic3A_2553 : vector<16xi32>
      %and3A_2555 = arith.constant 1 : i32
      %and3A_2556 = vector.broadcast %and3A_2555 : i32 to vector<16xi32>
      %and3A_2557 = arith.andi %add3A_2550, %and3A_2556 : vector<16xi32>
      %mul3A_2558 = arith.muli %and3A_2557, %broadcast_in_dim3A_588 : vector<16xi32>
      %add3A_2559 = arith.addi %shift_right_arithmetic3A_2554, %mul3A_2558 : vector<16xi32>
      %shift_right_arithmetic3A_2560 = arith.constant 1 : i32
      %shift_right_arithmetic3A_2561 = vector.broadcast %shift_right_arithmetic3A_2560 : i32 to vector<16xi32>
      %shift_right_arithmetic3A_2562 = arith.shrsi %add3A_2551, %shift_right_arithmetic3A_2561 : vector<16xi32>
      %and3A_2563 = arith.constant 1 : i32
      %and3A_2564 = vector.broadcast %and3A_2563 : i32 to vector<16xi32>
      %and3A_2565 = arith.andi %add3A_2551, %and3A_2564 : vector<16xi32>
      %mul3A_2566 = arith.muli %and3A_2565, %broadcast_in_dim3A_588 : vector<16xi32>
      %add3A_2567 = arith.addi %shift_right_arithmetic3A_2562, %mul3A_2566 : vector<16xi32>
      %add3A_2568 = arith.constant 48 : i32
      %add3A_2569 = vector.broadcast %add3A_2568 : i32 to vector<16xi32>
      %add3A_2570 = arith.addi %mul3A_572, %add3A_2569 : vector<16xi32>
      tpu.vector_store_idx %arg7[%add3A_2570], %add3A_2559 : memref<3328xi32, #tpu.memory_space<vmem>>[vector<16xi32>], vector<16xi32>,
      %add3A_2571 = arith.constant 100 : i32
      %add3A_2572 = vector.broadcast %add3A_2571 : i32 to vector<16xi32>
      %add3A_2573 = arith.addi %mul3A_572, %add3A_2572 : vector<16xi32>
      tpu.vector_store_idx %arg7[%add3A_2573], %add3A_2567 : memref<3328xi32, #tpu.memory_space<vmem>>[vector<16xi32>], vector<16xi32>,
      %mul3A_2574 = arith.mulf %sub3A_565, %sub3A_545 : vector<16xf32>
      %mul3A_2575 = arith.mulf %sub3A_565, %sub3A_527 : vector<16xf32>
      %mul3A_2576 = arith.mulf %sub3A_553, %sub3A_545 : vector<16xf32>
      %mul3A_2577 = arith.mulf %sub3A_553, %sub3A_527 : vector<16xf32>
      %add3A_2578 = arith.constant 48 : i32
      %add3A_2579 = vector.broadcast %add3A_2578 : i32 to vector<16xi32>
      %add3A_2580 = arith.addi %mul3A_579, %add3A_2579 : vector<16xi32>
      tpu.vector_store_idx %arg8[%add3A_2580], %mul3A_2574 : memref<7168xf32, #tpu.memory_space<vmem>>[vector<16xi32>], vector<16xf32>,
      %add3A_2581 = arith.constant 104 : i32
      %add3A_2582 = vector.broadcast %add3A_2581 : i32 to vector<16xi32>
      %add3A_2583 = arith.addi %mul3A_579, %add3A_2582 : vector<16xi32>
      tpu.vector_store_idx %arg8[%add3A_2583], %mul3A_2575 : memref<7168xf32, #tpu.memory_space<vmem>>[vector<16xi32>], vector<16xf32>,
      %add3A_2584 = arith.constant 160 : i32
      %add3A_2585 = vector.broadcast %add3A_2584 : i32 to vector<16xi32>
      %add3A_2586 = arith.addi %mul3A_579, %add3A_2585 : vector<16xi32>
      tpu.vector_store_idx %arg8[%add3A_2586], %mul3A_2576 : memref<7168xf32, #tpu.memory_space<vmem>>[vector<16xi32>], vector<16xf32>,
      %add3A_2587 = arith.constant 216 : i32
      %add3A_2588 = vector.broadcast %add3A_2587 : i32 to vector<16xi32>
      %add3A_2589 = arith.addi %mul3A_579, %add3A_2588 : vector<16xi32>
      tpu.vector_store_idx %arg8[%add3A_2589], %mul3A_2577 : memref<7168xf32, #tpu.memory_space<vmem>>[vector<16xi32>], vector<16xf32>,
      %add3A_2590 = arith.constant 49 : i32
      %add3A_2591 = vector.broadcast %add3A_2590 : i32 to vector<16xi32>
      %add3A_2592 = arith.addi %mul3A_572, %add3A_2591 : vector<16xi32>
      tpu.vector_store_idx %arg7[%add3A_2592], %broadcast_in_dim3A_3 : memref<3328xi32, #tpu.memory_space<vmem>>[vector<16xi32>], vector<16xi32>,
      %add3A_2593 = arith.constant 101 : i32
      %add3A_2594 = vector.broadcast %add3A_2593 : i32 to vector<16xi32>
      %add3A_2595 = arith.addi %mul3A_572, %add3A_2594 : vector<16xi32>
      tpu.vector_store_idx %arg7[%add3A_2595], %broadcast_in_dim3A_3 : memref<3328xi32, #tpu.memory_space<vmem>>[vector<16xi32>], vector<16xi32>,
      %add3A_2596 = arith.constant 50 : i32
      %add3A_2597 = vector.broadcast %add3A_2596 : i32 to vector<16xi32>
      %add3A_2598 = arith.addi %mul3A_572, %add3A_2597 : vector<16xi32>
      tpu.vector_store_idx %arg7[%add3A_2598], %broadcast_in_dim3A_3 : memref<3328xi32, #tpu.memory_space<vmem>>[vector<16xi32>], vector<16xi32>,
      %add3A_2599 = arith.constant 102 : i32
      %add3A_2600 = vector.broadcast %add3A_2599 : i32 to vector<16xi32>
      %add3A_2601 = arith.addi %mul3A_572, %add3A_2600 : vector<16xi32>
      tpu.vector_store_idx %arg7[%add3A_2601], %broadcast_in_dim3A_3 : memref<3328xi32, #tpu.memory_space<vmem>>[vector<16xi32>], vector<16xi32>,
      %add3A_2602 = arith.constant 51 : i32
      %add3A_2603 = vector.broadcast %add3A_2602 : i32 to vector<16xi32>
      %add3A_2604 = arith.addi %mul3A_572, %add3A_2603 : vector<16xi32>
      tpu.vector_store_idx %arg7[%add3A_2604], %broadcast_in_dim3A_3 : memref<3328xi32, #tpu.memory_space<vmem>>[vector<16xi32>], vector<16xi32>,
      %add3A_2605 = arith.constant 103 : i32
      %add3A_2606 = vector.broadcast %add3A_2605 : i32 to vector<16xi32>
      %add3A_2607 = arith.addi %mul3A_572, %add3A_2606 : vector<16xi32>
      tpu.vector_store_idx %arg7[%add3A_2607], %broadcast_in_dim3A_3 : memref<3328xi32, #tpu.memory_space<vmem>>[vector<16xi32>], vector<16xi32>,
    }
    %scan3A_9 = arith.constant 2 : i32
    %broadcast_in_dim3A_10 = arith.constant 0 : i32
    %broadcast_in_dim3A_11 = vector.broadcast %broadcast_in_dim3A_10 : i32 to vector<16xi32>
    %mul3A_12 = arith.constant 2 : i32
    %mul3A_13 = vector.broadcast %mul3A_12 : i32 to vector<16xi32>
    %mul3A_14 = arith.muli %mul3A_13, %iota3A : vector<16xi32>
    %add3A_15 = arith.addi %broadcast_in_dim3A_11, %mul3A_14 : vector<16xi32>
    %mul3A_16 = arith.constant 49 : i32
    %mul3A_17 = vector.broadcast %mul3A_16 : i32 to vector<16xi32>
    %mul3A_18 = arith.muli %add3A_15, %mul3A_17 : vector<16xi32>
    %broadcast_in_dim3A_19 = arith.constant 32 : i32
    %broadcast_in_dim3A_20 = vector.broadcast %broadcast_in_dim3A_19 : i32 to vector<16xi32>
    %mul3A_21 = arith.constant 2 : i32
    %mul3A_22 = vector.broadcast %mul3A_21 : i32 to vector<16xi32>
    %mul3A_23 = arith.muli %mul3A_22, %iota3A : vector<16xi32>
    %add3A_24 = arith.addi %broadcast_in_dim3A_20, %mul3A_23 : vector<16xi32>
    %mul3A_25 = arith.constant 49 : i32
    %mul3A_26 = vector.broadcast %mul3A_25 : i32 to vector<16xi32>
    %mul3A_27 = arith.muli %add3A_24, %mul3A_26 : vector<16xi32>
    %broadcast_in_dim3A_28 = arith.constant 64 : i32
    %broadcast_in_dim3A_29 = vector.broadcast %broadcast_in_dim3A_28 : i32 to vector<16xi32>
    %mul3A_30 = arith.constant 2 : i32
    %mul3A_31 = vector.broadcast %mul3A_30 : i32 to vector<16xi32>
    %mul3A_32 = arith.muli %mul3A_31, %iota3A : vector<16xi32>
    %add3A_33 = arith.addi %broadcast_in_dim3A_29, %mul3A_32 : vector<16xi32>
    %mul3A_34 = arith.constant 49 : i32
    %mul3A_35 = vector.broadcast %mul3A_34 : i32 to vector<16xi32>
    %mul3A_36 = arith.muli %add3A_33, %mul3A_35 : vector<16xi32>
    %broadcast_in_dim3A_37 = arith.constant 96 : i32
    %broadcast_in_dim3A_38 = vector.broadcast %broadcast_in_dim3A_37 : i32 to vector<16xi32>
    %mul3A_39 = arith.constant 2 : i32
    %mul3A_40 = vector.broadcast %mul3A_39 : i32 to vector<16xi32>
    %mul3A_41 = arith.muli %mul3A_40, %iota3A : vector<16xi32>
    %add3A_42 = arith.addi %broadcast_in_dim3A_38, %mul3A_41 : vector<16xi32>
    %mul3A_43 = arith.constant 49 : i32
    %mul3A_44 = vector.broadcast %mul3A_43 : i32 to vector<16xi32>
    %mul3A_45 = arith.muli %add3A_42, %mul3A_44 : vector<16xi32>
    %broadcast_in_dim3A_46 = arith.constant 128 : i32
    %broadcast_in_dim3A_47 = vector.broadcast %broadcast_in_dim3A_46 : i32 to vector<16xi32>
    %mul3A_48 = arith.constant 2 : i32
    %mul3A_49 = vector.broadcast %mul3A_48 : i32 to vector<16xi32>
    %mul3A_50 = arith.muli %mul3A_49, %iota3A : vector<16xi32>
    %add3A_51 = arith.addi %broadcast_in_dim3A_47, %mul3A_50 : vector<16xi32>
    %mul3A_52 = arith.constant 49 : i32
    %mul3A_53 = vector.broadcast %mul3A_52 : i32 to vector<16xi32>
    %mul3A_54 = arith.muli %add3A_51, %mul3A_53 : vector<16xi32>
    %broadcast_in_dim3A_55 = arith.constant 160 : i32
    %broadcast_in_dim3A_56 = vector.broadcast %broadcast_in_dim3A_55 : i32 to vector<16xi32>
    %mul3A_57 = arith.constant 2 : i32
    %mul3A_58 = vector.broadcast %mul3A_57 : i32 to vector<16xi32>
    %mul3A_59 = arith.muli %mul3A_58, %iota3A : vector<16xi32>
    %add3A_60 = arith.addi %broadcast_in_dim3A_56, %mul3A_59 : vector<16xi32>
    %mul3A_61 = arith.constant 49 : i32
    %mul3A_62 = vector.broadcast %mul3A_61 : i32 to vector<16xi32>
    %mul3A_63 = arith.muli %add3A_60, %mul3A_62 : vector<16xi32>
    %broadcast_in_dim3A_64 = arith.constant 192 : i32
    %broadcast_in_dim3A_65 = vector.broadcast %broadcast_in_dim3A_64 : i32 to vector<16xi32>
    %mul3A_66 = arith.constant 2 : i32
    %mul3A_67 = vector.broadcast %mul3A_66 : i32 to vector<16xi32>
    %mul3A_68 = arith.muli %mul3A_67, %iota3A : vector<16xi32>
    %add3A_69 = arith.addi %broadcast_in_dim3A_65, %mul3A_68 : vector<16xi32>
    %mul3A_70 = arith.constant 49 : i32
    %mul3A_71 = vector.broadcast %mul3A_70 : i32 to vector<16xi32>
    %mul3A_72 = arith.muli %add3A_69, %mul3A_71 : vector<16xi32>
    %broadcast_in_dim3A_73 = arith.constant 224 : i32
    %broadcast_in_dim3A_74 = vector.broadcast %broadcast_in_dim3A_73 : i32 to vector<16xi32>
    %mul3A_75 = arith.constant 2 : i32
    %mul3A_76 = vector.broadcast %mul3A_75 : i32 to vector<16xi32>
    %mul3A_77 = arith.muli %mul3A_76, %iota3A : vector<16xi32>
    %add3A_78 = arith.addi %broadcast_in_dim3A_74, %mul3A_77 : vector<16xi32>
    %mul3A_79 = arith.constant 49 : i32
    %mul3A_80 = vector.broadcast %mul3A_79 : i32 to vector<16xi32>
    %mul3A_81 = arith.muli %add3A_78, %mul3A_80 : vector<16xi32>
    %broadcast_in_dim3A_82 = arith.constant 1 : i32
    %broadcast_in_dim3A_83 = vector.broadcast %broadcast_in_dim3A_82 : i32 to vector<16xi32>
    %mul3A_84 = arith.constant 2 : i32
    %mul3A_85 = vector.broadcast %mul3A_84 : i32 to vector<16xi32>
    %mul3A_86 = arith.muli %mul3A_85, %iota3A : vector<16xi32>
    %add3A_87 = arith.addi %broadcast_in_dim3A_83, %mul3A_86 : vector<16xi32>
    %mul3A_88 = arith.constant 49 : i32
    %mul3A_89 = vector.broadcast %mul3A_88 : i32 to vector<16xi32>
    %mul3A_90 = arith.muli %add3A_87, %mul3A_89 : vector<16xi32>
    %broadcast_in_dim3A_91 = arith.constant 33 : i32
    %broadcast_in_dim3A_92 = vector.broadcast %broadcast_in_dim3A_91 : i32 to vector<16xi32>
    %mul3A_93 = arith.constant 2 : i32
    %mul3A_94 = vector.broadcast %mul3A_93 : i32 to vector<16xi32>
    %mul3A_95 = arith.muli %mul3A_94, %iota3A : vector<16xi32>
    %add3A_96 = arith.addi %broadcast_in_dim3A_92, %mul3A_95 : vector<16xi32>
    %mul3A_97 = arith.constant 49 : i32
    %mul3A_98 = vector.broadcast %mul3A_97 : i32 to vector<16xi32>
    %mul3A_99 = arith.muli %add3A_96, %mul3A_98 : vector<16xi32>
    %broadcast_in_dim3A_100 = arith.constant 65 : i32
    %broadcast_in_dim3A_101 = vector.broadcast %broadcast_in_dim3A_100 : i32 to vector<16xi32>
    %mul3A_102 = arith.constant 2 : i32
    %mul3A_103 = vector.broadcast %mul3A_102 : i32 to vector<16xi32>
    %mul3A_104 = arith.muli %mul3A_103, %iota3A : vector<16xi32>
    %add3A_105 = arith.addi %broadcast_in_dim3A_101, %mul3A_104 : vector<16xi32>
    %mul3A_106 = arith.constant 49 : i32
    %mul3A_107 = vector.broadcast %mul3A_106 : i32 to vector<16xi32>
    %mul3A_108 = arith.muli %add3A_105, %mul3A_107 : vector<16xi32>
    %broadcast_in_dim3A_109 = arith.constant 97 : i32
    %broadcast_in_dim3A_110 = vector.broadcast %broadcast_in_dim3A_109 : i32 to vector<16xi32>
    %mul3A_111 = arith.constant 2 : i32
    %mul3A_112 = vector.broadcast %mul3A_111 : i32 to vector<16xi32>
    %mul3A_113 = arith.muli %mul3A_112, %iota3A : vector<16xi32>
    %add3A_114 = arith.addi %broadcast_in_dim3A_110, %mul3A_113 : vector<16xi32>
    %mul3A_115 = arith.constant 49 : i32
    %mul3A_116 = vector.broadcast %mul3A_115 : i32 to vector<16xi32>
    %mul3A_117 = arith.muli %add3A_114, %mul3A_116 : vector<16xi32>
    %broadcast_in_dim3A_118 = arith.constant 129 : i32
    %broadcast_in_dim3A_119 = vector.broadcast %broadcast_in_dim3A_118 : i32 to vector<16xi32>
    %mul3A_120 = arith.constant 2 : i32
    %mul3A_121 = vector.broadcast %mul3A_120 : i32 to vector<16xi32>
    %mul3A_122 = arith.muli %mul3A_121, %iota3A : vector<16xi32>
    %add3A_123 = arith.addi %broadcast_in_dim3A_119, %mul3A_122 : vector<16xi32>
    %mul3A_124 = arith.constant 49 : i32
    %mul3A_125 = vector.broadcast %mul3A_124 : i32 to vector<16xi32>
    %mul3A_126 = arith.muli %add3A_123, %mul3A_125 : vector<16xi32>
    %broadcast_in_dim3A_127 = arith.constant 161 : i32
    %broadcast_in_dim3A_128 = vector.broadcast %broadcast_in_dim3A_127 : i32 to vector<16xi32>
    %mul3A_129 = arith.constant 2 : i32
    %mul3A_130 = vector.broadcast %mul3A_129 : i32 to vector<16xi32>
    %mul3A_131 = arith.muli %mul3A_130, %iota3A : vector<16xi32>
    %add3A_132 = arith.addi %broadcast_in_dim3A_128, %mul3A_131 : vector<16xi32>
    %mul3A_133 = arith.constant 49 : i32
    %mul3A_134 = vector.broadcast %mul3A_133 : i32 to vector<16xi32>
    %mul3A_135 = arith.muli %add3A_132, %mul3A_134 : vector<16xi32>
    %broadcast_in_dim3A_136 = arith.constant 193 : i32
    %broadcast_in_dim3A_137 = vector.broadcast %broadcast_in_dim3A_136 : i32 to vector<16xi32>
    %mul3A_138 = arith.constant 2 : i32
    %mul3A_139 = vector.broadcast %mul3A_138 : i32 to vector<16xi32>
    %mul3A_140 = arith.muli %mul3A_139, %iota3A : vector<16xi32>
    %add3A_141 = arith.addi %broadcast_in_dim3A_137, %mul3A_140 : vector<16xi32>
    %mul3A_142 = arith.constant 49 : i32
    %mul3A_143 = vector.broadcast %mul3A_142 : i32 to vector<16xi32>
    %mul3A_144 = arith.muli %add3A_141, %mul3A_143 : vector<16xi32>
    %broadcast_in_dim3A_145 = arith.constant 225 : i32
    %broadcast_in_dim3A_146 = vector.broadcast %broadcast_in_dim3A_145 : i32 to vector<16xi32>
    %mul3A_147 = arith.constant 2 : i32
    %mul3A_148 = vector.broadcast %mul3A_147 : i32 to vector<16xi32>
    %mul3A_149 = arith.muli %mul3A_148, %iota3A : vector<16xi32>
    %add3A_150 = arith.addi %broadcast_in_dim3A_146, %mul3A_149 : vector<16xi32>
    %mul3A_151 = arith.constant 49 : i32
    %mul3A_152 = vector.broadcast %mul3A_151 : i32 to vector<16xi32>
    %mul3A_153 = arith.muli %add3A_150, %mul3A_152 : vector<16xi32>
    %dma_start3A = arith.constant 0 : i32
    %dma_start3A_154 = tpu.memref_slice %arg7[%dma_start3A] : memref<3328xi32, #tpu.memory_space<vmem>> -> memref<104xi32, #tpu.memory_space<vmem>>
    %dma_start3A_155 = arith.constant 0 : i32
    %dma_start3A_156 = arith.constant 0 : i32
    %dma_start3A_157 = tpu.memref_slice %arg2[%dma_start3A_155, %dma_start3A_156] : memref<43520x256xi32, #tpu.memory_space<hbm>> -> memref<43520x256xi32, #tpu.memory_space<hbm>>
    tpu.enqueue_indirect_dma source(%dma_start3A_157 : memref<43520x256xi32, #tpu.memory_space<hbm>>) target(%arg10 : memref<104x256xi32, #tpu.memory_space<vmem>>) offsets(%dma_start3A_154 : memref<104xi32, #tpu.memory_space<vmem>>) semaphore(%arg13 : memref<!tpu.dma_semaphore, #tpu.memory_space<semaphore_mem>>)
    %scan3A_158 = arith.constant 0 : i32
    %scan3A_159 = arith.constant 16 : i32
    %scan3A_160 = arith.addi %scan3A_158, %scan3A_159 : i32
    %scan3A_161 = arith.constant 1 : i32
    scf.for %scan3A_168 = %scan3A_158 to %scan3A_160 step %scan3A_161  : i32 {
      %mul3A_169 = arith.constant 2 : i32
      %mul3A_170 = arith.muli %scan3A_168, %mul3A_169 : i32
      %add3A_171 = arith.constant 0 : i32
      %add3A_172 = arith.addi %add3A_171, %mul3A_170 : i32
      %add3A_173 = arith.constant 1 : i32
      %add3A_174 = arith.addi %add3A_172, %add3A_173 : i32
      %mul3A_175 = arith.constant 104 : i32
      %mul3A_176 = arith.muli %add3A_174, %mul3A_175 : i32
      %dma_start3A_177 = tpu.memref_slice %arg7[%mul3A_176] : memref<3328xi32, #tpu.memory_space<vmem>> -> memref<104xi32, #tpu.memory_space<vmem>>
      %dma_start3A_178 = arith.constant 0 : i32
      %dma_start3A_179 = arith.constant 0 : i32
      %dma_start3A_180 = tpu.memref_slice %arg2[%dma_start3A_178, %dma_start3A_179] : memref<43520x256xi32, #tpu.memory_space<hbm>> -> memref<43520x256xi32, #tpu.memory_space<hbm>>
      tpu.enqueue_indirect_dma source(%dma_start3A_180 : memref<43520x256xi32, #tpu.memory_space<hbm>>) target(%arg11 : memref<104x256xi32, #tpu.memory_space<vmem>>) offsets(%dma_start3A_177 : memref<104xi32, #tpu.memory_space<vmem>>) semaphore(%arg14 : memref<!tpu.dma_semaphore, #tpu.memory_space<semaphore_mem>>)
      %dma_wait3A_181 = arith.constant 0 : i32
      %dma_wait3A_182 = arith.constant 0 : i32
      %dma_wait3A_183 = tpu.memref_slice %arg2[%dma_wait3A_181, %dma_wait3A_182] : memref<43520x256xi32, #tpu.memory_space<hbm>> -> memref<104x256xi32, #tpu.memory_space<hbm>>
      %dma_wait3A_184 = arith.constant 0 : i32
      %dma_wait3A_185 = arith.constant 0 : i32
      %dma_wait3A_186 = tpu.memref_slice %arg2[%dma_wait3A_184, %dma_wait3A_185] : memref<43520x256xi32, #tpu.memory_space<hbm>> -> memref<104x256xi32, #tpu.memory_space<hbm>>
      tpu.wait_dma2 semaphore(%arg13 : memref<!tpu.dma_semaphore, #tpu.memory_space<semaphore_mem>>) src(%dma_wait3A_186 : memref<104x256xi32, #tpu.memory_space<hbm>>) dst(%arg10 : memref<104x256xi32, #tpu.memory_space<vmem>>)
      %mul3A_187 = arith.constant 224 : i32
      %mul3A_188 = arith.muli %add3A_172, %mul3A_187 : i32
      %broadcast_in_dim3A_189 = vector.broadcast %mul3A_188 : i32 to vector<16xi32>
      %mul3A_190 = arith.constant 128 : i32
      %mul3A_191 = arith.muli %add3A_172, %mul3A_190 : i32
      %broadcast_in_dim3A_192 = vector.broadcast %mul3A_191 : i32 to vector<16xi32>
      %scan3A_193 = arith.constant 0 : i32
      %scan3A_194 = arith.constant 49 : i32
      %scan3A_195 = arith.addi %scan3A_193, %scan3A_194 : i32
      %scan3A_196 = arith.constant 1 : i32
      scf.for %scan3A_230 = %scan3A_193 to %scan3A_195 step %scan3A_196  : i32 {
        %mul3A_231 = arith.constant 1 : i32
        %mul3A_232 = arith.muli %scan3A_230, %mul3A_231 : i32
        %add3A_233 = arith.constant 0 : i32
        %add3A_234 = arith.addi %add3A_233, %mul3A_232 : i32
        %add3A_235 = vector.broadcast %add3A_234 : i32 to vector<16xi32>
        %add3A_236 = arith.addi %broadcast_in_dim3A_189, %add3A_235 : vector<16xi32>
        %gather3A = tpu.vector_load_idx %arg8[%add3A_236] : memref<7168xf32, #tpu.memory_space<vmem>>[vector<16xi32>], vector<16xf32>,
        %add3A_237 = arith.constant 56 : i32
        %add3A_238 = vector.broadcast %add3A_237 : i32 to vector<16xi32>
        %add3A_239 = arith.addi %add3A_236, %add3A_238 : vector<16xi32>
        %gather3A_240 = tpu.vector_load_idx %arg8[%add3A_239] : memref<7168xf32, #tpu.memory_space<vmem>>[vector<16xi32>], vector<16xf32>,
        %add3A_241 = arith.constant 112 : i32
        %add3A_242 = vector.broadcast %add3A_241 : i32 to vector<16xi32>
        %add3A_243 = arith.addi %add3A_236, %add3A_242 : vector<16xi32>
        %gather3A_244 = tpu.vector_load_idx %arg8[%add3A_243] : memref<7168xf32, #tpu.memory_space<vmem>>[vector<16xi32>], vector<16xf32>,
        %add3A_245 = arith.constant 168 : i32
        %add3A_246 = vector.broadcast %add3A_245 : i32 to vector<16xi32>
        %add3A_247 = arith.addi %add3A_236, %add3A_246 : vector<16xi32>
        %gather3A_248 = tpu.vector_load_idx %arg8[%add3A_247] : memref<7168xf32, #tpu.memory_space<vmem>>[vector<16xi32>], vector<16xf32>,
        %rem3A = arith.constant 7 : i32
        %rem3A_249 = arith.remsi %add3A_234, %rem3A : i32
        %add3A_250 = vector.broadcast %rem3A_249 : i32 to vector<16xi32>
        %add3A_251 = arith.addi %broadcast_in_dim3A_192, %add3A_250 : vector<16xi32>
        %gather3A_252 = tpu.vector_load_idx %arg9[%add3A_251] : memref<4096xi32, #tpu.memory_space<vmem>>[vector<16xi32>], vector<16xi32>,
        %add3A_253 = arith.addi %gather3A_252, %iota3A : vector<16xi32>
        %add3A_254 = arith.constant 64 : i32
        %add3A_255 = arith.addi %add3A_254, %rem3A_249 : i32
        %add3A_256 = vector.broadcast %add3A_255 : i32 to vector<16xi32>
        %add3A_257 = arith.addi %broadcast_in_dim3A_192, %add3A_256 : vector<16xi32>
        %gather3A_258 = tpu.vector_load_idx %arg9[%add3A_257] : memref<4096xi32, #tpu.memory_space<vmem>>[vector<16xi32>], vector<16xi32>,
        %add3A_259 = arith.addi %gather3A_258, %iota3A : vector<16xi32>
        %broadcast_in_dim3A_260 = vector.broadcast %add3A_234 : i32 to vector<16xi32>
        %add3A_261 = arith.constant 52 : i32
        %add3A_262 = arith.addi %add3A_261, %add3A_234 : i32
        %broadcast_in_dim3A_263 = vector.broadcast %add3A_262 : i32 to vector<16xi32>
        %add3A_264 = arith.constant 0 : i32
        %add3A_265 = vector.broadcast %add3A_264 : i32 to vector<16xi32>
        %add3A_266 = arith.addi %add3A_253, %add3A_265 : vector<16xi32>
        %gather3A_267 = tpu.vector_load_idx %arg10[%broadcast_in_dim3A_260, %add3A_266] : memref<104x256xi32, #tpu.memory_space<vmem>>[vector<16xi32>, vector<16xi32>], vector<16xi32>,
        %add3A_268 = arith.constant 0 : i32
        %add3A_269 = vector.broadcast %add3A_268 : i32 to vector<16xi32>
        %add3A_270 = arith.addi %add3A_259, %add3A_269 : vector<16xi32>
        %gather3A_271 = tpu.vector_load_idx %arg10[%broadcast_in_dim3A_260, %add3A_270] : memref<104x256xi32, #tpu.memory_space<vmem>>[vector<16xi32>, vector<16xi32>], vector<16xi32>,
        %add3A_272 = arith.constant 0 : i32
        %add3A_273 = vector.broadcast %add3A_272 : i32 to vector<16xi32>
        %add3A_274 = arith.addi %add3A_253, %add3A_273 : vector<16xi32>
        %gather3A_275 = tpu.vector_load_idx %arg10[%broadcast_in_dim3A_263, %add3A_274] : memref<104x256xi32, #tpu.memory_space<vmem>>[vector<16xi32>, vector<16xi32>], vector<16xi32>,
        %add3A_276 = arith.constant 0 : i32
        %add3A_277 = vector.broadcast %add3A_276 : i32 to vector<16xi32>
        %add3A_278 = arith.addi %add3A_259, %add3A_277 : vector<16xi32>
        %gather3A_279 = tpu.vector_load_idx %arg10[%broadcast_in_dim3A_263, %add3A_278] : memref<104x256xi32, #tpu.memory_space<vmem>>[vector<16xi32>, vector<16xi32>], vector<16xi32>,
        %bitcast3A = vector.bitcast %gather3A_267 : vector<16xi32> to vector<32xbf16>
        %unpack3A = tpu.unpack_subelements %bitcast3A, 0 {pack_format = #tpu.pack_format<interleaved>} : vector<32xbf16> -> vector<16xf32>
        %unpack3A_280 = tpu.unpack_subelements %bitcast3A, 1 {pack_format = #tpu.pack_format<interleaved>} : vector<32xbf16> -> vector<16xf32>
        %bitcast3A_281 = vector.bitcast %gather3A_271 : vector<16xi32> to vector<32xbf16>
        %unpack3A_282 = tpu.unpack_subelements %bitcast3A_281, 0 {pack_format = #tpu.pack_format<interleaved>} : vector<32xbf16> -> vector<16xf32>
        %unpack3A_283 = tpu.unpack_subelements %bitcast3A_281, 1 {pack_format = #tpu.pack_format<interleaved>} : vector<32xbf16> -> vector<16xf32>
        %bitcast3A_284 = vector.bitcast %gather3A_275 : vector<16xi32> to vector<32xbf16>
        %unpack3A_285 = tpu.unpack_subelements %bitcast3A_284, 0 {pack_format = #tpu.pack_format<interleaved>} : vector<32xbf16> -> vector<16xf32>
        %unpack3A_286 = tpu.unpack_subelements %bitcast3A_284, 1 {pack_format = #tpu.pack_format<interleaved>} : vector<32xbf16> -> vector<16xf32>
        %bitcast3A_287 = vector.bitcast %gather3A_279 : vector<16xi32> to vector<32xbf16>
        %unpack3A_288 = tpu.unpack_subelements %bitcast3A_287, 0 {pack_format = #tpu.pack_format<interleaved>} : vector<32xbf16> -> vector<16xf32>
        %unpack3A_289 = tpu.unpack_subelements %bitcast3A_287, 1 {pack_format = #tpu.pack_format<interleaved>} : vector<32xbf16> -> vector<16xf32>
        %mul3A_290 = arith.mulf %unpack3A, %gather3A : vector<16xf32>
        %mul3A_291 = arith.mulf %unpack3A_282, %gather3A_240 : vector<16xf32>
        %add3A_292 = arith.addf %mul3A_290, %mul3A_291 : vector<16xf32>
        %mul3A_293 = arith.mulf %unpack3A_285, %gather3A_244 : vector<16xf32>
        %add3A_294 = arith.addf %add3A_292, %mul3A_293 : vector<16xf32>
        %mul3A_295 = arith.mulf %unpack3A_288, %gather3A_248 : vector<16xf32>
        %add3A_296 = arith.addf %add3A_294, %mul3A_295 : vector<16xf32>
        %mul3A_297 = arith.mulf %unpack3A_280, %gather3A : vector<16xf32>
        %mul3A_298 = arith.mulf %unpack3A_283, %gather3A_240 : vector<16xf32>
        %add3A_299 = arith.addf %mul3A_297, %mul3A_298 : vector<16xf32>
        %mul3A_300 = arith.mulf %unpack3A_286, %gather3A_244 : vector<16xf32>
        %add3A_301 = arith.addf %add3A_299, %mul3A_300 : vector<16xf32>
        %mul3A_302 = arith.mulf %unpack3A_289, %gather3A_248 : vector<16xf32>
        %add3A_303 = arith.addf %add3A_301, %mul3A_302 : vector<16xf32>
        %add3A_304 = vector.broadcast %add3A_234 : i32 to vector<16xi32>
        %add3A_305 = arith.addi %mul3A_18, %add3A_304 : vector<16xi32>
        tpu.vector_store_idx %arg12[%add3A_305], %add3A_296 : memref<12544xf32, #tpu.memory_space<vmem>>[vector<16xi32>], vector<16xf32>,
        %add3A_306 = vector.broadcast %add3A_234 : i32 to vector<16xi32>
        %add3A_307 = arith.addi %mul3A_90, %add3A_306 : vector<16xi32>
        tpu.vector_store_idx %arg12[%add3A_307], %add3A_303 : memref<12544xf32, #tpu.memory_space<vmem>>[vector<16xi32>], vector<16xf32>,
        %add3A_308 = arith.constant 16 : i32
        %add3A_309 = vector.broadcast %add3A_308 : i32 to vector<16xi32>
        %add3A_310 = arith.addi %add3A_253, %add3A_309 : vector<16xi32>
        %gather3A_311 = tpu.vector_load_idx %arg10[%broadcast_in_dim3A_260, %add3A_310] : memref<104x256xi32, #tpu.memory_space<vmem>>[vector<16xi32>, vector<16xi32>], vector<16xi32>,
        %add3A_312 = arith.constant 16 : i32
        %add3A_313 = vector.broadcast %add3A_312 : i32 to vector<16xi32>
        %add3A_314 = arith.addi %add3A_259, %add3A_313 : vector<16xi32>
        %gather3A_315 = tpu.vector_load_idx %arg10[%broadcast_in_dim3A_260, %add3A_314] : memref<104x256xi32, #tpu.memory_space<vmem>>[vector<16xi32>, vector<16xi32>], vector<16xi32>,
        %add3A_316 = arith.constant 16 : i32
        %add3A_317 = vector.broadcast %add3A_316 : i32 to vector<16xi32>
        %add3A_318 = arith.addi %add3A_253, %add3A_317 : vector<16xi32>
        %gather3A_319 = tpu.vector_load_idx %arg10[%broadcast_in_dim3A_263, %add3A_318] : memref<104x256xi32, #tpu.memory_space<vmem>>[vector<16xi32>, vector<16xi32>], vector<16xi32>,
        %add3A_320 = arith.constant 16 : i32
        %add3A_321 = vector.broadcast %add3A_320 : i32 to vector<16xi32>
        %add3A_322 = arith.addi %add3A_259, %add3A_321 : vector<16xi32>
        %gather3A_323 = tpu.vector_load_idx %arg10[%broadcast_in_dim3A_263, %add3A_322] : memref<104x256xi32, #tpu.memory_space<vmem>>[vector<16xi32>, vector<16xi32>], vector<16xi32>,
        %bitcast3A_324 = vector.bitcast %gather3A_311 : vector<16xi32> to vector<32xbf16>
        %unpack3A_325 = tpu.unpack_subelements %bitcast3A_324, 0 {pack_format = #tpu.pack_format<interleaved>} : vector<32xbf16> -> vector<16xf32>
        %unpack3A_326 = tpu.unpack_subelements %bitcast3A_324, 1 {pack_format = #tpu.pack_format<interleaved>} : vector<32xbf16> -> vector<16xf32>
        %bitcast3A_327 = vector.bitcast %gather3A_315 : vector<16xi32> to vector<32xbf16>
        %unpack3A_328 = tpu.unpack_subelements %bitcast3A_327, 0 {pack_format = #tpu.pack_format<interleaved>} : vector<32xbf16> -> vector<16xf32>
        %unpack3A_329 = tpu.unpack_subelements %bitcast3A_327, 1 {pack_format = #tpu.pack_format<interleaved>} : vector<32xbf16> -> vector<16xf32>
        %bitcast3A_330 = vector.bitcast %gather3A_319 : vector<16xi32> to vector<32xbf16>
        %unpack3A_331 = tpu.unpack_subelements %bitcast3A_330, 0 {pack_format = #tpu.pack_format<interleaved>} : vector<32xbf16> -> vector<16xf32>
        %unpack3A_332 = tpu.unpack_subelements %bitcast3A_330, 1 {pack_format = #tpu.pack_format<interleaved>} : vector<32xbf16> -> vector<16xf32>
        %bitcast3A_333 = vector.bitcast %gather3A_323 : vector<16xi32> to vector<32xbf16>
        %unpack3A_334 = tpu.unpack_subelements %bitcast3A_333, 0 {pack_format = #tpu.pack_format<interleaved>} : vector<32xbf16> -> vector<16xf32>
        %unpack3A_335 = tpu.unpack_subelements %bitcast3A_333, 1 {pack_format = #tpu.pack_format<interleaved>} : vector<32xbf16> -> vector<16xf32>
        %mul3A_336 = arith.mulf %unpack3A_325, %gather3A : vector<16xf32>
        %mul3A_337 = arith.mulf %unpack3A_328, %gather3A_240 : vector<16xf32>
        %add3A_338 = arith.addf %mul3A_336, %mul3A_337 : vector<16xf32>
        %mul3A_339 = arith.mulf %unpack3A_331, %gather3A_244 : vector<16xf32>
        %add3A_340 = arith.addf %add3A_338, %mul3A_339 : vector<16xf32>
        %mul3A_341 = arith.mulf %unpack3A_334, %gather3A_248 : vector<16xf32>
        %add3A_342 = arith.addf %add3A_340, %mul3A_341 : vector<16xf32>
        %mul3A_343 = arith.mulf %unpack3A_326, %gather3A : vector<16xf32>
        %mul3A_344 = arith.mulf %unpack3A_329, %gather3A_240 : vector<16xf32>
        %add3A_345 = arith.addf %mul3A_343, %mul3A_344 : vector<16xf32>
        %mul3A_346 = arith.mulf %unpack3A_332, %gather3A_244 : vector<16xf32>
        %add3A_347 = arith.addf %add3A_345, %mul3A_346 : vector<16xf32>
        %mul3A_348 = arith.mulf %unpack3A_335, %gather3A_248 : vector<16xf32>
        %add3A_349 = arith.addf %add3A_347, %mul3A_348 : vector<16xf32>
        %add3A_350 = vector.broadcast %add3A_234 : i32 to vector<16xi32>
        %add3A_351 = arith.addi %mul3A_27, %add3A_350 : vector<16xi32>
        tpu.vector_store_idx %arg12[%add3A_351], %add3A_342 : memref<12544xf32, #tpu.memory_space<vmem>>[vector<16xi32>], vector<16xf32>,
        %add3A_352 = vector.broadcast %add3A_234 : i32 to vector<16xi32>
        %add3A_353 = arith.addi %mul3A_99, %add3A_352 : vector<16xi32>
        tpu.vector_store_idx %arg12[%add3A_353], %add3A_349 : memref<12544xf32, #tpu.memory_space<vmem>>[vector<16xi32>], vector<16xf32>,
        %add3A_354 = arith.constant 32 : i32
        %add3A_355 = vector.broadcast %add3A_354 : i32 to vector<16xi32>
        %add3A_356 = arith.addi %add3A_253, %add3A_355 : vector<16xi32>
        %gather3A_357 = tpu.vector_load_idx %arg10[%broadcast_in_dim3A_260, %add3A_356] : memref<104x256xi32, #tpu.memory_space<vmem>>[vector<16xi32>, vector<16xi32>], vector<16xi32>,
        %add3A_358 = arith.constant 32 : i32
        %add3A_359 = vector.broadcast %add3A_358 : i32 to vector<16xi32>
        %add3A_360 = arith.addi %add3A_259, %add3A_359 : vector<16xi32>
        %gather3A_361 = tpu.vector_load_idx %arg10[%broadcast_in_dim3A_260, %add3A_360] : memref<104x256xi32, #tpu.memory_space<vmem>>[vector<16xi32>, vector<16xi32>], vector<16xi32>,
        %add3A_362 = arith.constant 32 : i32
        %add3A_363 = vector.broadcast %add3A_362 : i32 to vector<16xi32>
        %add3A_364 = arith.addi %add3A_253, %add3A_363 : vector<16xi32>
        %gather3A_365 = tpu.vector_load_idx %arg10[%broadcast_in_dim3A_263, %add3A_364] : memref<104x256xi32, #tpu.memory_space<vmem>>[vector<16xi32>, vector<16xi32>], vector<16xi32>,
        %add3A_366 = arith.constant 32 : i32
        %add3A_367 = vector.broadcast %add3A_366 : i32 to vector<16xi32>
        %add3A_368 = arith.addi %add3A_259, %add3A_367 : vector<16xi32>
        %gather3A_369 = tpu.vector_load_idx %arg10[%broadcast_in_dim3A_263, %add3A_368] : memref<104x256xi32, #tpu.memory_space<vmem>>[vector<16xi32>, vector<16xi32>], vector<16xi32>,
        %bitcast3A_370 = vector.bitcast %gather3A_357 : vector<16xi32> to vector<32xbf16>
        %unpack3A_371 = tpu.unpack_subelements %bitcast3A_370, 0 {pack_format = #tpu.pack_format<interleaved>} : vector<32xbf16> -> vector<16xf32>
        %unpack3A_372 = tpu.unpack_subelements %bitcast3A_370, 1 {pack_format = #tpu.pack_format<interleaved>} : vector<32xbf16> -> vector<16xf32>
        %bitcast3A_373 = vector.bitcast %gather3A_361 : vector<16xi32> to vector<32xbf16>
        %unpack3A_374 = tpu.unpack_subelements %bitcast3A_373, 0 {pack_format = #tpu.pack_format<interleaved>} : vector<32xbf16> -> vector<16xf32>
        %unpack3A_375 = tpu.unpack_subelements %bitcast3A_373, 1 {pack_format = #tpu.pack_format<interleaved>} : vector<32xbf16> -> vector<16xf32>
        %bitcast3A_376 = vector.bitcast %gather3A_365 : vector<16xi32> to vector<32xbf16>
        %unpack3A_377 = tpu.unpack_subelements %bitcast3A_376, 0 {pack_format = #tpu.pack_format<interleaved>} : vector<32xbf16> -> vector<16xf32>
        %unpack3A_378 = tpu.unpack_subelements %bitcast3A_376, 1 {pack_format = #tpu.pack_format<interleaved>} : vector<32xbf16> -> vector<16xf32>
        %bitcast3A_379 = vector.bitcast %gather3A_369 : vector<16xi32> to vector<32xbf16>
        %unpack3A_380 = tpu.unpack_subelements %bitcast3A_379, 0 {pack_format = #tpu.pack_format<interleaved>} : vector<32xbf16> -> vector<16xf32>
        %unpack3A_381 = tpu.unpack_subelements %bitcast3A_379, 1 {pack_format = #tpu.pack_format<interleaved>} : vector<32xbf16> -> vector<16xf32>
        %mul3A_382 = arith.mulf %unpack3A_371, %gather3A : vector<16xf32>
        %mul3A_383 = arith.mulf %unpack3A_374, %gather3A_240 : vector<16xf32>
        %add3A_384 = arith.addf %mul3A_382, %mul3A_383 : vector<16xf32>
        %mul3A_385 = arith.mulf %unpack3A_377, %gather3A_244 : vector<16xf32>
        %add3A_386 = arith.addf %add3A_384, %mul3A_385 : vector<16xf32>
        %mul3A_387 = arith.mulf %unpack3A_380, %gather3A_248 : vector<16xf32>
        %add3A_388 = arith.addf %add3A_386, %mul3A_387 : vector<16xf32>
        %mul3A_389 = arith.mulf %unpack3A_372, %gather3A : vector<16xf32>
        %mul3A_390 = arith.mulf %unpack3A_375, %gather3A_240 : vector<16xf32>
        %add3A_391 = arith.addf %mul3A_389, %mul3A_390 : vector<16xf32>
        %mul3A_392 = arith.mulf %unpack3A_378, %gather3A_244 : vector<16xf32>
        %add3A_393 = arith.addf %add3A_391, %mul3A_392 : vector<16xf32>
        %mul3A_394 = arith.mulf %unpack3A_381, %gather3A_248 : vector<16xf32>
        %add3A_395 = arith.addf %add3A_393, %mul3A_394 : vector<16xf32>
        %add3A_396 = vector.broadcast %add3A_234 : i32 to vector<16xi32>
        %add3A_397 = arith.addi %mul3A_36, %add3A_396 : vector<16xi32>
        tpu.vector_store_idx %arg12[%add3A_397], %add3A_388 : memref<12544xf32, #tpu.memory_space<vmem>>[vector<16xi32>], vector<16xf32>,
        %add3A_398 = vector.broadcast %add3A_234 : i32 to vector<16xi32>
        %add3A_399 = arith.addi %mul3A_108, %add3A_398 : vector<16xi32>
        tpu.vector_store_idx %arg12[%add3A_399], %add3A_395 : memref<12544xf32, #tpu.memory_space<vmem>>[vector<16xi32>], vector<16xf32>,
        %add3A_400 = arith.constant 48 : i32
        %add3A_401 = vector.broadcast %add3A_400 : i32 to vector<16xi32>
        %add3A_402 = arith.addi %add3A_253, %add3A_401 : vector<16xi32>
        %gather3A_403 = tpu.vector_load_idx %arg10[%broadcast_in_dim3A_260, %add3A_402] : memref<104x256xi32, #tpu.memory_space<vmem>>[vector<16xi32>, vector<16xi32>], vector<16xi32>,
        %add3A_404 = arith.constant 48 : i32
        %add3A_405 = vector.broadcast %add3A_404 : i32 to vector<16xi32>
        %add3A_406 = arith.addi %add3A_259, %add3A_405 : vector<16xi32>
        %gather3A_407 = tpu.vector_load_idx %arg10[%broadcast_in_dim3A_260, %add3A_406] : memref<104x256xi32, #tpu.memory_space<vmem>>[vector<16xi32>, vector<16xi32>], vector<16xi32>,
        %add3A_408 = arith.constant 48 : i32
        %add3A_409 = vector.broadcast %add3A_408 : i32 to vector<16xi32>
        %add3A_410 = arith.addi %add3A_253, %add3A_409 : vector<16xi32>
        %gather3A_411 = tpu.vector_load_idx %arg10[%broadcast_in_dim3A_263, %add3A_410] : memref<104x256xi32, #tpu.memory_space<vmem>>[vector<16xi32>, vector<16xi32>], vector<16xi32>,
        %add3A_412 = arith.constant 48 : i32
        %add3A_413 = vector.broadcast %add3A_412 : i32 to vector<16xi32>
        %add3A_414 = arith.addi %add3A_259, %add3A_413 : vector<16xi32>
        %gather3A_415 = tpu.vector_load_idx %arg10[%broadcast_in_dim3A_263, %add3A_414] : memref<104x256xi32, #tpu.memory_space<vmem>>[vector<16xi32>, vector<16xi32>], vector<16xi32>,
        %bitcast3A_416 = vector.bitcast %gather3A_403 : vector<16xi32> to vector<32xbf16>
        %unpack3A_417 = tpu.unpack_subelements %bitcast3A_416, 0 {pack_format = #tpu.pack_format<interleaved>} : vector<32xbf16> -> vector<16xf32>
        %unpack3A_418 = tpu.unpack_subelements %bitcast3A_416, 1 {pack_format = #tpu.pack_format<interleaved>} : vector<32xbf16> -> vector<16xf32>
        %bitcast3A_419 = vector.bitcast %gather3A_407 : vector<16xi32> to vector<32xbf16>
        %unpack3A_420 = tpu.unpack_subelements %bitcast3A_419, 0 {pack_format = #tpu.pack_format<interleaved>} : vector<32xbf16> -> vector<16xf32>
        %unpack3A_421 = tpu.unpack_subelements %bitcast3A_419, 1 {pack_format = #tpu.pack_format<interleaved>} : vector<32xbf16> -> vector<16xf32>
        %bitcast3A_422 = vector.bitcast %gather3A_411 : vector<16xi32> to vector<32xbf16>
        %unpack3A_423 = tpu.unpack_subelements %bitcast3A_422, 0 {pack_format = #tpu.pack_format<interleaved>} : vector<32xbf16> -> vector<16xf32>
        %unpack3A_424 = tpu.unpack_subelements %bitcast3A_422, 1 {pack_format = #tpu.pack_format<interleaved>} : vector<32xbf16> -> vector<16xf32>
        %bitcast3A_425 = vector.bitcast %gather3A_415 : vector<16xi32> to vector<32xbf16>
        %unpack3A_426 = tpu.unpack_subelements %bitcast3A_425, 0 {pack_format = #tpu.pack_format<interleaved>} : vector<32xbf16> -> vector<16xf32>
        %unpack3A_427 = tpu.unpack_subelements %bitcast3A_425, 1 {pack_format = #tpu.pack_format<interleaved>} : vector<32xbf16> -> vector<16xf32>
        %mul3A_428 = arith.mulf %unpack3A_417, %gather3A : vector<16xf32>
        %mul3A_429 = arith.mulf %unpack3A_420, %gather3A_240 : vector<16xf32>
        %add3A_430 = arith.addf %mul3A_428, %mul3A_429 : vector<16xf32>
        %mul3A_431 = arith.mulf %unpack3A_423, %gather3A_244 : vector<16xf32>
        %add3A_432 = arith.addf %add3A_430, %mul3A_431 : vector<16xf32>
        %mul3A_433 = arith.mulf %unpack3A_426, %gather3A_248 : vector<16xf32>
        %add3A_434 = arith.addf %add3A_432, %mul3A_433 : vector<16xf32>
        %mul3A_435 = arith.mulf %unpack3A_418, %gather3A : vector<16xf32>
        %mul3A_436 = arith.mulf %unpack3A_421, %gather3A_240 : vector<16xf32>
        %add3A_437 = arith.addf %mul3A_435, %mul3A_436 : vector<16xf32>
        %mul3A_438 = arith.mulf %unpack3A_424, %gather3A_244 : vector<16xf32>
        %add3A_439 = arith.addf %add3A_437, %mul3A_438 : vector<16xf32>
        %mul3A_440 = arith.mulf %unpack3A_427, %gather3A_248 : vector<16xf32>
        %add3A_441 = arith.addf %add3A_439, %mul3A_440 : vector<16xf32>
        %add3A_442 = vector.broadcast %add3A_234 : i32 to vector<16xi32>
        %add3A_443 = arith.addi %mul3A_45, %add3A_442 : vector<16xi32>
        tpu.vector_store_idx %arg12[%add3A_443], %add3A_434 : memref<12544xf32, #tpu.memory_space<vmem>>[vector<16xi32>], vector<16xf32>,
        %add3A_444 = vector.broadcast %add3A_234 : i32 to vector<16xi32>
        %add3A_445 = arith.addi %mul3A_117, %add3A_444 : vector<16xi32>
        tpu.vector_store_idx %arg12[%add3A_445], %add3A_441 : memref<12544xf32, #tpu.memory_space<vmem>>[vector<16xi32>], vector<16xf32>,
        %add3A_446 = arith.constant 64 : i32
        %add3A_447 = vector.broadcast %add3A_446 : i32 to vector<16xi32>
        %add3A_448 = arith.addi %add3A_253, %add3A_447 : vector<16xi32>
        %gather3A_449 = tpu.vector_load_idx %arg10[%broadcast_in_dim3A_260, %add3A_448] : memref<104x256xi32, #tpu.memory_space<vmem>>[vector<16xi32>, vector<16xi32>], vector<16xi32>,
        %add3A_450 = arith.constant 64 : i32
        %add3A_451 = vector.broadcast %add3A_450 : i32 to vector<16xi32>
        %add3A_452 = arith.addi %add3A_259, %add3A_451 : vector<16xi32>
        %gather3A_453 = tpu.vector_load_idx %arg10[%broadcast_in_dim3A_260, %add3A_452] : memref<104x256xi32, #tpu.memory_space<vmem>>[vector<16xi32>, vector<16xi32>], vector<16xi32>,
        %add3A_454 = arith.constant 64 : i32
        %add3A_455 = vector.broadcast %add3A_454 : i32 to vector<16xi32>
        %add3A_456 = arith.addi %add3A_253, %add3A_455 : vector<16xi32>
        %gather3A_457 = tpu.vector_load_idx %arg10[%broadcast_in_dim3A_263, %add3A_456] : memref<104x256xi32, #tpu.memory_space<vmem>>[vector<16xi32>, vector<16xi32>], vector<16xi32>,
        %add3A_458 = arith.constant 64 : i32
        %add3A_459 = vector.broadcast %add3A_458 : i32 to vector<16xi32>
        %add3A_460 = arith.addi %add3A_259, %add3A_459 : vector<16xi32>
        %gather3A_461 = tpu.vector_load_idx %arg10[%broadcast_in_dim3A_263, %add3A_460] : memref<104x256xi32, #tpu.memory_space<vmem>>[vector<16xi32>, vector<16xi32>], vector<16xi32>,
        %bitcast3A_462 = vector.bitcast %gather3A_449 : vector<16xi32> to vector<32xbf16>
        %unpack3A_463 = tpu.unpack_subelements %bitcast3A_462, 0 {pack_format = #tpu.pack_format<interleaved>} : vector<32xbf16> -> vector<16xf32>
        %unpack3A_464 = tpu.unpack_subelements %bitcast3A_462, 1 {pack_format = #tpu.pack_format<interleaved>} : vector<32xbf16> -> vector<16xf32>
        %bitcast3A_465 = vector.bitcast %gather3A_453 : vector<16xi32> to vector<32xbf16>
        %unpack3A_466 = tpu.unpack_subelements %bitcast3A_465, 0 {pack_format = #tpu.pack_format<interleaved>} : vector<32xbf16> -> vector<16xf32>
        %unpack3A_467 = tpu.unpack_subelements %bitcast3A_465, 1 {pack_format = #tpu.pack_format<interleaved>} : vector<32xbf16> -> vector<16xf32>
        %bitcast3A_468 = vector.bitcast %gather3A_457 : vector<16xi32> to vector<32xbf16>
        %unpack3A_469 = tpu.unpack_subelements %bitcast3A_468, 0 {pack_format = #tpu.pack_format<interleaved>} : vector<32xbf16> -> vector<16xf32>
        %unpack3A_470 = tpu.unpack_subelements %bitcast3A_468, 1 {pack_format = #tpu.pack_format<interleaved>} : vector<32xbf16> -> vector<16xf32>
        %bitcast3A_471 = vector.bitcast %gather3A_461 : vector<16xi32> to vector<32xbf16>
        %unpack3A_472 = tpu.unpack_subelements %bitcast3A_471, 0 {pack_format = #tpu.pack_format<interleaved>} : vector<32xbf16> -> vector<16xf32>
        %unpack3A_473 = tpu.unpack_subelements %bitcast3A_471, 1 {pack_format = #tpu.pack_format<interleaved>} : vector<32xbf16> -> vector<16xf32>
        %mul3A_474 = arith.mulf %unpack3A_463, %gather3A : vector<16xf32>
        %mul3A_475 = arith.mulf %unpack3A_466, %gather3A_240 : vector<16xf32>
        %add3A_476 = arith.addf %mul3A_474, %mul3A_475 : vector<16xf32>
        %mul3A_477 = arith.mulf %unpack3A_469, %gather3A_244 : vector<16xf32>
        %add3A_478 = arith.addf %add3A_476, %mul3A_477 : vector<16xf32>
        %mul3A_479 = arith.mulf %unpack3A_472, %gather3A_248 : vector<16xf32>
        %add3A_480 = arith.addf %add3A_478, %mul3A_479 : vector<16xf32>
        %mul3A_481 = arith.mulf %unpack3A_464, %gather3A : vector<16xf32>
        %mul3A_482 = arith.mulf %unpack3A_467, %gather3A_240 : vector<16xf32>
        %add3A_483 = arith.addf %mul3A_481, %mul3A_482 : vector<16xf32>
        %mul3A_484 = arith.mulf %unpack3A_470, %gather3A_244 : vector<16xf32>
        %add3A_485 = arith.addf %add3A_483, %mul3A_484 : vector<16xf32>
        %mul3A_486 = arith.mulf %unpack3A_473, %gather3A_248 : vector<16xf32>
        %add3A_487 = arith.addf %add3A_485, %mul3A_486 : vector<16xf32>
        %add3A_488 = vector.broadcast %add3A_234 : i32 to vector<16xi32>
        %add3A_489 = arith.addi %mul3A_54, %add3A_488 : vector<16xi32>
        tpu.vector_store_idx %arg12[%add3A_489], %add3A_480 : memref<12544xf32, #tpu.memory_space<vmem>>[vector<16xi32>], vector<16xf32>,
        %add3A_490 = vector.broadcast %add3A_234 : i32 to vector<16xi32>
        %add3A_491 = arith.addi %mul3A_126, %add3A_490 : vector<16xi32>
        tpu.vector_store_idx %arg12[%add3A_491], %add3A_487 : memref<12544xf32, #tpu.memory_space<vmem>>[vector<16xi32>], vector<16xf32>,
        %add3A_492 = arith.constant 80 : i32
        %add3A_493 = vector.broadcast %add3A_492 : i32 to vector<16xi32>
        %add3A_494 = arith.addi %add3A_253, %add3A_493 : vector<16xi32>
        %gather3A_495 = tpu.vector_load_idx %arg10[%broadcast_in_dim3A_260, %add3A_494] : memref<104x256xi32, #tpu.memory_space<vmem>>[vector<16xi32>, vector<16xi32>], vector<16xi32>,
        %add3A_496 = arith.constant 80 : i32
        %add3A_497 = vector.broadcast %add3A_496 : i32 to vector<16xi32>
        %add3A_498 = arith.addi %add3A_259, %add3A_497 : vector<16xi32>
        %gather3A_499 = tpu.vector_load_idx %arg10[%broadcast_in_dim3A_260, %add3A_498] : memref<104x256xi32, #tpu.memory_space<vmem>>[vector<16xi32>, vector<16xi32>], vector<16xi32>,
        %add3A_500 = arith.constant 80 : i32
        %add3A_501 = vector.broadcast %add3A_500 : i32 to vector<16xi32>
        %add3A_502 = arith.addi %add3A_253, %add3A_501 : vector<16xi32>
        %gather3A_503 = tpu.vector_load_idx %arg10[%broadcast_in_dim3A_263, %add3A_502] : memref<104x256xi32, #tpu.memory_space<vmem>>[vector<16xi32>, vector<16xi32>], vector<16xi32>,
        %add3A_504 = arith.constant 80 : i32
        %add3A_505 = vector.broadcast %add3A_504 : i32 to vector<16xi32>
        %add3A_506 = arith.addi %add3A_259, %add3A_505 : vector<16xi32>
        %gather3A_507 = tpu.vector_load_idx %arg10[%broadcast_in_dim3A_263, %add3A_506] : memref<104x256xi32, #tpu.memory_space<vmem>>[vector<16xi32>, vector<16xi32>], vector<16xi32>,
        %bitcast3A_508 = vector.bitcast %gather3A_495 : vector<16xi32> to vector<32xbf16>
        %unpack3A_509 = tpu.unpack_subelements %bitcast3A_508, 0 {pack_format = #tpu.pack_format<interleaved>} : vector<32xbf16> -> vector<16xf32>
        %unpack3A_510 = tpu.unpack_subelements %bitcast3A_508, 1 {pack_format = #tpu.pack_format<interleaved>} : vector<32xbf16> -> vector<16xf32>
        %bitcast3A_511 = vector.bitcast %gather3A_499 : vector<16xi32> to vector<32xbf16>
        %unpack3A_512 = tpu.unpack_subelements %bitcast3A_511, 0 {pack_format = #tpu.pack_format<interleaved>} : vector<32xbf16> -> vector<16xf32>
        %unpack3A_513 = tpu.unpack_subelements %bitcast3A_511, 1 {pack_format = #tpu.pack_format<interleaved>} : vector<32xbf16> -> vector<16xf32>
        %bitcast3A_514 = vector.bitcast %gather3A_503 : vector<16xi32> to vector<32xbf16>
        %unpack3A_515 = tpu.unpack_subelements %bitcast3A_514, 0 {pack_format = #tpu.pack_format<interleaved>} : vector<32xbf16> -> vector<16xf32>
        %unpack3A_516 = tpu.unpack_subelements %bitcast3A_514, 1 {pack_format = #tpu.pack_format<interleaved>} : vector<32xbf16> -> vector<16xf32>
        %bitcast3A_517 = vector.bitcast %gather3A_507 : vector<16xi32> to vector<32xbf16>
        %unpack3A_518 = tpu.unpack_subelements %bitcast3A_517, 0 {pack_format = #tpu.pack_format<interleaved>} : vector<32xbf16> -> vector<16xf32>
        %unpack3A_519 = tpu.unpack_subelements %bitcast3A_517, 1 {pack_format = #tpu.pack_format<interleaved>} : vector<32xbf16> -> vector<16xf32>
        %mul3A_520 = arith.mulf %unpack3A_509, %gather3A : vector<16xf32>
        %mul3A_521 = arith.mulf %unpack3A_512, %gather3A_240 : vector<16xf32>
        %add3A_522 = arith.addf %mul3A_520, %mul3A_521 : vector<16xf32>
        %mul3A_523 = arith.mulf %unpack3A_515, %gather3A_244 : vector<16xf32>
        %add3A_524 = arith.addf %add3A_522, %mul3A_523 : vector<16xf32>
        %mul3A_525 = arith.mulf %unpack3A_518, %gather3A_248 : vector<16xf32>
        %add3A_526 = arith.addf %add3A_524, %mul3A_525 : vector<16xf32>
        %mul3A_527 = arith.mulf %unpack3A_510, %gather3A : vector<16xf32>
        %mul3A_528 = arith.mulf %unpack3A_513, %gather3A_240 : vector<16xf32>
        %add3A_529 = arith.addf %mul3A_527, %mul3A_528 : vector<16xf32>
        %mul3A_530 = arith.mulf %unpack3A_516, %gather3A_244 : vector<16xf32>
        %add3A_531 = arith.addf %add3A_529, %mul3A_530 : vector<16xf32>
        %mul3A_532 = arith.mulf %unpack3A_519, %gather3A_248 : vector<16xf32>
        %add3A_533 = arith.addf %add3A_531, %mul3A_532 : vector<16xf32>
        %add3A_534 = vector.broadcast %add3A_234 : i32 to vector<16xi32>
        %add3A_535 = arith.addi %mul3A_63, %add3A_534 : vector<16xi32>
        tpu.vector_store_idx %arg12[%add3A_535], %add3A_526 : memref<12544xf32, #tpu.memory_space<vmem>>[vector<16xi32>], vector<16xf32>,
        %add3A_536 = vector.broadcast %add3A_234 : i32 to vector<16xi32>
        %add3A_537 = arith.addi %mul3A_135, %add3A_536 : vector<16xi32>
        tpu.vector_store_idx %arg12[%add3A_537], %add3A_533 : memref<12544xf32, #tpu.memory_space<vmem>>[vector<16xi32>], vector<16xf32>,
        %add3A_538 = arith.constant 96 : i32
        %add3A_539 = vector.broadcast %add3A_538 : i32 to vector<16xi32>
        %add3A_540 = arith.addi %add3A_253, %add3A_539 : vector<16xi32>
        %gather3A_541 = tpu.vector_load_idx %arg10[%broadcast_in_dim3A_260, %add3A_540] : memref<104x256xi32, #tpu.memory_space<vmem>>[vector<16xi32>, vector<16xi32>], vector<16xi32>,
        %add3A_542 = arith.constant 96 : i32
        %add3A_543 = vector.broadcast %add3A_542 : i32 to vector<16xi32>
        %add3A_544 = arith.addi %add3A_259, %add3A_543 : vector<16xi32>
        %gather3A_545 = tpu.vector_load_idx %arg10[%broadcast_in_dim3A_260, %add3A_544] : memref<104x256xi32, #tpu.memory_space<vmem>>[vector<16xi32>, vector<16xi32>], vector<16xi32>,
        %add3A_546 = arith.constant 96 : i32
        %add3A_547 = vector.broadcast %add3A_546 : i32 to vector<16xi32>
        %add3A_548 = arith.addi %add3A_253, %add3A_547 : vector<16xi32>
        %gather3A_549 = tpu.vector_load_idx %arg10[%broadcast_in_dim3A_263, %add3A_548] : memref<104x256xi32, #tpu.memory_space<vmem>>[vector<16xi32>, vector<16xi32>], vector<16xi32>,
        %add3A_550 = arith.constant 96 : i32
        %add3A_551 = vector.broadcast %add3A_550 : i32 to vector<16xi32>
        %add3A_552 = arith.addi %add3A_259, %add3A_551 : vector<16xi32>
        %gather3A_553 = tpu.vector_load_idx %arg10[%broadcast_in_dim3A_263, %add3A_552] : memref<104x256xi32, #tpu.memory_space<vmem>>[vector<16xi32>, vector<16xi32>], vector<16xi32>,
        %bitcast3A_554 = vector.bitcast %gather3A_541 : vector<16xi32> to vector<32xbf16>
        %unpack3A_555 = tpu.unpack_subelements %bitcast3A_554, 0 {pack_format = #tpu.pack_format<interleaved>} : vector<32xbf16> -> vector<16xf32>
        %unpack3A_556 = tpu.unpack_subelements %bitcast3A_554, 1 {pack_format = #tpu.pack_format<interleaved>} : vector<32xbf16> -> vector<16xf32>
        %bitcast3A_557 = vector.bitcast %gather3A_545 : vector<16xi32> to vector<32xbf16>
        %unpack3A_558 = tpu.unpack_subelements %bitcast3A_557, 0 {pack_format = #tpu.pack_format<interleaved>} : vector<32xbf16> -> vector<16xf32>
        %unpack3A_559 = tpu.unpack_subelements %bitcast3A_557, 1 {pack_format = #tpu.pack_format<interleaved>} : vector<32xbf16> -> vector<16xf32>
        %bitcast3A_560 = vector.bitcast %gather3A_549 : vector<16xi32> to vector<32xbf16>
        %unpack3A_561 = tpu.unpack_subelements %bitcast3A_560, 0 {pack_format = #tpu.pack_format<interleaved>} : vector<32xbf16> -> vector<16xf32>
        %unpack3A_562 = tpu.unpack_subelements %bitcast3A_560, 1 {pack_format = #tpu.pack_format<interleaved>} : vector<32xbf16> -> vector<16xf32>
        %bitcast3A_563 = vector.bitcast %gather3A_553 : vector<16xi32> to vector<32xbf16>
        %unpack3A_564 = tpu.unpack_subelements %bitcast3A_563, 0 {pack_format = #tpu.pack_format<interleaved>} : vector<32xbf16> -> vector<16xf32>
        %unpack3A_565 = tpu.unpack_subelements %bitcast3A_563, 1 {pack_format = #tpu.pack_format<interleaved>} : vector<32xbf16> -> vector<16xf32>
        %mul3A_566 = arith.mulf %unpack3A_555, %gather3A : vector<16xf32>
        %mul3A_567 = arith.mulf %unpack3A_558, %gather3A_240 : vector<16xf32>
        %add3A_568 = arith.addf %mul3A_566, %mul3A_567 : vector<16xf32>
        %mul3A_569 = arith.mulf %unpack3A_561, %gather3A_244 : vector<16xf32>
        %add3A_570 = arith.addf %add3A_568, %mul3A_569 : vector<16xf32>
        %mul3A_571 = arith.mulf %unpack3A_564, %gather3A_248 : vector<16xf32>
        %add3A_572 = arith.addf %add3A_570, %mul3A_571 : vector<16xf32>
        %mul3A_573 = arith.mulf %unpack3A_556, %gather3A : vector<16xf32>
        %mul3A_574 = arith.mulf %unpack3A_559, %gather3A_240 : vector<16xf32>
        %add3A_575 = arith.addf %mul3A_573, %mul3A_574 : vector<16xf32>
        %mul3A_576 = arith.mulf %unpack3A_562, %gather3A_244 : vector<16xf32>
        %add3A_577 = arith.addf %add3A_575, %mul3A_576 : vector<16xf32>
        %mul3A_578 = arith.mulf %unpack3A_565, %gather3A_248 : vector<16xf32>
        %add3A_579 = arith.addf %add3A_577, %mul3A_578 : vector<16xf32>
        %add3A_580 = vector.broadcast %add3A_234 : i32 to vector<16xi32>
        %add3A_581 = arith.addi %mul3A_72, %add3A_580 : vector<16xi32>
        tpu.vector_store_idx %arg12[%add3A_581], %add3A_572 : memref<12544xf32, #tpu.memory_space<vmem>>[vector<16xi32>], vector<16xf32>,
        %add3A_582 = vector.broadcast %add3A_234 : i32 to vector<16xi32>
        %add3A_583 = arith.addi %mul3A_144, %add3A_582 : vector<16xi32>
        tpu.vector_store_idx %arg12[%add3A_583], %add3A_579 : memref<12544xf32, #tpu.memory_space<vmem>>[vector<16xi32>], vector<16xf32>,
        %add3A_584 = arith.constant 112 : i32
        %add3A_585 = vector.broadcast %add3A_584 : i32 to vector<16xi32>
        %add3A_586 = arith.addi %add3A_253, %add3A_585 : vector<16xi32>
        %gather3A_587 = tpu.vector_load_idx %arg10[%broadcast_in_dim3A_260, %add3A_586] : memref<104x256xi32, #tpu.memory_space<vmem>>[vector<16xi32>, vector<16xi32>], vector<16xi32>,
        %add3A_588 = arith.constant 112 : i32
        %add3A_589 = vector.broadcast %add3A_588 : i32 to vector<16xi32>
        %add3A_590 = arith.addi %add3A_259, %add3A_589 : vector<16xi32>
        %gather3A_591 = tpu.vector_load_idx %arg10[%broadcast_in_dim3A_260, %add3A_590] : memref<104x256xi32, #tpu.memory_space<vmem>>[vector<16xi32>, vector<16xi32>], vector<16xi32>,
        %add3A_592 = arith.constant 112 : i32
        %add3A_593 = vector.broadcast %add3A_592 : i32 to vector<16xi32>
        %add3A_594 = arith.addi %add3A_253, %add3A_593 : vector<16xi32>
        %gather3A_595 = tpu.vector_load_idx %arg10[%broadcast_in_dim3A_263, %add3A_594] : memref<104x256xi32, #tpu.memory_space<vmem>>[vector<16xi32>, vector<16xi32>], vector<16xi32>,
        %add3A_596 = arith.constant 112 : i32
        %add3A_597 = vector.broadcast %add3A_596 : i32 to vector<16xi32>
        %add3A_598 = arith.addi %add3A_259, %add3A_597 : vector<16xi32>
        %gather3A_599 = tpu.vector_load_idx %arg10[%broadcast_in_dim3A_263, %add3A_598] : memref<104x256xi32, #tpu.memory_space<vmem>>[vector<16xi32>, vector<16xi32>], vector<16xi32>,
        %bitcast3A_600 = vector.bitcast %gather3A_587 : vector<16xi32> to vector<32xbf16>
        %unpack3A_601 = tpu.unpack_subelements %bitcast3A_600, 0 {pack_format = #tpu.pack_format<interleaved>} : vector<32xbf16> -> vector<16xf32>
        %unpack3A_602 = tpu.unpack_subelements %bitcast3A_600, 1 {pack_format = #tpu.pack_format<interleaved>} : vector<32xbf16> -> vector<16xf32>
        %bitcast3A_603 = vector.bitcast %gather3A_591 : vector<16xi32> to vector<32xbf16>
        %unpack3A_604 = tpu.unpack_subelements %bitcast3A_603, 0 {pack_format = #tpu.pack_format<interleaved>} : vector<32xbf16> -> vector<16xf32>
        %unpack3A_605 = tpu.unpack_subelements %bitcast3A_603, 1 {pack_format = #tpu.pack_format<interleaved>} : vector<32xbf16> -> vector<16xf32>
        %bitcast3A_606 = vector.bitcast %gather3A_595 : vector<16xi32> to vector<32xbf16>
        %unpack3A_607 = tpu.unpack_subelements %bitcast3A_606, 0 {pack_format = #tpu.pack_format<interleaved>} : vector<32xbf16> -> vector<16xf32>
        %unpack3A_608 = tpu.unpack_subelements %bitcast3A_606, 1 {pack_format = #tpu.pack_format<interleaved>} : vector<32xbf16> -> vector<16xf32>
        %bitcast3A_609 = vector.bitcast %gather3A_599 : vector<16xi32> to vector<32xbf16>
        %unpack3A_610 = tpu.unpack_subelements %bitcast3A_609, 0 {pack_format = #tpu.pack_format<interleaved>} : vector<32xbf16> -> vector<16xf32>
        %unpack3A_611 = tpu.unpack_subelements %bitcast3A_609, 1 {pack_format = #tpu.pack_format<interleaved>} : vector<32xbf16> -> vector<16xf32>
        %mul3A_612 = arith.mulf %unpack3A_601, %gather3A : vector<16xf32>
        %mul3A_613 = arith.mulf %unpack3A_604, %gather3A_240 : vector<16xf32>
        %add3A_614 = arith.addf %mul3A_612, %mul3A_613 : vector<16xf32>
        %mul3A_615 = arith.mulf %unpack3A_607, %gather3A_244 : vector<16xf32>
        %add3A_616 = arith.addf %add3A_614, %mul3A_615 : vector<16xf32>
        %mul3A_617 = arith.mulf %unpack3A_610, %gather3A_248 : vector<16xf32>
        %add3A_618 = arith.addf %add3A_616, %mul3A_617 : vector<16xf32>
        %mul3A_619 = arith.mulf %unpack3A_602, %gather3A : vector<16xf32>
        %mul3A_620 = arith.mulf %unpack3A_605, %gather3A_240 : vector<16xf32>
        %add3A_621 = arith.addf %mul3A_619, %mul3A_620 : vector<16xf32>
        %mul3A_622 = arith.mulf %unpack3A_608, %gather3A_244 : vector<16xf32>
        %add3A_623 = arith.addf %add3A_621, %mul3A_622 : vector<16xf32>
        %mul3A_624 = arith.mulf %unpack3A_611, %gather3A_248 : vector<16xf32>
        %add3A_625 = arith.addf %add3A_623, %mul3A_624 : vector<16xf32>
        %add3A_626 = vector.broadcast %add3A_234 : i32 to vector<16xi32>
        %add3A_627 = arith.addi %mul3A_81, %add3A_626 : vector<16xi32>
        tpu.vector_store_idx %arg12[%add3A_627], %add3A_618 : memref<12544xf32, #tpu.memory_space<vmem>>[vector<16xi32>], vector<16xf32>,
        %add3A_628 = vector.broadcast %add3A_234 : i32 to vector<16xi32>
        %add3A_629 = arith.addi %mul3A_153, %add3A_628 : vector<16xi32>
        tpu.vector_store_idx %arg12[%add3A_629], %add3A_625 : memref<12544xf32, #tpu.memory_space<vmem>>[vector<16xi32>], vector<16xf32>,
      }
      %scan3A_197 = arith.constant 49 : i32
      %add3A_198 = arith.addi %mul3A_2, %add3A_172 : i32
      %mul3A_199 = arith.constant 12544 : i32
      %mul3A_200 = arith.muli %add3A_198, %mul3A_199 : i32
      "tpu.region"() ({
        %run_scoped3A = tpu.sem_alloc : memref<!tpu.dma_semaphore, #tpu.memory_space<semaphore_mem>>
        %dma_start3A_230 = tpu.memref_slice %arg5[%mul3A_200] : memref<12845056xf32, #tpu.memory_space<hbm>> -> memref<12544xf32, #tpu.memory_space<hbm>>
        %dma_start3A_231 = tpu.memref_slice %arg5[%mul3A_200] : memref<12845056xf32, #tpu.memory_space<hbm>> -> memref<12544xf32, #tpu.memory_space<hbm>>
        tpu.enqueue_dma source(%arg12 : memref<12544xf32, #tpu.memory_space<vmem>>) target(%dma_start3A_231 : memref<12544xf32, #tpu.memory_space<hbm>>) target_semaphore(%run_scoped3A : memref<!tpu.dma_semaphore, #tpu.memory_space<semaphore_mem>>)
        %dma_wait3A_232 = tpu.memref_slice %arg5[%mul3A_200] : memref<12845056xf32, #tpu.memory_space<hbm>> -> memref<12544xf32, #tpu.memory_space<hbm>>
        %dma_wait3A_233 = tpu.memref_slice %arg5[%mul3A_200] : memref<12845056xf32, #tpu.memory_space<hbm>> -> memref<12544xf32, #tpu.memory_space<hbm>>
        tpu.wait_dma2 semaphore(%run_scoped3A : memref<!tpu.dma_semaphore, #tpu.memory_space<semaphore_mem>>) src(%arg12 : memref<12544xf32, #tpu.memory_space<vmem>>) dst(%dma_wait3A_233 : memref<12544xf32, #tpu.memory_space<hbm>>)
        tpu.yield
      }) : () -> ()
      %add3A_201 = arith.constant 2 : i32
      %add3A_202 = arith.addi %add3A_172, %add3A_201 : i32
      %min3A = arith.constant 31 : i32
      %min3A_203 = arith.minsi %add3A_202, %min3A : i32
      %mul3A_204 = arith.constant 104 : i32
      %mul3A_205 = arith.muli %min3A_203, %mul3A_204 : i32
      %dma_start3A_206 = tpu.memref_slice %arg7[%mul3A_205] : memref<3328xi32, #tpu.memory_space<vmem>> -> memref<104xi32, #tpu.memory_space<vmem>>
      %dma_start3A_207 = arith.constant 0 : i32
      %dma_start3A_208 = arith.constant 0 : i32
      %dma_start3A_209 = tpu.memref_slice %arg2[%dma_start3A_207, %dma_start3A_208] : memref<43520x256xi32, #tpu.memory_space<hbm>> -> memref<43520x256xi32, #tpu.memory_space<hbm>>
      tpu.enqueue_indirect_dma source(%dma_start3A_209 : memref<43520x256xi32, #tpu.memory_space<hbm>>) target(%arg10 : memref<104x256xi32, #tpu.memory_space<vmem>>) offsets(%dma_start3A_206 : memref<104xi32, #tpu.memory_space<vmem>>) semaphore(%arg13 : memref<!tpu.dma_semaphore, #tpu.memory_space<semaphore_mem>>)
      %dma_wait3A_210 = arith.constant 0 : i32
      %dma_wait3A_211 = arith.constant 0 : i32
      %dma_wait3A_212 = tpu.memref_slice %arg2[%dma_wait3A_210, %dma_wait3A_211] : memref<43520x256xi32, #tpu.memory_space<hbm>> -> memref<104x256xi32, #tpu.memory_space<hbm>>
      %dma_wait3A_213 = arith.constant 0 : i32
      %dma_wait3A_214 = arith.constant 0 : i32
      %dma_wait3A_215 = tpu.memref_slice %arg2[%dma_wait3A_213, %dma_wait3A_214] : memref<43520x256xi32, #tpu.memory_space<hbm>> -> memref<104x256xi32, #tpu.memory_space<hbm>>
      tpu.wait_dma2 semaphore(%arg14 : memref<!tpu.dma_semaphore, #tpu.memory_space<semaphore_mem>>) src(%dma_wait3A_215 : memref<104x256xi32, #tpu.memory_space<hbm>>) dst(%arg11 : memref<104x256xi32, #tpu.memory_space<vmem>>)
      %mul3A_216 = arith.constant 224 : i32
      %mul3A_217 = arith.muli %add3A_174, %mul3A_216 : i32
      %broadcast_in_dim3A_218 = vector.broadcast %mul3A_217 : i32 to vector<16xi32>
      %mul3A_219 = arith.constant 128 : i32
      %mul3A_220 = arith.muli %add3A_174, %mul3A_219 : i32
      %broadcast_in_dim3A_221 = vector.broadcast %mul3A_220 : i32 to vector<16xi32>
      %scan3A_222 = arith.constant 0 : i32
      %scan3A_223 = arith.constant 49 : i32
      %scan3A_224 = arith.addi %scan3A_222, %scan3A_223 : i32
      %scan3A_225 = arith.constant 1 : i32
      scf.for %scan3A_230 = %scan3A_222 to %scan3A_224 step %scan3A_225  : i32 {
        %mul3A_231 = arith.constant 1 : i32
        %mul3A_232 = arith.muli %scan3A_230, %mul3A_231 : i32
        %add3A_233 = arith.constant 0 : i32
        %add3A_234 = arith.addi %add3A_233, %mul3A_232 : i32
        %add3A_235 = vector.broadcast %add3A_234 : i32 to vector<16xi32>
        %add3A_236 = arith.addi %broadcast_in_dim3A_218, %add3A_235 : vector<16xi32>
        %gather3A = tpu.vector_load_idx %arg8[%add3A_236] : memref<7168xf32, #tpu.memory_space<vmem>>[vector<16xi32>], vector<16xf32>,
        %add3A_237 = arith.constant 56 : i32
        %add3A_238 = vector.broadcast %add3A_237 : i32 to vector<16xi32>
        %add3A_239 = arith.addi %add3A_236, %add3A_238 : vector<16xi32>
        %gather3A_240 = tpu.vector_load_idx %arg8[%add3A_239] : memref<7168xf32, #tpu.memory_space<vmem>>[vector<16xi32>], vector<16xf32>,
        %add3A_241 = arith.constant 112 : i32
        %add3A_242 = vector.broadcast %add3A_241 : i32 to vector<16xi32>
        %add3A_243 = arith.addi %add3A_236, %add3A_242 : vector<16xi32>
        %gather3A_244 = tpu.vector_load_idx %arg8[%add3A_243] : memref<7168xf32, #tpu.memory_space<vmem>>[vector<16xi32>], vector<16xf32>,
        %add3A_245 = arith.constant 168 : i32
        %add3A_246 = vector.broadcast %add3A_245 : i32 to vector<16xi32>
        %add3A_247 = arith.addi %add3A_236, %add3A_246 : vector<16xi32>
        %gather3A_248 = tpu.vector_load_idx %arg8[%add3A_247] : memref<7168xf32, #tpu.memory_space<vmem>>[vector<16xi32>], vector<16xf32>,
        %rem3A = arith.constant 7 : i32
        %rem3A_249 = arith.remsi %add3A_234, %rem3A : i32
        %add3A_250 = vector.broadcast %rem3A_249 : i32 to vector<16xi32>
        %add3A_251 = arith.addi %broadcast_in_dim3A_221, %add3A_250 : vector<16xi32>
        %gather3A_252 = tpu.vector_load_idx %arg9[%add3A_251] : memref<4096xi32, #tpu.memory_space<vmem>>[vector<16xi32>], vector<16xi32>,
        %add3A_253 = arith.addi %gather3A_252, %iota3A : vector<16xi32>
        %add3A_254 = arith.constant 64 : i32
        %add3A_255 = arith.addi %add3A_254, %rem3A_249 : i32
        %add3A_256 = vector.broadcast %add3A_255 : i32 to vector<16xi32>
        %add3A_257 = arith.addi %broadcast_in_dim3A_221, %add3A_256 : vector<16xi32>
        %gather3A_258 = tpu.vector_load_idx %arg9[%add3A_257] : memref<4096xi32, #tpu.memory_space<vmem>>[vector<16xi32>], vector<16xi32>,
        %add3A_259 = arith.addi %gather3A_258, %iota3A : vector<16xi32>
        %broadcast_in_dim3A_260 = vector.broadcast %add3A_234 : i32 to vector<16xi32>
        %add3A_261 = arith.constant 52 : i32
        %add3A_262 = arith.addi %add3A_261, %add3A_234 : i32
        %broadcast_in_dim3A_263 = vector.broadcast %add3A_262 : i32 to vector<16xi32>
        %add3A_264 = arith.constant 0 : i32
        %add3A_265 = vector.broadcast %add3A_264 : i32 to vector<16xi32>
        %add3A_266 = arith.addi %add3A_253, %add3A_265 : vector<16xi32>
        %gather3A_267 = tpu.vector_load_idx %arg11[%broadcast_in_dim3A_260, %add3A_266] : memref<104x256xi32, #tpu.memory_space<vmem>>[vector<16xi32>, vector<16xi32>], vector<16xi32>,
        %add3A_268 = arith.constant 0 : i32
        %add3A_269 = vector.broadcast %add3A_268 : i32 to vector<16xi32>
        %add3A_270 = arith.addi %add3A_259, %add3A_269 : vector<16xi32>
        %gather3A_271 = tpu.vector_load_idx %arg11[%broadcast_in_dim3A_260, %add3A_270] : memref<104x256xi32, #tpu.memory_space<vmem>>[vector<16xi32>, vector<16xi32>], vector<16xi32>,
        %add3A_272 = arith.constant 0 : i32
        %add3A_273 = vector.broadcast %add3A_272 : i32 to vector<16xi32>
        %add3A_274 = arith.addi %add3A_253, %add3A_273 : vector<16xi32>
        %gather3A_275 = tpu.vector_load_idx %arg11[%broadcast_in_dim3A_263, %add3A_274] : memref<104x256xi32, #tpu.memory_space<vmem>>[vector<16xi32>, vector<16xi32>], vector<16xi32>,
        %add3A_276 = arith.constant 0 : i32
        %add3A_277 = vector.broadcast %add3A_276 : i32 to vector<16xi32>
        %add3A_278 = arith.addi %add3A_259, %add3A_277 : vector<16xi32>
        %gather3A_279 = tpu.vector_load_idx %arg11[%broadcast_in_dim3A_263, %add3A_278] : memref<104x256xi32, #tpu.memory_space<vmem>>[vector<16xi32>, vector<16xi32>], vector<16xi32>,
        %bitcast3A = vector.bitcast %gather3A_267 : vector<16xi32> to vector<32xbf16>
        %unpack3A = tpu.unpack_subelements %bitcast3A, 0 {pack_format = #tpu.pack_format<interleaved>} : vector<32xbf16> -> vector<16xf32>
        %unpack3A_280 = tpu.unpack_subelements %bitcast3A, 1 {pack_format = #tpu.pack_format<interleaved>} : vector<32xbf16> -> vector<16xf32>
        %bitcast3A_281 = vector.bitcast %gather3A_271 : vector<16xi32> to vector<32xbf16>
        %unpack3A_282 = tpu.unpack_subelements %bitcast3A_281, 0 {pack_format = #tpu.pack_format<interleaved>} : vector<32xbf16> -> vector<16xf32>
        %unpack3A_283 = tpu.unpack_subelements %bitcast3A_281, 1 {pack_format = #tpu.pack_format<interleaved>} : vector<32xbf16> -> vector<16xf32>
        %bitcast3A_284 = vector.bitcast %gather3A_275 : vector<16xi32> to vector<32xbf16>
        %unpack3A_285 = tpu.unpack_subelements %bitcast3A_284, 0 {pack_format = #tpu.pack_format<interleaved>} : vector<32xbf16> -> vector<16xf32>
        %unpack3A_286 = tpu.unpack_subelements %bitcast3A_284, 1 {pack_format = #tpu.pack_format<interleaved>} : vector<32xbf16> -> vector<16xf32>
        %bitcast3A_287 = vector.bitcast %gather3A_279 : vector<16xi32> to vector<32xbf16>
        %unpack3A_288 = tpu.unpack_subelements %bitcast3A_287, 0 {pack_format = #tpu.pack_format<interleaved>} : vector<32xbf16> -> vector<16xf32>
        %unpack3A_289 = tpu.unpack_subelements %bitcast3A_287, 1 {pack_format = #tpu.pack_format<interleaved>} : vector<32xbf16> -> vector<16xf32>
        %mul3A_290 = arith.mulf %unpack3A, %gather3A : vector<16xf32>
        %mul3A_291 = arith.mulf %unpack3A_282, %gather3A_240 : vector<16xf32>
        %add3A_292 = arith.addf %mul3A_290, %mul3A_291 : vector<16xf32>
        %mul3A_293 = arith.mulf %unpack3A_285, %gather3A_244 : vector<16xf32>
        %add3A_294 = arith.addf %add3A_292, %mul3A_293 : vector<16xf32>
        %mul3A_295 = arith.mulf %unpack3A_288, %gather3A_248 : vector<16xf32>
        %add3A_296 = arith.addf %add3A_294, %mul3A_295 : vector<16xf32>
        %mul3A_297 = arith.mulf %unpack3A_280, %gather3A : vector<16xf32>
        %mul3A_298 = arith.mulf %unpack3A_283, %gather3A_240 : vector<16xf32>
        %add3A_299 = arith.addf %mul3A_297, %mul3A_298 : vector<16xf32>
        %mul3A_300 = arith.mulf %unpack3A_286, %gather3A_244 : vector<16xf32>
        %add3A_301 = arith.addf %add3A_299, %mul3A_300 : vector<16xf32>
        %mul3A_302 = arith.mulf %unpack3A_289, %gather3A_248 : vector<16xf32>
        %add3A_303 = arith.addf %add3A_301, %mul3A_302 : vector<16xf32>
        %add3A_304 = vector.broadcast %add3A_234 : i32 to vector<16xi32>
        %add3A_305 = arith.addi %mul3A_18, %add3A_304 : vector<16xi32>
        tpu.vector_store_idx %arg12[%add3A_305], %add3A_296 : memref<12544xf32, #tpu.memory_space<vmem>>[vector<16xi32>], vector<16xf32>,
        %add3A_306 = vector.broadcast %add3A_234 : i32 to vector<16xi32>
        %add3A_307 = arith.addi %mul3A_90, %add3A_306 : vector<16xi32>
        tpu.vector_store_idx %arg12[%add3A_307], %add3A_303 : memref<12544xf32, #tpu.memory_space<vmem>>[vector<16xi32>], vector<16xf32>,
        %add3A_308 = arith.constant 16 : i32
        %add3A_309 = vector.broadcast %add3A_308 : i32 to vector<16xi32>
        %add3A_310 = arith.addi %add3A_253, %add3A_309 : vector<16xi32>
        %gather3A_311 = tpu.vector_load_idx %arg11[%broadcast_in_dim3A_260, %add3A_310] : memref<104x256xi32, #tpu.memory_space<vmem>>[vector<16xi32>, vector<16xi32>], vector<16xi32>,
        %add3A_312 = arith.constant 16 : i32
        %add3A_313 = vector.broadcast %add3A_312 : i32 to vector<16xi32>
        %add3A_314 = arith.addi %add3A_259, %add3A_313 : vector<16xi32>
        %gather3A_315 = tpu.vector_load_idx %arg11[%broadcast_in_dim3A_260, %add3A_314] : memref<104x256xi32, #tpu.memory_space<vmem>>[vector<16xi32>, vector<16xi32>], vector<16xi32>,
        %add3A_316 = arith.constant 16 : i32
        %add3A_317 = vector.broadcast %add3A_316 : i32 to vector<16xi32>
        %add3A_318 = arith.addi %add3A_253, %add3A_317 : vector<16xi32>
        %gather3A_319 = tpu.vector_load_idx %arg11[%broadcast_in_dim3A_263, %add3A_318] : memref<104x256xi32, #tpu.memory_space<vmem>>[vector<16xi32>, vector<16xi32>], vector<16xi32>,
        %add3A_320 = arith.constant 16 : i32
        %add3A_321 = vector.broadcast %add3A_320 : i32 to vector<16xi32>
        %add3A_322 = arith.addi %add3A_259, %add3A_321 : vector<16xi32>
        %gather3A_323 = tpu.vector_load_idx %arg11[%broadcast_in_dim3A_263, %add3A_322] : memref<104x256xi32, #tpu.memory_space<vmem>>[vector<16xi32>, vector<16xi32>], vector<16xi32>,
        %bitcast3A_324 = vector.bitcast %gather3A_311 : vector<16xi32> to vector<32xbf16>
        %unpack3A_325 = tpu.unpack_subelements %bitcast3A_324, 0 {pack_format = #tpu.pack_format<interleaved>} : vector<32xbf16> -> vector<16xf32>
        %unpack3A_326 = tpu.unpack_subelements %bitcast3A_324, 1 {pack_format = #tpu.pack_format<interleaved>} : vector<32xbf16> -> vector<16xf32>
        %bitcast3A_327 = vector.bitcast %gather3A_315 : vector<16xi32> to vector<32xbf16>
        %unpack3A_328 = tpu.unpack_subelements %bitcast3A_327, 0 {pack_format = #tpu.pack_format<interleaved>} : vector<32xbf16> -> vector<16xf32>
        %unpack3A_329 = tpu.unpack_subelements %bitcast3A_327, 1 {pack_format = #tpu.pack_format<interleaved>} : vector<32xbf16> -> vector<16xf32>
        %bitcast3A_330 = vector.bitcast %gather3A_319 : vector<16xi32> to vector<32xbf16>
        %unpack3A_331 = tpu.unpack_subelements %bitcast3A_330, 0 {pack_format = #tpu.pack_format<interleaved>} : vector<32xbf16> -> vector<16xf32>
        %unpack3A_332 = tpu.unpack_subelements %bitcast3A_330, 1 {pack_format = #tpu.pack_format<interleaved>} : vector<32xbf16> -> vector<16xf32>
        %bitcast3A_333 = vector.bitcast %gather3A_323 : vector<16xi32> to vector<32xbf16>
        %unpack3A_334 = tpu.unpack_subelements %bitcast3A_333, 0 {pack_format = #tpu.pack_format<interleaved>} : vector<32xbf16> -> vector<16xf32>
        %unpack3A_335 = tpu.unpack_subelements %bitcast3A_333, 1 {pack_format = #tpu.pack_format<interleaved>} : vector<32xbf16> -> vector<16xf32>
        %mul3A_336 = arith.mulf %unpack3A_325, %gather3A : vector<16xf32>
        %mul3A_337 = arith.mulf %unpack3A_328, %gather3A_240 : vector<16xf32>
        %add3A_338 = arith.addf %mul3A_336, %mul3A_337 : vector<16xf32>
        %mul3A_339 = arith.mulf %unpack3A_331, %gather3A_244 : vector<16xf32>
        %add3A_340 = arith.addf %add3A_338, %mul3A_339 : vector<16xf32>
        %mul3A_341 = arith.mulf %unpack3A_334, %gather3A_248 : vector<16xf32>
        %add3A_342 = arith.addf %add3A_340, %mul3A_341 : vector<16xf32>
        %mul3A_343 = arith.mulf %unpack3A_326, %gather3A : vector<16xf32>
        %mul3A_344 = arith.mulf %unpack3A_329, %gather3A_240 : vector<16xf32>
        %add3A_345 = arith.addf %mul3A_343, %mul3A_344 : vector<16xf32>
        %mul3A_346 = arith.mulf %unpack3A_332, %gather3A_244 : vector<16xf32>
        %add3A_347 = arith.addf %add3A_345, %mul3A_346 : vector<16xf32>
        %mul3A_348 = arith.mulf %unpack3A_335, %gather3A_248 : vector<16xf32>
        %add3A_349 = arith.addf %add3A_347, %mul3A_348 : vector<16xf32>
        %add3A_350 = vector.broadcast %add3A_234 : i32 to vector<16xi32>
        %add3A_351 = arith.addi %mul3A_27, %add3A_350 : vector<16xi32>
        tpu.vector_store_idx %arg12[%add3A_351], %add3A_342 : memref<12544xf32, #tpu.memory_space<vmem>>[vector<16xi32>], vector<16xf32>,
        %add3A_352 = vector.broadcast %add3A_234 : i32 to vector<16xi32>
        %add3A_353 = arith.addi %mul3A_99, %add3A_352 : vector<16xi32>
        tpu.vector_store_idx %arg12[%add3A_353], %add3A_349 : memref<12544xf32, #tpu.memory_space<vmem>>[vector<16xi32>], vector<16xf32>,
        %add3A_354 = arith.constant 32 : i32
        %add3A_355 = vector.broadcast %add3A_354 : i32 to vector<16xi32>
        %add3A_356 = arith.addi %add3A_253, %add3A_355 : vector<16xi32>
        %gather3A_357 = tpu.vector_load_idx %arg11[%broadcast_in_dim3A_260, %add3A_356] : memref<104x256xi32, #tpu.memory_space<vmem>>[vector<16xi32>, vector<16xi32>], vector<16xi32>,
        %add3A_358 = arith.constant 32 : i32
        %add3A_359 = vector.broadcast %add3A_358 : i32 to vector<16xi32>
        %add3A_360 = arith.addi %add3A_259, %add3A_359 : vector<16xi32>
        %gather3A_361 = tpu.vector_load_idx %arg11[%broadcast_in_dim3A_260, %add3A_360] : memref<104x256xi32, #tpu.memory_space<vmem>>[vector<16xi32>, vector<16xi32>], vector<16xi32>,
        %add3A_362 = arith.constant 32 : i32
        %add3A_363 = vector.broadcast %add3A_362 : i32 to vector<16xi32>
        %add3A_364 = arith.addi %add3A_253, %add3A_363 : vector<16xi32>
        %gather3A_365 = tpu.vector_load_idx %arg11[%broadcast_in_dim3A_263, %add3A_364] : memref<104x256xi32, #tpu.memory_space<vmem>>[vector<16xi32>, vector<16xi32>], vector<16xi32>,
        %add3A_366 = arith.constant 32 : i32
        %add3A_367 = vector.broadcast %add3A_366 : i32 to vector<16xi32>
        %add3A_368 = arith.addi %add3A_259, %add3A_367 : vector<16xi32>
        %gather3A_369 = tpu.vector_load_idx %arg11[%broadcast_in_dim3A_263, %add3A_368] : memref<104x256xi32, #tpu.memory_space<vmem>>[vector<16xi32>, vector<16xi32>], vector<16xi32>,
        %bitcast3A_370 = vector.bitcast %gather3A_357 : vector<16xi32> to vector<32xbf16>
        %unpack3A_371 = tpu.unpack_subelements %bitcast3A_370, 0 {pack_format = #tpu.pack_format<interleaved>} : vector<32xbf16> -> vector<16xf32>
        %unpack3A_372 = tpu.unpack_subelements %bitcast3A_370, 1 {pack_format = #tpu.pack_format<interleaved>} : vector<32xbf16> -> vector<16xf32>
        %bitcast3A_373 = vector.bitcast %gather3A_361 : vector<16xi32> to vector<32xbf16>
        %unpack3A_374 = tpu.unpack_subelements %bitcast3A_373, 0 {pack_format = #tpu.pack_format<interleaved>} : vector<32xbf16> -> vector<16xf32>
        %unpack3A_375 = tpu.unpack_subelements %bitcast3A_373, 1 {pack_format = #tpu.pack_format<interleaved>} : vector<32xbf16> -> vector<16xf32>
        %bitcast3A_376 = vector.bitcast %gather3A_365 : vector<16xi32> to vector<32xbf16>
        %unpack3A_377 = tpu.unpack_subelements %bitcast3A_376, 0 {pack_format = #tpu.pack_format<interleaved>} : vector<32xbf16> -> vector<16xf32>
        %unpack3A_378 = tpu.unpack_subelements %bitcast3A_376, 1 {pack_format = #tpu.pack_format<interleaved>} : vector<32xbf16> -> vector<16xf32>
        %bitcast3A_379 = vector.bitcast %gather3A_369 : vector<16xi32> to vector<32xbf16>
        %unpack3A_380 = tpu.unpack_subelements %bitcast3A_379, 0 {pack_format = #tpu.pack_format<interleaved>} : vector<32xbf16> -> vector<16xf32>
        %unpack3A_381 = tpu.unpack_subelements %bitcast3A_379, 1 {pack_format = #tpu.pack_format<interleaved>} : vector<32xbf16> -> vector<16xf32>
        %mul3A_382 = arith.mulf %unpack3A_371, %gather3A : vector<16xf32>
        %mul3A_383 = arith.mulf %unpack3A_374, %gather3A_240 : vector<16xf32>
        %add3A_384 = arith.addf %mul3A_382, %mul3A_383 : vector<16xf32>
        %mul3A_385 = arith.mulf %unpack3A_377, %gather3A_244 : vector<16xf32>
        %add3A_386 = arith.addf %add3A_384, %mul3A_385 : vector<16xf32>
        %mul3A_387 = arith.mulf %unpack3A_380, %gather3A_248 : vector<16xf32>
        %add3A_388 = arith.addf %add3A_386, %mul3A_387 : vector<16xf32>
        %mul3A_389 = arith.mulf %unpack3A_372, %gather3A : vector<16xf32>
        %mul3A_390 = arith.mulf %unpack3A_375, %gather3A_240 : vector<16xf32>
        %add3A_391 = arith.addf %mul3A_389, %mul3A_390 : vector<16xf32>
        %mul3A_392 = arith.mulf %unpack3A_378, %gather3A_244 : vector<16xf32>
        %add3A_393 = arith.addf %add3A_391, %mul3A_392 : vector<16xf32>
        %mul3A_394 = arith.mulf %unpack3A_381, %gather3A_248 : vector<16xf32>
        %add3A_395 = arith.addf %add3A_393, %mul3A_394 : vector<16xf32>
        %add3A_396 = vector.broadcast %add3A_234 : i32 to vector<16xi32>
        %add3A_397 = arith.addi %mul3A_36, %add3A_396 : vector<16xi32>
        tpu.vector_store_idx %arg12[%add3A_397], %add3A_388 : memref<12544xf32, #tpu.memory_space<vmem>>[vector<16xi32>], vector<16xf32>,
        %add3A_398 = vector.broadcast %add3A_234 : i32 to vector<16xi32>
        %add3A_399 = arith.addi %mul3A_108, %add3A_398 : vector<16xi32>
        tpu.vector_store_idx %arg12[%add3A_399], %add3A_395 : memref<12544xf32, #tpu.memory_space<vmem>>[vector<16xi32>], vector<16xf32>,
        %add3A_400 = arith.constant 48 : i32
        %add3A_401 = vector.broadcast %add3A_400 : i32 to vector<16xi32>
        %add3A_402 = arith.addi %add3A_253, %add3A_401 : vector<16xi32>
        %gather3A_403 = tpu.vector_load_idx %arg11[%broadcast_in_dim3A_260, %add3A_402] : memref<104x256xi32, #tpu.memory_space<vmem>>[vector<16xi32>, vector<16xi32>], vector<16xi32>,
        %add3A_404 = arith.constant 48 : i32
        %add3A_405 = vector.broadcast %add3A_404 : i32 to vector<16xi32>
        %add3A_406 = arith.addi %add3A_259, %add3A_405 : vector<16xi32>
        %gather3A_407 = tpu.vector_load_idx %arg11[%broadcast_in_dim3A_260, %add3A_406] : memref<104x256xi32, #tpu.memory_space<vmem>>[vector<16xi32>, vector<16xi32>], vector<16xi32>,
        %add3A_408 = arith.constant 48 : i32
        %add3A_409 = vector.broadcast %add3A_408 : i32 to vector<16xi32>
        %add3A_410 = arith.addi %add3A_253, %add3A_409 : vector<16xi32>
        %gather3A_411 = tpu.vector_load_idx %arg11[%broadcast_in_dim3A_263, %add3A_410] : memref<104x256xi32, #tpu.memory_space<vmem>>[vector<16xi32>, vector<16xi32>], vector<16xi32>,
        %add3A_412 = arith.constant 48 : i32
        %add3A_413 = vector.broadcast %add3A_412 : i32 to vector<16xi32>
        %add3A_414 = arith.addi %add3A_259, %add3A_413 : vector<16xi32>
        %gather3A_415 = tpu.vector_load_idx %arg11[%broadcast_in_dim3A_263, %add3A_414] : memref<104x256xi32, #tpu.memory_space<vmem>>[vector<16xi32>, vector<16xi32>], vector<16xi32>,
        %bitcast3A_416 = vector.bitcast %gather3A_403 : vector<16xi32> to vector<32xbf16>
        %unpack3A_417 = tpu.unpack_subelements %bitcast3A_416, 0 {pack_format = #tpu.pack_format<interleaved>} : vector<32xbf16> -> vector<16xf32>
        %unpack3A_418 = tpu.unpack_subelements %bitcast3A_416, 1 {pack_format = #tpu.pack_format<interleaved>} : vector<32xbf16> -> vector<16xf32>
        %bitcast3A_419 = vector.bitcast %gather3A_407 : vector<16xi32> to vector<32xbf16>
        %unpack3A_420 = tpu.unpack_subelements %bitcast3A_419, 0 {pack_format = #tpu.pack_format<interleaved>} : vector<32xbf16> -> vector<16xf32>
        %unpack3A_421 = tpu.unpack_subelements %bitcast3A_419, 1 {pack_format = #tpu.pack_format<interleaved>} : vector<32xbf16> -> vector<16xf32>
        %bitcast3A_422 = vector.bitcast %gather3A_411 : vector<16xi32> to vector<32xbf16>
        %unpack3A_423 = tpu.unpack_subelements %bitcast3A_422, 0 {pack_format = #tpu.pack_format<interleaved>} : vector<32xbf16> -> vector<16xf32>
        %unpack3A_424 = tpu.unpack_subelements %bitcast3A_422, 1 {pack_format = #tpu.pack_format<interleaved>} : vector<32xbf16> -> vector<16xf32>
        %bitcast3A_425 = vector.bitcast %gather3A_415 : vector<16xi32> to vector<32xbf16>
        %unpack3A_426 = tpu.unpack_subelements %bitcast3A_425, 0 {pack_format = #tpu.pack_format<interleaved>} : vector<32xbf16> -> vector<16xf32>
        %unpack3A_427 = tpu.unpack_subelements %bitcast3A_425, 1 {pack_format = #tpu.pack_format<interleaved>} : vector<32xbf16> -> vector<16xf32>
        %mul3A_428 = arith.mulf %unpack3A_417, %gather3A : vector<16xf32>
        %mul3A_429 = arith.mulf %unpack3A_420, %gather3A_240 : vector<16xf32>
        %add3A_430 = arith.addf %mul3A_428, %mul3A_429 : vector<16xf32>
        %mul3A_431 = arith.mulf %unpack3A_423, %gather3A_244 : vector<16xf32>
        %add3A_432 = arith.addf %add3A_430, %mul3A_431 : vector<16xf32>
        %mul3A_433 = arith.mulf %unpack3A_426, %gather3A_248 : vector<16xf32>
        %add3A_434 = arith.addf %add3A_432, %mul3A_433 : vector<16xf32>
        %mul3A_435 = arith.mulf %unpack3A_418, %gather3A : vector<16xf32>
        %mul3A_436 = arith.mulf %unpack3A_421, %gather3A_240 : vector<16xf32>
        %add3A_437 = arith.addf %mul3A_435, %mul3A_436 : vector<16xf32>
        %mul3A_438 = arith.mulf %unpack3A_424, %gather3A_244 : vector<16xf32>
        %add3A_439 = arith.addf %add3A_437, %mul3A_438 : vector<16xf32>
        %mul3A_440 = arith.mulf %unpack3A_427, %gather3A_248 : vector<16xf32>
        %add3A_441 = arith.addf %add3A_439, %mul3A_440 : vector<16xf32>
        %add3A_442 = vector.broadcast %add3A_234 : i32 to vector<16xi32>
        %add3A_443 = arith.addi %mul3A_45, %add3A_442 : vector<16xi32>
        tpu.vector_store_idx %arg12[%add3A_443], %add3A_434 : memref<12544xf32, #tpu.memory_space<vmem>>[vector<16xi32>], vector<16xf32>,
        %add3A_444 = vector.broadcast %add3A_234 : i32 to vector<16xi32>
        %add3A_445 = arith.addi %mul3A_117, %add3A_444 : vector<16xi32>
        tpu.vector_store_idx %arg12[%add3A_445], %add3A_441 : memref<12544xf32, #tpu.memory_space<vmem>>[vector<16xi32>], vector<16xf32>,
        %add3A_446 = arith.constant 64 : i32
        %add3A_447 = vector.broadcast %add3A_446 : i32 to vector<16xi32>
        %add3A_448 = arith.addi %add3A_253, %add3A_447 : vector<16xi32>
        %gather3A_449 = tpu.vector_load_idx %arg11[%broadcast_in_dim3A_260, %add3A_448] : memref<104x256xi32, #tpu.memory_space<vmem>>[vector<16xi32>, vector<16xi32>], vector<16xi32>,
        %add3A_450 = arith.constant 64 : i32
        %add3A_451 = vector.broadcast %add3A_450 : i32 to vector<16xi32>
        %add3A_452 = arith.addi %add3A_259, %add3A_451 : vector<16xi32>
        %gather3A_453 = tpu.vector_load_idx %arg11[%broadcast_in_dim3A_260, %add3A_452] : memref<104x256xi32, #tpu.memory_space<vmem>>[vector<16xi32>, vector<16xi32>], vector<16xi32>,
        %add3A_454 = arith.constant 64 : i32
        %add3A_455 = vector.broadcast %add3A_454 : i32 to vector<16xi32>
        %add3A_456 = arith.addi %add3A_253, %add3A_455 : vector<16xi32>
        %gather3A_457 = tpu.vector_load_idx %arg11[%broadcast_in_dim3A_263, %add3A_456] : memref<104x256xi32, #tpu.memory_space<vmem>>[vector<16xi32>, vector<16xi32>], vector<16xi32>,
        %add3A_458 = arith.constant 64 : i32
        %add3A_459 = vector.broadcast %add3A_458 : i32 to vector<16xi32>
        %add3A_460 = arith.addi %add3A_259, %add3A_459 : vector<16xi32>
        %gather3A_461 = tpu.vector_load_idx %arg11[%broadcast_in_dim3A_263, %add3A_460] : memref<104x256xi32, #tpu.memory_space<vmem>>[vector<16xi32>, vector<16xi32>], vector<16xi32>,
        %bitcast3A_462 = vector.bitcast %gather3A_449 : vector<16xi32> to vector<32xbf16>
        %unpack3A_463 = tpu.unpack_subelements %bitcast3A_462, 0 {pack_format = #tpu.pack_format<interleaved>} : vector<32xbf16> -> vector<16xf32>
        %unpack3A_464 = tpu.unpack_subelements %bitcast3A_462, 1 {pack_format = #tpu.pack_format<interleaved>} : vector<32xbf16> -> vector<16xf32>
        %bitcast3A_465 = vector.bitcast %gather3A_453 : vector<16xi32> to vector<32xbf16>
        %unpack3A_466 = tpu.unpack_subelements %bitcast3A_465, 0 {pack_format = #tpu.pack_format<interleaved>} : vector<32xbf16> -> vector<16xf32>
        %unpack3A_467 = tpu.unpack_subelements %bitcast3A_465, 1 {pack_format = #tpu.pack_format<interleaved>} : vector<32xbf16> -> vector<16xf32>
        %bitcast3A_468 = vector.bitcast %gather3A_457 : vector<16xi32> to vector<32xbf16>
        %unpack3A_469 = tpu.unpack_subelements %bitcast3A_468, 0 {pack_format = #tpu.pack_format<interleaved>} : vector<32xbf16> -> vector<16xf32>
        %unpack3A_470 = tpu.unpack_subelements %bitcast3A_468, 1 {pack_format = #tpu.pack_format<interleaved>} : vector<32xbf16> -> vector<16xf32>
        %bitcast3A_471 = vector.bitcast %gather3A_461 : vector<16xi32> to vector<32xbf16>
        %unpack3A_472 = tpu.unpack_subelements %bitcast3A_471, 0 {pack_format = #tpu.pack_format<interleaved>} : vector<32xbf16> -> vector<16xf32>
        %unpack3A_473 = tpu.unpack_subelements %bitcast3A_471, 1 {pack_format = #tpu.pack_format<interleaved>} : vector<32xbf16> -> vector<16xf32>
        %mul3A_474 = arith.mulf %unpack3A_463, %gather3A : vector<16xf32>
        %mul3A_475 = arith.mulf %unpack3A_466, %gather3A_240 : vector<16xf32>
        %add3A_476 = arith.addf %mul3A_474, %mul3A_475 : vector<16xf32>
        %mul3A_477 = arith.mulf %unpack3A_469, %gather3A_244 : vector<16xf32>
        %add3A_478 = arith.addf %add3A_476, %mul3A_477 : vector<16xf32>
        %mul3A_479 = arith.mulf %unpack3A_472, %gather3A_248 : vector<16xf32>
        %add3A_480 = arith.addf %add3A_478, %mul3A_479 : vector<16xf32>
        %mul3A_481 = arith.mulf %unpack3A_464, %gather3A : vector<16xf32>
        %mul3A_482 = arith.mulf %unpack3A_467, %gather3A_240 : vector<16xf32>
        %add3A_483 = arith.addf %mul3A_481, %mul3A_482 : vector<16xf32>
        %mul3A_484 = arith.mulf %unpack3A_470, %gather3A_244 : vector<16xf32>
        %add3A_485 = arith.addf %add3A_483, %mul3A_484 : vector<16xf32>
        %mul3A_486 = arith.mulf %unpack3A_473, %gather3A_248 : vector<16xf32>
        %add3A_487 = arith.addf %add3A_485, %mul3A_486 : vector<16xf32>
        %add3A_488 = vector.broadcast %add3A_234 : i32 to vector<16xi32>
        %add3A_489 = arith.addi %mul3A_54, %add3A_488 : vector<16xi32>
        tpu.vector_store_idx %arg12[%add3A_489], %add3A_480 : memref<12544xf32, #tpu.memory_space<vmem>>[vector<16xi32>], vector<16xf32>,
        %add3A_490 = vector.broadcast %add3A_234 : i32 to vector<16xi32>
        %add3A_491 = arith.addi %mul3A_126, %add3A_490 : vector<16xi32>
        tpu.vector_store_idx %arg12[%add3A_491], %add3A_487 : memref<12544xf32, #tpu.memory_space<vmem>>[vector<16xi32>], vector<16xf32>,
        %add3A_492 = arith.constant 80 : i32
        %add3A_493 = vector.broadcast %add3A_492 : i32 to vector<16xi32>
        %add3A_494 = arith.addi %add3A_253, %add3A_493 : vector<16xi32>
        %gather3A_495 = tpu.vector_load_idx %arg11[%broadcast_in_dim3A_260, %add3A_494] : memref<104x256xi32, #tpu.memory_space<vmem>>[vector<16xi32>, vector<16xi32>], vector<16xi32>,
        %add3A_496 = arith.constant 80 : i32
        %add3A_497 = vector.broadcast %add3A_496 : i32 to vector<16xi32>
        %add3A_498 = arith.addi %add3A_259, %add3A_497 : vector<16xi32>
        %gather3A_499 = tpu.vector_load_idx %arg11[%broadcast_in_dim3A_260, %add3A_498] : memref<104x256xi32, #tpu.memory_space<vmem>>[vector<16xi32>, vector<16xi32>], vector<16xi32>,
        %add3A_500 = arith.constant 80 : i32
        %add3A_501 = vector.broadcast %add3A_500 : i32 to vector<16xi32>
        %add3A_502 = arith.addi %add3A_253, %add3A_501 : vector<16xi32>
        %gather3A_503 = tpu.vector_load_idx %arg11[%broadcast_in_dim3A_263, %add3A_502] : memref<104x256xi32, #tpu.memory_space<vmem>>[vector<16xi32>, vector<16xi32>], vector<16xi32>,
        %add3A_504 = arith.constant 80 : i32
        %add3A_505 = vector.broadcast %add3A_504 : i32 to vector<16xi32>
        %add3A_506 = arith.addi %add3A_259, %add3A_505 : vector<16xi32>
        %gather3A_507 = tpu.vector_load_idx %arg11[%broadcast_in_dim3A_263, %add3A_506] : memref<104x256xi32, #tpu.memory_space<vmem>>[vector<16xi32>, vector<16xi32>], vector<16xi32>,
        %bitcast3A_508 = vector.bitcast %gather3A_495 : vector<16xi32> to vector<32xbf16>
        %unpack3A_509 = tpu.unpack_subelements %bitcast3A_508, 0 {pack_format = #tpu.pack_format<interleaved>} : vector<32xbf16> -> vector<16xf32>
        %unpack3A_510 = tpu.unpack_subelements %bitcast3A_508, 1 {pack_format = #tpu.pack_format<interleaved>} : vector<32xbf16> -> vector<16xf32>
        %bitcast3A_511 = vector.bitcast %gather3A_499 : vector<16xi32> to vector<32xbf16>
        %unpack3A_512 = tpu.unpack_subelements %bitcast3A_511, 0 {pack_format = #tpu.pack_format<interleaved>} : vector<32xbf16> -> vector<16xf32>
        %unpack3A_513 = tpu.unpack_subelements %bitcast3A_511, 1 {pack_format = #tpu.pack_format<interleaved>} : vector<32xbf16> -> vector<16xf32>
        %bitcast3A_514 = vector.bitcast %gather3A_503 : vector<16xi32> to vector<32xbf16>
        %unpack3A_515 = tpu.unpack_subelements %bitcast3A_514, 0 {pack_format = #tpu.pack_format<interleaved>} : vector<32xbf16> -> vector<16xf32>
        %unpack3A_516 = tpu.unpack_subelements %bitcast3A_514, 1 {pack_format = #tpu.pack_format<interleaved>} : vector<32xbf16> -> vector<16xf32>
        %bitcast3A_517 = vector.bitcast %gather3A_507 : vector<16xi32> to vector<32xbf16>
        %unpack3A_518 = tpu.unpack_subelements %bitcast3A_517, 0 {pack_format = #tpu.pack_format<interleaved>} : vector<32xbf16> -> vector<16xf32>
        %unpack3A_519 = tpu.unpack_subelements %bitcast3A_517, 1 {pack_format = #tpu.pack_format<interleaved>} : vector<32xbf16> -> vector<16xf32>
        %mul3A_520 = arith.mulf %unpack3A_509, %gather3A : vector<16xf32>
        %mul3A_521 = arith.mulf %unpack3A_512, %gather3A_240 : vector<16xf32>
        %add3A_522 = arith.addf %mul3A_520, %mul3A_521 : vector<16xf32>
        %mul3A_523 = arith.mulf %unpack3A_515, %gather3A_244 : vector<16xf32>
        %add3A_524 = arith.addf %add3A_522, %mul3A_523 : vector<16xf32>
        %mul3A_525 = arith.mulf %unpack3A_518, %gather3A_248 : vector<16xf32>
        %add3A_526 = arith.addf %add3A_524, %mul3A_525 : vector<16xf32>
        %mul3A_527 = arith.mulf %unpack3A_510, %gather3A : vector<16xf32>
        %mul3A_528 = arith.mulf %unpack3A_513, %gather3A_240 : vector<16xf32>
        %add3A_529 = arith.addf %mul3A_527, %mul3A_528 : vector<16xf32>
        %mul3A_530 = arith.mulf %unpack3A_516, %gather3A_244 : vector<16xf32>
        %add3A_531 = arith.addf %add3A_529, %mul3A_530 : vector<16xf32>
        %mul3A_532 = arith.mulf %unpack3A_519, %gather3A_248 : vector<16xf32>
        %add3A_533 = arith.addf %add3A_531, %mul3A_532 : vector<16xf32>
        %add3A_534 = vector.broadcast %add3A_234 : i32 to vector<16xi32>
        %add3A_535 = arith.addi %mul3A_63, %add3A_534 : vector<16xi32>
        tpu.vector_store_idx %arg12[%add3A_535], %add3A_526 : memref<12544xf32, #tpu.memory_space<vmem>>[vector<16xi32>], vector<16xf32>,
        %add3A_536 = vector.broadcast %add3A_234 : i32 to vector<16xi32>
        %add3A_537 = arith.addi %mul3A_135, %add3A_536 : vector<16xi32>
        tpu.vector_store_idx %arg12[%add3A_537], %add3A_533 : memref<12544xf32, #tpu.memory_space<vmem>>[vector<16xi32>], vector<16xf32>,
        %add3A_538 = arith.constant 96 : i32
        %add3A_539 = vector.broadcast %add3A_538 : i32 to vector<16xi32>
        %add3A_540 = arith.addi %add3A_253, %add3A_539 : vector<16xi32>
        %gather3A_541 = tpu.vector_load_idx %arg11[%broadcast_in_dim3A_260, %add3A_540] : memref<104x256xi32, #tpu.memory_space<vmem>>[vector<16xi32>, vector<16xi32>], vector<16xi32>,
        %add3A_542 = arith.constant 96 : i32
        %add3A_543 = vector.broadcast %add3A_542 : i32 to vector<16xi32>
        %add3A_544 = arith.addi %add3A_259, %add3A_543 : vector<16xi32>
        %gather3A_545 = tpu.vector_load_idx %arg11[%broadcast_in_dim3A_260, %add3A_544] : memref<104x256xi32, #tpu.memory_space<vmem>>[vector<16xi32>, vector<16xi32>], vector<16xi32>,
        %add3A_546 = arith.constant 96 : i32
        %add3A_547 = vector.broadcast %add3A_546 : i32 to vector<16xi32>
        %add3A_548 = arith.addi %add3A_253, %add3A_547 : vector<16xi32>
        %gather3A_549 = tpu.vector_load_idx %arg11[%broadcast_in_dim3A_263, %add3A_548] : memref<104x256xi32, #tpu.memory_space<vmem>>[vector<16xi32>, vector<16xi32>], vector<16xi32>,
        %add3A_550 = arith.constant 96 : i32
        %add3A_551 = vector.broadcast %add3A_550 : i32 to vector<16xi32>
        %add3A_552 = arith.addi %add3A_259, %add3A_551 : vector<16xi32>
        %gather3A_553 = tpu.vector_load_idx %arg11[%broadcast_in_dim3A_263, %add3A_552] : memref<104x256xi32, #tpu.memory_space<vmem>>[vector<16xi32>, vector<16xi32>], vector<16xi32>,
        %bitcast3A_554 = vector.bitcast %gather3A_541 : vector<16xi32> to vector<32xbf16>
        %unpack3A_555 = tpu.unpack_subelements %bitcast3A_554, 0 {pack_format = #tpu.pack_format<interleaved>} : vector<32xbf16> -> vector<16xf32>
        %unpack3A_556 = tpu.unpack_subelements %bitcast3A_554, 1 {pack_format = #tpu.pack_format<interleaved>} : vector<32xbf16> -> vector<16xf32>
        %bitcast3A_557 = vector.bitcast %gather3A_545 : vector<16xi32> to vector<32xbf16>
        %unpack3A_558 = tpu.unpack_subelements %bitcast3A_557, 0 {pack_format = #tpu.pack_format<interleaved>} : vector<32xbf16> -> vector<16xf32>
        %unpack3A_559 = tpu.unpack_subelements %bitcast3A_557, 1 {pack_format = #tpu.pack_format<interleaved>} : vector<32xbf16> -> vector<16xf32>
        %bitcast3A_560 = vector.bitcast %gather3A_549 : vector<16xi32> to vector<32xbf16>
        %unpack3A_561 = tpu.unpack_subelements %bitcast3A_560, 0 {pack_format = #tpu.pack_format<interleaved>} : vector<32xbf16> -> vector<16xf32>
        %unpack3A_562 = tpu.unpack_subelements %bitcast3A_560, 1 {pack_format = #tpu.pack_format<interleaved>} : vector<32xbf16> -> vector<16xf32>
        %bitcast3A_563 = vector.bitcast %gather3A_553 : vector<16xi32> to vector<32xbf16>
        %unpack3A_564 = tpu.unpack_subelements %bitcast3A_563, 0 {pack_format = #tpu.pack_format<interleaved>} : vector<32xbf16> -> vector<16xf32>
        %unpack3A_565 = tpu.unpack_subelements %bitcast3A_563, 1 {pack_format = #tpu.pack_format<interleaved>} : vector<32xbf16> -> vector<16xf32>
        %mul3A_566 = arith.mulf %unpack3A_555, %gather3A : vector<16xf32>
        %mul3A_567 = arith.mulf %unpack3A_558, %gather3A_240 : vector<16xf32>
        %add3A_568 = arith.addf %mul3A_566, %mul3A_567 : vector<16xf32>
        %mul3A_569 = arith.mulf %unpack3A_561, %gather3A_244 : vector<16xf32>
        %add3A_570 = arith.addf %add3A_568, %mul3A_569 : vector<16xf32>
        %mul3A_571 = arith.mulf %unpack3A_564, %gather3A_248 : vector<16xf32>
        %add3A_572 = arith.addf %add3A_570, %mul3A_571 : vector<16xf32>
        %mul3A_573 = arith.mulf %unpack3A_556, %gather3A : vector<16xf32>
        %mul3A_574 = arith.mulf %unpack3A_559, %gather3A_240 : vector<16xf32>
        %add3A_575 = arith.addf %mul3A_573, %mul3A_574 : vector<16xf32>
        %mul3A_576 = arith.mulf %unpack3A_562, %gather3A_244 : vector<16xf32>
        %add3A_577 = arith.addf %add3A_575, %mul3A_576 : vector<16xf32>
        %mul3A_578 = arith.mulf %unpack3A_565, %gather3A_248 : vector<16xf32>
        %add3A_579 = arith.addf %add3A_577, %mul3A_578 : vector<16xf32>
        %add3A_580 = vector.broadcast %add3A_234 : i32 to vector<16xi32>
        %add3A_581 = arith.addi %mul3A_72, %add3A_580 : vector<16xi32>
        tpu.vector_store_idx %arg12[%add3A_581], %add3A_572 : memref<12544xf32, #tpu.memory_space<vmem>>[vector<16xi32>], vector<16xf32>,
        %add3A_582 = vector.broadcast %add3A_234 : i32 to vector<16xi32>
        %add3A_583 = arith.addi %mul3A_144, %add3A_582 : vector<16xi32>
        tpu.vector_store_idx %arg12[%add3A_583], %add3A_579 : memref<12544xf32, #tpu.memory_space<vmem>>[vector<16xi32>], vector<16xf32>,
        %add3A_584 = arith.constant 112 : i32
        %add3A_585 = vector.broadcast %add3A_584 : i32 to vector<16xi32>
        %add3A_586 = arith.addi %add3A_253, %add3A_585 : vector<16xi32>
        %gather3A_587 = tpu.vector_load_idx %arg11[%broadcast_in_dim3A_260, %add3A_586] : memref<104x256xi32, #tpu.memory_space<vmem>>[vector<16xi32>, vector<16xi32>], vector<16xi32>,
        %add3A_588 = arith.constant 112 : i32
        %add3A_589 = vector.broadcast %add3A_588 : i32 to vector<16xi32>
        %add3A_590 = arith.addi %add3A_259, %add3A_589 : vector<16xi32>
        %gather3A_591 = tpu.vector_load_idx %arg11[%broadcast_in_dim3A_260, %add3A_590] : memref<104x256xi32, #tpu.memory_space<vmem>>[vector<16xi32>, vector<16xi32>], vector<16xi32>,
        %add3A_592 = arith.constant 112 : i32
        %add3A_593 = vector.broadcast %add3A_592 : i32 to vector<16xi32>
        %add3A_594 = arith.addi %add3A_253, %add3A_593 : vector<16xi32>
        %gather3A_595 = tpu.vector_load_idx %arg11[%broadcast_in_dim3A_263, %add3A_594] : memref<104x256xi32, #tpu.memory_space<vmem>>[vector<16xi32>, vector<16xi32>], vector<16xi32>,
        %add3A_596 = arith.constant 112 : i32
        %add3A_597 = vector.broadcast %add3A_596 : i32 to vector<16xi32>
        %add3A_598 = arith.addi %add3A_259, %add3A_597 : vector<16xi32>
        %gather3A_599 = tpu.vector_load_idx %arg11[%broadcast_in_dim3A_263, %add3A_598] : memref<104x256xi32, #tpu.memory_space<vmem>>[vector<16xi32>, vector<16xi32>], vector<16xi32>,
        %bitcast3A_600 = vector.bitcast %gather3A_587 : vector<16xi32> to vector<32xbf16>
        %unpack3A_601 = tpu.unpack_subelements %bitcast3A_600, 0 {pack_format = #tpu.pack_format<interleaved>} : vector<32xbf16> -> vector<16xf32>
        %unpack3A_602 = tpu.unpack_subelements %bitcast3A_600, 1 {pack_format = #tpu.pack_format<interleaved>} : vector<32xbf16> -> vector<16xf32>
        %bitcast3A_603 = vector.bitcast %gather3A_591 : vector<16xi32> to vector<32xbf16>
        %unpack3A_604 = tpu.unpack_subelements %bitcast3A_603, 0 {pack_format = #tpu.pack_format<interleaved>} : vector<32xbf16> -> vector<16xf32>
        %unpack3A_605 = tpu.unpack_subelements %bitcast3A_603, 1 {pack_format = #tpu.pack_format<interleaved>} : vector<32xbf16> -> vector<16xf32>
        %bitcast3A_606 = vector.bitcast %gather3A_595 : vector<16xi32> to vector<32xbf16>
        %unpack3A_607 = tpu.unpack_subelements %bitcast3A_606, 0 {pack_format = #tpu.pack_format<interleaved>} : vector<32xbf16> -> vector<16xf32>
        %unpack3A_608 = tpu.unpack_subelements %bitcast3A_606, 1 {pack_format = #tpu.pack_format<interleaved>} : vector<32xbf16> -> vector<16xf32>
        %bitcast3A_609 = vector.bitcast %gather3A_599 : vector<16xi32> to vector<32xbf16>
        %unpack3A_610 = tpu.unpack_subelements %bitcast3A_609, 0 {pack_format = #tpu.pack_format<interleaved>} : vector<32xbf16> -> vector<16xf32>
        %unpack3A_611 = tpu.unpack_subelements %bitcast3A_609, 1 {pack_format = #tpu.pack_format<interleaved>} : vector<32xbf16> -> vector<16xf32>
        %mul3A_612 = arith.mulf %unpack3A_601, %gather3A : vector<16xf32>
        %mul3A_613 = arith.mulf %unpack3A_604, %gather3A_240 : vector<16xf32>
        %add3A_614 = arith.addf %mul3A_612, %mul3A_613 : vector<16xf32>
        %mul3A_615 = arith.mulf %unpack3A_607, %gather3A_244 : vector<16xf32>
        %add3A_616 = arith.addf %add3A_614, %mul3A_615 : vector<16xf32>
        %mul3A_617 = arith.mulf %unpack3A_610, %gather3A_248 : vector<16xf32>
        %add3A_618 = arith.addf %add3A_616, %mul3A_617 : vector<16xf32>
        %mul3A_619 = arith.mulf %unpack3A_602, %gather3A : vector<16xf32>
        %mul3A_620 = arith.mulf %unpack3A_605, %gather3A_240 : vector<16xf32>
        %add3A_621 = arith.addf %mul3A_619, %mul3A_620 : vector<16xf32>
        %mul3A_622 = arith.mulf %unpack3A_608, %gather3A_244 : vector<16xf32>
        %add3A_623 = arith.addf %add3A_621, %mul3A_622 : vector<16xf32>
        %mul3A_624 = arith.mulf %unpack3A_611, %gather3A_248 : vector<16xf32>
        %add3A_625 = arith.addf %add3A_623, %mul3A_624 : vector<16xf32>
        %add3A_626 = vector.broadcast %add3A_234 : i32 to vector<16xi32>
        %add3A_627 = arith.addi %mul3A_81, %add3A_626 : vector<16xi32>
        tpu.vector_store_idx %arg12[%add3A_627], %add3A_618 : memref<12544xf32, #tpu.memory_space<vmem>>[vector<16xi32>], vector<16xf32>,
        %add3A_628 = vector.broadcast %add3A_234 : i32 to vector<16xi32>
        %add3A_629 = arith.addi %mul3A_153, %add3A_628 : vector<16xi32>
        tpu.vector_store_idx %arg12[%add3A_629], %add3A_625 : memref<12544xf32, #tpu.memory_space<vmem>>[vector<16xi32>], vector<16xf32>,
      }
      %scan3A_226 = arith.constant 49 : i32
      %add3A_227 = arith.addi %mul3A_2, %add3A_174 : i32
      %mul3A_228 = arith.constant 12544 : i32
      %mul3A_229 = arith.muli %add3A_227, %mul3A_228 : i32
      "tpu.region"() ({
        %run_scoped3A = tpu.sem_alloc : memref<!tpu.dma_semaphore, #tpu.memory_space<semaphore_mem>>
        %dma_start3A_230 = tpu.memref_slice %arg5[%mul3A_229] : memref<12845056xf32, #tpu.memory_space<hbm>> -> memref<12544xf32, #tpu.memory_space<hbm>>
        %dma_start3A_231 = tpu.memref_slice %arg5[%mul3A_229] : memref<12845056xf32, #tpu.memory_space<hbm>> -> memref<12544xf32, #tpu.memory_space<hbm>>
        tpu.enqueue_dma source(%arg12 : memref<12544xf32, #tpu.memory_space<vmem>>) target(%dma_start3A_231 : memref<12544xf32, #tpu.memory_space<hbm>>) target_semaphore(%run_scoped3A : memref<!tpu.dma_semaphore, #tpu.memory_space<semaphore_mem>>)
        %dma_wait3A_232 = tpu.memref_slice %arg5[%mul3A_229] : memref<12845056xf32, #tpu.memory_space<hbm>> -> memref<12544xf32, #tpu.memory_space<hbm>>
        %dma_wait3A_233 = tpu.memref_slice %arg5[%mul3A_229] : memref<12845056xf32, #tpu.memory_space<hbm>> -> memref<12544xf32, #tpu.memory_space<hbm>>
        tpu.wait_dma2 semaphore(%run_scoped3A : memref<!tpu.dma_semaphore, #tpu.memory_space<semaphore_mem>>) src(%arg12 : memref<12544xf32, #tpu.memory_space<vmem>>) dst(%dma_wait3A_233 : memref<12544xf32, #tpu.memory_space<hbm>>)
        tpu.yield
      }) : () -> ()
    }
    %scan3A_162 = arith.constant 16 : i32
    %dma_wait3A = arith.constant 0 : i32
    %dma_wait3A_163 = arith.constant 0 : i32
    %dma_wait3A_164 = tpu.memref_slice %arg2[%dma_wait3A, %dma_wait3A_163] : memref<43520x256xi32, #tpu.memory_space<hbm>> -> memref<104x256xi32, #tpu.memory_space<hbm>>
    %dma_wait3A_165 = arith.constant 0 : i32
    %dma_wait3A_166 = arith.constant 0 : i32
    %dma_wait3A_167 = tpu.memref_slice %arg2[%dma_wait3A_165, %dma_wait3A_166] : memref<43520x256xi32, #tpu.memory_space<hbm>> -> memref<104x256xi32, #tpu.memory_space<hbm>>
    tpu.wait_dma2 semaphore(%arg13 : memref<!tpu.dma_semaphore, #tpu.memory_space<semaphore_mem>>) src(%dma_wait3A_167 : memref<104x256xi32, #tpu.memory_space<hbm>>) dst(%arg10 : memref<104x256xi32, #tpu.memory_space<vmem>>)
    return
  }
}

</mosaic_0001>

<sc_bundles>
// kernel: kernel.3.cloned.1.call-start
scs
__scs_entry_jumppad:
0x0: {  	(pc) =	sbr.rel $0x88, $3  }
0x1: {  	(tag) =	ssettag $0x0;
	lr =	simm.s32 $0x1  }
0x2: {  	[smem:$0x3F9B] =	sst lr;
	_ =	strace $0xD0000000  }
0x3: {  	_ = 	snop  }
0x4: {  	_ = 	snop  }
0x5: {  	_ = 	snop  }
0x6: {  	_ = 	snop  }
0x7: {  	_ = 	snop  }
__scs_overlays_trampoline_lowered:
0x8: {  	[smem:$0x3FAA] =	sst s0  }
0x9: {  	[smem:$0x3FAB] =	sst s1  }
0xa: {  	[smem:$0x3FAC] =	sst s2  }
0xb: {  	[smem:$0x3FAD] =	sst s3  }
0xc: {  	[smem:$0x3FAE] =	sst s4  }
0xd: {  	[smem:$0x3FAF] =	sst s5  }
0xe: {  	[smem:$0x3FB0] =	sst s6  }
0xf: {  	[smem:$0x3FB1] =	sst s7  }
0x10: {  	[smem:$0x3FB2] =	sst s8  }
0x11: {  	[smem:$0x3FB3] =	sst s9;
	s0 =	simm.s32 @!p0 $0x0  }
0x12: {  	s1 =	sld [smem:$0x3F99];
	s0 =	simm.s32 @p0 $0x1  }
0x13: {  	[smem:$0x3FB4] =	sst s0;
	s0 =	simm.s32 @!p1 $0x0  }
0x14: {  	s2 =	sld [smem:$0x3F98];
	s0 =	simm.s32 @p1 $0x1  }
0x15: {  	[smem:$0x3FB5] =	sst s0;
	s0 =	simm.s32 @!p2 $0x0  }
0x16: {  	s3 =	sld [smem:$0x3FDB];
	s0 =	simm.s32 @p2 $0x1  }
0x17: {  	s4 =	simm.s32 $0x1BF5;
	[smem:$0x3FB7] =	sst s0  }
0x18: {  	s0 =	sld [smem:$0x3F9A];
	_ =	swait.ge [sflag:s4], $0x0  }
0x19: {  	s7 =	sld [smem:$0x3F9B]  }
0x1a: {  	s8 =	sadd.s32 $0xFFFFE003, lr  }
0x1b: {  	s9 =	sadd.s32 $0xFFFFFEF7, lr;
	s5 =	simm.s32 $0xFFFFFFFF;
	p2 =	slt.u32 s8, $0xFFFFF086  }
0x1c: {  	p1 =	slt.u32 s9, $0xF7A;
	s5 =	simm.s32 @!p2 $0x0  }
0x1d: {  	s5 =	simm.s32 @p1 $0x1;
	p0 =	seq.s32 s7, s2  }
0x1e: {  	s7 =	smul.u32 @!p0 $0xF7A, s2;
	p2 =	seq.s32 @!p0 s5, $0x0  }
0x1f: {  	s9 =	smul.u32 $0xF7A, s1;
	s8 =	simm.s32 @!p0 $0x1BF5;
	p2 =	por !p2, p0  }
0x20: {  	[sflag:s8] =	ssyncset.s32 @!p0 $0xFFFFF086;
	s6 =	sadd.s32 @!p0 s3, s7;
	s7 =	simm.s32 @!p0 $0x108  }
0x21: {  	s3 =	sadd.s32 s3, s9;
	s6 =	sadd.s32 @!p0 $0x88, s6;
	s7 =	simm.s32 @p2 $0x1082  }
0x22: {  	[simem:s7], [sflag:s8] =	dma.local @!p0 [hbm:s6], $0xF7A  }
0x23: {  	s9 =	sor.u32 $0xD0000000, s2;
	s6 =	simm.s32 $0x108;
	_ =	swait.ge @!p0 [sflag:s8], $0x0  }
0x24: {  	s3 =	sadd.s32 $0x88, s3;
	s6 =	simm.s32 @!p1 $0x1082;
	[sflag:s4] =	ssyncset.s32 $0xFFFFF086  }
0x25: {  	[simem:s6], [sflag:s4] =	dma.local [hbm:s3], $0xF7A  }
0x26: {  	[smem:$0x3F9B] =	sst s1;
	(tag) =	ssettag s2;
	_ =	strace s9  }
0x27: {  	s1 =	sld [smem:$0x3FAB]  }
0x28: {  	s2 =	sld [smem:$0x3FAC]  }
0x29: {  	s4 =	sld [smem:$0x3FAE]  }
0x2a: {  	p0 =	seq.s32 s5, $0x0;
	s5 =	sld [smem:$0x3FAF]  }
0x2b: {  	s6 =	sld [smem:$0x3FB0]  }
0x2c: {  	s7 =	sld [smem:$0x3FB1]  }
0x2d: {  	s3 =	simm.s32 $0x108;
	s8 =	sld [smem:$0x3FB2]  }
0x2e: {  	s3 =	simm.s32 @!p0 $0x1082;
	s9 =	sld [smem:$0x3FB3]  }
0x2f: {  	lr =	sadd.s32 s0, s3;
	s0 =	sld [smem:$0x3FAA]  }
0x30: {  	s3 =	sld [smem:$0x3FAD]  }
0x31: {  	[smem:$0x3FB6] =	sst s10  }
0x32: {  	s10 =	sld [smem:$0x3FB4];
	_ =	sdelay $0x3  }
0x33: {  	p0 =	seq.s32 s10, $0x1;
	s10 =	sld [smem:$0x3FB6];
	_ =	sdelay $0x3  }
0x34: {  	[smem:$0x3FB6] =	sst s10  }
0x35: {  	s10 =	sld [smem:$0x3FB5];
	_ =	sdelay $0x3  }
0x36: {  	p1 =	seq.s32 s10, $0x1;
	s10 =	sld [smem:$0x3FB6];
	_ =	sdelay $0x3  }
0x37: {  	[smem:$0x3FB6] =	sst s10  }
0x38: {  	s10 =	sld [smem:$0x3FB7]  }
0x39: {  	_ = 	snop;
	(pc) =	sbr.ind lr, $3  }
0x3a: {  	_ = 	snop  }
0x3b: {  	_ = 	snop  }
0x3c: {  	p2 =	seq.s32 s10, $0x1;
	s10 =	sld [smem:$0x3FB6]  }
0x3d: {  	_ =	shalt  }
0x3e: {  	_ =	shalt  }
0x3f: {  	_ =	shalt  }
0x40: {  	_ =	shalt  }
0x41: {  	_ =	shalt  }
0x42: {  	_ =	shalt  }
0x43: {  	_ =	shalt  }
0x44: {  	_ =	shalt  }
0x45: {  	_ =	shalt  }
0x46: {  	_ =	shalt  }
0x47: {  	_ =	shalt  }
0x48: {  	_ =	shalt  }
0x49: {  	_ =	shalt  }
0x4a: {  	_ =	shalt  }
0x4b: {  	_ =	shalt  }
0x4c: {  	_ =	shalt  }
0x4d: {  	_ =	shalt  }
0x4e: {  	_ =	shalt  }
0x4f: {  	_ =	shalt  }
0x50: {  	_ =	shalt  }
0x51: {  	_ =	shalt  }
0x52: {  	_ =	shalt  }
0x53: {  	_ =	shalt  }
0x54: {  	_ =	shalt  }
0x55: {  	_ =	shalt  }
0x56: {  	_ =	shalt  }
0x57: {  	_ =	shalt  }
0x58: {  	_ =	shalt  }
0x59: {  	_ =	shalt  }
0x5a: {  	_ =	shalt  }
0x5b: {  	_ =	shalt  }
0x5c: {  	_ =	shalt  }
0x5d: {  	_ =	shalt  }
0x5e: {  	_ =	shalt  }
0x5f: {  	_ =	shalt  }
0x60: {  	_ =	shalt  }
0x61: {  	_ =	shalt  }
0x62: {  	_ =	shalt  }
0x63: {  	_ =	shalt  }
0x64: {  	_ =	shalt  }
0x65: {  	_ =	shalt  }
0x66: {  	_ =	shalt  }
0x67: {  	_ =	shalt  }
0x68: {  	_ =	shalt  }
0x69: {  	_ =	shalt  }
0x6a: {  	_ =	shalt  }
0x6b: {  	_ =	shalt  }
0x6c: {  	_ =	shalt  }
0x6d: {  	_ =	shalt  }
0x6e: {  	_ =	shalt  }
0x6f: {  	_ =	shalt  }
0x70: {  	_ =	shalt  }
0x71: {  	_ =	shalt  }
0x72: {  	_ =	shalt  }
0x73: {  	_ =	shalt  }
0x74: {  	_ =	shalt  }
0x75: {  	_ =	shalt  }
0x76: {  	_ =	shalt  }
0x77: {  	_ =	shalt  }
0x78: {  	_ =	shalt  }
0x79: {  	_ =	shalt  }
0x7a: {  	_ =	shalt  }
0x7b: {  	_ =	shalt  }
0x7c: {  	_ =	shalt  }
0x7d: {  	_ =	shalt  }
0x7e: {  	_ =	shalt  }
0x7f: {  	_ =	shalt  }
0x80: {  	_ =	shalt  }
0x81: {  	_ =	shalt  }
0x82: {  	_ =	shalt  }
0x83: {  	_ =	shalt  }
0x84: {  	_ =	shalt  }
0x85: {  	_ =	shalt  }
0x86: {  	_ =	shalt  }
0x87: {  	_ =	shalt  }
.Lfunc_end0:
.L_simem_size_0:
called_computation.2_lowered:
.L_overlay_start_0:
0x88: {  	s2 =	sld [smem:$0x3FD9]  }
0x89: {  	s3 =	sld [smem:$0x3FFE];
	_ =	sdelay $0x1  }
0x8a: {  	s1 =	srdreg.scid  }
0x8b: {  	s0 =	sand.u32 $0x1, s1  }
0x8c: {  	s17 =	sshll.u32 s0, $0xA;
	s2 =	sadd.s32 s3, s2  }
0x8d: {  	s2 =	sadd.s32 s2, s17  }
0x8e: {  	[smem:$0x3FC2] =	sst s2  }
0x8f: {  	_ = 	snop  }
0x90: {  	s2 =	sld [smem:$0x3FD0];
	(tm) =	ssettm $0x1  }
0x91: {  	s18 =	sld [smem:$0x3FFB];
	_ =	sdelay $0x3  }
0x92: {  	_ =	strace s18  }
0x93: {  	s3 =	sld [smem:$0x3FFC];
	_ =	sdelay $0x3  }
0x94: {  	_ =	strace s3  }
0x95: {  	s3 =	sld [smem:$0x3FFD];
	_ =	sdelay $0x3  }
0x96: {  	_ =	strace s3  }
0x97: {  	_ =	strace $0x8FFFFFFF  }
0x98: {  	s19 =	sld [smem:$0x3FDB];
	_ =	sdelay $0x1  }
0x99: {  	s4 =	simm.s32 $_scs_section_size  }
0x9a: {  	s5 =	simm.s32 $_size__tile_overlayer_lowered;
	s6 =	simm.s32 $_tile_overlayer_lowered  }
0x9b: {  	s22 =	simm.s32 $0x1BFF;
	s21 =	sshll.u32 s6, $0x1;
	s3 =	sadd.s32 s4, s19  }
0x9c: {  	s7 =	simm.s32 $0x0;
	s20 =	sshll.u32 s5, $0x1;
	s5 =	sadd.s32 s21, s3  }
0x9d: {  	[timem:s7], [sflag:s22] =	dma.local [hbm:s5], s20  }
0x9e: {  	_ =	swait.ge [sflag:s22], s20  }
0x9f: {  	s4 =	ssub.s32 $0x0, s20;
	[sflag:s22] =	ssyncset.done $0x0  }
0xa0: {  	[sflag:s22] =	ssyncadd.s32 s4;
	_ =	sdelay $0x1  }
0xa1: {  	s23 =	simm.s32 $0x1B8B  }
0xa2: {  	_ =	swait.ge [sflag:s23], $0x1  }
0xa3: {  	[sflag:s23] =	ssyncset.done $0x0  }
0xa4: {  	s25 =	simm.s32 $0x1B8E;
	s24 =	sld [smem:$0x3FFE];
	[sflag:s23] =	ssyncadd.s32 $0xFFFFFFFF  }
0xa5: {  	s26 =	simm.s32 $execute0_lowered;
	[smem:$0x3FD2] =	sst s25  }
0xa6: {  	s5 =	sshll.u32 s26, $0x1;
	_ =	strace $0x80000049;
	[dreg:$0x1] =	wrdreg $0xFFFFFFFF  }
0xa7: {  	s28 =	simm.s32 $_size_execute0_lowered;
	s3 =	sadd.s32 s3, s5;
	[dreg:$0x0] =	wrdreg $0x0  }
0xa8: {  	s5 =	sshll.u32 s28, $0x1;
	[dreg:$0x2] =	wrdreg s3  }
0xa9: {  	[dreg:$0x3] =	wrdreg s5  }
0xaa: {  	[dreg:$0x4] =	wrdreg $0xC0  }
0xab: {  	_ =	task [dreg:s7], $0x5FFFF  }
0xac: {  	[dreg:$0x1] =	wrdreg $0xFFFFFFFF  }
0xad: {  	[dreg:$0x0] =	wrdreg $0x60  }
0xae: {  	[dreg:$0x2] =	wrdreg s24  }
0xaf: {  	[dreg:$0x3] =	wrdreg s2  }
0xb0: {  	[dreg:$0x4] =	wrdreg $0x9  }
0xb1: {  	_ =	task.clear_ibuf [dreg:s7], $0x5FFFF;
	_ =	strace $0x90000049  }
0xb2: {  	s29 =	simm.s32 $0x9;
	_ =	strace $0x8000004B  }
0xb3: {  	_ =	swait.ge [sflag:s29], $0x1  }
0xb4: {  	[sflag:s29] =	ssyncadd.s32 $0xFFFFFFFF  }
0xb5: {  	_ =	strace $0x9000004B  }
0xb6: {  	_ =	sfence  }
0xb7: {  	s30 =	sld [smem:$0x0];
	_ =	sdelay $0x2  }
0xb8: {  	s31 =	sshll.u32 s1, $0xD;
	s1 =	sshrl.u32 s1, $0x2  }
0xb9: {  	s3 =	sand.u32 $0x4000, s31;
	s1 =	sadd.s32 s1, s30  }
0xba: {  	s0 =	sor.u32 s3, s0;
	s1 =	sshll.u32 s1, $0x11  }
0xbb: {  	s0 =	sor.u32 s1, s0  }
0xbc: {  	s0 =	sadd.s32 $0x8F2B, s0  }
0xbd: {  	[sflag:s0] =	ssyncadd.remote.s32 $0x1  }
0xbe: {  	_ =	sfence.sel $0xFFFF  }
0xbf: {  	[dreg:$0x0] =	wrdreg $0xFFFFFFFF;
	(pc) =	sbr.abs _section_cstart, $3  }
0xc0: {  	[dreg:$0x1] =	wrdreg $0xFFFFFFFF  }
0xc1: {  	_ =	task.clear_ibuf [dreg:s7], $0x2FFFF;
	_ =	strace $0x9FFFFFFF  }
0xc2: {  	(tm) =	ssettm $0x7FFFFFFF  }
0xc3: {  	_ =	shalt  }
tec
execute0_lowered:
.L_overlay_start_1:
0x0: {  	(tag) =	ssettag $0x1  }
0x1: {  	s0 =	rddreg [dreg:$0x0]  }
0x2: {  	s1 =	rddreg [dreg:$0x1]  }
0x3: {  	s2 =	simm.s32 $0x0;
	s3 =	srdreg.scid;
	s10 =	stileid.u32  }
0x4: {  	s11 =	simm.s32 $0xD80;
	s12 =	simm.s32 $0x2980;
	s13 =	simm.s32 $0x3980  }
0x5: {  	s19 =	simm.s32 $0x6980;
	s20 =	simm.s32 $0x7180;
	s21 =	simm.s32 $0x7980  }
0x6: {  	s22 =	simm.s32 $0x8180;
	s23 =	simm.s32 $0x8980;
	s24 =	simm.s32 $0x9180  }
0x7: {  	s25 =	simm.s32 $0x9980;
	s26 =	simm.s32 $0xA180;
	s28 =	simm.s32 $0x2  }
0x8: {  	v0 =	vlaneseq.u32;
	s14 =	simm.s32 $0x0;
	s29 =	simm.s32 $0x0;
	[smem:$0x7FF] =	sst s2  }
0x9: {  	s4 =	sadd.s32 $0x102400, s0;
	s3 =	sand.u32 $0x1, s3;
	s5 =	sadd.s32 $0x100000, s0;
	v50 =	vmul.u32 $0x4, v0  }
0xa: {  	s9 =	sshll.u32 s10, $0x6;
	s6 =	sadd.s32 $0x100200, s0;
	s7 =	ssub.s32 $0x2, s3  }
0xb: {  	p0 =	sgt.u32 s10, $0x7;
	_ =	strace $0x8000004A;
	s8 =	sshrl.u32 s7, $0x1;
	v51 =	vor.u32 $0x1, v50;
	[tilespmem:$0x1FFC0] =	vst v50  }
0xc: {  	s10 =	simm.s32 $0x80;
	s3 =	sshll.u32 s3, $0x5;
	v52 =	vor.u32 $0x2, v50;
	s31 =	ssub.s32 s7, s8;
	[tilespmem:$0x1FFD0] =	vst v51  }
0xd: {  	v39 =	vimm.s32 $0x0;
	v53 =	vor.u32 $0x3, v50;
	s7 =	sor.u32 s3, s9;
	s9 =	simm.s32 $0x3;
	[tilespmem:$0x1FFE0] =	vst v52;
	s0 =	smax.u32 s31, $0x1  }
0xe: {  	v54 =	vimm.s32 $0x4;
	v55 =	vimm.s32 $0x80;
	v56 =	vimm.s32 $0xA800;
	s3 =	simm.s32 $0x1;
	s8 =	simm.s32 $0x10980;
	[tilespmem:$0x1FFF0] =	vst v53;
	[dreg:$0x3] =	wrdreg s0  }
.LBB2_1:
0xf: {  	[dreg:$0x4] =	wrdreg s14;
	p1 =	por $0x1, $0x1;
	s0 =	simm.s32 $0x0  }
.LBB2_2:
0x10: {  	s14 =	sor.u32 s7, s0  }
0x11: {  	s15 =	sshll.u32 @p0 s14, $0x2  }
0x12: {  	s15 =	sadd.s32 @p0 $0xFFFFF800, s15  }
0x13: {  	s16 =	sshrl.u32 @!p0 s14, $0x1;
	s15 =	sshrl.u32 @p0 s15, $0x3  }
0x14: {  	s16 =	sadd.s32 @!p0 s5, s16;
	s15 =	sadd.s32 @p0 s6, s15  }
0x15: {  	s16 =	smov.u32 @p0 s15  }
0x16: {  	[tilespmem:s2], [sflag:$0x3] =	stream.linear.gather [hbm4b:s16+s2], $0x40, $0x38;
	[tilespmem:$0x13A80] =	vst v63  }
0x17: {  	_ =	swait.ge [sflag:s9], $0x40  }
0x18: {  	[sflag:s9] =	ssyncset.done $0x0  }
0x19: {  	[sflag:s9] =	ssyncadd.s32 $0xFFFFFFC0  }
0x1a: {  	v1 =	vld.idx.msk [tilespmem:v50+s2+$0x0], $0xffff  }
0x1b: {  	v2 =	vld.idx.msk [tilespmem:v51+s2+$0x0], $0xffff  }
0x1c: {  	v3 =	vld.idx.msk [tilespmem:v52+s2+$0x0], $0xffff  }
0x1d: {  	v4 =	vld.idx.msk [tilespmem:v53+s2+$0x0], $0xffff;
	_ =	sdelay $0x4  }
0x1e: {  	v5 =	vsub.f32 v3, v1;
	v6 =	vsub.f32 v4, v2;
	_ =	sdelay $0x1  }
0x1f: {  	v5 =	vmul.f32 v6, v5;
	_ =	sdelay $0x1  }
0x20: {  	vm0 =	vge.f32 v5, $1.254400000e+04;
	vm1 =	vge.f32 v5, $5.017600000e+04  }
0x21: {  	vm12 =	vge.f32 v5, $2.007040000e+05;
	v43 =	vsel vm0, $0x1, v39;
	v7 =	vsel vm1, $0x1, v39  }
0x22: {  	v45 =	vsel vm12, $0x1, v39;
	v44 =	vadd.s32 v7, v43  }
0x23: {  	v7 =	vadd.s32 v45, v44  }
0x24: {  	v5 =	vshll.u32 v54, v7  }
0x25: {  	v5 =	vcvt.s32.f32 v5;
	_ =	sdelay $0x1  }
0x26: {  	(erf) = vrcp.f32 v5;
	_ =	sdelay $0x8  }
0x27: {  	v9 =	vshrl.u32 v55, v7;
	vm13 =	veq.s32 v7, $0x0;
	v46 =	vpop (erf)  }
0x28: {  	vm14 =	veq.s32 v7, $0x2;
	v8 =	vmul.f32 v46, v1;
	v1 =	vmul.f32 v46, v3  }
0x29: {  	vm2 =	veq.s32 v7, $0x1;
	v5 =	vmul.f32 v46, v2;
	v2 =	vmul.f32 v46, v4  }
0x2a: {  	v48 =	vsel vm14, $0xA000, v56;
	v13 =	vadd.s32 $0xFFFFFFFE, v9;
	v11 =	vsub.f32 v1, v8  }
0x2b: {  	v4 =	vadd.s32 $0xFFFFFFFF, v9;
	v1 =	vxor.u32 $0x7, v7;
	v6 =	vsub.f32 v2, v5  }
0x2c: {  	p2 =	sgt.s32 s14, $0x1FF;
	v7 =	vsel vm2, $0x8000, v48;
	v2 =	vshll.u32 v9, v1;
	v3 =	vmul.f32 $7.142857460e-02, v11  }
0x2d: {  	v49 =	vsel vm13, $0x0, v7;
	v47 =	vmul.f32 $7.142857460e-02, v6;
	v2 =	vpsel !p2, $0x0, v2  }
0x2e: {  	v56 =	vmul.f32 $2.142857160e-01, v6;
	v63 =	vmul.f32 $3.571428660e-01, v11;
	v3 =	vadd.f32 v3, v8  }
0x2f: {  	v21 =	vmul.f32 $3.571428660e-01, v6;
	v31 =	vmul.f32 $5.000000000e-01, v11;
	v12 =	vadd.f32 v47, v5  }
0x30: {  	v25 =	vmul.f32 $7.857142680e-01, v11;
	v59 =	vadd.f32 v56, v5;
	v10 =	vtrunc.f32 v3  }
0x31: {  	v2 =	vadd.s32 v2, v49;
	v14 =	vtrunc.f32 v12;
	v10 =	vcvt.f32.s32 v10  }
0x32: {  	v39 =	vadd.f32 v31, v8;
	v61 =	vtrunc.f32 v59;
	v51 =	vcvt.f32.s32 v14  }
0x33: {  	v49 =	vadd.f32 v25, v8;
	v62 =	vcvt.f32.s32 v61;
	v50 =	vcvt.s32.f32 v10  }
0x34: {  	vm15 =	vlt.s32 v10, v13;
	v53 =	vadd.s32 $0x1, v10;
	v14 =	vcvt.s32.f32 v51  }
0x35: {  	vm4 =	vlt.s32 v10, v4;
	vm6 =	vlt.s32 v51, v4;
	v18 =	vcvt.s32.f32 v62  }
0x36: {  	vm11 =	vlt.s32 v62, v4;
	v22 =	vsel vm15, v10, v13;
	vm5 =	vlt.s32 v53, v4  }
0x37: {  	v33 =	vsel vm4, v10, v4;
	v58 =	vsel vm6, v51, v4;
	v20 =	vsel vm11, v62, v4  }
0x38: {  	v10 =	vadd.s32 $0x1, v62;
	v62 =	vmul.f32 $6.428571340e-01, v6;
	v55 =	vsub.f32 v3, v50  }
0x39: {  	v3 =	vmul.f32 $2.142857160e-01, v11;
	v38 =	vsel vm5, v53, v4;
	v46 =	vsub.f32 v12, v14  }
0x3a: {  	v7 =	vshll.u32 v58, v1;
	v14 =	vadd.f32 v63, v8;
	v45 =	vsub.f32 v59, v18  }
0x3b: {  	v12 =	vshll.u32 v20, v1;
	vm12 =	vlt.s32 v10, v4;
	v7 =	vadd.s32 v2, v7  }
0x3c: {  	v28 =	vadd.s32 v2, v12;
	v10 =	vsel vm12, v10, v4;
	v63 =	vadd.f32 v62, v5  }
0x3d: {  	v15 =	vadd.f32 v3, v8;
	v3 =	vadd.s32 $0x1, v51;
	v19 =	vtrunc.f32 v14  }
0x3e: {  	v10 =	vshll.u32 v10, v1;
	v51 =	vmul.f32 $5.000000000e-01, v6;
	vm7 =	vlt.s32 v3, v4  }
0x3f: {  	v9 =	vcvt.f32.s32 v19;
	v26 =	vadd.s32 v2, v10;
	v31 =	vtrunc.f32 v63  }
0x40: {  	v54 =	vtrunc.f32 v15;
	v3 =	vsel vm7, v3, v4;
	v18 =	vadd.f32 v51, v5  }
0x41: {  	v51 =	vtrunc.f32 v49;
	v57 =	vcvt.f32.s32 v54;
	v3 =	vshll.u32 v3, v1  }
0x42: {  	v23 =	vcvt.s32.f32 v9;
	vm13 =	vlt.s32 v9, v13;
	v29 =	vadd.s32 $0x1, v9  }
0x43: {  	vm14 =	vlt.s32 v9, v4;
	v3 =	vadd.s32 v2, v3;
	v20 =	vsel vm13, v9, v13  }
0x44: {  	vm15 =	vlt.s32 v29, v4;
	v35 =	vsel vm14, v9, v4;
	v54 =	vtrunc.f32 v18  }
0x45: {  	v60 =	vcvt.s32.f32 v57;
	vm8 =	vlt.s32 v57, v13;
	vm9 =	vlt.s32 v57, v4  }
0x46: {  	v17 =	vadd.s32 $0x1, v57;
	v14 =	vsub.f32 v14, v23;
	v36 =	vsel vm15, v29, v4  }
0x47: {  	v56 =	vcvt.f32.s32 v54;
	vm10 =	vlt.s32 v17, v4;
	v24 =	vsel vm8, v57, v13  }
0x48: {  	v34 =	vsel vm9, v57, v4;
	v57 =	vmul.f32 $6.428571340e-01, v11;
	v11 =	vmul.f32 $9.285714030e-01, v11  }
0x49: {  	v15 =	vsub.f32 v15, v60;
	v37 =	vsel vm10, v17, v4;
	v17 =	vadd.f32 v21, v5  }
0x4a: {  	v21 =	vtrunc.f32 v39;
	v60 =	vadd.s32 $0x1, v56;
	vm9 =	vlt.s32 v56, v4  }
0x4b: {  	v23 =	vcvt.f32.s32 v21;
	v9 =	vadd.f32 v57, v8;
	v30 =	vtrunc.f32 v17  }
0x4c: {  	vm10 =	vlt.s32 v60, v4;
	v8 =	vadd.f32 v11, v8;
	v12 =	vcvt.f32.s32 v30  }
0x4d: {  	v53 =	vcvt.s32.f32 v23;
	vm6 =	vlt.s32 v23, v13;
	v58 =	vadd.s32 $0x1, v23  }
0x4e: {  	vm7 =	vlt.s32 v23, v4;
	v61 =	vtrunc.f32 v9;
	v21 =	vsel vm6, v23, v13  }
0x4f: {  	vm8 =	vlt.s32 v58, v4;
	v16 =	vsel vm7, v23, v4;
	v23 =	vcvt.f32.s32 v51  }
0x50: {  	v50 =	vcvt.s32.f32 v12;
	vm4 =	vlt.s32 v12, v4;
	v10 =	vsub.f32 v39, v53  }
0x51: {  	v59 =	vsel vm8, v58, v4;
	v19 =	vsel vm4, v12, v4;
	v12 =	vadd.s32 $0x1, v12  }
0x52: {  	v54 =	vcvt.s32.f32 v23;
	vm4 =	vlt.s32 v23, v13;
	v57 =	vadd.s32 $0x1, v23  }
0x53: {  	vm5 =	vlt.s32 v12, v4;
	v42 =	vsub.f32 v17, v50;
	v52 =	vshll.u32 v19, v1  }
0x54: {  	v19 =	vcvt.s32.f32 v56;
	v17 =	vsel vm10, v60, v4;
	vm6 =	vlt.s32 v57, v4  }
0x55: {  	v12 =	vsel vm5, v12, v4;
	v48 =	vadd.s32 v2, v52;
	v17 =	vshll.u32 v17, v1  }
0x56: {  	[tilespmem:$0x1FDB0] =	vst v59;
	v52 =	vmul.f32 $7.857142680e-01, v6;
	vm5 =	vlt.s32 v23, v4;
	v59 =	vsel vm6, v57, v4  }
0x57: {  	v6 =	vmul.f32 $9.285714030e-01, v6;
	v57 =	vadd.s32 v20, v7;
	v12 =	vshll.u32 v12, v1  }
0x58: {  	v41 =	vsub.f32 v18, v19;
	v18 =	vcvt.f32.s32 v61;
	v43 =	vadd.s32 v2, v17  }
0x59: {  	v17 =	vsel vm4, v23, v13;
	v58 =	vsel vm5, v23, v4;
	v61 =	vtrunc.f32 v8  }
0x5a: {  	[tilespmem:$0x1FDF0] =	vst v59;
	v59 =	vadd.s32 v20, v3;
	v47 =	vadd.s32 v2, v12;
	v12 =	vsel vm9, v56, v4  }
0x5b: {  	v25 =	vadd.f32 v52, v5;
	v23 =	vcvt.f32.s32 v61;
	v5 =	vadd.f32 v6, v5  }
0x5c: {  	v52 =	vadd.s32 v24, v7;
	v12 =	vshll.u32 v12, v1;
	v30 =	vcvt.s32.f32 v18  }
0x5d: {  	vm11 =	vlt.s32 v18, v13;
	v32 =	vadd.s32 $0x1, v18;
	vm12 =	vlt.s32 v18, v4  }
0x5e: {  	v44 =	vadd.s32 v2, v12;
	v12 =	vcvt.f32.s32 v31;
	v19 =	vsel vm11, v18, v13  }
0x5f: {  	[tilespmem:$0x1FD90] =	vst v36;
	vm13 =	vlt.s32 v32, v4;
	v36 =	vsel vm12, v18, v4;
	v56 =	vtrunc.f32 v25  }
0x60: {  	[tilespmem:$0x1FDA0] =	vst v16;
	vm9 =	vlt.s32 v23, v13;
	vm10 =	vlt.s32 v23, v4;
	v16 =	vadd.s32 $0x1, v23  }
0x61: {  	v39 =	vsub.f32 v9, v30;
	v40 =	vsel vm13, v32, v4;
	v30 =	vsub.f32 v49, v54  }
0x62: {  	v32 =	vcvt.s32.f32 v23;
	v9 =	vimm.s32 $0x0;
	v50 =	vadd.s32 $0x1, v12  }
0x63: {  	[tilespmem:$0x1FDC0] =	vst v36;
	vm11 =	vlt.s32 v16, v4;
	v36 =	vadd.s32 v22, v3;
	vm15 =	vlt.s32 v50, v4  }
0x64: {  	v54 =	vshra.s32 v52, $0x1;
	vm14 =	vlt.s32 v12, v4;
	v18 =	vsel vm15, v50, v4  }
0x65: {  	v27 =	vcvt.s32.f32 v12;
	v12 =	vsel vm14, v12, v4;
	v18 =	vshll.u32 v18, v1  }
0x66: {  	v12 =	vshll.u32 v12, v1;
	v53 =	vadd.s32 v2, v18;
	v18 =	vcvt.f32.s32 v56  }
0x67: {  	[tilespmem:$0x1FDD0] =	vst v40;
	v31 =	vsub.f32 v63, v27;
	v40 =	vadd.s32 v2, v12;
	v12 =	vtrunc.f32 v5  }
0x68: {  	[tilespmem:$0x1FF20] =	vst v53;
	v53 =	vadd.s32 v24, v3;
	vm7 =	vlt.s32 v18, v4;
	v62 =	vadd.s32 $0x1, v18  }
0x69: {  	v56 =	vand.u32 $0x1, v53;
	v60 =	vsel vm7, v18, v4;
	v18 =	vcvt.s32.f32 v18  }
0x6a: {  	vm8 =	vlt.s32 v62, v4;
	vm5 =	veq.s32 v56, $0x1;
	v11 =	vshll.u32 v60, v1  }
0x6b: {  	[tilespmem:$0x1FDE0] =	vst v58;
	v29 =	vsel vm8, v62, v4;
	v58 =	vsel vm5, $0x5500, v9;
	v60 =	vshra.s32 v57, $0x1  }
0x6c: {  	v27 =	vsub.f32 v25, v18;
	v63 =	vadd.s32 v2, v11;
	v11 =	vshll.u32 v29, v1  }
0x6d: {  	v18 =	vsel vm9, v23, v13;
	v13 =	vsel vm10, v23, v4;
	v6 =	vadd.s32 v2, v11  }
0x6e: {  	v11 =	vsub.f32 v8, v32;
	v8 =	vsel vm11, v16, v4;
	[tilespmem:$0x1FF50] =	vst v6;
	v6 =	vcvt.f32.s32 v12  }
0x6f: {  	[tilespmem:$0x1FE00] =	vst v13;
	v32 =	vadd.s32 v22, v7;
	v13 =	vshra.s32 v59, $0x1;
	v16 =	vadd.s32 v21, v7  }
0x70: {  	[tilespmem:$0x1FE10] =	vst v8;
	v49 =	vand.u32 $0x1, v32;
	v8 =	vand.u32 $0x1, v59;
	vm12 =	vlt.s32 v6, v4  }
0x71: {  	v23 =	vcvt.s32.f32 v6;
	v25 =	vsel vm12, v6, v4;
	v6 =	vadd.s32 $0x1, v6  }
0x72: {  	vm14 =	veq.s32 v49, $0x1;
	vm7 =	veq.s32 v8, $0x1;
	vm13 =	vlt.s32 v6, v4  }
0x73: {  	v8 =	vshra.s32 v16, $0x1;
	v50 =	vsel vm14, $0x5500, v9;
	v4 =	vsel vm13, v6, v4  }
0x74: {  	v12 =	vsub.f32 v5, v23;
	v29 =	vshll.u32 v25, v1;
	v1 =	vshll.u32 v4, v1  }
0x75: {  	v5 =	vadd.s32 v2, v29;
	v4 =	vshra.s32 v36, $0x1;
	v1 =	vadd.s32 v2, v1  }
0x76: {  	v2 =	vshra.s32 v32, $0x1;
	v32 =	vadd.s32 v21, v3;
	[tilespmem:$0x1FFA0] =	vst v1;
	v1 =	vand.u32 $0x1, v36  }
0x77: {  	v29 =	vadd.s32 v2, v50;
	v2 =	vand.u32 $0x1, v52;
	v36 =	vand.u32 $0x1, v16  }
0x78: {  	v49 =	vand.u32 $0x1, v32;
	v50 =	vshra.s32 v32, $0x1;
	v52 =	vadd.s32 v19, v7  }
0x79: {  	vm15 =	veq.s32 v1, $0x1;
	vm4 =	veq.s32 v2, $0x1;
	vm8 =	veq.s32 v36, $0x1  }
0x7a: {  	vm9 =	veq.s32 v49, $0x1;
	v56 =	vshra.s32 v52, $0x1;
	v49 =	vadd.s32 v17, v7  }
0x7b: {  	v7 =	vadd.s32 v18, v7;
	v51 =	vsel vm15, $0x5500, v9;
	v2 =	vsel vm4, $0x5500, v9  }
0x7c: {  	[tilespmem:$0x1FF40] =	vst v63;
	v25 =	vsel vm8, $0x5500, v9;
	v63 =	vadd.s32 v4, v51;
	v62 =	vadd.s32 v54, v2  }
0x7d: {  	v2 =	vand.u32 $0x1, v57;
	v4 =	vshra.s32 v53, $0x1;
	v51 =	vsel vm9, $0x5500, v9  }
0x7e: {  	v8 =	vadd.s32 v8, v25;
	v53 =	vand.u32 $0x1, v52;
	v54 =	vadd.s32 v19, v3  }
0x7f: {  	v52 =	vadd.s32 v18, v3;
	vm6 =	veq.s32 v2, $0x1;
	v2 =	vadd.s32 v4, v58  }
0x80: {  	v4 =	vsel vm7, $0x5500, v9;
	vm10 =	veq.s32 v53, $0x1;
	v57 =	vand.u32 $0x1, v54  }
0x81: {  	v58 =	vand.u32 $0x1, v49;
	v23 =	vshra.s32 v54, $0x1;
	v53 =	vand.u32 $0x1, v7  }
0x82: {  	v54 =	vand.u32 $0x1, v52;
	v7 =	vshra.s32 v7, $0x1;
	v61 =	vsel vm6, $0x5500, v9  }
0x83: {  	[tilespmem:$0x1FF90] =	vst v5;
	v4 =	vadd.s32 v13, v4;
	v13 =	vadd.s32 v50, v51;
	v5 =	vsel vm10, $0x5500, v9  }
0x84: {  	vm11 =	veq.s32 v57, $0x1;
	vm12 =	veq.s32 v58, $0x1;
	vm14 =	veq.s32 v53, $0x1  }
0x85: {  	vm15 =	veq.s32 v54, $0x1;
	v57 =	vshra.s32 v52, $0x1;
	v6 =	vadd.s32 v60, v61  }
0x86: {  	v36 =	vadd.s32 v56, v5;
	v59 =	vsel vm11, $0x5500, v9;
	v60 =	vadd.s32 v17, v3  }
0x87: {  	v61 =	vshra.s32 v49, $0x1;
	v16 =	vsel vm12, $0x5500, v9;
	v56 =	vsel vm14, $0x5500, v9  }
0x88: {  	v58 =	vsel vm15, $0x5500, v9;
	v23 =	vadd.s32 v23, v59;
	v25 =	vadd.s32 v61, v16  }
0x89: {  	v51 =	vand.u32 $0x1, v60;
	v5 =	vshra.s32 v60, $0x1;
	v59 =	vadd.s32 v22, v28  }
0x8a: {  	v7 =	vadd.s32 v7, v56;
	v49 =	vadd.s32 v57, v58;
	v61 =	vadd.s32 v22, v26  }
0x8b: {  	v57 =	vadd.s32 v24, v28;
	v58 =	vadd.s32 v20, v28;
	vm13 =	veq.s32 v51, $0x1  }
0x8c: {  	v60 =	vand.u32 $0x1, v59;
	v50 =	vshra.s32 v59, $0x1;
	v16 =	vand.u32 $0x1, v61  }
0x8d: {  	v59 =	vand.u32 $0x1, v57;
	v32 =	vsel vm13, $0x5500, v9;
	vm4 =	veq.s32 v60, $0x1  }
0x8e: {  	vm5 =	veq.s32 v16, $0x1;
	vm6 =	veq.s32 v59, $0x1;
	v3 =	vadd.s32 v5, v32  }
0x8f: {  	v5 =	vsel vm4, $0x5500, v9;
	v32 =	vshra.s32 v57, $0x1;
	v60 =	vsel vm5, $0x5500, v9  }
0x90: {  	v16 =	vsel vm6, $0x5500, v9;
	v52 =	vadd.s32 v50, v5;
	v5 =	vshra.s32 v61, $0x1  }
0x91: {  	v61 =	vadd.s32 v24, v26;
	v57 =	vadd.s32 v32, v16;
	v50 =	vadd.s32 v5, v60  }
0x92: {  	v32 =	vand.u32 $0x1, v61;
	v51 =	vshra.s32 v61, $0x1;
	v60 =	vadd.s32 v20, v26  }
0x93: {  	v61 =	vand.u32 $0x1, v58;
	v5 =	vshra.s32 v58, $0x1;
	v58 =	vadd.s32 v19, v28  }
0x94: {  	vm7 =	veq.s32 v32, $0x1;
	vm8 =	veq.s32 v61, $0x1;
	v61 =	vand.u32 $0x1, v60  }
0x95: {  	v16 =	vshra.s32 v60, $0x1;
	v32 =	vadd.s32 v21, v26;
	v59 =	vsel vm7, $0x5500, v9  }
0x96: {  	vm9 =	veq.s32 v61, $0x1;
	v56 =	vand.u32 $0x1, v32;
	v54 =	vadd.s32 v51, v59  }
0x97: {  	v51 =	vsel vm8, $0x5500, v9;
	v53 =	vsel vm9, $0x5500, v9;
	v59 =	vadd.s32 v21, v28  }
0x98: {  	vm11 =	veq.s32 v56, $0x1;
	v60 =	vadd.s32 v5, v51;
	v1 =	vadd.s32 v16, v53  }
0x99: {  	v61 =	vand.u32 $0x1, v59;
	v5 =	vshra.s32 v59, $0x1;
	v51 =	vadd.s32 v19, v26  }
0x9a: {  	v59 =	vadd.s32 v22, v48;
	vm10 =	veq.s32 v61, $0x1;
	v61 =	vand.u32 $0x1, v58  }
0x9b: {  	v53 =	vor.u32 s0, v0;
	v16 =	vsel vm10, $0x5500, v9;
	vm12 =	veq.s32 v61, $0x1  }
0x9c: {  	[tilespmem:$0x1FE20] =	vst v1;
	v61 =	vand.u32 $0x1, v51;
	v1 =	vadd.s32 v5, v16;
	v5 =	vshra.s32 v32, $0x1  }
0x9d: {  	v32 =	vshra.s32 v58, $0x1;
	v16 =	vsel vm11, $0x5500, v9;
	v58 =	vsel vm12, $0x5500, v9  }
0x9e: {  	vm13 =	veq.s32 v61, $0x1;
	[tilespmem:$0x1FE30] =	vst v1;
	v1 =	vadd.s32 v5, v16;
	v5 =	vshra.s32 v51, $0x1  }
0x9f: {  	v16 =	vsel vm13, $0x5500, v9;
	v51 =	vadd.s32 v17, v26;
	[tilespmem:$0x1FE40] =	vst v1;
	v1 =	vadd.s32 v32, v58  }
0xa0: {  	v32 =	vadd.s32 v17, v28;
	v58 =	vand.u32 $0x1, v51;
	v61 =	vshra.s32 v51, $0x1  }
0xa1: {  	v28 =	vadd.s32 v18, v28;
	[tilespmem:$0x1FE50] =	vst v1;
	v56 =	vand.u32 $0x1, v32;
	v1 =	vadd.s32 v5, v16  }
0xa2: {  	vm15 =	veq.s32 v58, $0x1;
	v5 =	vshra.s32 v32, $0x1;
	vm14 =	veq.s32 v56, $0x1  }
0xa3: {  	v32 =	vadd.s32 v24, v47;
	v51 =	vsel vm15, $0x5500, v9;
	v16 =	vsel vm14, $0x5500, v9  }
0xa4: {  	[tilespmem:$0x1FE60] =	vst v1;
	v1 =	vadd.s32 v5, v16;
	v5 =	vadd.s32 v18, v26;
	v16 =	vshra.s32 v28, $0x1  }
0xa5: {  	v26 =	vmul.u32 $0x68, v53;
	[tilespmem:$0x1FE70] =	vst v1;
	v1 =	vadd.s32 v61, v51;
	v61 =	vand.u32 $0x1, v28  }
0xa6: {  	v58 =	vand.u32 $0x1, v5;
	v5 =	vshra.s32 v5, $0x1;
	v28 =	vadd.s32 v24, v48  }
0xa7: {  	v51 =	vand.u32 $0x1, v32;
	vm4 =	veq.s32 v61, $0x1;
	vm5 =	veq.s32 v58, $0x1  }
0xa8: {  	v61 =	vand.u32 $0x1, v59;
	v58 =	vadd.s32 v22, v47;
	v56 =	vsel vm4, $0x5500, v9  }
0xa9: {  	[tilespmem:$0x1FE80] =	vst v1;
	vm6 =	veq.s32 v61, $0x1;
	v61 =	vand.u32 $0x1, v58;
	v1 =	vadd.s32 v16, v56  }
0xaa: {  	v16 =	vshra.s32 v59, $0x1;
	v56 =	vsel vm5, $0x5500, v9;
	v59 =	vsel vm6, $0x5500, v9  }
0xab: {  	vm7 =	veq.s32 v61, $0x1;
	[tilespmem:$0x1FE90] =	vst v1;
	v1 =	vadd.s32 v5, v56;
	v5 =	vshra.s32 v58, $0x1  }
0xac: {  	[tilespmem:$0x1FEA0] =	vst v1;
	v1 =	vadd.s32 v16, v59;
	v59 =	vsel vm7, $0x5500, v9;
	v16 =	vand.u32 $0x1, v28  }
0xad: {  	vm9 =	veq.s32 v51, $0x1;
	[tilespmem:$0x1FEB0] =	vst v1;
	v1 =	vadd.s32 v5, v59;
	vm8 =	veq.s32 v16, $0x1  }
0xae: {  	v16 =	vshra.s32 v28, $0x1;
	v28 =	vmul.u32 $0xE0, v53;
	v59 =	vadd.s32 $0x34, v26  }
0xaf: {  	v51 =	vsel vm9, $0x5500, v9;
	v61 =	vshra.s32 v32, $0x1;
	v32 =	vsub.f32 $1.000000000e+00, v55  }
0xb0: {  	v5 =	vsub.f32 $1.000000000e+00, v46;
	[tilespmem:$0x1FEC0] =	vst v1;
	v58 =	vsel vm8, $0x5500, v9;
	v1 =	vadd.s32 $0x38, v28  }
0xb1: {  	v61 =	vadd.s32 v61, v51;
	[tilespmem:v26+s10+$0x0] =	vst.idx.msk $0xffff, v29;
	v58 =	vadd.s32 v16, v58;
	v51 =	vadd.s32 $0x70, v28  }
0xb2: {  	v29 =	vmul.f32 v32, v5;
	v56 =	vadd.s32 $0xA8, v28;
	[tilespmem:$0x1FED0] =	vst v58  }
0xb3: {  	v58 =	vadd.s32 v20, v48;
	[tilespmem:v59+s10+$0x0] =	vst.idx.msk $0xffff, v63;
	v63 =	vshll.u32 v53, $0x7;
	v53 =	vmul.f32 v5, v55  }
0xb4: {  	v16 =	vand.u32 $0x1, v58;
	[tilespmem:v28+s11+$0x0] =	vst.idx.msk $0xffff, v29;
	v29 =	vmul.f32 v32, v46;
	v59 =	vor.u32 $0x40, v63  }
0xb5: {  	vm10 =	veq.s32 v16, $0x1;
	v16 =	vmul.f32 v55, v46;
	[tilespmem:v1+s11+$0x0] =	vst.idx.msk $0xffff, v53  }
0xb6: {  	v1 =	vsub.s32 v33, v22;
	v53 =	vor.u32 $0x1, v26;
	[tilespmem:v51+s11+$0x0] =	vst.idx.msk $0xffff, v29;
	v51 =	vsub.s32 v38, v22  }
0xb7: {  	v1 =	vshll.u32 v1, $0x7;
	v38 =	vadd.s32 $0x35, v26;
	[tilespmem:v56+s11+$0x0] =	vst.idx.msk $0xffff, v16;
	v29 =	vshll.u32 v51, $0x7  }
0xb8: {  	v51 =	vshra.s32 v58, $0x1;
	v56 =	vor.u32 $0x1, v28;
	v16 =	vsel vm10, $0x5500, v9;
	[tilespmem:v63+s12+$0x0] =	vst.idx.msk $0xffff, v1  }
0xb9: {  	v33 =	vsub.f32 $1.000000000e+00, v15;
	v1 =	vadd.s32 $0x39, v28;
	[tilespmem:v59+s12+$0x0] =	vst.idx.msk $0xffff, v29;
	v59 =	vadd.s32 v51, v16  }
0xba: {  	v29 =	vadd.s32 $0x71, v28;
	[tilespmem:$0x1FEE0] =	vst v59  }
0xbb: {  	v58 =	vadd.s32 $0xA9, v28;
	v16 =	vmul.f32 v33, v5;
	[tilespmem:v53+s10+$0x0] =	vst.idx.msk $0xffff, v62  }
0xbc: {  	[tilespmem:v38+s10+$0x0] =	vst.idx.msk $0xffff, v2;
	v2 =	vmul.f32 v5, v15;
	v38 =	vor.u32 $0x1, v63  }
0xbd: {  	v34 =	vsub.s32 v34, v24;
	[tilespmem:v56+s11+$0x0] =	vst.idx.msk $0xffff, v16;
	v16 =	vmul.f32 v33, v46;
	v56 =	vor.u32 $0x41, v63  }
0xbe: {  	v51 =	vadd.s32 v20, v47;
	[tilespmem:v1+s11+$0x0] =	vst.idx.msk $0xffff, v2;
	v2 =	vmul.f32 v15, v46  }
0xbf: {  	v62 =	vand.u32 $0x1, v51;
	v1 =	vsub.s32 v37, v24;
	v37 =	vor.u32 $0x2, v26;
	[tilespmem:v29+s11+$0x0] =	vst.idx.msk $0xffff, v16  }
0xc0: {  	v59 =	vshll.u32 v34, $0x7;
	v53 =	vadd.s32 $0x36, v26;
	vm11 =	veq.s32 v62, $0x1;
	[tilespmem:v58+s11+$0x0] =	vst.idx.msk $0xffff, v2  }
0xc1: {  	v1 =	vshll.u32 v1, $0x7;
	v16 =	vsel vm11, $0x5500, v9;
	v2 =	vshra.s32 v51, $0x1;
	[tilespmem:v38+s12+$0x0] =	vst.idx.msk $0xffff, v59  }
0xc2: {  	v62 =	vor.u32 $0x2, v28;
	[tilespmem:v56+s12+$0x0] =	vst.idx.msk $0xffff, v1;
	v1 =	vadd.s32 v2, v16  }
0xc3: {  	v34 =	vsub.f32 $1.000000000e+00, v14;
	v29 =	vadd.s32 $0x3A, v28;
	v58 =	vadd.s32 v21, v48;
	[tilespmem:$0x1FEF0] =	vst v1  }
0xc4: {  	v2 =	vand.u32 $0x1, v58;
	v1 =	vadd.s32 $0x72, v28;
	[tilespmem:v37+s10+$0x0] =	vst.idx.msk $0xffff, v6  }
0xc5: {  	vm12 =	veq.s32 v2, $0x1;
	v2 =	vmul.f32 v34, v5;
	v6 =	vadd.s32 $0xAA, v28;
	[tilespmem:v53+s10+$0x0] =	vst.idx.msk $0xffff, v4;
	v53 =	vld [tilespmem:$0x1FD90]  }
0xc6: {  	v59 =	vmul.f32 v5, v14;
	v37 =	vor.u32 $0x2, v63  }
0xc7: {  	v38 =	vor.u32 $0x42, v63;
	[tilespmem:v62+s11+$0x0] =	vst.idx.msk $0xffff, v2;
	v62 =	vmul.f32 v34, v46  }
0xc8: {  	v51 =	vor.u32 $0x3, v26;
	[tilespmem:v29+s11+$0x0] =	vst.idx.msk $0xffff, v59;
	v59 =	vmul.f32 v14, v46  }
0xc9: {  	v56 =	vsub.s32 v35, v20;
	v29 =	vadd.s32 $0x37, v26;
	[tilespmem:v1+s11+$0x0] =	vst.idx.msk $0xffff, v62  }
0xca: {  	v2 =	vshll.u32 v56, $0x7;
	v56 =	vsub.s32 v53, v20;
	[tilespmem:v6+s11+$0x0] =	vst.idx.msk $0xffff, v59;
	v6 =	vor.u32 $0x3, v28  }
0xcb: {  	v35 =	vsub.f32 $1.000000000e+00, v10;
	v1 =	vshll.u32 v56, $0x7;
	[tilespmem:v37+s12+$0x0] =	vst.idx.msk $0xffff, v2;
	v2 =	vadd.s32 $0x3B, v28  }
0xcc: {  	[tilespmem:v38+s12+$0x0] =	vst.idx.msk $0xffff, v1  }
0xcd: {  	v56 =	vmul.f32 v35, v5;
	[tilespmem:v51+s10+$0x0] =	vst.idx.msk $0xffff, v8  }
0xce: {  	v59 =	vmul.f32 v5, v10;
	[tilespmem:v29+s10+$0x0] =	vst.idx.msk $0xffff, v13  }
0xcf: {  	[tilespmem:v6+s11+$0x0] =	vst.idx.msk $0xffff, v56  }
0xd0: {  	[tilespmem:v2+s11+$0x0] =	vst.idx.msk $0xffff, v59;
	v2 =	vld [tilespmem:$0x1FDA0]  }
0xd1: {  	v1 =	vadd.s32 $0x73, v28;
	_ =	sdelay $0x2  }
0xd2: {  	v51 =	vmul.f32 v35, v46  }
0xd3: {  	v4 =	vshra.s32 v58, $0x1;
	v58 =	vadd.s32 $0xAB, v28;
	v2 =	vsub.s32 v2, v21  }
0xd4: {  	v62 =	vsel vm12, $0x5500, v9;
	v53 =	vadd.s32 v21, v47;
	[tilespmem:v1+s11+$0x0] =	vst.idx.msk $0xffff, v51;
	v1 =	vshll.u32 v2, $0x7;
	v2 =	vld [tilespmem:$0x1FDB0]  }
0xd5: {  	v62 =	vadd.s32 v4, v62;
	v16 =	vand.u32 $0x1, v53;
	v13 =	vor.u32 $0x3, v63  }
0xd6: {  	v4 =	vshra.s32 v53, $0x1;
	vm13 =	veq.s32 v16, $0x1;
	v6 =	vor.u32 $0x43, v63  }
0xd7: {  	v53 =	vmul.f32 v10, v46;
	v16 =	vsel vm13, $0x5500, v9;
	v56 =	vor.u32 $0x4, v26  }
0xd8: {  	v16 =	vadd.s32 v4, v16;
	v4 =	vadd.s32 $0x38, v26  }
0xd9: {  	v59 =	vadd.s32 v19, v48;
	[tilespmem:v58+s11+$0x0] =	vst.idx.msk $0xffff, v53;
	v2 =	vsub.s32 v2, v21  }
0xda: {  	v58 =	vor.u32 $0x4, v28;
	[tilespmem:v13+s12+$0x0] =	vst.idx.msk $0xffff, v1;
	v13 =	vand.u32 $0x1, v59;
	v2 =	vshll.u32 v2, $0x7  }
0xdb: {  	v38 =	vsub.f32 $1.000000000e+00, v39;
	v1 =	vadd.s32 $0x3C, v28;
	vm14 =	veq.s32 v13, $0x1;
	[tilespmem:v6+s12+$0x0] =	vst.idx.msk $0xffff, v2  }
0xdc: {  	v2 =	vshra.s32 v59, $0x1;
	[tilespmem:v56+s10+$0x0] =	vst.idx.msk $0xffff, v36;
	v56 =	vsel vm14, $0x5500, v9  }
0xdd: {  	v53 =	vmul.f32 v38, v5;
	[tilespmem:v4+s10+$0x0] =	vst.idx.msk $0xffff, v23;
	v2 =	vadd.s32 v2, v56  }
0xde: {  	[tilespmem:$0x1FF00] =	vst v2;
	v2 =	vmul.f32 v5, v39  }
0xdf: {  	v6 =	vadd.s32 $0x74, v28;
	[tilespmem:v58+s11+$0x0] =	vst.idx.msk $0xffff, v53;
	v58 =	vld [tilespmem:$0x1FDC0]  }
0xe0: {  	v37 =	vadd.s32 $0xAC, v28;
	[tilespmem:v1+s11+$0x0] =	vst.idx.msk $0xffff, v2;
	v1 =	vld [tilespmem:$0x1FDD0]  }
0xe1: {  	v4 =	vor.u32 $0x4, v63  }
0xe2: {  	v13 =	vor.u32 $0x44, v63;
	v59 =	vmul.f32 v38, v46  }
0xe3: {  	v29 =	vor.u32 $0x5, v26;
	v2 =	vmul.f32 v39, v46  }
0xe4: {  	v56 =	vadd.s32 $0x39, v26;
	[tilespmem:v6+s11+$0x0] =	vst.idx.msk $0xffff, v59;
	v8 =	vsub.s32 v58, v19  }
0xe5: {  	[tilespmem:v37+s11+$0x0] =	vst.idx.msk $0xffff, v2;
	v53 =	vshll.u32 v8, $0x7;
	v1 =	vsub.s32 v1, v19  }
0xe6: {  	[tilespmem:v4+s12+$0x0] =	vst.idx.msk $0xffff, v53;
	v1 =	vshll.u32 v1, $0x7  }
0xe7: {  	[tilespmem:v13+s12+$0x0] =	vst.idx.msk $0xffff, v1  }
0xe8: {  	[tilespmem:v29+s10+$0x0] =	vst.idx.msk $0xffff, v25  }
0xe9: {  	[tilespmem:v56+s10+$0x0] =	vst.idx.msk $0xffff, v3;
	v3 =	vld [tilespmem:$0x1FDE0]  }
0xea: {  	v51 =	vor.u32 $0x5, v63;
	v36 =	vadd.s32 $0xAD, v28;
	v2 =	vor.u32 $0x5, v28  }
0xeb: {  	v23 =	vadd.s32 v19, v47;
	v37 =	vsub.f32 $1.000000000e+00, v30;
	v58 =	vadd.s32 $0x3D, v28;
	v8 =	vld [tilespmem:$0x1FDF0]  }
0xec: {  	v59 =	vand.u32 $0x1, v23;
	v6 =	vor.u32 $0x45, v63;
	v1 =	vadd.s32 $0x75, v28  }
0xed: {  	vm15 =	veq.s32 v59, $0x1;
	v53 =	vadd.s32 v17, v48;
	v29 =	vmul.f32 v37, v5  }
0xee: {  	v59 =	vmul.f32 v5, v30;
	v13 =	vand.u32 $0x1, v53;
	v3 =	vsub.s32 v3, v17  }
0xef: {  	vm4 =	veq.s32 v13, $0x1;
	[tilespmem:v2+s11+$0x0] =	vst.idx.msk $0xffff, v29;
	v2 =	vshll.u32 v3, $0x7;
	v3 =	vmul.f32 v37, v46  }
0xf0: {  	v13 =	vmul.f32 v30, v46;
	v4 =	vsub.s32 v8, v17;
	[tilespmem:v58+s11+$0x0] =	vst.idx.msk $0xffff, v59;
	v58 =	vor.u32 $0x6, v26  }
0xf1: {  	[tilespmem:v1+s11+$0x0] =	vst.idx.msk $0xffff, v3;
	v1 =	vshll.u32 v4, $0x7;
	v4 =	vadd.s32 $0x3A, v26  }
0xf2: {  	v3 =	vshra.s32 v23, $0x1;
	v23 =	vor.u32 $0x6, v28;
	[tilespmem:v36+s11+$0x0] =	vst.idx.msk $0xffff, v13  }
0xf3: {  	v36 =	vsub.f32 $1.000000000e+00, v11;
	[tilespmem:v51+s12+$0x0] =	vst.idx.msk $0xffff, v2;
	v2 =	vadd.s32 $0x3E, v28  }
0xf4: {  	v29 =	vshra.s32 v53, $0x1;
	v59 =	vsel vm15, $0x5500, v9;
	[tilespmem:v6+s12+$0x0] =	vst.idx.msk $0xffff, v1  }
0xf5: {  	v13 =	vsel vm4, $0x5500, v9;
	v56 =	vadd.s32 v3, v59;
	v3 =	vmul.f32 v36, v5;
	[tilespmem:v58+s10+$0x0] =	vst.idx.msk $0xffff, v7  }
0xf6: {  	v53 =	vadd.s32 v29, v13;
	v13 =	vmul.f32 v5, v11;
	[tilespmem:v4+s10+$0x0] =	vst.idx.msk $0xffff, v49  }
0xf7: {  	[tilespmem:v23+s11+$0x0] =	vst.idx.msk $0xffff, v3  }
0xf8: {  	[tilespmem:v2+s11+$0x0] =	vst.idx.msk $0xffff, v13;
	v2 =	vld [tilespmem:$0x1FE00]  }
0xf9: {  	v1 =	vadd.s32 $0x76, v28;
	_ =	sdelay $0x2  }
0xfa: {  	v58 =	vmul.f32 v36, v46  }
0xfb: {  	v2 =	vsub.s32 v2, v18  }
0xfc: {  	v29 =	vadd.s32 $0xAE, v28;
	[tilespmem:v1+s11+$0x0] =	vst.idx.msk $0xffff, v58;
	v1 =	vshll.u32 v2, $0x7;
	v2 =	vld [tilespmem:$0x1FE10]  }
0xfd: {  	v25 =	vor.u32 $0x6, v63  }
0xfe: {  	v3 =	vor.u32 $0x46, v63  }
0xff: {  	v59 =	vmul.f32 v11, v46;
	v7 =	vadd.s32 v17, v47;
	v63 =	vor.u32 $0x7, v26  }
0x100: {  	v51 =	vand.u32 $0x1, v7;
	v13 =	vadd.s32 $0x3B, v26  }
0x101: {  	v49 =	vor.u32 $0x7, v28;
	vm5 =	veq.s32 v51, $0x1;
	[tilespmem:v29+s11+$0x0] =	vst.idx.msk $0xffff, v59;
	v2 =	vsub.s32 v2, v18  }
0x102: {  	v51 =	vadd.s32 $0x3F, v28;
	[tilespmem:v25+s12+$0x0] =	vst.idx.msk $0xffff, v1;
	v29 =	vshll.u32 v2, $0x7;
	v2 =	vsub.f32 $1.000000000e+00, v45  }
0x103: {  	v46 =	vshra.s32 v7, $0x1;
	v4 =	vadd.s32 $0x77, v28;
	v23 =	vadd.s32 $0xAF, v28;
	[tilespmem:v3+s12+$0x0] =	vst.idx.msk $0xffff, v29  }
0x104: {  	v1 =	vsel vm5, $0x5500, v9;
	v3 =	vadd.s32 v18, v48;
	[tilespmem:v63+s10+$0x0] =	vst.idx.msk $0xffff, v52;
	v52 =	vmul.f32 v32, v2  }
0x105: {  	v29 =	vadd.s32 v46, v1;
	v58 =	vand.u32 $0x1, v3;
	v59 =	vmul.f32 v2, v55;
	[tilespmem:v13+s10+$0x0] =	vst.idx.msk $0xffff, v50  }
0x106: {  	v48 =	vmul.f32 v32, v45;
	v63 =	vadd.s32 $0x8, v26;
	vm6 =	veq.s32 v58, $0x1;
	[tilespmem:v49+s11+$0x0] =	vst.idx.msk $0xffff, v52  }
0x107: {  	v3 =	vshra.s32 v3, $0x1;
	v49 =	vadd.s32 $0x3C, v26;
	v52 =	vsel vm6, $0x5500, v9;
	[tilespmem:v51+s11+$0x0] =	vst.idx.msk $0xffff, v59  }
0x108: {  	v50 =	vmul.f32 v55, v45;
	v51 =	vor.u32 $0x8, v28;
	v1 =	vadd.s32 v3, v52;
	[tilespmem:v4+s11+$0x0] =	vst.idx.msk $0xffff, v48  }
0x109: {  	v4 =	vadd.s32 $0x40, v28;
	[tilespmem:$0x1FF10] =	vst v1  }
0x10a: {  	v5 =	vadd.s32 $0x78, v28;
	v13 =	vadd.s32 v18, v47;
	[tilespmem:v23+s11+$0x0] =	vst.idx.msk $0xffff, v50  }
0x10b: {  	v58 =	vmul.f32 v33, v2;
	v47 =	vand.u32 $0x1, v13;
	v23 =	vadd.s32 $0xB0, v28;
	[tilespmem:v63+s10+$0x0] =	vst.idx.msk $0xffff, v57  }
0x10c: {  	vm7 =	veq.s32 v47, $0x1;
	v59 =	vmul.f32 v2, v15;
	v47 =	vadd.s32 $0x9, v26;
	[tilespmem:v49+s10+$0x0] =	vst.idx.msk $0xffff, v54  }
0x10d: {  	v52 =	vadd.s32 $0x3D, v26;
	v1 =	vld [tilespmem:$0x1FE20];
	v63 =	vmul.f32 v33, v45;
	[tilespmem:v51+s11+$0x0] =	vst.idx.msk $0xffff, v58  }
0x10e: {  	v25 =	vor.u32 $0x9, v28;
	v6 =	vshra.s32 v13, $0x1;
	v13 =	vmul.f32 v15, v45;
	[tilespmem:v4+s11+$0x0] =	vst.idx.msk $0xffff, v59  }
0x10f: {  	v7 =	vadd.s32 $0x79, v28;
	[tilespmem:v5+s11+$0x0] =	vst.idx.msk $0xffff, v63;
	v5 =	vadd.s32 $0x41, v28  }
0x110: {  	v46 =	vadd.s32 $0xB1, v28;
	v57 =	vsel vm7, $0x5500, v9;
	v54 =	vadd.s32 v22, v44;
	[tilespmem:v23+s11+$0x0] =	vst.idx.msk $0xffff, v13  }
0x111: {  	v6 =	vadd.s32 v6, v57;
	v58 =	vand.u32 $0x1, v54;
	v13 =	vmul.f32 v34, v2;
	[tilespmem:v47+s10+$0x0] =	vst.idx.msk $0xffff, v60  }
0x112: {  	vm8 =	veq.s32 v58, $0x1;
	v47 =	vadd.s32 $0xA, v26;
	[tilespmem:v52+s10+$0x0] =	vst.idx.msk $0xffff, v1;
	v52 =	vmul.f32 v2, v14;
	v1 =	vld [tilespmem:$0x1FE30]  }
0x113: {  	v57 =	vmul.f32 v34, v45;
	v59 =	vshra.s32 v54, $0x1;
	v63 =	vsel vm8, $0x5500, v9;
	[tilespmem:v25+s11+$0x0] =	vst.idx.msk $0xffff, v13  }
0x114: {  	v4 =	vadd.s32 v59, v63;
	v59 =	vmul.f32 v14, v45;
	[tilespmem:v5+s11+$0x0] =	vst.idx.msk $0xffff, v52  }
0x115: {  	[tilespmem:v7+s11+$0x0] =	vst.idx.msk $0xffff, v57  }
0x116: {  	[tilespmem:v46+s11+$0x0] =	vst.idx.msk $0xffff, v59  }
0x117: {  	v25 =	vadd.s32 $0x3E, v26;
	[tilespmem:v47+s10+$0x0] =	vst.idx.msk $0xffff, v1;
	v1 =	vld [tilespmem:$0x1FE40]  }
0x118: {  	v60 =	vor.u32 $0xA, v28  }
0x119: {  	v23 =	vadd.s32 $0x42, v28  }
0x11a: {  	v54 =	vadd.s32 v22, v43;
	v52 =	vadd.s32 $0x7A, v28  }
0x11b: {  	v48 =	vadd.s32 $0xB2, v28;
	v58 =	vand.u32 $0x1, v54;
	v57 =	vmul.f32 v35, v2  }
0x11c: {  	v49 =	vadd.s32 $0xB, v26;
	vm9 =	veq.s32 v58, $0x1;
	v59 =	vmul.f32 v2, v10;
	[tilespmem:v25+s10+$0x0] =	vst.idx.msk $0xffff, v1;
	v1 =	vld [tilespmem:$0x1FE50]  }
0x11d: {  	v63 =	vshra.s32 v54, $0x1;
	v13 =	vsel vm9, $0x5500, v9;
	[tilespmem:v60+s11+$0x0] =	vst.idx.msk $0xffff, v57;
	v60 =	vmul.f32 v35, v45  }
0x11e: {  	v7 =	vadd.s32 v63, v13;
	v13 =	vmul.f32 v10, v45;
	[tilespmem:v23+s11+$0x0] =	vst.idx.msk $0xffff, v59  }
0x11f: {  	[tilespmem:v52+s11+$0x0] =	vst.idx.msk $0xffff, v60  }
0x120: {  	[tilespmem:v48+s11+$0x0] =	vst.idx.msk $0xffff, v13  }
0x121: {  	v54 =	vadd.s32 v24, v44;
	v63 =	vadd.s32 $0x3F, v26;
	[tilespmem:v49+s10+$0x0] =	vst.idx.msk $0xffff, v1;
	v1 =	vld [tilespmem:$0x1FE60]  }
0x122: {  	v58 =	vand.u32 $0x1, v54;
	v8 =	vshra.s32 v54, $0x1;
	v54 =	vor.u32 $0xB, v28  }
0x123: {  	v5 =	vadd.s32 $0x43, v28  }
0x124: {  	v23 =	vadd.s32 $0x7B, v28  }
0x125: {  	v50 =	vadd.s32 $0xB3, v28;
	v60 =	vmul.f32 v38, v2  }
0x126: {  	v51 =	vadd.s32 $0xC, v26;
	[tilespmem:v63+s10+$0x0] =	vst.idx.msk $0xffff, v1;
	v63 =	vmul.f32 v2, v39;
	v1 =	vld [tilespmem:$0x1FE70]  }
0x127: {  	v57 =	vadd.s32 v24, v43;
	v13 =	vmul.f32 v38, v45;
	[tilespmem:v54+s11+$0x0] =	vst.idx.msk $0xffff, v60  }
0x128: {  	v59 =	vand.u32 $0x1, v57;
	v46 =	vshra.s32 v57, $0x1;
	v57 =	vmul.f32 v39, v45;
	[tilespmem:v5+s11+$0x0] =	vst.idx.msk $0xffff, v63  }
0x129: {  	vm10 =	veq.s32 v58, $0x1;
	[tilespmem:v23+s11+$0x0] =	vst.idx.msk $0xffff, v13  }
0x12a: {  	v58 =	vsel vm10, $0x5500, v9;
	[tilespmem:v50+s11+$0x0] =	vst.idx.msk $0xffff, v57  }
0x12b: {  	v8 =	vadd.s32 v8, v58;
	v58 =	vadd.s32 $0x40, v26;
	[tilespmem:v51+s10+$0x0] =	vst.idx.msk $0xffff, v1;
	v1 =	vld [tilespmem:$0x1FE80]  }
0x12c: {  	vm11 =	veq.s32 v59, $0x1;
	v5 =	vor.u32 $0xC, v28  }
0x12d: {  	v60 =	vsel vm11, $0x5500, v9;
	v13 =	vadd.s32 $0x44, v28  }
0x12e: {  	v49 =	vadd.s32 v46, v60;
	v46 =	vadd.s32 $0x7C, v28  }
0x12f: {  	v47 =	vadd.s32 $0xB4, v28;
	v57 =	vmul.f32 v37, v2  }
0x130: {  	v51 =	vadd.s32 $0xD, v26;
	[tilespmem:v58+s10+$0x0] =	vst.idx.msk $0xffff, v1;
	v58 =	vmul.f32 v2, v30;
	v1 =	vld [tilespmem:$0x1FE90]  }
0x131: {  	v60 =	vmul.f32 v37, v45;
	[tilespmem:v5+s11+$0x0] =	vst.idx.msk $0xffff, v57  }
0x132: {  	v59 =	vadd.s32 v20, v44;
	[tilespmem:v13+s11+$0x0] =	vst.idx.msk $0xffff, v58;
	v13 =	vmul.f32 v30, v45  }
0x133: {  	v63 =	vand.u32 $0x1, v59;
	[tilespmem:v46+s11+$0x0] =	vst.idx.msk $0xffff, v60  }
0x134: {  	vm12 =	veq.s32 v63, $0x1;
	[tilespmem:v47+s11+$0x0] =	vst.idx.msk $0xffff, v13  }
0x135: {  	v25 =	vadd.s32 $0x41, v26;
	v50 =	vshra.s32 v59, $0x1;
	v54 =	vsel vm12, $0x5500, v9;
	[tilespmem:v51+s10+$0x0] =	vst.idx.msk $0xffff, v1;
	v1 =	vld [tilespmem:$0x1FEA0]  }
0x136: {  	v48 =	vadd.s32 v50, v54;
	v54 =	vor.u32 $0xD, v28  }
0x137: {  	v59 =	vadd.s32 v20, v43  }
0x138: {  	v63 =	vand.u32 $0x1, v59;
	v57 =	vshra.s32 v59, $0x1;
	v59 =	vadd.s32 v21, v44  }
0x139: {  	v60 =	vmul.f32 v36, v2;
	v13 =	vand.u32 $0x1, v59  }
0x13a: {  	vm13 =	veq.s32 v63, $0x1;
	v46 =	vadd.s32 $0x45, v28;
	vm14 =	veq.s32 v13, $0x1;
	[tilespmem:v25+s10+$0x0] =	vst.idx.msk $0xffff, v1  }
0x13b: {  	v5 =	vadd.s32 $0x7D, v28;
	v59 =	vshra.s32 v59, $0x1;
	[tilespmem:v54+s11+$0x0] =	vst.idx.msk $0xffff, v60;
	v60 =	vsel vm14, $0x5500, v9  }
0x13c: {  	v63 =	vadd.s32 $0xB5, v28;
	v58 =	vsel vm13, $0x5500, v9;
	v1 =	vadd.s32 v59, v60  }
0x13d: {  	v50 =	vadd.s32 v57, v58;
	v2 =	vmul.f32 v2, v11;
	v57 =	vadd.s32 $0xE, v26;
	[tilespmem:$0x1FF30] =	vst v1;
	v1 =	vld [tilespmem:$0x1FEB0]  }
0x13e: {  	v58 =	vmul.f32 v36, v45  }
0x13f: {  	v45 =	vmul.f32 v11, v45;
	[tilespmem:v46+s11+$0x0] =	vst.idx.msk $0xffff, v2  }
0x140: {  	[tilespmem:v5+s11+$0x0] =	vst.idx.msk $0xffff, v58  }
0x141: {  	[tilespmem:v63+s11+$0x0] =	vst.idx.msk $0xffff, v45  }
0x142: {  	v54 =	vadd.s32 $0x42, v26;
	[tilespmem:v57+s10+$0x0] =	vst.idx.msk $0xffff, v1;
	v1 =	vld [tilespmem:$0x1FEC0]  }
0x143: {  	v46 =	vor.u32 $0xE, v28  }
0x144: {  	v52 =	vsub.f32 $1.000000000e+00, v42;
	v47 =	vadd.s32 $0x46, v28  }
0x145: {  	v5 =	vadd.s32 $0x7E, v28  }
0x146: {  	v51 =	vadd.s32 $0xB6, v28;
	v63 =	vmul.f32 v32, v52  }
0x147: {  	v23 =	vmul.f32 v52, v55;
	v57 =	vadd.s32 $0xF, v26;
	[tilespmem:v54+s10+$0x0] =	vst.idx.msk $0xffff, v1;
	v1 =	vld [tilespmem:$0x1FED0]  }
0x148: {  	v25 =	vmul.f32 v32, v42;
	v45 =	vadd.s32 v21, v43;
	[tilespmem:v46+s11+$0x0] =	vst.idx.msk $0xffff, v63;
	v63 =	vadd.s32 $0x43, v26  }
0x149: {  	v60 =	vmul.f32 v55, v42;
	v13 =	vand.u32 $0x1, v45;
	v54 =	vor.u32 $0xF, v28;
	[tilespmem:v47+s11+$0x0] =	vst.idx.msk $0xffff, v23  }
0x14a: {  	[tilespmem:v5+s11+$0x0] =	vst.idx.msk $0xffff, v25;
	v5 =	vadd.s32 $0x47, v28  }
0x14b: {  	v58 =	vmul.f32 v52, v15;
	v46 =	vadd.s32 $0x7F, v28;
	[tilespmem:v51+s11+$0x0] =	vst.idx.msk $0xffff, v60  }
0x14c: {  	vm15 =	veq.s32 v13, $0x1;
	v13 =	vmovc v55;
	v55 =	vmul.f32 v33, v52;
	[tilespmem:v57+s10+$0x0] =	vst.idx.msk $0xffff, v1;
	v57 =	vadd.s32 $0xB7, v28  }
0x14d: {  	v45 =	vshra.s32 v45, $0x1;
	v23 =	vsel vm15, $0x5500, v9;
	v60 =	vadd.s32 $0x10, v26;
	v1 =	vld [tilespmem:$0x1FEE0];
	[tilespmem:v63+s10+$0x0] =	vst.idx.msk $0xffff, v61  }
0x14e: {  	v59 =	vmul.f32 v33, v42;
	v23 =	vadd.s32 v45, v23;
	[tilespmem:v54+s11+$0x0] =	vst.idx.msk $0xffff, v55  }
0x14f: {  	v45 =	vadd.s32 v19, v44;
	v61 =	vmul.f32 v15, v42;
	[tilespmem:v5+s11+$0x0] =	vst.idx.msk $0xffff, v58  }
0x150: {  	v25 =	vand.u32 $0x1, v45;
	[tilespmem:v46+s11+$0x0] =	vst.idx.msk $0xffff, v59  }
0x151: {  	vm4 =	veq.s32 v25, $0x1;
	[tilespmem:v57+s11+$0x0] =	vst.idx.msk $0xffff, v61  }
0x152: {  	v45 =	vshra.s32 v45, $0x1;
	v51 =	vadd.s32 $0x44, v26;
	v25 =	vsel vm4, $0x5500, v9;
	[tilespmem:v60+s10+$0x0] =	vst.idx.msk $0xffff, v1;
	v1 =	vld [tilespmem:$0x1FEF0]  }
0x153: {  	v54 =	vadd.s32 v45, v25;
	v45 =	vor.u32 $0x10, v28  }
0x154: {  	v63 =	vand.u32 $0x1FE0, v28;
	v46 =	vadd.s32 $0x48, v28  }
0x155: {  	[tilespmem:$0x1FF70] =	vst v17;
	v25 =	vadd.s32 v19, v43;
	v5 =	vadd.s32 $0x80, v63  }
0x156: {  	[tilespmem:$0x1FFB0] =	vst v12;
	v55 =	vmul.f32 v34, v52;
	v63 =	vand.u32 $0x1, v25;
	v60 =	vadd.s32 $0xB8, v28  }
0x157: {  	v58 =	vmul.f32 v52, v14;
	vm5 =	veq.s32 v63, $0x1;
	v63 =	vadd.s32 $0x11, v26;
	[tilespmem:v51+s10+$0x0] =	vst.idx.msk $0xffff, v1  }
0x158: {  	v59 =	vadd.s32 $0x45, v26;
	v51 =	vmul.f32 v34, v42;
	[tilespmem:v45+s11+$0x0] =	vst.idx.msk $0xffff, v55  }
0x159: {  	v61 =	vmul.f32 v14, v42;
	v45 =	vor.u32 $0x11, v28;
	[tilespmem:v46+s11+$0x0] =	vst.idx.msk $0xffff, v58  }
0x15a: {  	[tilespmem:v5+s11+$0x0] =	vst.idx.msk $0xffff, v51;
	v5 =	vadd.s32 $0x49, v28  }
0x15b: {  	v25 =	vshra.s32 v25, $0x1;
	v55 =	vsel vm5, $0x5500, v9;
	[tilespmem:v60+s11+$0x0] =	vst.idx.msk $0xffff, v61;
	v60 =	vadd.s32 $0x81, v28  }
0x15c: {  	v57 =	vadd.s32 v25, v55;
	v51 =	vmul.f32 v35, v52;
	[tilespmem:v63+s10+$0x0] =	vst.idx.msk $0xffff, v62;
	v63 =	vadd.s32 $0xB9, v28  }
0x15d: {  	v3 =	vld [tilespmem:$0x1FF00];
	v25 =	vadd.s32 v17, v44;
	v58 =	vadd.s32 $0x12, v26;
	v61 =	vmul.f32 v52, v10;
	[tilespmem:v59+s10+$0x0] =	vst.idx.msk $0xffff, v16  }
0x15e: {  	v55 =	vand.u32 $0x1, v25;
	v62 =	vmul.f32 v35, v42;
	[tilespmem:v45+s11+$0x0] =	vst.idx.msk $0xffff, v51;
	v51 =	vadd.s32 $0x46, v26  }
0x15f: {  	v59 =	vadd.s32 v17, v43;
	v17 =	vmul.f32 v10, v42;
	[tilespmem:v5+s11+$0x0] =	vst.idx.msk $0xffff, v61;
	v61 =	vor.u32 $0x12, v28  }
0x160: {  	vm6 =	veq.s32 v55, $0x1;
	[tilespmem:v60+s11+$0x0] =	vst.idx.msk $0xffff, v62;
	v60 =	vadd.s32 $0x4A, v28  }
0x161: {  	v1 =	vadd.s32 $0x82, v28;
	v25 =	vshra.s32 v25, $0x1;
	v16 =	vsel vm6, $0x5500, v9;
	[tilespmem:v63+s11+$0x0] =	vst.idx.msk $0xffff, v17  }
0x162: {  	v45 =	vsub.f32 $1.000000000e+00, v12;
	v12 =	vmul.f32 v38, v52;
	[tilespmem:v58+s10+$0x0] =	vst.idx.msk $0xffff, v3;
	v58 =	vadd.s32 $0xBA, v28  }
0x163: {  	v55 =	vadd.s32 v25, v16;
	v16 =	vmul.f32 v52, v39;
	[tilespmem:v51+s10+$0x0] =	vst.idx.msk $0xffff, v56;
	v56 =	vadd.s32 $0x13, v26  }
0x164: {  	v5 =	vmul.f32 v38, v42;
	[tilespmem:v61+s11+$0x0] =	vst.idx.msk $0xffff, v12;
	v61 =	vadd.s32 $0x47, v26  }
0x165: {  	v12 =	vmul.f32 v39, v42;
	[tilespmem:v60+s11+$0x0] =	vst.idx.msk $0xffff, v16;
	v16 =	vor.u32 $0x13, v28  }
0x166: {  	v51 =	vadd.s32 $0x4B, v28;
	[tilespmem:v1+s11+$0x0] =	vst.idx.msk $0xffff, v5  }
0x167: {  	v44 =	vadd.s32 v18, v44;
	v25 =	vand.u32 $0x1, v59;
	v5 =	vadd.s32 $0x83, v28;
	[tilespmem:v58+s11+$0x0] =	vst.idx.msk $0xffff, v12  }
0x168: {  	vm7 =	veq.s32 v25, $0x1;
	v60 =	vmul.f32 v37, v52;
	v12 =	vadd.s32 $0xBB, v28;
	[tilespmem:v56+s10+$0x0] =	vst.idx.msk $0xffff, v53  }
0x169: {  	v25 =	vsel vm7, $0x5500, v9;
	v17 =	vshra.s32 v59, $0x1;
	v1 =	vmul.f32 v52, v30;
	[tilespmem:v61+s10+$0x0] =	vst.idx.msk $0xffff, v29  }
0x16a: {  	v25 =	vadd.s32 v17, v25;
	v17 =	vand.u32 $0x1, v44;
	v58 =	vmul.f32 v37, v42;
	[tilespmem:v16+s11+$0x0] =	vst.idx.msk $0xffff, v60  }
0x16b: {  	vm8 =	veq.s32 v17, $0x1;
	v17 =	vmul.f32 v30, v42;
	[tilespmem:v51+s11+$0x0] =	vst.idx.msk $0xffff, v1  }
0x16c: {  	[tilespmem:v5+s11+$0x0] =	vst.idx.msk $0xffff, v58  }
0x16d: {  	v29 =	vadd.s32 v18, v43;
	v43 =	vadd.s32 $0x14, v26;
	[tilespmem:v12+s11+$0x0] =	vst.idx.msk $0xffff, v17;
	v12 =	vld [tilespmem:$0x1FF10]  }
0x16e: {  	v62 =	vadd.s32 $0x48, v26  }
0x16f: {  	v2 =	vsub.f32 $1.000000000e+00, v41;
	v47 =	vsub.f32 $1.000000000e+00, v31;
	v1 =	vor.u32 $0x14, v28  }
0x170: {  	v46 =	vsub.f32 $1.000000000e+00, v27;
	v63 =	vmul.f32 v36, v52;
	v51 =	vadd.s32 $0x4C, v28  }
0x171: {  	v59 =	vadd.s32 $0xBC, v28;
	v3 =	vadd.s32 $0x15, v26;
	v58 =	vadd.s32 $0x84, v28  }
0x172: {  	v52 =	vmul.f32 v52, v11;
	v56 =	vsel vm8, $0x5500, v9;
	v61 =	vmul.f32 v36, v42;
	[tilespmem:v43+s10+$0x0] =	vst.idx.msk $0xffff, v12  }
0x173: {  	v60 =	vmul.f32 v11, v42;
	v16 =	vand.u32 $0x1, v29;
	v29 =	vshra.s32 v29, $0x1;
	[tilespmem:v62+s10+$0x0] =	vst.idx.msk $0xffff, v6  }
0x174: {  	vm9 =	veq.s32 v16, $0x1;
	v17 =	vshra.s32 v44, $0x1;
	v44 =	vadd.s32 $0x49, v26;
	[tilespmem:v1+s11+$0x0] =	vst.idx.msk $0xffff, v63  }
0x175: {  	v42 =	vadd.s32 v17, v56;
	v17 =	vadd.s32 v22, v40;
	v63 =	vor.u32 $0x15, v28;
	[tilespmem:v51+s11+$0x0] =	vst.idx.msk $0xffff, v52  }
0x176: {  	v16 =	vsel vm9, $0x5500, v9;
	v12 =	vand.u32 $0x1, v17;
	v51 =	vadd.s32 $0x4D, v28;
	[tilespmem:v58+s11+$0x0] =	vst.idx.msk $0xffff, v61  }
0x177: {  	v29 =	vadd.s32 v29, v16;
	vm10 =	veq.s32 v12, $0x1;
	v12 =	vld [tilespmem:$0x1FF20];
	v52 =	vadd.s32 $0x85, v28;
	[tilespmem:v59+s11+$0x0] =	vst.idx.msk $0xffff, v60  }
0x178: {  	v56 =	vmul.f32 v32, v41;
	v43 =	vmul.f32 v32, v2;
	v1 =	vadd.s32 $0xBD, v28;
	[tilespmem:v3+s10+$0x0] =	vst.idx.msk $0xffff, v4  }
0x179: {  	v53 =	vshra.s32 v17, $0x1;
	v6 =	vmul.f32 v2, v13;
	v58 =	vadd.s32 $0x16, v26;
	[tilespmem:v44+s10+$0x0] =	vst.idx.msk $0xffff, v7  }
0x17a: {  	v62 =	vmul.f32 v13, v41;
	v16 =	vsel vm10, $0x5500, v9;
	v59 =	vadd.s32 $0x4A, v26;
	[tilespmem:v63+s11+$0x0] =	vst.idx.msk $0xffff, v43  }
0x17b: {  	v53 =	vadd.s32 v53, v16;
	v60 =	vmul.f32 v34, v2;
	v43 =	vor.u32 $0x16, v28;
	[tilespmem:v51+s11+$0x0] =	vst.idx.msk $0xffff, v6  }
0x17c: {  	v61 =	vadd.s32 $0x4E, v28;
	v17 =	vadd.s32 v22, v12;
	v3 =	vmul.f32 v33, v2;
	[tilespmem:v52+s11+$0x0] =	vst.idx.msk $0xffff, v56  }
0x17d: {  	v4 =	vmul.f32 v2, v15;
	v5 =	vand.u32 $0x1, v17;
	v63 =	vadd.s32 $0x86, v28;
	[tilespmem:v1+s11+$0x0] =	vst.idx.msk $0xffff, v62  }
0x17e: {  	v7 =	vmul.f32 v33, v41;
	v44 =	vmul.f32 v15, v41;
	v51 =	vadd.s32 $0xBE, v28;
	[tilespmem:v58+s10+$0x0] =	vst.idx.msk $0xffff, v8  }
0x17f: {  	v16 =	vshra.s32 v17, $0x1;
	vm11 =	veq.s32 v5, $0x1;
	v52 =	vadd.s32 $0x17, v26;
	[tilespmem:v59+s10+$0x0] =	vst.idx.msk $0xffff, v49  }
0x180: {  	v5 =	vadd.s32 v24, v40;
	v17 =	vsel vm11, $0x5500, v9;
	v1 =	vadd.s32 $0x4B, v26;
	[tilespmem:v43+s11+$0x0] =	vst.idx.msk $0xffff, v3  }
0x181: {  	v6 =	vadd.s32 v16, v17;
	v17 =	vand.u32 $0x1, v5;
	v59 =	vor.u32 $0x17, v28;
	[tilespmem:v61+s11+$0x0] =	vst.idx.msk $0xffff, v4  }
0x182: {  	v56 =	vadd.s32 $0x88, v28;
	vm12 =	veq.s32 v17, $0x1;
	v8 =	vmul.f32 v2, v14;
	[tilespmem:v63+s11+$0x0] =	vst.idx.msk $0xffff, v7  }
0x183: {  	v62 =	vadd.s32 $0x4F, v28;
	v58 =	vmul.f32 v34, v41;
	v49 =	vmul.f32 v14, v41;
	[tilespmem:v51+s11+$0x0] =	vst.idx.msk $0xffff, v44  }
0x184: {  	v17 =	vmovc v14;
	v14 =	vadd.s32 v24, v12;
	v3 =	vshra.s32 v5, $0x1;
	v5 =	vsel vm12, $0x5500, v9;
	[tilespmem:v52+s10+$0x0] =	vst.idx.msk $0xffff, v48  }
0x185: {  	v43 =	vadd.s32 $0x87, v28;
	v16 =	vand.u32 $0x1, v14;
	v5 =	vadd.s32 v3, v5;
	[tilespmem:v1+s10+$0x0] =	vst.idx.msk $0xffff, v50  }
0x186: {  	v3 =	vadd.s32 $0xBF, v28;
	v61 =	vadd.s32 $0x18, v26;
	[tilespmem:v59+s11+$0x0] =	vst.idx.msk $0xffff, v60;
	v59 =	vadd.s32 v20, v40  }
0x187: {  	vm13 =	veq.s32 v16, $0x1;
	v1 =	vshra.s32 v14, $0x1;
	v14 =	vand.u32 $0x1, v59  }
0x188: {  	v63 =	vadd.s32 $0x4C, v26;
	v7 =	vor.u32 $0x18, v28;
	vm14 =	veq.s32 v14, $0x1;
	v14 =	vld [tilespmem:$0x1FF30]  }
0x189: {  	[tilespmem:$0x1FF80] =	vst v11;
	v4 =	vmovc v12;
	v12 =	vsel vm13, $0x5500, v9;
	v44 =	vmul.f32 v35, v2;
	v51 =	vmul.f32 v2, v10  }
0x18a: {  	v48 =	vmul.f32 v35, v41;
	v52 =	vmul.f32 v10, v41;
	v50 =	vadd.s32 $0x50, v28;
	[tilespmem:v62+s11+$0x0] =	vst.idx.msk $0xffff, v8  }
0x18b: {  	v12 =	vadd.s32 v1, v12;
	v60 =	vadd.s32 $0xC0, v28;
	v1 =	vmul.f32 v39, v41;
	[tilespmem:v43+s11+$0x0] =	vst.idx.msk $0xffff, v58  }
0x18c: {  	v62 =	vadd.s32 $0x19, v26;
	v8 =	vshra.s32 v59, $0x1;
	v59 =	vor.u32 $0x19, v28;
	[tilespmem:v3+s11+$0x0] =	vst.idx.msk $0xffff, v49  }
0x18d: {  	v43 =	vmul.f32 v38, v2;
	v58 =	vmul.f32 v2, v39;
	v3 =	vadd.s32 $0x4D, v26;
	[tilespmem:v61+s10+$0x0] =	vst.idx.msk $0xffff, v14  }
0x18e: {  	v49 =	vmul.f32 v38, v41;
	v14 =	vsel vm14, $0x5500, v9;
	[tilespmem:v63+s10+$0x0] =	vst.idx.msk $0xffff, v23;
	v23 =	vadd.s32 v20, v4  }
0x18f: {  	v61 =	vadd.s32 $0x51, v28;
	v8 =	vadd.s32 v8, v14;
	[tilespmem:v7+s11+$0x0] =	vst.idx.msk $0xffff, v44;
	v14 =	vand.u32 $0x1, v23  }
0x190: {  	v63 =	vmul.f32 v37, v41;
	v7 =	vadd.s32 $0x89, v28;
	v44 =	vadd.s32 $0xC1, v28;
	[tilespmem:v50+s11+$0x0] =	vst.idx.msk $0xffff, v51  }
0x191: {  	v23 =	vshra.s32 v23, $0x1;
	vm15 =	veq.s32 v14, $0x1;
	v51 =	vmul.f32 v37, v2;
	[tilespmem:v56+s11+$0x0] =	vst.idx.msk $0xffff, v48  }
0x192: {  	v50 =	vadd.s32 $0x1A, v26;
	v48 =	vadd.s32 $0x4E, v26;
	v56 =	vmul.f32 v2, v30;
	v14 =	vmovc v30;
	[tilespmem:v60+s11+$0x0] =	vst.idx.msk $0xffff, v52  }
0x193: {  	v52 =	vmul.f32 v30, v41;
	v30 =	vsel vm15, $0x5500, v9;
	v60 =	vadd.s32 v21, v40;
	[tilespmem:v62+s10+$0x0] =	vst.idx.msk $0xffff, v54  }
0x194: {  	v23 =	vadd.s32 v23, v30;
	v54 =	vor.u32 $0x1A, v28;
	v30 =	vand.u32 $0x1, v60;
	[tilespmem:v3+s10+$0x0] =	vst.idx.msk $0xffff, v57  }
0x195: {  	v62 =	vadd.s32 $0xC3, v28;
	v3 =	vadd.s32 $0x52, v28;
	v57 =	vadd.s32 $0x8A, v28;
	[tilespmem:v59+s11+$0x0] =	vst.idx.msk $0xffff, v43  }
0x196: {  	vm4 =	veq.s32 v30, $0x1;
	v43 =	vadd.s32 $0xC2, v28;
	v59 =	vadd.s32 $0x1B, v26;
	[tilespmem:v61+s11+$0x0] =	vst.idx.msk $0xffff, v58  }
0x197: {  	v30 =	vsel vm4, $0x5500, v9;
	v58 =	vmul.f32 v36, v2;
	v2 =	vmul.f32 v2, v11;
	[tilespmem:v7+s11+$0x0] =	vst.idx.msk $0xffff, v49  }
0x198: {  	v61 =	vadd.s32 $0x4F, v26;
	v7 =	vmul.f32 v36, v41;
	v41 =	vmul.f32 v11, v41;
	[tilespmem:v44+s11+$0x0] =	vst.idx.msk $0xffff, v1  }
0x199: {  	v49 =	vor.u32 $0x1B, v28;
	v11 =	vshra.s32 v60, $0x1;
	v60 =	vor.u32 $0x1C, v28;
	[tilespmem:v50+s10+$0x0] =	vst.idx.msk $0xffff, v55  }
0x19a: {  	v1 =	vadd.s32 $0x53, v28;
	v44 =	vadd.s32 $0x8B, v28;
	v55 =	vadd.s32 $0x1C, v26;
	[tilespmem:v48+s10+$0x0] =	vst.idx.msk $0xffff, v25  }
0x19b: {  	v50 =	vadd.s32 v21, v4;
	v25 =	vadd.s32 v11, v30;
	v48 =	vadd.s32 $0x50, v26;
	[tilespmem:v54+s11+$0x0] =	vst.idx.msk $0xffff, v51  }
0x19c: {  	v11 =	vand.u32 $0x1, v50;
	v51 =	vmul.f32 v32, v47;
	v54 =	vmul.f32 v47, v13;
	[tilespmem:v3+s11+$0x0] =	vst.idx.msk $0xffff, v56  }
0x19d: {  	vm5 =	veq.s32 v11, $0x1;
	v3 =	vmul.f32 v32, v31;
	v56 =	vadd.s32 v19, v40;
	[tilespmem:v57+s11+$0x0] =	vst.idx.msk $0xffff, v63  }
0x19e: {  	v11 =	vsel vm5, $0x5500, v9;
	v57 =	vmul.f32 v13, v31;
	v30 =	vand.u32 $0x1, v56;
	[tilespmem:v43+s11+$0x0] =	vst.idx.msk $0xffff, v52  }
0x19f: {  	v63 =	vadd.s32 $0x51, v26;
	vm6 =	veq.s32 v30, $0x1;
	v30 =	vshra.s32 v56, $0x1;
	[tilespmem:v59+s10+$0x0] =	vst.idx.msk $0xffff, v42  }
0x1a0: {  	v43 =	vadd.s32 $0x54, v28;
	v52 =	vadd.s32 $0x8C, v28;
	v56 =	vmul.f32 v47, v15;
	[tilespmem:v61+s10+$0x0] =	vst.idx.msk $0xffff, v29  }
0x1a1: {  	v42 =	vadd.s32 $0xC4, v28;
	v61 =	vsel vm6, $0x5500, v9;
	[tilespmem:v49+s11+$0x0] =	vst.idx.msk $0xffff, v58;
	v58 =	vadd.s32 v19, v4  }
0x1a2: {  	v59 =	vadd.s32 $0x1D, v26;
	v49 =	vadd.s32 v30, v61;
	v30 =	vmovc v4;
	[tilespmem:v1+s11+$0x0] =	vst.idx.msk $0xffff, v2;
	v4 =	vand.u32 $0x1, v58  }
0x1a3: {  	v29 =	vshra.s32 v50, $0x1;
	v50 =	vmul.f32 v33, v47;
	[tilespmem:v44+s11+$0x0] =	vst.idx.msk $0xffff, v7;
	vm7 =	veq.s32 v4, $0x1;
	v4 =	vld [tilespmem:$0x1FF70]  }
0x1a4: {  	v29 =	vadd.s32 v29, v11;
	v61 =	vadd.s32 $0x8D, v28;
	v1 =	vmul.f32 v33, v31;
	[tilespmem:v62+s11+$0x0] =	vst.idx.msk $0xffff, v41  }
0x1a5: {  	v2 =	vmul.f32 v15, v31;
	v7 =	vor.u32 $0x1D, v28;
	v41 =	vadd.s32 $0x55, v28;
	[tilespmem:v55+s10+$0x0] =	vst.idx.msk $0xffff, v53  }
0x1a6: {  	v62 =	vmul.f32 v47, v17;
	v53 =	vadd.s32 $0xC5, v28;
	v55 =	vadd.s32 $0x1E, v26;
	[tilespmem:v48+s10+$0x0] =	vst.idx.msk $0xffff, v6  }
0x1a7: {  	v48 =	vmul.f32 v34, v47;
	[tilespmem:v60+s11+$0x0] =	vst.idx.msk $0xffff, v51;
	v51 =	vshra.s32 v58, $0x1;
	v58 =	vmul.f32 v34, v31  }
0x1a8: {  	v6 =	vadd.s32 $0x52, v26;
	v44 =	vadd.s32 v4, v40;
	[tilespmem:v43+s11+$0x0] =	vst.idx.msk $0xffff, v54;
	v54 =	vadd.s32 v4, v30  }
0x1a9: {  	v40 =	vadd.s32 v18, v40;
	v4 =	vmul.f32 v35, v47;
	v30 =	vadd.s32 v18, v30  }
0x1aa: {  	v11 =	vand.u32 $0x1, v44;
	v44 =	vshra.s32 v44, $0x1;
	[tilespmem:v52+s11+$0x0] =	vst.idx.msk $0xffff, v3;
	v3 =	vor.u32 $0x1E, v28  }
0x1ab: {  	[tilespmem:$0x1FF60] =	vst v39;
	v52 =	vadd.s32 $0x56, v28;
	vm8 =	veq.s32 v11, $0x1;
	v11 =	vsel vm7, $0x5500, v9  }
0x1ac: {  	[tilespmem:v42+s11+$0x0] =	vst.idx.msk $0xffff, v57;
	v42 =	vadd.s32 $0x8E, v28;
	v57 =	vadd.s32 $0xC6, v28;
	v43 =	vadd.s32 v51, v11  }
0x1ad: {  	v60 =	vsel vm8, $0x5500, v9;
	v51 =	vmul.f32 v17, v31;
	v11 =	vand.u32 $0x1, v54;
	[tilespmem:v59+s10+$0x0] =	vst.idx.msk $0xffff, v5  }
0x1ae: {  	v5 =	vadd.s32 $0x1F, v26;
	v59 =	vadd.s32 $0x53, v26;
	v44 =	vadd.s32 v44, v60;
	[tilespmem:v63+s10+$0x0] =	vst.idx.msk $0xffff, v12  }
0x1af: {  	vm9 =	veq.s32 v11, $0x1;
	v60 =	vmul.f32 v47, v10;
	v12 =	vand.u32 $0x1, v40;
	[tilespmem:v7+s11+$0x0] =	vst.idx.msk $0xffff, v50  }
0x1b0: {  	v63 =	vadd.s32 $0x8F, v28;
	vm10 =	veq.s32 v12, $0x1;
	v7 =	vmul.f32 v35, v31;
	[tilespmem:v41+s11+$0x0] =	vst.idx.msk $0xffff, v56  }
0x1b1: {  	v50 =	vmul.f32 v10, v31;
	v11 =	vsel vm9, $0x5500, v9;
	v41 =	vor.u32 $0x1F, v28;
	[tilespmem:v61+s11+$0x0] =	vst.idx.msk $0xffff, v1  }
0x1b2: {  	v56 =	vadd.s32 $0x57, v28;
	v12 =	vsel vm10, $0x5500, v9;
	v1 =	vshra.s32 v54, $0x1;
	[tilespmem:v53+s11+$0x0] =	vst.idx.msk $0xffff, v2  }
0x1b3: {  	v16 =	vmovc v10;
	v54 =	vadd.s32 $0xC7, v28;
	v61 =	vadd.s32 $0x20, v26;
	v2 =	vshra.s32 v40, $0x1;
	[tilespmem:v55+s10+$0x0] =	vst.idx.msk $0xffff, v8  }
0x1b4: {  	v53 =	vmul.f32 v47, v39;
	[tilespmem:v6+s10+$0x0] =	vst.idx.msk $0xffff, v23;
	v23 =	vmul.f32 v39, v31;
	v39 =	vand.u32 $0x1, v30  }
0x1b5: {  	v10 =	vadd.s32 v1, v11;
	v40 =	vmul.f32 v38, v47;
	[tilespmem:v3+s11+$0x0] =	vst.idx.msk $0xffff, v48;
	vm11 =	veq.s32 v39, $0x1;
	v39 =	vld [tilespmem:$0x1FF40]  }
0x1b6: {  	v8 =	vadd.s32 $0x54, v26;
	v11 =	vadd.s32 v2, v12;
	v55 =	vadd.s32 $0x90, v28;
	v2 =	vld [tilespmem:$0x1FF50];
	[tilespmem:v52+s11+$0x0] =	vst.idx.msk $0xffff, v62  }
0x1b7: {  	v6 =	vmul.f32 v38, v31;
	v3 =	vadd.s32 $0x20, v28;
	v52 =	vadd.s32 $0x58, v28;
	[tilespmem:v42+s11+$0x0] =	vst.idx.msk $0xffff, v58  }
0x1b8: {  	v62 =	vmul.f32 v47, v14;
	v42 =	vadd.s32 $0xC8, v28;
	v58 =	vadd.s32 $0x21, v26;
	[tilespmem:v57+s11+$0x0] =	vst.idx.msk $0xffff, v51  }
0x1b9: {  	v51 =	vadd.s32 $0x55, v26;
	v57 =	vmul.f32 v37, v47;
	[tilespmem:v5+s10+$0x0] =	vst.idx.msk $0xffff, v25;
	v5 =	vshra.s32 v30, $0x1  }
0x1ba: {  	v1 =	vld [tilespmem:$0x1FF80];
	v25 =	vmul.f32 v37, v31;
	v30 =	vmul.f32 v14, v31;
	v48 =	vadd.s32 v22, v39  }
0x1bb: {  	[tilespmem:v59+s10+$0x0] =	vst.idx.msk $0xffff, v29;
	v12 =	vand.u32 $0x1, v48;
	v59 =	vshra.s32 v48, $0x1;
	v48 =	vadd.s32 v22, v2  }
0x1bc: {  	[tilespmem:v41+s11+$0x0] =	vst.idx.msk $0xffff, v4;
	v4 =	vadd.s32 $0x21, v28;
	v41 =	vadd.s32 $0x59, v28;
	vm12 =	veq.s32 v12, $0x1  }
0x1bd: {  	v12 =	vsel vm11, $0x5500, v9;
	[tilespmem:v56+s11+$0x0] =	vst.idx.msk $0xffff, v60;
	v56 =	vadd.s32 $0x91, v28;
	v60 =	vadd.s32 $0x22, v26  }
0x1be: {  	v5 =	vadd.s32 v5, v12;
	v12 =	vsel vm12, $0x5500, v9;
	[tilespmem:v63+s11+$0x0] =	vst.idx.msk $0xffff, v7;
	v7 =	vmul.f32 v36, v47  }
0x1bf: {  	v47 =	vmul.f32 v47, v1;
	v63 =	vadd.s32 $0x92, v28;
	v29 =	vadd.s32 v59, v12  }
0x1c0: {  	v59 =	vadd.s32 $0xC9, v28;
	[tilespmem:v54+s11+$0x0] =	vst.idx.msk $0xffff, v50;
	v50 =	vmul.f32 v36, v31;
	v31 =	vmul.f32 v1, v31  }
0x1c1: {  	v54 =	vadd.s32 $0x56, v26;
	[tilespmem:v61+s10+$0x0] =	vst.idx.msk $0xffff, v49;
	v49 =	vadd.s32 $0x22, v28;
	v61 =	vadd.s32 $0x5A, v28  }
0x1c2: {  	v12 =	vmovc v14;
	v14 =	vand.u32 $0x1, v48;
	[tilespmem:v8+s10+$0x0] =	vst.idx.msk $0xffff, v43;
	v8 =	vshra.s32 v48, $0x1;
	v48 =	vadd.s32 v24, v39  }
0x1c3: {  	v43 =	vadd.s32 $0x23, v26;
	vm13 =	veq.s32 v14, $0x1;
	[tilespmem:v3+s11+$0x0] =	vst.idx.msk $0xffff, v40;
	v40 =	vadd.s32 $0x57, v26  }
0x1c4: {  	v14 =	vsel vm13, $0x5500, v9;
	[tilespmem:v52+s11+$0x0] =	vst.idx.msk $0xffff, v53;
	v52 =	vmul.f32 v46, v13;
	v53 =	vadd.s32 v24, v2  }
0x1c5: {  	v3 =	vadd.s32 v8, v14;
	v8 =	vadd.s32 $0xCA, v28;
	v14 =	vand.u32 $0x1, v48  }
0x1c6: {  	[tilespmem:v55+s11+$0x0] =	vst.idx.msk $0xffff, v6;
	v6 =	vmul.f32 v32, v46;
	v48 =	vshra.s32 v48, $0x1;
	v55 =	vand.u32 $0x1, v53  }
0x1c7: {  	vm14 =	veq.s32 v14, $0x1;
	[tilespmem:v42+s11+$0x0] =	vst.idx.msk $0xffff, v23;
	v23 =	vmul.f32 v32, v27;
	v42 =	vmul.f32 v13, v27  }
0x1c8: {  	vm15 =	veq.s32 v55, $0x1;
	v55 =	vadd.s32 $0x5B, v28;
	v14 =	vsel vm14, $0x5500, v9;
	[tilespmem:v58+s10+$0x0] =	vst.idx.msk $0xffff, v44  }
0x1c9: {  	v44 =	vadd.s32 $0x23, v28;
	v58 =	vsel vm15, $0x5500, v9;
	v48 =	vadd.s32 v48, v14;
	[tilespmem:v51+s10+$0x0] =	vst.idx.msk $0xffff, v10  }
0x1ca: {  	v10 =	vadd.s32 $0x93, v28;
	v51 =	vshra.s32 v53, $0x1;
	v53 =	vadd.s32 $0x24, v26;
	[tilespmem:v4+s11+$0x0] =	vst.idx.msk $0xffff, v57  }
0x1cb: {  	v4 =	vadd.s32 $0xCB, v28;
	v51 =	vadd.s32 v51, v58;
	v57 =	vmul.f32 v33, v46;
	[tilespmem:v41+s11+$0x0] =	vst.idx.msk $0xffff, v62  }
0x1cc: {  	v58 =	vadd.s32 v20, v39;
	v41 =	vadd.s32 $0x58, v26;
	[tilespmem:v56+s11+$0x0] =	vst.idx.msk $0xffff, v25;
	v25 =	vmul.f32 v46, v15  }
0x1cd: {  	v62 =	vand.u32 $0x1, v58;
	v56 =	vmul.f32 v33, v27;
	[tilespmem:v59+s11+$0x0] =	vst.idx.msk $0xffff, v30;
	v59 =	vadd.s32 v20, v2  }
0x1ce: {  	vm4 =	veq.s32 v62, $0x1;
	v30 =	vmul.f32 v15, v27;
	[tilespmem:v60+s10+$0x0] =	vst.idx.msk $0xffff, v11;
	v11 =	vand.u32 $0x1, v59  }
0x1cf: {  	v1 =	vmovc v2;
	v2 =	vadd.s32 $0x24, v28;
	v60 =	vadd.s32 $0x5C, v28;
	[tilespmem:v54+s10+$0x0] =	vst.idx.msk $0xffff, v5;
	vm5 =	veq.s32 v11, $0x1  }
0x1d0: {  	v54 =	vshra.s32 v58, $0x1;
	v11 =	vshra.s32 v59, $0x1;
	v58 =	vmul.f32 v46, v17;
	[tilespmem:v49+s11+$0x0] =	vst.idx.msk $0xffff, v7  }
0x1d1: {  	v59 =	vmul.f32 v17, v27;
	v7 =	vsel vm4, $0x5500, v9;
	v62 =	vsel vm5, $0x5500, v9;
	[tilespmem:v61+s11+$0x0] =	vst.idx.msk $0xffff, v47  }
0x1d2: {  	v5 =	vadd.s32 $0x94, v28;
	v7 =	vadd.s32 v54, v7;
	v49 =	vadd.s32 v11, v62;
	[tilespmem:v63+s11+$0x0] =	vst.idx.msk $0xffff, v50  }
0x1d3: {  	v47 =	vadd.s32 $0xCC, v28;
	v54 =	vmul.f32 v34, v46;
	v61 =	vadd.s32 v21, v39;
	[tilespmem:v8+s11+$0x0] =	vst.idx.msk $0xffff, v31  }
0x1d4: {  	v50 =	vadd.s32 $0x25, v26;
	v11 =	vand.u32 $0x1, v61;
	v8 =	vadd.s32 $0x59, v26;
	[tilespmem:v43+s10+$0x0] =	vst.idx.msk $0xffff, v29  }
0x1d5: {  	v31 =	vmul.f32 v34, v27;
	vm6 =	veq.s32 v11, $0x1;
	v11 =	vshra.s32 v61, $0x1;
	[tilespmem:v40+s10+$0x0] =	vst.idx.msk $0xffff, v3  }
0x1d6: {  	v29 =	vadd.s32 $0x25, v28;
	v43 =	vadd.s32 $0x5D, v28;
	v61 =	vsel vm6, $0x5500, v9;
	[tilespmem:v44+s11+$0x0] =	vst.idx.msk $0xffff, v6  }
0x1d7: {  	v3 =	vadd.s32 $0x95, v28;
	v40 =	vadd.s32 v21, v1;
	v6 =	vadd.s32 $0xCD, v28;
	[tilespmem:v55+s11+$0x0] =	vst.idx.msk $0xffff, v52  }
0x1d8: {  	v63 =	vand.u32 $0x1, v40;
	v62 =	vshra.s32 v40, $0x1;
	v40 =	vmul.f32 v35, v46;
	[tilespmem:v10+s11+$0x0] =	vst.idx.msk $0xffff, v23  }
0x1d9: {  	v44 =	vmul.f32 v46, v16;
	vm7 =	veq.s32 v63, $0x1;
	v52 =	vadd.s32 $0x5E, v28;
	[tilespmem:v4+s11+$0x0] =	vst.idx.msk $0xffff, v42  }
0x1da: {  	v10 =	vadd.s32 v11, v61;
	v63 =	vsel vm7, $0x5500, v9;
	v23 =	vadd.s32 $0x26, v26;
	[tilespmem:v53+s10+$0x0] =	vst.idx.msk $0xffff, v48  }
0x1db: {  	v9 =	vadd.s32 v19, v1;
	v4 =	vadd.s32 v62, v63;
	v42 =	vadd.s32 $0x5A, v26;
	[tilespmem:v41+s10+$0x0] =	vst.idx.msk $0xffff, v51  }
0x1dc: {  	v62 =	vmovc v39;
	v39 =	vimm.s32 $0x0;
	v61 =	vshra.s32 v9, $0x1;
	v48 =	vmul.f32 v35, v27;
	[tilespmem:v2+s11+$0x0] =	vst.idx.msk $0xffff, v57  }
0x1dd: {  	v53 =	vadd.s32 v19, v62;
	v41 =	vmul.f32 v16, v27;
	v51 =	vadd.s32 $0x26, v28;
	[tilespmem:v60+s11+$0x0] =	vst.idx.msk $0xffff, v25  }
0x1de: {  	v63 =	vmovc v16;
	v11 =	vand.u32 $0x1, v53;
	v16 =	vand.u32 $0x1, v9;
	v2 =	vadd.s32 $0x96, v28;
	v57 =	vld [tilespmem:$0x1FF70];
	[tilespmem:v5+s11+$0x0] =	vst.idx.msk $0xffff, v56  }
0x1df: {  	vm8 =	veq.s32 v11, $0x1;
	vm9 =	veq.s32 v16, $0x1;
	v25 =	vadd.s32 $0xCE, v28;
	[tilespmem:v47+s11+$0x0] =	vst.idx.msk $0xffff, v30  }
0x1e0: {  	v60 =	vsel vm8, $0x5500, v39;
	v9 =	vsel vm9, $0x5500, v39;
	v56 =	vshra.s32 v53, $0x1;
	[tilespmem:v50+s10+$0x0] =	vst.idx.msk $0xffff, v7  }
0x1e1: {  	v5 =	vadd.s32 v56, v60;
	v30 =	vadd.s32 $0x27, v26;
	v47 =	vmul.f32 v38, v46;
	[tilespmem:v8+s10+$0x0] =	vst.idx.msk $0xffff, v49  }
0x1e2: {  	v7 =	vadd.s32 v61, v9;
	v9 =	vld [tilespmem:$0x1FF60];
	v50 =	vmul.f32 v38, v27;
	v8 =	vadd.s32 $0x5B, v26;
	[tilespmem:v29+s11+$0x0] =	vst.idx.msk $0xffff, v54  }
0x1e3: {  	v55 =	vadd.s32 v57, v62;
	v62 =	vadd.s32 v18, v62;
	v29 =	vadd.s32 $0x27, v28;
	[tilespmem:v43+s11+$0x0] =	vst.idx.msk $0xffff, v58  }
0x1e4: {  	v61 =	vmovc v1;
	v54 =	vadd.s32 v57, v1;
	v11 =	vand.u32 $0x1, v55;
	v1 =	vadd.s32 $0xCF, v28;
	[tilespmem:v3+s11+$0x0] =	vst.idx.msk $0xffff, v31  }
0x1e5: {  	v43 =	vadd.s32 $0x5F, v28;
	vm10 =	veq.s32 v11, $0x1;
	v16 =	vand.u32 $0x1, v54;
	[tilespmem:v6+s11+$0x0] =	vst.idx.msk $0xffff, v59  }
0x1e6: {  	v58 =	vshra.s32 v55, $0x1;
	v54 =	vshra.s32 v54, $0x1;
	v11 =	vand.u32 $0x1, v62;
	[tilespmem:v23+s10+$0x0] =	vst.idx.msk $0xffff, v10  }
0x1e7: {  	vm11 =	veq.s32 v16, $0x1;
	v31 =	vmul.f32 v37, v46;
	v49 =	vmul.f32 v46, v9;
	[tilespmem:v42+s10+$0x0] =	vst.idx.msk $0xffff, v4  }
0x1e8: {  	v53 =	vmul.f32 v9, v27;
	v59 =	vsel vm10, $0x5500, v39;
	v60 =	vsel vm11, $0x5500, v39;
	[tilespmem:v51+s11+$0x0] =	vst.idx.msk $0xffff, v40  }
0x1e9: {  	v3 =	vadd.s32 $0x97, v28;
	v6 =	vadd.s32 v58, v59;
	v23 =	vadd.s32 v54, v60;
	[tilespmem:v52+s11+$0x0] =	vst.idx.msk $0xffff, v44  }
0x1ea: {  	vm12 =	veq.s32 v11, $0x1;
	v11 =	vld [tilespmem:$0x1FF80];
	v54 =	vmul.f32 v12, v27;
	v10 =	vadd.s32 v18, v61;
	[tilespmem:v2+s11+$0x0] =	vst.idx.msk $0xffff, v48  }
0x1eb: {  	v58 =	vshra.s32 v62, $0x1;
	v59 =	vsel vm12, $0x5500, v39;
	v4 =	vadd.s32 $0x28, v26;
	[tilespmem:v25+s11+$0x0] =	vst.idx.msk $0xffff, v41  }
0x1ec: {  	v42 =	vmul.f32 v46, v12;
	v16 =	vand.u32 $0x1, v10;
	v60 =	vshra.s32 v10, $0x1;
	[tilespmem:v30+s10+$0x0] =	vst.idx.msk $0xffff, v5  }
0x1ed: {  	v40 =	vadd.s32 $0x5C, v26;
	v51 =	vmul.f32 v37, v27;
	vm13 =	veq.s32 v16, $0x1;
	[tilespmem:v8+s10+$0x0] =	vst.idx.msk $0xffff, v7  }
0x1ee: {  	v44 =	vadd.s32 $0x28, v28;
	v52 =	vadd.s32 $0x60, v28;
	v61 =	vsel vm13, $0x5500, v39;
	v48 =	vld [tilespmem:$0x1FFA0];
	[tilespmem:v29+s11+$0x0] =	vst.idx.msk $0xffff, v47  }
0x1ef: {  	v2 =	vadd.s32 $0x98, v28;
	v25 =	vadd.s32 $0xD0, v28;
	v41 =	vmul.f32 v46, v11;
	[tilespmem:v43+s11+$0x0] =	vst.idx.msk $0xffff, v49;
	v49 =	vld [tilespmem:$0x1FF90]  }
0x1f0: {  	v5 =	vadd.s32 v58, v59;
	v30 =	vadd.s32 $0x5D, v26;
	v7 =	vadd.s32 v60, v61;
	[tilespmem:v3+s11+$0x0] =	vst.idx.msk $0xffff, v50  }
0x1f1: {  	v8 =	vadd.s32 $0x29, v26;
	v29 =	vmul.f32 v36, v46;
	v43 =	vmul.f32 v36, v27;
	[tilespmem:v1+s11+$0x0] =	vst.idx.msk $0xffff, v53  }
0x1f2: {  	v3 =	vmul.f32 v11, v27;
	v27 =	vadd.s32 $0x29, v28;
	v1 =	vadd.s32 $0x61, v28;
	[tilespmem:v4+s10+$0x0] =	vst.idx.msk $0xffff, v6  }
0x1f3: {  	v4 =	vadd.s32 $0x99, v28;
	v6 =	vadd.s32 $0xD1, v28;
	[tilespmem:v40+s10+$0x0] =	vst.idx.msk $0xffff, v23;
	v40 =	vmul.f32 v32, v45  }
0x1f4: {  	v62 =	vadd.s32 v22, v49;
	v22 =	vadd.s32 v22, v48;
	[tilespmem:v44+s11+$0x0] =	vst.idx.msk $0xffff, v31;
	v31 =	vadd.s32 $0x2A, v26  }
0x1f5: {  	v60 =	vadd.s32 v24, v49;
	v24 =	vadd.s32 v24, v48;
	v10 =	vand.u32 $0x1, v62  }
0x1f6: {  	v16 =	vand.u32 $0x1, v22;
	v47 =	vshra.s32 v62, $0x1;
	v22 =	vshra.s32 v22, $0x1  }
0x1f7: {  	[tilespmem:v52+s11+$0x0] =	vst.idx.msk $0xffff, v42;
	v42 =	vmul.f32 v45, v13;
	v61 =	vand.u32 $0x1, v60;
	v62 =	vand.u32 $0x1, v24  }
0x1f8: {  	v24 =	vshra.s32 v24, $0x1;
	vm14 =	veq.s32 v10, $0x1;
	vm15 =	veq.s32 v16, $0x1  }
0x1f9: {  	[tilespmem:v2+s11+$0x0] =	vst.idx.msk $0xffff, v51;
	v2 =	vadd.s32 $0x5E, v26;
	vm4 =	veq.s32 v61, $0x1;
	vm5 =	veq.s32 v62, $0x1  }
0x1fa: {  	v61 =	vadd.s32 $0x63, v28;
	v62 =	vadd.s32 v20, v49;
	v20 =	vadd.s32 v20, v48;
	[tilespmem:v25+s11+$0x0] =	vst.idx.msk $0xffff, v54  }
0x1fb: {  	v14 =	vmovc v13;
	v13 =	vld [tilespmem:$0x1FFB0];
	v58 =	vsel vm14, $0x5500, v39;
	v59 =	vsel vm15, $0x5500, v39;
	v25 =	vadd.s32 $0x2A, v28;
	[tilespmem:v8+s10+$0x0] =	vst.idx.msk $0xffff, v5  }
0x1fc: {  	v44 =	vsel vm4, $0x5500, v39;
	v46 =	vsel vm5, $0x5500, v39;
	v10 =	vand.u32 $0x1, v62;
	[tilespmem:v30+s10+$0x0] =	vst.idx.msk $0xffff, v7  }
0x1fd: {  	v23 =	vadd.s32 v47, v58;
	v22 =	vadd.s32 v22, v59;
	v5 =	vadd.s32 $0x62, v28;
	[tilespmem:v27+s11+$0x0] =	vst.idx.msk $0xffff, v29  }
0x1fe: {  	v47 =	vadd.s32 $0xD2, v28;
	v24 =	vadd.s32 v24, v46;
	v58 =	vadd.s32 $0x2B, v26;
	[tilespmem:v1+s11+$0x0] =	vst.idx.msk $0xffff, v41  }
0x1ff: {  	v59 =	vmul.f32 v33, v45;
	vm6 =	veq.s32 v10, $0x1;
	v7 =	vadd.s32 $0x9A, v28;
	[tilespmem:v4+s11+$0x0] =	vst.idx.msk $0xffff, v43  }
0x200: {  	v32 =	vmul.f32 v32, v13;
	v16 =	vmul.f32 v14, v13;
	v14 =	vshra.s32 v60, $0x1;
	[tilespmem:v6+s11+$0x0] =	vst.idx.msk $0xffff, v3  }
0x201: {  	v29 =	vmul.f32 v45, v15;
	v15 =	vmul.f32 v15, v13;
	v60 =	vadd.s32 $0x2B, v28;
	[tilespmem:v31+s10+$0x0] =	vst.idx.msk $0xffff, v23  }
0x202: {  	v46 =	vmul.f32 v34, v13;
	v1 =	vadd.s32 v14, v44;
	v14 =	vand.u32 $0x1, v20;
	[tilespmem:v2+s10+$0x0] =	vst.idx.msk $0xffff, v22  }
0x203: {  	v44 =	vmul.f32 v45, v17;
	v43 =	vmul.f32 v34, v45;
	v3 =	vadd.s32 $0x5F, v26;
	[tilespmem:v25+s11+$0x0] =	vst.idx.msk $0xffff, v40  }
0x204: {  	vm7 =	veq.s32 v14, $0x1;
	v34 =	vmul.f32 v45, v63;
	v6 =	vmul.f32 v33, v13;
	[tilespmem:v5+s11+$0x0] =	vst.idx.msk $0xffff, v42  }
0x205: {  	v33 =	vsel vm6, $0x5500, v39;
	v41 =	vsel vm7, $0x5500, v39;
	v31 =	vshra.s32 v62, $0x1;
	[tilespmem:v7+s11+$0x0] =	vst.idx.msk $0xffff, v32  }
0x206: {  	v2 =	vadd.s32 $0x9B, v28;
	v22 =	vadd.s32 $0x66, v28;
	v25 =	vadd.s32 $0xD3, v28;
	[tilespmem:v47+s11+$0x0] =	vst.idx.msk $0xffff, v16  }
0x207: {  	v40 =	vshra.s32 v20, $0x1;
	v5 =	vadd.s32 v31, v33;
	v42 =	vadd.s32 $0x2C, v26;
	[tilespmem:v58+s10+$0x0] =	vst.idx.msk $0xffff, v1  }
0x208: {  	v31 =	vadd.s32 $0x2D, v26;
	v33 =	vadd.s32 v19, v49;
	v19 =	vadd.s32 v19, v48;
	[tilespmem:v3+s10+$0x0] =	vst.idx.msk $0xffff, v24  }
0x209: {  	v7 =	vadd.s32 v40, v41;
	v32 =	vmul.f32 v35, v45;
	v1 =	vadd.s32 $0x60, v26;
	[tilespmem:v60+s11+$0x0] =	vst.idx.msk $0xffff, v59  }
0x20a: {  	v35 =	vmul.f32 v35, v13;
	v40 =	vand.u32 $0x1, v33;
	v47 =	vadd.s32 $0x2C, v28;
	[tilespmem:v61+s11+$0x0] =	vst.idx.msk $0xffff, v29  }
0x20b: {  	v41 =	vadd.s32 $0x2D, v28;
	vm10 =	veq.s32 v40, $0x1;
	v59 =	vadd.s32 $0x64, v28;
	[tilespmem:v2+s11+$0x0] =	vst.idx.msk $0xffff, v6  }
0x20c: {  	v40 =	vmul.f32 v45, v12;
	v58 =	vadd.s32 v21, v49;
	v61 =	vadd.s32 $0x9C, v28;
	[tilespmem:v25+s11+$0x0] =	vst.idx.msk $0xffff, v15  }
0x20d: {  	v21 =	vadd.s32 v21, v48;
	v3 =	vmul.f32 v17, v13;
	v2 =	vadd.s32 $0xD4, v28;
	[tilespmem:v42+s10+$0x0] =	vst.idx.msk $0xffff, v5  }
0x20e: {  	v62 =	vand.u32 $0x1, v21;
	v10 =	vshra.s32 v58, $0x1;
	v21 =	vshra.s32 v21, $0x1;
	[tilespmem:v1+s10+$0x0] =	vst.idx.msk $0xffff, v7  }
0x20f: {  	v60 =	vand.u32 $0x1, v58;
	vm9 =	veq.s32 v62, $0x1;
	v1 =	vadd.s32 $0x61, v26;
	[tilespmem:v47+s11+$0x0] =	vst.idx.msk $0xffff, v43  }
0x210: {  	v62 =	vmul.f32 v45, v9;
	vm8 =	veq.s32 v60, $0x1;
	v60 =	vadd.s32 $0x62, v26;
	[tilespmem:v59+s11+$0x0] =	vst.idx.msk $0xffff, v44  }
0x211: {  	v24 =	vsel vm8, $0x5500, v39;
	v25 =	vsel vm9, $0x5500, v39;
	v42 =	vadd.s32 $0x65, v28;
	[tilespmem:v61+s11+$0x0] =	vst.idx.msk $0xffff, v46  }
0x212: {  	v29 =	vadd.s32 v10, v24;
	v15 =	vshra.s32 v33, $0x1;
	[tilespmem:v2+s11+$0x0] =	vst.idx.msk $0xffff, v3;
	v2 =	vadd.s32 $0x9D, v28  }
0x213: {  	v24 =	vadd.s32 $0x9E, v28;
	v30 =	vadd.s32 v21, v25;
	v47 =	vadd.s32 $0xD5, v28;
	[tilespmem:v31+s10+$0x0] =	vst.idx.msk $0xffff, v29  }
0x214: {  	v33 =	vadd.s32 $0x63, v26;
	v21 =	vadd.s32 v57, v49;
	v59 =	vadd.s32 $0x2E, v26;
	[tilespmem:v1+s10+$0x0] =	vst.idx.msk $0xffff, v30  }
0x215: {  	v25 =	vadd.s32 $0xD6, v28;
	v23 =	vand.u32 $0x1, v21;
	v27 =	vshra.s32 v21, $0x1;
	[tilespmem:v41+s11+$0x0] =	vst.idx.msk $0xffff, v32  }
0x216: {  	v44 =	vand.u32 $0x1, v19;
	v46 =	vmul.f32 v63, v13;
	v63 =	vadd.s32 $0x2E, v28;
	[tilespmem:v42+s11+$0x0] =	vst.idx.msk $0xffff, v34  }
0x217: {  	v43 =	vsel vm10, $0x5500, v39;
	vm11 =	veq.s32 v44, $0x1;
	v61 =	vmul.f32 v38, v45;
	[tilespmem:v2+s11+$0x0] =	vst.idx.msk $0xffff, v35  }
0x218: {  	v3 =	vadd.s32 v15, v43;
	v58 =	vsel vm11, $0x5500, v39;
	v1 =	vshra.s32 v19, $0x1;
	[tilespmem:v47+s11+$0x0] =	vst.idx.msk $0xffff, v46  }
0x219: {  	vm12 =	veq.s32 v23, $0x1;
	v44 =	vadd.s32 v18, v49;
	v1 =	vadd.s32 v1, v58;
	[tilespmem:v59+s10+$0x0] =	vst.idx.msk $0xffff, v3  }
0x21a: {  	v43 =	vadd.s32 $0xD7, v28;
	v31 =	vadd.s32 $0x2F, v26;
	v32 =	vmul.f32 v9, v13;
	[tilespmem:v60+s10+$0x0] =	vst.idx.msk $0xffff, v1  }
0x21b: {  	v29 =	vsel vm12, $0x5500, v39;
	v2 =	vmul.f32 v38, v13;
	v3 =	vadd.s32 v57, v48;
	[tilespmem:v63+s11+$0x0] =	vst.idx.msk $0xffff, v61  }
0x21c: {  	v41 =	vmul.f32 v37, v13;
	v35 =	vadd.s32 $0x2F, v28;
	v30 =	vand.u32 $0x1, v3;
	[tilespmem:v22+s11+$0x0] =	vst.idx.msk $0xffff, v62  }
0x21d: {  	v42 =	vadd.s32 $0x9F, v28;
	v38 =	vadd.s32 $0x67, v28;
	vm13 =	veq.s32 v30, $0x1;
	[tilespmem:v24+s11+$0x0] =	vst.idx.msk $0xffff, v2  }
0x21e: {  	v1 =	vadd.s32 v27, v29;
	v3 =	vshra.s32 v3, $0x1;
	v34 =	vsel vm13, $0x5500, v39;
	[tilespmem:v25+s11+$0x0] =	vst.idx.msk $0xffff, v32  }
0x21f: {  	v46 =	vand.u32 $0x1, v44;
	v2 =	vadd.s32 v3, v34;
	v3 =	vmul.f32 v37, v45;
	[tilespmem:v31+s10+$0x0] =	vst.idx.msk $0xffff, v1  }
0x220: {  	v58 =	vadd.s32 $0x30, v28;
	v47 =	vadd.s32 $0x30, v26;
	vm14 =	veq.s32 v46, $0x1;
	[tilespmem:v33+s10+$0x0] =	vst.idx.msk $0xffff, v2  }
0x221: {  	v59 =	vadd.s32 $0x68, v28;
	v2 =	vadd.s32 v18, v48;
	v48 =	vadd.s32 $0x64, v26;
	[tilespmem:v35+s11+$0x0] =	vst.idx.msk $0xffff, v3  }
0x222: {  	v49 =	vsel vm14, $0x5500, v39;
	v1 =	vmul.f32 v12, v13;
	v57 =	vand.u32 $0x1, v2;
	[tilespmem:v38+s11+$0x0] =	vst.idx.msk $0xffff, v40  }
0x223: {  	v60 =	vadd.s32 $0xA0, v28;
	v3 =	vshra.s32 v44, $0x1;
	vm15 =	veq.s32 v57, $0x1;
	[tilespmem:v42+s11+$0x0] =	vst.idx.msk $0xffff, v41  }
0x224: {  	v3 =	vadd.s32 v3, v49;
	[tilespmem:v43+s11+$0x0] =	vst.idx.msk $0xffff, v1;
	v1 =	vshra.s32 v2, $0x1;
	v2 =	vsel vm15, $0x5500, v39  }
0x225: {  	[tilespmem:v47+s10+$0x0] =	vst.idx.msk $0xffff, v3;
	v1 =	vadd.s32 v1, v2;
	v2 =	vmul.f32 v36, v45;
	v3 =	vadd.s32 $0xD8, v28  }
0x226: {  	v61 =	vadd.s32 $0x31, v26;
	[tilespmem:v48+s10+$0x0] =	vst.idx.msk $0xffff, v1;
	v1 =	vmul.f32 v45, v11  }
0x227: {  	v62 =	vadd.s32 $0x65, v26;
	[tilespmem:v58+s11+$0x0] =	vst.idx.msk $0xffff, v2;
	v2 =	vmul.f32 v36, v13  }
0x228: {  	v63 =	vadd.s32 $0x32, v26;
	[tilespmem:v59+s11+$0x0] =	vst.idx.msk $0xffff, v1;
	v1 =	vmul.f32 v11, v13  }
0x229: {  	[tilespmem:v60+s11+$0x0] =	vst.idx.msk $0xffff, v2;
	v2 =	vadd.s32 $0x66, v26  }
0x22a: {  	[tilespmem:v3+s11+$0x0] =	vst.idx.msk $0xffff, v1;
	v1 =	vadd.s32 $0x33, v26  }
0x22b: {  	p2 =	por p1, p1;
	v3 =	vadd.s32 $0x67, v26;
	[tilespmem:v61+s10+$0x0] =	vst.idx.msk $0xffff, v39  }
.Ltmp0:
0x22c: {  	[tilespmem:v62+s10+$0x0] =	vst.idx.msk $0xffff, v39;
	(pc) =	sbr.rel @p2 .LBB2_2-.Ltmp0, $4  }
0x22d: {  	v50 =	vld [tilespmem:$0x1FFC0];
	[tilespmem:v63+s10+$0x0] =	vst.idx.msk $0xffff, v39  }
0x22e: {  	v53 =	vld [tilespmem:$0x1FFF0];
	[tilespmem:v2+s10+$0x0] =	vst.idx.msk $0xffff, v39  }
0x22f: {  	v52 =	vld [tilespmem:$0x1FFE0];
	[tilespmem:v1+s10+$0x0] =	vst.idx.msk $0xffff, v39  }
0x230: {  	p1 =	por $0x0, $0x0;
	s0 =	simm.s32 $0x10;
	v56 =	vimm.s32 $0xA800;
	v55 =	vimm.s32 $0x80;
	v51 =	vld [tilespmem:$0x1FFD0];
	v54 =	vimm.s32 $0x4;
	[tilespmem:v3+s10+$0x0] =	vst.idx.msk $0xffff, v39  }
0x231: {  	v1 =	vld [tilespmem:$0x80];
	_ =	sdelay $0x4  }
0x232: {  	v2 =	vshll.u32 v1, $0x1  }
0x233: {  	v1 =	vand.u32 $0x7, v1;
	v2 =	vand.u32 $0xFFFFFFF0, v2  }
0x234: {  	v9 =	vand.u32 $0x7, v0;
	v1 =	vor.u32 v1, v2;
	v2 =	vshrl.u32 v0, $0x3  }
0x235: {  	v3 =	vperm.xlane v1, v9;
	v10 =	vmul.u32 $0x8, v2  }
0x236: {  	v11 =	vor.u32 $0x8, v0  }
0x237: {  	v1 =	vperm.xlane v1, v11;
	v2 =	vadd.s32 v10, v3;
	_ =	sdelay $0x1  }
0x238: {  	v1 =	vadd.s32 v10, v1;
	_ =	sdelay $0x1  }
0x239: {  	vm0 =	vmmov $0xffff  }
0x23a: {  	[tilespmem:s13], [sflag:$0x1] =	stream.indirect_vreg.gather [hbm4b:s4+s29], $0x80, v2, vm0, $0xb8;
	[tilespmem:$0x13A80] =	vst v63  }
0x23b: {  	s0 =	simm.s32 $0x4180  }
0x23c: {  	[tilespmem:s0], [sflag:$0x1] =	stream.indirect_vreg.gather [hbm4b:s4+s29], $0x80, v1, vm0, $0xb8;
	[tilespmem:$0x13A80] =	vst v63  }
0x23d: {  	v1 =	vld [tilespmem:$0x90];
	_ =	sdelay $0x4  }
0x23e: {  	v2 =	vshll.u32 v1, $0x1  }
0x23f: {  	v1 =	vand.u32 $0x7, v1;
	v2 =	vand.u32 $0xFFFFFFF0, v2  }
0x240: {  	v1 =	vor.u32 v1, v2  }
0x241: {  	v2 =	vperm.xlane v1, v9;
	_ =	sdelay $0x1  }
0x242: {  	v1 =	vperm.xlane v1, v11;
	v2 =	vadd.s32 v10, v2;
	_ =	sdelay $0x1  }
0x243: {  	v1 =	vadd.s32 v10, v1;
	_ =	sdelay $0x1  }
0x244: {  	s16 =	simm.s32 $0x4980  }
0x245: {  	[tilespmem:s16], [sflag:$0x1] =	stream.indirect_vreg.gather [hbm4b:s4+s29], $0x80, v2, vm0, $0xb8;
	[tilespmem:$0x13A80] =	vst v63  }
0x246: {  	s17 =	simm.s32 $0x5180  }
0x247: {  	[tilespmem:s17], [sflag:$0x1] =	stream.indirect_vreg.gather [hbm4b:s4+s29], $0x80, v1, vm0, $0xb8;
	[tilespmem:$0x13A80] =	vst v63  }
0x248: {  	v1 =	vld [tilespmem:$0xA0];
	_ =	sdelay $0x4  }
0x249: {  	v2 =	vshll.u32 v1, $0x1  }
0x24a: {  	v1 =	vand.u32 $0x7, v1;
	v2 =	vand.u32 $0xFFFFFFF0, v2  }
0x24b: {  	v1 =	vor.u32 v1, v2  }
0x24c: {  	v2 =	vperm.xlane v1, v9;
	_ =	sdelay $0x1  }
0x24d: {  	v1 =	vperm.xlane v1, v11;
	v2 =	vadd.s32 v10, v2;
	_ =	sdelay $0x1  }
0x24e: {  	v1 =	vadd.s32 v10, v1;
	_ =	sdelay $0x1  }
0x24f: {  	s18 =	simm.s32 $0x5980  }
0x250: {  	[tilespmem:s18], [sflag:$0x1] =	stream.indirect_vreg.gather [hbm4b:s4+s29], $0x80, v2, vm0, $0xb8;
	[tilespmem:$0x13A80] =	vst v63  }
0x251: {  	s31 =	simm.s32 $0x6180  }
0x252: {  	[tilespmem:s31], [sflag:$0x1] =	stream.indirect_vreg.gather [hbm4b:s4+s29], $0x80, v1, vm0, $0xb8;
	[tilespmem:$0x13A80] =	vst v63  }
0x253: {  	v1 =	vld [tilespmem:$0xB0];
	_ =	sdelay $0x4  }
0x254: {  	v2 =	vshll.u32 v1, $0x1  }
0x255: {  	v1 =	vand.u32 $0x7, v1;
	v2 =	vand.u32 $0xFFFFFFF0, v2  }
0x256: {  	v1 =	vor.u32 v1, v2  }
0x257: {  	v2 =	vperm.xlane v1, v9;
	_ =	sdelay $0x1  }
0x258: {  	v1 =	vperm.xlane v1, v11;
	v2 =	vadd.s32 v10, v2;
	_ =	sdelay $0x1  }
0x259: {  	v1 =	vadd.s32 v10, v1;
	_ =	sdelay $0x2  }
0x25a: {  	[tilespmem:s19], [sflag:$0x1] =	stream.indirect_vreg.gather [hbm4b:s4+s29], $0x80, v2, vm0, $0xb8;
	[tilespmem:$0x13A80] =	vst v63  }
0x25b: {  	_ = 	snop  }
0x25c: {  	[tilespmem:s20], [sflag:$0x1] =	stream.indirect_vreg.gather [hbm4b:s4+s29], $0x80, v1, vm0, $0xb8;
	[tilespmem:$0x13A80] =	vst v63  }
0x25d: {  	v1 =	vld [tilespmem:$0xC0];
	_ =	sdelay $0x4  }
0x25e: {  	v2 =	vshll.u32 v1, $0x1  }
0x25f: {  	v1 =	vand.u32 $0x7, v1;
	v2 =	vand.u32 $0xFFFFFFF0, v2  }
0x260: {  	v1 =	vor.u32 v1, v2  }
0x261: {  	v2 =	vperm.xlane v1, v9;
	_ =	sdelay $0x1  }
0x262: {  	v1 =	vperm.xlane v1, v11;
	v2 =	vadd.s32 v10, v2;
	_ =	sdelay $0x1  }
0x263: {  	v1 =	vadd.s32 v10, v1;
	_ =	sdelay $0x2  }
0x264: {  	[tilespmem:s21], [sflag:$0x1] =	stream.indirect_vreg.gather [hbm4b:s4+s29], $0x80, v2, vm0, $0xb8;
	[tilespmem:$0x13A80] =	vst v63  }
0x265: {  	_ = 	snop  }
0x266: {  	[tilespmem:s22], [sflag:$0x1] =	stream.indirect_vreg.gather [hbm4b:s4+s29], $0x80, v1, vm0, $0xb8;
	[tilespmem:$0x13A80] =	vst v63  }
0x267: {  	v1 =	vld [tilespmem:$0xD0];
	_ =	sdelay $0x4  }
0x268: {  	v2 =	vshll.u32 v1, $0x1  }
0x269: {  	v1 =	vand.u32 $0x7, v1;
	v2 =	vand.u32 $0xFFFFFFF0, v2  }
0x26a: {  	v1 =	vor.u32 v1, v2  }
0x26b: {  	v2 =	vperm.xlane v1, v9;
	_ =	sdelay $0x1  }
0x26c: {  	v1 =	vperm.xlane v1, v11;
	v2 =	vadd.s32 v10, v2;
	_ =	sdelay $0x1  }
0x26d: {  	v1 =	vadd.s32 v10, v1;
	_ =	sdelay $0x2  }
0x26e: {  	[tilespmem:s23], [sflag:$0x1] =	stream.indirect_vreg.gather [hbm4b:s4+s29], $0x80, v2, vm0, $0xb8;
	[tilespmem:$0x13A80] =	vst v63  }
0x26f: {  	_ = 	snop  }
0x270: {  	[tilespmem:s24], [sflag:$0x1] =	stream.indirect_vreg.gather [hbm4b:s4+s29], $0x80, v1, vm0, $0xb8;
	[tilespmem:$0x13A80] =	vst v63  }
0x271: {  	v1 =	vld.msk [tilespmem:$0xE0], $0xff;
	_ =	sdelay $0x4  }
0x272: {  	v2 =	vshll.u32 v1, $0x1  }
0x273: {  	v1 =	vand.u32 $0x7, v1;
	v2 =	vand.u32 $0xFFFFFFF0, v2  }
0x274: {  	v1 =	vor.u32 v1, v2  }
0x275: {  	v1 =	vperm.xlane v1, v9;
	_ =	sdelay $0x1  }
0x276: {  	v1 =	vadd.s32 v10, v1;
	_ =	sdelay $0x3  }
0x277: {  	s30 =	simm.s32 $0x0  }
0x278: {  	[tilespmem:s25], [sflag:$0x1] =	stream.indirect_vreg.gather [hbm4b:s4+s29], $0x80, v1, vm0, $0xb8;
	[tilespmem:$0x13A80] =	vst v63  }
.LBB2_4:
0x279: {  	s31 =	sshllo.u32 s30, $0x1  }
0x27a: {  	s0 =	smul.u32 $0x1A0, s31;
	_ =	sdelay $0x1  }
0x27b: {  	s0 =	sshra.s32 s0, $0x2  }
0x27c: {  	v1 =	vld [tilespmem:s0+$0x80];
	_ =	sdelay $0x4  }
0x27d: {  	v2 =	vshll.u32 v1, $0x1  }
0x27e: {  	v1 =	vand.u32 $0x7, v1;
	v2 =	vand.u32 $0xFFFFFFF0, v2  }
0x27f: {  	v1 =	vor.u32 v1, v2  }
0x280: {  	v2 =	vperm.xlane v1, v9;
	_ =	sdelay $0x1  }
0x281: {  	v1 =	vperm.xlane v1, v11;
	v2 =	vadd.s32 v10, v2;
	_ =	sdelay $0x1  }
0x282: {  	v1 =	vadd.s32 v10, v1;
	_ =	sdelay $0x2  }
0x283: {  	[tilespmem:s26], [sflag:$0x2] =	stream.indirect_vreg.gather [hbm4b:s4+s29], $0x80, v2, vm0, $0xb8;
	[tilespmem:$0x13A80] =	vst v63  }
0x284: {  	s14 =	simm.s32 $0xA980  }
0x285: {  	[tilespmem:s14], [sflag:$0x2] =	stream.indirect_vreg.gather [hbm4b:s4+s29], $0x80, v1, vm0, $0xb8;
	[tilespmem:$0x13A80] =	vst v63  }
0x286: {  	v1 =	vld [tilespmem:s0+$0x90];
	_ =	sdelay $0x4  }
0x287: {  	v2 =	vshll.u32 v1, $0x1  }
0x288: {  	v1 =	vand.u32 $0x7, v1;
	v2 =	vand.u32 $0xFFFFFFF0, v2  }
0x289: {  	v1 =	vor.u32 v1, v2  }
0x28a: {  	v2 =	vperm.xlane v1, v9;
	_ =	sdelay $0x1  }
0x28b: {  	v1 =	vperm.xlane v1, v11;
	v2 =	vadd.s32 v10, v2;
	_ =	sdelay $0x1  }
0x28c: {  	v1 =	vadd.s32 v10, v1;
	_ =	sdelay $0x1  }
0x28d: {  	s16 =	simm.s32 $0xB180  }
0x28e: {  	[tilespmem:s16], [sflag:$0x2] =	stream.indirect_vreg.gather [hbm4b:s4+s29], $0x80, v2, vm0, $0xb8;
	[tilespmem:$0x13A80] =	vst v63  }
0x28f: {  	s17 =	simm.s32 $0xB980  }
0x290: {  	[tilespmem:s17], [sflag:$0x2] =	stream.indirect_vreg.gather [hbm4b:s4+s29], $0x80, v1, vm0, $0xb8;
	[tilespmem:$0x13A80] =	vst v63  }
0x291: {  	v1 =	vld [tilespmem:s0+$0xA0];
	_ =	sdelay $0x4  }
0x292: {  	v2 =	vshll.u32 v1, $0x1  }
0x293: {  	v1 =	vand.u32 $0x7, v1;
	v2 =	vand.u32 $0xFFFFFFF0, v2  }
0x294: {  	v1 =	vor.u32 v1, v2  }
0x295: {  	v2 =	vperm.xlane v1, v9;
	_ =	sdelay $0x1  }
0x296: {  	v1 =	vperm.xlane v1, v11;
	v2 =	vadd.s32 v10, v2;
	_ =	sdelay $0x1  }
0x297: {  	v1 =	vadd.s32 v10, v1;
	_ =	sdelay $0x1  }
0x298: {  	s18 =	simm.s32 $0xC180  }
0x299: {  	[tilespmem:s18], [sflag:$0x2] =	stream.indirect_vreg.gather [hbm4b:s4+s29], $0x80, v2, vm0, $0xb8;
	[tilespmem:$0x13A80] =	vst v63  }
0x29a: {  	s15 =	simm.s32 $0xC980  }
0x29b: {  	[tilespmem:s15], [sflag:$0x2] =	stream.indirect_vreg.gather [hbm4b:s4+s29], $0x80, v1, vm0, $0xb8;
	[tilespmem:$0x13A80] =	vst v63  }
0x29c: {  	v1 =	vld [tilespmem:s0+$0xB0];
	_ =	sdelay $0x4  }
0x29d: {  	v2 =	vshll.u32 v1, $0x1  }
0x29e: {  	v1 =	vand.u32 $0x7, v1;
	v2 =	vand.u32 $0xFFFFFFF0, v2  }
0x29f: {  	v1 =	vor.u32 v1, v2  }
0x2a0: {  	v2 =	vperm.xlane v1, v9;
	_ =	sdelay $0x1  }
0x2a1: {  	v1 =	vperm.xlane v1, v11;
	v2 =	vadd.s32 v10, v2;
	_ =	sdelay $0x1  }
0x2a2: {  	v1 =	vadd.s32 v10, v1;
	_ =	sdelay $0x1  }
0x2a3: {  	s16 =	simm.s32 $0xD180  }
0x2a4: {  	[tilespmem:s16], [sflag:$0x2] =	stream.indirect_vreg.gather [hbm4b:s4+s29], $0x80, v2, vm0, $0xb8;
	[tilespmem:$0x13A80] =	vst v63  }
0x2a5: {  	s17 =	simm.s32 $0xD980  }
0x2a6: {  	[tilespmem:s17], [sflag:$0x2] =	stream.indirect_vreg.gather [hbm4b:s4+s29], $0x80, v1, vm0, $0xb8;
	[tilespmem:$0x13A80] =	vst v63  }
0x2a7: {  	v1 =	vld [tilespmem:s0+$0xC0];
	_ =	sdelay $0x4  }
0x2a8: {  	v2 =	vshll.u32 v1, $0x1  }
0x2a9: {  	v1 =	vand.u32 $0x7, v1;
	v2 =	vand.u32 $0xFFFFFFF0, v2  }
0x2aa: {  	v1 =	vor.u32 v1, v2  }
0x2ab: {  	v2 =	vperm.xlane v1, v9;
	_ =	sdelay $0x1  }
0x2ac: {  	v1 =	vperm.xlane v1, v11;
	v2 =	vadd.s32 v10, v2;
	_ =	sdelay $0x1  }
0x2ad: {  	v1 =	vadd.s32 v10, v1;
	_ =	sdelay $0x1  }
0x2ae: {  	s18 =	simm.s32 $0xE180  }
0x2af: {  	[tilespmem:s18], [sflag:$0x2] =	stream.indirect_vreg.gather [hbm4b:s4+s29], $0x80, v2, vm0, $0xb8;
	[tilespmem:$0x13A80] =	vst v63  }
0x2b0: {  	s15 =	simm.s32 $0xE980  }
0x2b1: {  	[tilespmem:s15], [sflag:$0x2] =	stream.indirect_vreg.gather [hbm4b:s4+s29], $0x80, v1, vm0, $0xb8;
	[tilespmem:$0x13A80] =	vst v63  }
0x2b2: {  	v1 =	vld [tilespmem:s0+$0xD0];
	_ =	sdelay $0x4  }
0x2b3: {  	v2 =	vshll.u32 v1, $0x1  }
0x2b4: {  	v1 =	vand.u32 $0x7, v1;
	v2 =	vand.u32 $0xFFFFFFF0, v2  }
0x2b5: {  	v1 =	vor.u32 v1, v2  }
0x2b6: {  	v2 =	vperm.xlane v1, v9;
	_ =	sdelay $0x1  }
0x2b7: {  	v1 =	vperm.xlane v1, v11;
	v2 =	vadd.s32 v10, v2;
	_ =	sdelay $0x1  }
0x2b8: {  	v1 =	vadd.s32 v10, v1;
	_ =	sdelay $0x1  }
0x2b9: {  	s16 =	simm.s32 $0xF180  }
0x2ba: {  	[tilespmem:s16], [sflag:$0x2] =	stream.indirect_vreg.gather [hbm4b:s4+s29], $0x80, v2, vm0, $0xb8;
	[tilespmem:$0x13A80] =	vst v63  }
0x2bb: {  	s17 =	simm.s32 $0xF980  }
0x2bc: {  	[tilespmem:s17], [sflag:$0x2] =	stream.indirect_vreg.gather [hbm4b:s4+s29], $0x80, v1, vm0, $0xb8;
	[tilespmem:$0x13A80] =	vst v63  }
0x2bd: {  	v1 =	vld.msk [tilespmem:s0+$0xE0], $0xff;
	_ =	sdelay $0x4  }
0x2be: {  	v2 =	vshll.u32 v1, $0x1  }
0x2bf: {  	v1 =	vand.u32 $0x7, v1;
	v2 =	vand.u32 $0xFFFFFFF0, v2  }
0x2c0: {  	v1 =	vor.u32 v1, v2  }
0x2c1: {  	v1 =	vperm.xlane v1, v9;
	_ =	sdelay $0x1  }
0x2c2: {  	v1 =	vadd.s32 v10, v1;
	_ =	sdelay $0x3  }
0x2c3: {  	s18 =	simm.s32 $0x10180  }
0x2c4: {  	[tilespmem:s18], [sflag:$0x2] =	stream.indirect_vreg.gather [hbm4b:s4+s29], $0x80, v1, vm0, $0xb8;
	[tilespmem:$0x13A80] =	vst v63  }
0x2c5: {  	_ =	swait.ge [sflag:s3], $0x6800  }
0x2c6: {  	s14 =	sshll.u32 s30, $0x1;
	s15 =	sshll.u32 s30, $0x8;
	[sflag:s3] =	ssyncset.done $0x0  }
0x2c7: {  	s16 =	simm.s32 $0x0;
	s0 =	smul.u32 $0x1C0, s30;
	[sflag:s3] =	ssyncadd.s32 $0xFFFF9800  }
.LBB2_5:
0x2c8: {  	s17 =	smul.u32 $0x25, s16;
	_ =	sdelay $0x1  }
0x2c9: {  	s17 =	sshrl.u32 s17, $0x8  }
0x2ca: {  	s18 =	ssub.s32 s16, s17  }
0x2cb: {  	s18 =	sand.u32 $0xFE, s18  }
0x2cc: {  	s18 =	sshrl.u32 s18, $0x1  }
0x2cd: {  	s17 =	sadd.s32 s17, s18  }
0x2ce: {  	s17 =	sand.u32 $0xFC, s17  }
0x2cf: {  	s17 =	sshrl.u32 s17, $0x2  }
0x2d0: {  	s17 =	smul.u32 $0x7, s17;
	_ =	sdelay $0x1  }
0x2d1: {  	s17 =	ssub.s32 s16, s17  }
0x2d2: {  	s17 =	sand.u32 $0xFF, s17  }
0x2d3: {  	s17 =	sadd.s32 s15, s17  }
0x2d4: {  	v1 =	vmov s17;
	s17 =	sadd.s32 $0x40, s17  }
0x2d5: {  	v2 =	vmov s17;
	_ =	sdelay $0x3  }
0x2d6: {  	s18 =	sadd.s32 s0, s16;
	v32 =	vld.idx.msk [tilespmem:v1+s12+$0x0], $0xffff  }
0x2d7: {  	v3 =	vmov s18;
	s18 =	sadd.s32 $0x34, s16;
	v31 =	vld.idx.msk [tilespmem:v2+s12+$0x0], $0xffff  }
0x2d8: {  	v8 =	vmov s18  }
0x2d9: {  	v63 =	vadd.s32 $0x38, v3;
	v38 =	vshll.u32 v8, $0x8;
	v1 =	vmov s16  }
0x2da: {  	v40 =	vshll.u32 v8, $0x7;
	v38 =	vand.u32 $0x7800, v38;
	v4 =	vshll.u32 v1, $0x8  }
0x2db: {  	v1 =	vshll.u32 v1, $0x7;
	v6 =	vand.u32 $0x3800, v4;
	v2 =	vadd.s32 v0, v32  }
0x2dc: {  	v37 =	vand.u32 $0x380, v1;
	v5 =	vshll.u32 v2, $0x3;
	v1 =	vadd.s32 v0, v31  }
0x2dd: {  	v2 =	vand.u32 $0x7F, v2;
	v62 =	vand.u32 $0xFFFFFC00, v5;
	v36 =	vshll.u32 v1, $0x3  }
0x2de: {  	v1 =	vand.u32 $0x7F, v1;
	v7 =	vadd.s32 v6, v62;
	v13 =	vand.u32 $0xFFFFFC00, v36  }
0x2df: {  	v4 =	vadd.s32 v38, v62;
	v7 =	vor.u32 v37, v7;
	v14 =	vadd.s32 v6, v13  }
0x2e0: {  	v12 =	vor.u32 v2, v7;
	v8 =	vor.u32 v37, v14;
	v7 =	vand.u32 $0x380, v40  }
0x2e1: {  	v13 =	vadd.s32 v38, v13;
	v8 =	vor.u32 v1, v8;
	v4 =	vor.u32 v7, v4  }
0x2e2: {  	v42 =	vor.u32 v7, v13;
	v2 =	vor.u32 v2, v4  }
0x2e3: {  	v33 =	vld.idx.msk [tilespmem:v3+s11+$0x0], $0xffff;
	v1 =	vor.u32 v1, v42  }
0x2e4: {  	v41 =	vadd.s32 $0x70, v3;
	v34 =	vld.idx.msk [tilespmem:v63+s11+$0x0], $0xffff  }
0x2e5: {  	v12 =	vld.idx.msk [tilespmem:v12+s13+$0x0], $0xffff  }
0x2e6: {  	v3 =	vadd.s32 $0xA8, v3;
	v13 =	vor.u32 $0x10, v0;
	v43 =	vld.idx.msk [tilespmem:v8+s13+$0x0], $0xffff  }
0x2e7: {  	v47 =	vadd.s32 v13, v32;
	v16 =	vadd.s32 v13, v31;
	v2 =	vld.idx.msk [tilespmem:v2+s13+$0x0], $0xffff  }
0x2e8: {  	v15 =	vshll.u32 v47, $0x3;
	v17 =	vshll.u32 v16, $0x3;
	v1 =	vld.idx.msk [tilespmem:v1+s13+$0x0], $0xffff  }
0x2e9: {  	v36 =	vld.idx.msk [tilespmem:v41+s11+$0x0], $0xffff;
	v16 =	vand.u32 $0x7F, v16;
	v15 =	vand.u32 $0xFFFFFC00, v15;
	v17 =	vand.u32 $0xFFFFFC00, v17  }
0x2ea: {  	v19 =	vadd.s32 v6, v15;
	v20 =	vadd.s32 v6, v17;
	v44 =	vunpack.i.l.bf16.f32 v12  }
0x2eb: {  	v35 =	vld.idx.msk [tilespmem:v3+s11+$0x0], $0xffff;
	v12 =	vunpack.i.u.bf16.f32 v12;
	v8 =	vunpack.i.l.bf16.f32 v43;
	v4 =	vmul.f32 v44, v33  }
0x2ec: {  	v5 =	vunpack.i.u.bf16.f32 v43;
	v3 =	vunpack.i.l.bf16.f32 v2;
	v8 =	vmul.f32 v8, v34  }
0x2ed: {  	v5 =	vmul.f32 v5, v34;
	v2 =	vunpack.i.u.bf16.f32 v2;
	v14 =	vunpack.i.u.bf16.f32 v1  }
0x2ee: {  	v1 =	vunpack.i.l.bf16.f32 v1;
	v3 =	vmul.f32 v3, v36;
	v2 =	vmul.f32 v2, v36  }
0x2ef: {  	v4 =	vadd.f32 v8, v4;
	v8 =	vmul.f32 v12, v33;
	v12 =	vmul.u32 $0x62, v0  }
0x2f0: {  	v19 =	vor.u32 v37, v19;
	v1 =	vmul.f32 v1, v35;
	v46 =	vmul.f32 v14, v35  }
0x2f1: {  	v45 =	vadd.f32 v5, v8;
	v8 =	vadd.s32 s16, v12;
	v14 =	vadd.s32 $0x31, v12  }
0x2f2: {  	v3 =	vadd.f32 v3, v4;
	v5 =	vand.u32 $0x7F, v47;
	v18 =	vadd.s32 s16, v14  }
0x2f3: {  	v20 =	vor.u32 v37, v20;
	v19 =	vor.u32 v5, v19;
	v2 =	vadd.f32 v2, v45  }
0x2f4: {  	v15 =	vadd.s32 v38, v15;
	v1 =	vadd.f32 v1, v3;
	v3 =	vor.u32 v16, v20  }
0x2f5: {  	v48 =	vor.u32 v7, v15;
	v2 =	vadd.f32 v46, v2  }
0x2f6: {  	[tilespmem:v8+s8+$0x0] =	vst.idx.msk $0xffff, v1;
	v1 =	vor.u32 v5, v48  }
0x2f7: {  	[tilespmem:v18+s8+$0x0] =	vst.idx.msk $0xffff, v2;
	v2 =	vadd.s32 v38, v17  }
0x2f8: {  	v49 =	vld.idx.msk [tilespmem:v19+s13+$0x0], $0xffff;
	v2 =	vor.u32 v7, v2  }
0x2f9: {  	v3 =	vld.idx.msk [tilespmem:v3+s13+$0x0], $0xffff;
	v2 =	vor.u32 v16, v2;
	_ =	sdelay $0x1  }
0x2fa: {  	v1 =	vld.idx.msk [tilespmem:v1+s13+$0x0], $0xffff  }
0x2fb: {  	v17 =	vadd.s32 $0x651, v12  }
0x2fc: {  	v21 =	vadd.s32 s16, v17;
	v16 =	vadd.s32 $0x620, v12;
	v4 =	vunpack.i.l.bf16.f32 v49  }
0x2fd: {  	v57 =	vunpack.i.u.bf16.f32 v49;
	v8 =	vunpack.i.l.bf16.f32 v3;
	v2 =	vld.idx.msk [tilespmem:v2+s13+$0x0], $0xffff;
	v4 =	vmul.f32 v4, v33  }
0x2fe: {  	v3 =	vunpack.i.u.bf16.f32 v3;
	v8 =	vmul.f32 v8, v34;
	v5 =	vmul.f32 v57, v33  }
0x2ff: {  	v3 =	vmul.f32 v3, v34;
	v15 =	vunpack.i.l.bf16.f32 v1;
	v1 =	vunpack.i.u.bf16.f32 v1  }
0x300: {  	v4 =	vadd.f32 v8, v4;
	v8 =	vmul.f32 v15, v36;
	v15 =	vor.u32 $0x20, v0  }
0x301: {  	v3 =	vadd.f32 v3, v5;
	v1 =	vmul.f32 v1, v36;
	v59 =	vadd.s32 v15, v32  }
0x302: {  	v19 =	vadd.s32 v15, v31;
	v58 =	vunpack.i.u.bf16.f32 v2;
	v2 =	vunpack.i.l.bf16.f32 v2  }
0x303: {  	v4 =	vadd.f32 v8, v4;
	v1 =	vadd.f32 v1, v3;
	v8 =	vadd.s32 s16, v16  }
0x304: {  	v18 =	vshll.u32 v59, $0x3;
	v20 =	vshll.u32 v19, $0x3;
	v5 =	vand.u32 $0x7F, v59  }
0x305: {  	v19 =	vand.u32 $0x7F, v19;
	v2 =	vmul.f32 v2, v35;
	v18 =	vand.u32 $0xFFFFFC00, v18  }
0x306: {  	v3 =	vmul.f32 v58, v35;
	v20 =	vand.u32 $0xFFFFFC00, v20;
	v22 =	vadd.s32 v6, v18  }
0x307: {  	v23 =	vadd.s32 v6, v20;
	v18 =	vadd.s32 v38, v18;
	v22 =	vor.u32 v37, v22  }
0x308: {  	v23 =	vor.u32 v37, v23;
	v2 =	vadd.f32 v2, v4;
	v22 =	vor.u32 v5, v22  }
0x309: {  	v1 =	vadd.f32 v3, v1;
	v3 =	vor.u32 v7, v18;
	v60 =	vor.u32 v19, v23  }
0x30a: {  	[tilespmem:v8+s8+$0x0] =	vst.idx.msk $0xffff, v2;
	v2 =	vor.u32 v5, v3  }
0x30b: {  	[tilespmem:v21+s8+$0x0] =	vst.idx.msk $0xffff, v1;
	v1 =	vadd.s32 v38, v20  }
0x30c: {  	v1 =	vor.u32 v7, v1  }
0x30d: {  	v1 =	vor.u32 v19, v1;
	v3 =	vld.idx.msk [tilespmem:v22+s13+$0x0], $0xffff  }
0x30e: {  	v4 =	vld.idx.msk [tilespmem:v60+s13+$0x0], $0xffff  }
0x30f: {  	v2 =	vld.idx.msk [tilespmem:v2+s13+$0x0], $0xffff;
	_ =	sdelay $0x1  }
0x310: {  	v20 =	vadd.s32 $0xC71, v12  }
0x311: {  	v24 =	vadd.s32 s16, v20;
	v19 =	vadd.s32 $0xC40, v12;
	v1 =	vld.idx.msk [tilespmem:v1+s13+$0x0], $0xffff;
	v61 =	vunpack.i.u.bf16.f32 v3  }
0x312: {  	v3 =	vunpack.i.l.bf16.f32 v3;
	v8 =	vunpack.i.l.bf16.f32 v4;
	v4 =	vunpack.i.u.bf16.f32 v4  }
0x313: {  	v3 =	vmul.f32 v3, v33;
	v8 =	vmul.f32 v8, v34;
	v18 =	vunpack.i.l.bf16.f32 v2  }
0x314: {  	v5 =	vmul.f32 v61, v33;
	v4 =	vmul.f32 v4, v34;
	v2 =	vunpack.i.u.bf16.f32 v2  }
0x315: {  	v2 =	vmul.f32 v2, v36;
	v3 =	vadd.f32 v8, v3;
	v8 =	vmul.f32 v18, v36  }
0x316: {  	v4 =	vadd.f32 v4, v5;
	v18 =	vor.u32 $0x30, v0;
	v62 =	vunpack.i.u.bf16.f32 v1  }
0x317: {  	v1 =	vunpack.i.l.bf16.f32 v1;
	v40 =	vadd.s32 v18, v32;
	v22 =	vadd.s32 v18, v31  }
0x318: {  	v3 =	vadd.f32 v8, v3;
	v1 =	vmul.f32 v1, v35;
	v2 =	vadd.f32 v2, v4  }
0x319: {  	v63 =	vmul.f32 v62, v35;
	v8 =	vadd.s32 s16, v19;
	v21 =	vshll.u32 v40, $0x3  }
0x31a: {  	v23 =	vshll.u32 v22, $0x3;
	v5 =	vand.u32 $0x7F, v40;
	v21 =	vand.u32 $0xFFFFFC00, v21  }
0x31b: {  	v22 =	vand.u32 $0x7F, v22;
	v23 =	vand.u32 $0xFFFFFC00, v23;
	v25 =	vadd.s32 v6, v21  }
0x31c: {  	v26 =	vadd.s32 v6, v23;
	v1 =	vadd.f32 v1, v3;
	v25 =	vor.u32 v37, v25  }
0x31d: {  	v21 =	vadd.s32 v38, v21;
	v26 =	vor.u32 v37, v26;
	v25 =	vor.u32 v5, v25  }
0x31e: {  	v2 =	vadd.f32 v63, v2;
	v41 =	vor.u32 v7, v21;
	v3 =	vor.u32 v22, v26  }
0x31f: {  	[tilespmem:v8+s8+$0x0] =	vst.idx.msk $0xffff, v1;
	v1 =	vor.u32 v5, v41  }
0x320: {  	[tilespmem:v24+s8+$0x0] =	vst.idx.msk $0xffff, v2;
	v2 =	vadd.s32 v38, v23  }
0x321: {  	v2 =	vor.u32 v7, v2  }
0x322: {  	v2 =	vor.u32 v22, v2;
	v42 =	vld.idx.msk [tilespmem:v25+s13+$0x0], $0xffff  }
0x323: {  	v3 =	vld.idx.msk [tilespmem:v3+s13+$0x0], $0xffff  }
0x324: {  	v1 =	vld.idx.msk [tilespmem:v1+s13+$0x0], $0xffff;
	_ =	sdelay $0x1  }
0x325: {  	v23 =	vadd.s32 $0x1291, v12  }
0x326: {  	v27 =	vadd.s32 s16, v23;
	v22 =	vadd.s32 $0x1260, v12;
	v2 =	vld.idx.msk [tilespmem:v2+s13+$0x0], $0xffff;
	v43 =	vunpack.i.u.bf16.f32 v42  }
0x327: {  	v4 =	vunpack.i.l.bf16.f32 v42;
	v8 =	vunpack.i.l.bf16.f32 v3;
	v3 =	vunpack.i.u.bf16.f32 v3  }
0x328: {  	v4 =	vmul.f32 v4, v33;
	v8 =	vmul.f32 v8, v34;
	v21 =	vunpack.i.l.bf16.f32 v1  }
0x329: {  	v5 =	vmul.f32 v43, v33;
	v3 =	vmul.f32 v3, v34;
	v1 =	vunpack.i.u.bf16.f32 v1  }
0x32a: {  	v1 =	vmul.f32 v1, v36;
	v4 =	vadd.f32 v8, v4;
	v8 =	vmul.f32 v21, v36  }
0x32b: {  	v3 =	vadd.f32 v3, v5;
	v21 =	vor.u32 $0x40, v0;
	v44 =	vunpack.i.u.bf16.f32 v2  }
0x32c: {  	v2 =	vunpack.i.l.bf16.f32 v2;
	v45 =	vadd.s32 v21, v32;
	v25 =	vadd.s32 v21, v31  }
0x32d: {  	v4 =	vadd.f32 v8, v4;
	v2 =	vmul.f32 v2, v35;
	v1 =	vadd.f32 v1, v3  }
0x32e: {  	v3 =	vmul.f32 v44, v35;
	v8 =	vadd.s32 s16, v22;
	v24 =	vshll.u32 v45, $0x3  }
0x32f: {  	v26 =	vshll.u32 v25, $0x3;
	v5 =	vand.u32 $0x7F, v45;
	v24 =	vand.u32 $0xFFFFFC00, v24  }
0x330: {  	v25 =	vand.u32 $0x7F, v25;
	v26 =	vand.u32 $0xFFFFFC00, v26;
	v28 =	vadd.s32 v6, v24  }
0x331: {  	v29 =	vadd.s32 v6, v26;
	v2 =	vadd.f32 v2, v4;
	v28 =	vor.u32 v37, v28  }
0x332: {  	v24 =	vadd.s32 v38, v24;
	v29 =	vor.u32 v37, v29;
	v28 =	vor.u32 v5, v28  }
0x333: {  	v1 =	vadd.f32 v3, v1;
	v3 =	vor.u32 v7, v24;
	v46 =	vor.u32 v25, v29  }
0x334: {  	[tilespmem:v8+s8+$0x0] =	vst.idx.msk $0xffff, v2;
	v2 =	vor.u32 v5, v3  }
0x335: {  	[tilespmem:v27+s8+$0x0] =	vst.idx.msk $0xffff, v1;
	v1 =	vadd.s32 v38, v26  }
0x336: {  	v1 =	vor.u32 v7, v1  }
0x337: {  	v1 =	vor.u32 v25, v1;
	v3 =	vld.idx.msk [tilespmem:v28+s13+$0x0], $0xffff  }
0x338: {  	v4 =	vld.idx.msk [tilespmem:v46+s13+$0x0], $0xffff  }
0x339: {  	v2 =	vld.idx.msk [tilespmem:v2+s13+$0x0], $0xffff;
	_ =	sdelay $0x1  }
0x33a: {  	v26 =	vadd.s32 $0x18B1, v12  }
0x33b: {  	v30 =	vadd.s32 s16, v26;
	v25 =	vadd.s32 $0x1880, v12;
	v1 =	vld.idx.msk [tilespmem:v1+s13+$0x0], $0xffff;
	v47 =	vunpack.i.u.bf16.f32 v3  }
0x33c: {  	v3 =	vunpack.i.l.bf16.f32 v3;
	v8 =	vunpack.i.l.bf16.f32 v4;
	v4 =	vunpack.i.u.bf16.f32 v4  }
0x33d: {  	v3 =	vmul.f32 v3, v33;
	v8 =	vmul.f32 v8, v34;
	v24 =	vunpack.i.l.bf16.f32 v2  }
0x33e: {  	v5 =	vmul.f32 v47, v33;
	v4 =	vmul.f32 v4, v34;
	v2 =	vunpack.i.u.bf16.f32 v2  }
0x33f: {  	v2 =	vmul.f32 v2, v36;
	v3 =	vadd.f32 v8, v3;
	v8 =	vmul.f32 v24, v36  }
0x340: {  	v4 =	vadd.f32 v4, v5;
	v24 =	vor.u32 $0x50, v0;
	v48 =	vunpack.i.u.bf16.f32 v1  }
0x341: {  	v1 =	vunpack.i.l.bf16.f32 v1;
	v57 =	vadd.s32 v24, v32;
	v28 =	vadd.s32 v24, v31  }
0x342: {  	v3 =	vadd.f32 v8, v3;
	v1 =	vmul.f32 v1, v35;
	v2 =	vadd.f32 v2, v4  }
0x343: {  	v49 =	vmul.f32 v48, v35;
	v8 =	vadd.s32 s16, v25;
	v27 =	vshll.u32 v57, $0x3  }
0x344: {  	v29 =	vshll.u32 v28, $0x3;
	v5 =	vand.u32 $0x7F, v57;
	v27 =	vand.u32 $0xFFFFFC00, v27  }
0x345: {  	v28 =	vand.u32 $0x7F, v28;
	v29 =	vand.u32 $0xFFFFFC00, v29;
	v40 =	vadd.s32 v6, v27  }
0x346: {  	v41 =	vadd.s32 v6, v29;
	v1 =	vadd.f32 v1, v3;
	v40 =	vor.u32 v37, v40  }
0x347: {  	v27 =	vadd.s32 v38, v27;
	v41 =	vor.u32 v37, v41;
	v40 =	vor.u32 v5, v40  }
0x348: {  	v58 =	vor.u32 v7, v27;
	v3 =	vor.u32 v28, v41  }
0x349: {  	v2 =	vadd.f32 v49, v2;
	[tilespmem:v8+s8+$0x0] =	vst.idx.msk $0xffff, v1;
	v1 =	vor.u32 v5, v58;
	_ =	sdelay $0x1  }
0x34a: {  	[tilespmem:v30+s8+$0x0] =	vst.idx.msk $0xffff, v2;
	v2 =	vadd.s32 v38, v29  }
0x34b: {  	v2 =	vor.u32 v7, v2;
	v59 =	vld.idx.msk [tilespmem:v40+s13+$0x0], $0xffff  }
0x34c: {  	v2 =	vor.u32 v28, v2;
	v3 =	vld.idx.msk [tilespmem:v3+s13+$0x0], $0xffff  }
0x34d: {  	v1 =	vld.idx.msk [tilespmem:v1+s13+$0x0], $0xffff;
	_ =	sdelay $0x2  }
0x34e: {  	v29 =	vadd.s32 $0x1ED1, v12;
	v60 =	vunpack.i.u.bf16.f32 v59  }
0x34f: {  	v2 =	vld.idx.msk [tilespmem:v2+s13+$0x0], $0xffff;
	v4 =	vunpack.i.l.bf16.f32 v59;
	v8 =	vunpack.i.l.bf16.f32 v3;
	v3 =	vunpack.i.u.bf16.f32 v3  }
0x350: {  	v4 =	vmul.f32 v4, v33;
	v8 =	vmul.f32 v8, v34;
	v27 =	vunpack.i.l.bf16.f32 v1  }
0x351: {  	v5 =	vmul.f32 v60, v33;
	v3 =	vmul.f32 v3, v34;
	v1 =	vunpack.i.u.bf16.f32 v1  }
0x352: {  	v42 =	vadd.s32 s16, v29;
	v28 =	vadd.s32 $0x1EA0, v12;
	v1 =	vmul.f32 v1, v36  }
0x353: {  	v4 =	vadd.f32 v8, v4;
	v8 =	vmul.f32 v27, v36;
	v3 =	vadd.f32 v3, v5  }
0x354: {  	v27 =	vor.u32 $0x60, v0;
	v61 =	vunpack.i.u.bf16.f32 v2;
	v2 =	vunpack.i.l.bf16.f32 v2  }
0x355: {  	v62 =	vadd.s32 v27, v32;
	v63 =	vadd.s32 v27, v31;
	v4 =	vadd.f32 v8, v4  }
0x356: {  	v2 =	vmul.f32 v2, v35;
	v1 =	vadd.f32 v1, v3;
	v30 =	vshll.u32 v62, $0x3  }
0x357: {  	v3 =	vmul.f32 v61, v35;
	v48 =	vshll.u32 v63, $0x3;
	v30 =	vand.u32 $0xFFFFFC00, v30  }
0x358: {  	v8 =	vadd.s32 s16, v28;
	v41 =	vand.u32 $0xFFFFFC00, v48;
	v43 =	vadd.s32 v6, v30  }
0x359: {  	v5 =	vand.u32 $0x7F, v62;
	v44 =	vadd.s32 v6, v41;
	v43 =	vor.u32 v37, v43  }
0x35a: {  	v40 =	vand.u32 $0x7F, v63;
	v44 =	vor.u32 v37, v44;
	v43 =	vor.u32 v5, v43  }
0x35b: {  	v2 =	vadd.f32 v2, v4;
	v30 =	vadd.s32 v38, v30;
	v49 =	vor.u32 v40, v44  }
0x35c: {  	v1 =	vadd.f32 v3, v1;
	v3 =	vor.u32 v7, v30  }
0x35d: {  	[tilespmem:v8+s8+$0x0] =	vst.idx.msk $0xffff, v2;
	v2 =	vor.u32 v5, v3;
	v3 =	vadd.s32 v38, v41  }
0x35e: {  	[tilespmem:v42+s8+$0x0] =	vst.idx.msk $0xffff, v1;
	v1 =	vor.u32 v7, v3  }
0x35f: {  	v1 =	vor.u32 v40, v1;
	v3 =	vld.idx.msk [tilespmem:v43+s13+$0x0], $0xffff  }
0x360: {  	v4 =	vld.idx.msk [tilespmem:v49+s13+$0x0], $0xffff;
	_ =	sdelay $0x1  }
0x361: {  	v2 =	vld.idx.msk [tilespmem:v2+s13+$0x0], $0xffff;
	_ =	sdelay $0x1  }
0x362: {  	v1 =	vld.idx.msk [tilespmem:v1+s13+$0x0], $0xffff  }
0x363: {  	v57 =	vunpack.i.u.bf16.f32 v3;
	v3 =	vunpack.i.l.bf16.f32 v3;
	v8 =	vunpack.i.l.bf16.f32 v4  }
0x364: {  	v4 =	vunpack.i.u.bf16.f32 v4;
	v3 =	vmul.f32 v3, v33;
	v8 =	vmul.f32 v8, v34  }
0x365: {  	v30 =	vunpack.i.l.bf16.f32 v2;
	v5 =	vmul.f32 v57, v33;
	v2 =	vunpack.i.u.bf16.f32 v2  }
0x366: {  	v4 =	vmul.f32 v4, v34;
	v2 =	vmul.f32 v2, v36;
	v3 =	vadd.f32 v8, v3  }
0x367: {  	v8 =	vmul.f32 v30, v36;
	v58 =	vunpack.i.u.bf16.f32 v1;
	v1 =	vunpack.i.l.bf16.f32 v1  }
0x368: {  	v4 =	vadd.f32 v4, v5;
	v30 =	vor.u32 $0x70, v0;
	v1 =	vmul.f32 v1, v35  }
0x369: {  	v59 =	vadd.s32 v30, v32;
	v60 =	vmul.f32 v58, v35;
	v61 =	vadd.s32 v30, v31  }
0x36a: {  	v31 =	vadd.s32 $0x24C0, v12;
	v32 =	vadd.s32 $0x24F1, v12;
	v3 =	vadd.f32 v8, v3  }
0x36b: {  	v2 =	vadd.f32 v2, v4;
	v8 =	vshll.u32 v59, $0x3;
	v62 =	vshll.u32 v61, $0x3  }
0x36c: {  	v63 =	vadd.s32 s16, v31;
	v47 =	vadd.s32 s16, v32;
	v8 =	vand.u32 $0xFFFFFC00, v8  }
0x36d: {  	v4 =	vand.u32 $0x7F, v59;
	v46 =	vand.u32 $0xFFFFFC00, v62;
	v45 =	vadd.s32 v6, v8  }
0x36e: {  	v40 =	vand.u32 $0x7F, v61;
	v6 =	vadd.s32 v6, v46;
	v42 =	vor.u32 v37, v45  }
0x36f: {  	v8 =	vadd.s32 v38, v8;
	v6 =	vor.u32 v37, v6;
	v42 =	vor.u32 v4, v42  }
0x370: {  	v1 =	vadd.f32 v1, v3;
	v48 =	vor.u32 v7, v8;
	v3 =	vor.u32 v40, v6  }
0x371: {  	v2 =	vadd.f32 v60, v2;
	v4 =	vor.u32 v4, v48  }
0x372: {  	v49 =	vadd.s32 v38, v46;
	[tilespmem:v63+s8+$0x0] =	vst.idx.msk $0xffff, v1  }
0x373: {  	v1 =	vor.u32 v7, v49;
	[tilespmem:v47+s8+$0x0] =	vst.idx.msk $0xffff, v2  }
0x374: {  	v1 =	vor.u32 v40, v1;
	v2 =	vld.idx.msk [tilespmem:v42+s13+$0x0], $0xffff  }
0x375: {  	v3 =	vld.idx.msk [tilespmem:v3+s13+$0x0], $0xffff  }
0x376: {  	v4 =	vld.idx.msk [tilespmem:v4+s13+$0x0], $0xffff;
	_ =	sdelay $0x2  }
0x377: {  	v1 =	vld.idx.msk [tilespmem:v1+s13+$0x0], $0xffff;
	v57 =	vunpack.i.u.bf16.f32 v2  }
0x378: {  	v2 =	vunpack.i.l.bf16.f32 v2;
	v58 =	vunpack.i.u.bf16.f32 v3;
	v3 =	vunpack.i.l.bf16.f32 v3  }
0x379: {  	v59 =	vunpack.i.u.bf16.f32 v4;
	v2 =	vmul.f32 v2, v33;
	v3 =	vmul.f32 v3, v34  }
0x37a: {  	v4 =	vunpack.i.l.bf16.f32 v4;
	v5 =	vmul.f32 v57, v33;
	v6 =	vmul.f32 v58, v34  }
0x37b: {  	v33 =	vadd.s32 $0x2AE0, v12;
	v61 =	vmul.f32 v59, v36;
	v34 =	vadd.s32 $0x2B11, v12  }
0x37c: {  	v8 =	vunpack.i.u.bf16.f32 v1;
	v2 =	vadd.f32 v3, v2;
	v3 =	vmul.f32 v4, v36  }
0x37d: {  	v1 =	vunpack.i.l.bf16.f32 v1;
	v62 =	vadd.s32 s16, v33;
	v60 =	vadd.f32 v6, v5  }
0x37e: {  	p1 =	sne.s32 s16, $0x30;
	v1 =	vmul.f32 v1, v35;
	v2 =	vadd.f32 v3, v2;
	v3 =	vadd.s32 s16, v34  }
.Ltmp1:
0x37f: {  	v63 =	vmul.f32 v8, v35;
	v4 =	vadd.f32 v61, v60;
	(pc) =	sbr.rel @p1 .LBB2_5-.Ltmp1, $4  }
0x380: {  	v1 =	vadd.f32 v1, v2  }
0x381: {  	v2 =	vadd.f32 v63, v4  }
0x382: {  	[tilespmem:v62+s8+$0x0] =	vst.idx.msk $0xffff, v1  }
0x383: {  	s16 =	sadd.s32 $0x1, s16;
	[tilespmem:v3+s8+$0x0] =	vst.idx.msk $0xffff, v2  }
0x384: {  	s0 =	sadd.s32 s7, s14  }
0x385: {  	s0 =	smul.u32 $0x620, s0;
	_ =	sdelay $0x1  }
0x386: {  	s16 =	smin.u32 s14, $0x1D;
	s15 =	sadd.s32 s1, s0;
	s0 =	simm.s32 $0x0  }
0x387: {  	[hbm4b:s15+s0] =	stream.linear.scatter [tilespmem:s8], [sflag:$0x3], $0x3100, $0x38;
	[tilespmem:$0x13A80] =	vst v63  }
0x388: {  	s14 =	smul.u32 $0x1A0, s16;
	_ =	swait.ge [sflag:s9], $0x3100  }
0x389: {  	[sflag:s9] =	ssyncset.done $0x0  }
0x38a: {  	s14 =	sshrl.u32 s14, $0x2;
	[sflag:s9] =	ssyncadd.s32 $0xFFFFCF00  }
0x38b: {  	v1 =	vld [tilespmem:s14+$0x150];
	_ =	sdelay $0x4  }
0x38c: {  	v2 =	vshll.u32 v1, $0x1  }
0x38d: {  	v1 =	vand.u32 $0x7, v1;
	v2 =	vand.u32 $0xFFFFFFF0, v2  }
0x38e: {  	v1 =	vor.u32 v1, v2  }
0x38f: {  	v2 =	vperm.xlane v1, v9;
	_ =	sdelay $0x1  }
0x390: {  	v1 =	vperm.xlane v1, v11;
	v2 =	vadd.s32 v10, v2;
	_ =	sdelay $0x1  }
0x391: {  	v1 =	vadd.s32 v10, v1;
	_ =	sdelay $0x2  }
0x392: {  	[tilespmem:s13], [sflag:$0x1] =	stream.indirect_vreg.gather [hbm4b:s4+s0], $0x80, v2, vm0, $0xb8;
	[tilespmem:$0x13A80] =	vst v63  }
0x393: {  	s17 =	simm.s32 $0x4180  }
0x394: {  	[tilespmem:s17], [sflag:$0x1] =	stream.indirect_vreg.gather [hbm4b:s4+s0], $0x80, v1, vm0, $0xb8;
	[tilespmem:$0x13A80] =	vst v63  }
0x395: {  	v1 =	vld [tilespmem:s14+$0x160];
	_ =	sdelay $0x4  }
0x396: {  	v2 =	vshll.u32 v1, $0x1  }
0x397: {  	v1 =	vand.u32 $0x7, v1;
	v2 =	vand.u32 $0xFFFFFFF0, v2  }
0x398: {  	v1 =	vor.u32 v1, v2  }
0x399: {  	v2 =	vperm.xlane v1, v9;
	_ =	sdelay $0x1  }
0x39a: {  	v1 =	vperm.xlane v1, v11;
	v2 =	vadd.s32 v10, v2;
	_ =	sdelay $0x1  }
0x39b: {  	v1 =	vadd.s32 v10, v1;
	_ =	sdelay $0x1  }
0x39c: {  	s18 =	simm.s32 $0x4980  }
0x39d: {  	[tilespmem:s18], [sflag:$0x1] =	stream.indirect_vreg.gather [hbm4b:s4+s0], $0x80, v2, vm0, $0xb8;
	[tilespmem:$0x13A80] =	vst v63  }
0x39e: {  	s16 =	simm.s32 $0x5180  }
0x39f: {  	[tilespmem:s16], [sflag:$0x1] =	stream.indirect_vreg.gather [hbm4b:s4+s0], $0x80, v1, vm0, $0xb8;
	[tilespmem:$0x13A80] =	vst v63  }
0x3a0: {  	v1 =	vld [tilespmem:s14+$0x170];
	_ =	sdelay $0x4  }
0x3a1: {  	v2 =	vshll.u32 v1, $0x1  }
0x3a2: {  	v1 =	vand.u32 $0x7, v1;
	v2 =	vand.u32 $0xFFFFFFF0, v2  }
0x3a3: {  	v1 =	vor.u32 v1, v2  }
0x3a4: {  	v2 =	vperm.xlane v1, v9;
	_ =	sdelay $0x1  }
0x3a5: {  	v1 =	vperm.xlane v1, v11;
	v2 =	vadd.s32 v10, v2;
	_ =	sdelay $0x1  }
0x3a6: {  	v1 =	vadd.s32 v10, v1;
	_ =	sdelay $0x1  }
0x3a7: {  	s17 =	simm.s32 $0x5980  }
0x3a8: {  	[tilespmem:s17], [sflag:$0x1] =	stream.indirect_vreg.gather [hbm4b:s4+s0], $0x80, v2, vm0, $0xb8;
	[tilespmem:$0x13A80] =	vst v63  }
0x3a9: {  	s18 =	simm.s32 $0x6180  }
0x3aa: {  	[tilespmem:s18], [sflag:$0x1] =	stream.indirect_vreg.gather [hbm4b:s4+s0], $0x80, v1, vm0, $0xb8;
	[tilespmem:$0x13A80] =	vst v63  }
0x3ab: {  	v1 =	vld [tilespmem:s14+$0x180];
	_ =	sdelay $0x4  }
0x3ac: {  	v2 =	vshll.u32 v1, $0x1  }
0x3ad: {  	v1 =	vand.u32 $0x7, v1;
	v2 =	vand.u32 $0xFFFFFFF0, v2  }
0x3ae: {  	v1 =	vor.u32 v1, v2  }
0x3af: {  	v2 =	vperm.xlane v1, v9;
	_ =	sdelay $0x1  }
0x3b0: {  	v1 =	vperm.xlane v1, v11;
	v2 =	vadd.s32 v10, v2;
	_ =	sdelay $0x1  }
0x3b1: {  	v1 =	vadd.s32 v10, v1;
	_ =	sdelay $0x2  }
0x3b2: {  	[tilespmem:s19], [sflag:$0x1] =	stream.indirect_vreg.gather [hbm4b:s4+s0], $0x80, v2, vm0, $0xb8;
	[tilespmem:$0x13A80] =	vst v63  }
0x3b3: {  	_ = 	snop  }
0x3b4: {  	[tilespmem:s20], [sflag:$0x1] =	stream.indirect_vreg.gather [hbm4b:s4+s0], $0x80, v1, vm0, $0xb8;
	[tilespmem:$0x13A80] =	vst v63  }
0x3b5: {  	v1 =	vld [tilespmem:s14+$0x190];
	_ =	sdelay $0x4  }
0x3b6: {  	v2 =	vshll.u32 v1, $0x1  }
0x3b7: {  	v1 =	vand.u32 $0x7, v1;
	v2 =	vand.u32 $0xFFFFFFF0, v2  }
0x3b8: {  	v1 =	vor.u32 v1, v2  }
0x3b9: {  	v2 =	vperm.xlane v1, v9;
	_ =	sdelay $0x1  }
0x3ba: {  	v1 =	vperm.xlane v1, v11;
	v2 =	vadd.s32 v10, v2;
	_ =	sdelay $0x1  }
0x3bb: {  	v1 =	vadd.s32 v10, v1;
	_ =	sdelay $0x2  }
0x3bc: {  	[tilespmem:s21], [sflag:$0x1] =	stream.indirect_vreg.gather [hbm4b:s4+s0], $0x80, v2, vm0, $0xb8;
	[tilespmem:$0x13A80] =	vst v63  }
0x3bd: {  	_ = 	snop  }
0x3be: {  	[tilespmem:s22], [sflag:$0x1] =	stream.indirect_vreg.gather [hbm4b:s4+s0], $0x80, v1, vm0, $0xb8;
	[tilespmem:$0x13A80] =	vst v63  }
0x3bf: {  	v1 =	vld [tilespmem:s14+$0x1A0];
	_ =	sdelay $0x4  }
0x3c0: {  	v2 =	vshll.u32 v1, $0x1  }
0x3c1: {  	v1 =	vand.u32 $0x7, v1;
	v2 =	vand.u32 $0xFFFFFFF0, v2  }
0x3c2: {  	v1 =	vor.u32 v1, v2  }
0x3c3: {  	v2 =	vperm.xlane v1, v9;
	_ =	sdelay $0x1  }
0x3c4: {  	v1 =	vperm.xlane v1, v11;
	v2 =	vadd.s32 v10, v2;
	_ =	sdelay $0x1  }
0x3c5: {  	v1 =	vadd.s32 v10, v1;
	_ =	sdelay $0x2  }
0x3c6: {  	[tilespmem:s23], [sflag:$0x1] =	stream.indirect_vreg.gather [hbm4b:s4+s0], $0x80, v2, vm0, $0xb8;
	[tilespmem:$0x13A80] =	vst v63  }
0x3c7: {  	_ = 	snop  }
0x3c8: {  	[tilespmem:s24], [sflag:$0x1] =	stream.indirect_vreg.gather [hbm4b:s4+s0], $0x80, v1, vm0, $0xb8;
	[tilespmem:$0x13A80] =	vst v63  }
0x3c9: {  	v1 =	vld.msk [tilespmem:s14+$0x1B0], $0xff;
	_ =	sdelay $0x4  }
0x3ca: {  	v2 =	vshll.u32 v1, $0x1  }
0x3cb: {  	v1 =	vand.u32 $0x7, v1;
	v2 =	vand.u32 $0xFFFFFFF0, v2  }
0x3cc: {  	v1 =	vor.u32 v1, v2  }
0x3cd: {  	v1 =	vperm.xlane v1, v9;
	_ =	sdelay $0x1  }
0x3ce: {  	v1 =	vadd.s32 v10, v1;
	_ =	sdelay $0x4  }
0x3cf: {  	[tilespmem:s25], [sflag:$0x1] =	stream.indirect_vreg.gather [hbm4b:s4+s0], $0x80, v1, vm0, $0xb8;
	[tilespmem:$0x13A80] =	vst v63  }
0x3d0: {  	_ =	swait.ge [sflag:s28], $0x6800  }
0x3d1: {  	[sflag:s28] =	ssyncset.done $0x0  }
0x3d2: {  	s15 =	sshll.u32 s31, $0x7;
	s14 =	smul.u32 $0xE0, s31;
	[sflag:s28] =	ssyncadd.s32 $0xFFFF9800  }
.LBB2_7:
0x3d3: {  	s16 =	smul.u32 $0x25, s0;
	_ =	sdelay $0x1  }
0x3d4: {  	s16 =	sshrl.u32 s16, $0x8  }
0x3d5: {  	s17 =	ssub.s32 s0, s16  }
0x3d6: {  	s17 =	sand.u32 $0xFE, s17  }
0x3d7: {  	s17 =	sshrl.u32 s17, $0x1  }
0x3d8: {  	s16 =	sadd.s32 s16, s17  }
0x3d9: {  	s16 =	sand.u32 $0xFC, s16  }
0x3da: {  	s16 =	sshrl.u32 s16, $0x2  }
0x3db: {  	s16 =	smul.u32 $0x7, s16;
	_ =	sdelay $0x1  }
0x3dc: {  	s16 =	ssub.s32 s0, s16  }
0x3dd: {  	s16 =	sand.u32 $0xFF, s16  }
0x3de: {  	s16 =	sadd.s32 s15, s16  }
0x3df: {  	v1 =	vmov s16  }
0x3e0: {  	s16 =	sadd.s32 $0x40, s16  }
0x3e1: {  	v2 =	vmov s16;
	_ =	sdelay $0x2  }
0x3e2: {  	v1 =	vld.idx.msk [tilespmem:v1+s12+$0x0], $0xffff;
	_ =	sdelay $0x1  }
0x3e3: {  	s18 =	sadd.s32 $0x34, s0;
	v36 =	vld.idx.msk [tilespmem:v2+s12+$0x0], $0xffff  }
0x3e4: {  	v38 =	vmov s18  }
0x3e5: {  	v40 =	vshll.u32 v38, $0x8  }
0x3e6: {  	v38 =	vshll.u32 v38, $0x7;
	v2 =	vmov s0;
	v4 =	vadd.s32 v0, v1  }
0x3e7: {  	v3 =	vshll.u32 v2, $0x8;
	v2 =	vshll.u32 v2, $0x7;
	v6 =	vshll.u32 v4, $0x3  }
0x3e8: {  	v8 =	vand.u32 $0x3800, v3;
	v7 =	vadd.s32 v0, v36;
	v6 =	vand.u32 $0xFFFFFC00, v6  }
0x3e9: {  	v3 =	vand.u32 $0x380, v2;
	v49 =	vshll.u32 v7, $0x3;
	v35 =	vadd.s32 v8, v6  }
0x3ea: {  	s17 =	sadd.s32 s14, s0;
	v2 =	vand.u32 $0x7F, v4;
	v48 =	vor.u32 v3, v35;
	v35 =	vand.u32 $0xFFFFFC00, v49  }
0x3eb: {  	v5 =	vmov s17;
	v4 =	vor.u32 v2, v48;
	v37 =	vadd.s32 v8, v35  }
0x3ec: {  	v7 =	vand.u32 $0x7F, v7;
	v41 =	vor.u32 v3, v37;
	v37 =	vand.u32 $0x7800, v40  }
0x3ed: {  	v38 =	vand.u32 $0x380, v38;
	v57 =	vor.u32 v7, v41;
	v6 =	vadd.s32 v37, v6  }
0x3ee: {  	v58 =	vadd.s32 $0x38, v5;
	v35 =	vadd.s32 v37, v35;
	v6 =	vor.u32 v38, v6  }
0x3ef: {  	v35 =	vor.u32 v38, v35;
	v2 =	vor.u32 v2, v6  }
0x3f0: {  	v7 =	vor.u32 v7, v35;
	v4 =	vld.idx.msk [tilespmem:v4+s26+$0x0], $0xffff  }
0x3f1: {  	v6 =	vld.idx.msk [tilespmem:v5+s11+$0x0], $0xffff  }
0x3f2: {  	v42 =	vadd.s32 $0x70, v5;
	v40 =	vld.idx.msk [tilespmem:v57+s26+$0x0], $0xffff  }
0x3f3: {  	v35 =	vld.idx.msk [tilespmem:v58+s11+$0x0], $0xffff;
	v5 =	vadd.s32 $0xA8, v5  }
0x3f4: {  	v59 =	vld.idx.msk [tilespmem:v2+s26+$0x0], $0xffff  }
0x3f5: {  	v60 =	vld.idx.msk [tilespmem:v7+s26+$0x0], $0xffff;
	v43 =	vunpack.i.u.bf16.f32 v4;
	v4 =	vunpack.i.l.bf16.f32 v4  }
0x3f6: {  	v45 =	vadd.s32 s0, v12;
	v47 =	vadd.s32 s0, v14;
	v4 =	vmul.f32 v4, v6  }
0x3f7: {  	v2 =	vld.idx.msk [tilespmem:v42+s11+$0x0], $0xffff;
	v43 =	vmul.f32 v43, v6;
	v44 =	vunpack.i.l.bf16.f32 v40;
	v61 =	vunpack.i.u.bf16.f32 v40  }
0x3f8: {  	v58 =	vadd.s32 v13, v1;
	v7 =	vld.idx.msk [tilespmem:v5+s11+$0x0], $0xffff;
	v62 =	vmul.f32 v44, v35;
	v5 =	vmul.f32 v61, v35  }
0x3f9: {  	v61 =	vadd.s32 v13, v36;
	v63 =	vunpack.i.l.bf16.f32 v59;
	v41 =	vunpack.i.u.bf16.f32 v59  }
0x3fa: {  	v49 =	vunpack.i.u.bf16.f32 v60;
	v42 =	vunpack.i.l.bf16.f32 v60;
	v60 =	vshll.u32 v58, $0x3  }
0x3fb: {  	v46 =	vshll.u32 v61, $0x3;
	v44 =	vand.u32 $0x7F, v61;
	v4 =	vadd.f32 v62, v4  }
0x3fc: {  	v48 =	vmul.f32 v63, v2;
	v5 =	vadd.f32 v5, v43;
	v41 =	vmul.f32 v41, v2  }
0x3fd: {  	v57 =	vmul.f32 v42, v7;
	v59 =	vmul.f32 v49, v7;
	v46 =	vand.u32 $0xFFFFFC00, v46  }
0x3fe: {  	v43 =	vand.u32 $0xFFFFFC00, v60;
	v49 =	vadd.s32 v8, v46;
	v4 =	vadd.f32 v48, v4  }
0x3ff: {  	v5 =	vadd.f32 v41, v5;
	v48 =	vadd.s32 v8, v43;
	v49 =	vor.u32 v3, v49  }
0x400: {  	v41 =	vand.u32 $0x7F, v58;
	v48 =	vor.u32 v3, v48;
	v62 =	vor.u32 v44, v49  }
0x401: {  	v48 =	vor.u32 v41, v48;
	v4 =	vadd.f32 v57, v4  }
0x402: {  	v43 =	vadd.s32 v37, v43;
	v5 =	vadd.f32 v59, v5  }
0x403: {  	v63 =	vor.u32 v38, v43;
	[tilespmem:v45+s8+$0x0] =	vst.idx.msk $0xffff, v4  }
0x404: {  	v45 =	vor.u32 v41, v63;
	[tilespmem:v47+s8+$0x0] =	vst.idx.msk $0xffff, v5  }
0x405: {  	v47 =	vadd.s32 v37, v46;
	v40 =	vld.idx.msk [tilespmem:v62+s26+$0x0], $0xffff  }
0x406: {  	v5 =	vor.u32 v38, v47;
	v48 =	vld.idx.msk [tilespmem:v48+s26+$0x0], $0xffff  }
0x407: {  	v5 =	vor.u32 v44, v5;
	_ =	sdelay $0x1  }
0x408: {  	v61 =	vadd.s32 v15, v1;
	v4 =	vld.idx.msk [tilespmem:v45+s26+$0x0], $0xffff  }
0x409: {  	v63 =	vadd.s32 v15, v36;
	v62 =	vshll.u32 v61, $0x3  }
0x40a: {  	v57 =	vunpack.i.l.bf16.f32 v40;
	v40 =	vunpack.i.u.bf16.f32 v40;
	v49 =	vunpack.i.u.bf16.f32 v48  }
0x40b: {  	v5 =	vld.idx.msk [tilespmem:v5+s26+$0x0], $0xffff;
	v41 =	vunpack.i.l.bf16.f32 v48;
	v43 =	vmul.f32 v57, v35;
	v40 =	vmul.f32 v40, v35  }
0x40c: {  	v44 =	vand.u32 $0x7F, v63;
	v41 =	vmul.f32 v41, v6;
	v42 =	vmul.f32 v49, v6  }
0x40d: {  	v57 =	vadd.s32 s0, v16;
	v58 =	vunpack.i.l.bf16.f32 v4;
	v4 =	vunpack.i.u.bf16.f32 v4  }
0x40e: {  	v41 =	vadd.f32 v43, v41;
	v59 =	vmul.f32 v58, v2;
	v40 =	vadd.f32 v40, v42  }
0x40f: {  	v4 =	vmul.f32 v4, v2;
	v43 =	vand.u32 $0xFFFFFC00, v62;
	v58 =	vshll.u32 v63, $0x3  }
0x410: {  	v46 =	vand.u32 $0xFFFFFC00, v58;
	v60 =	vunpack.i.u.bf16.f32 v5;
	v5 =	vunpack.i.l.bf16.f32 v5  }
0x411: {  	v41 =	vadd.f32 v59, v41;
	v4 =	vadd.f32 v4, v40;
	v59 =	vadd.s32 s0, v17  }
0x412: {  	v40 =	vand.u32 $0x7F, v61;
	v61 =	vadd.s32 v8, v46;
	v5 =	vmul.f32 v5, v7  }
0x413: {  	v42 =	vmul.f32 v60, v7;
	v60 =	vadd.s32 v8, v43;
	v49 =	vor.u32 v3, v61  }
0x414: {  	v43 =	vadd.s32 v37, v43;
	v48 =	vor.u32 v3, v60;
	v62 =	vor.u32 v44, v49  }
0x415: {  	v63 =	vor.u32 v38, v43;
	v48 =	vor.u32 v40, v48;
	v5 =	vadd.f32 v5, v41  }
0x416: {  	v4 =	vadd.f32 v42, v4;
	v45 =	vor.u32 v40, v63  }
0x417: {  	[tilespmem:v57+s8+$0x0] =	vst.idx.msk $0xffff, v5  }
0x418: {  	v47 =	vadd.s32 v37, v46;
	[tilespmem:v59+s8+$0x0] =	vst.idx.msk $0xffff, v4  }
0x419: {  	v4 =	vor.u32 v38, v47;
	v41 =	vld.idx.msk [tilespmem:v62+s26+$0x0], $0xffff  }
0x41a: {  	v4 =	vor.u32 v44, v4;
	v48 =	vld.idx.msk [tilespmem:v48+s26+$0x0], $0xffff  }
0x41b: {  	v5 =	vld.idx.msk [tilespmem:v45+s26+$0x0], $0xffff  }
0x41c: {  	v61 =	vadd.s32 v18, v1  }
0x41d: {  	v63 =	vadd.s32 v18, v36;
	v62 =	vshll.u32 v61, $0x3  }
0x41e: {  	v44 =	vand.u32 $0x7F, v63;
	v57 =	vunpack.i.l.bf16.f32 v41;
	v41 =	vunpack.i.u.bf16.f32 v41  }
0x41f: {  	v4 =	vld.idx.msk [tilespmem:v4+s26+$0x0], $0xffff;
	v49 =	vunpack.i.u.bf16.f32 v48;
	v40 =	vunpack.i.l.bf16.f32 v48;
	v43 =	vmul.f32 v57, v35  }
0x420: {  	v58 =	vunpack.i.l.bf16.f32 v5;
	v41 =	vmul.f32 v41, v35;
	v5 =	vunpack.i.u.bf16.f32 v5  }
0x421: {  	v57 =	vadd.s32 s0, v19;
	v40 =	vmul.f32 v40, v6;
	v42 =	vmul.f32 v49, v6  }
0x422: {  	v59 =	vmul.f32 v58, v2;
	v5 =	vmul.f32 v5, v2;
	v58 =	vshll.u32 v63, $0x3  }
0x423: {  	v46 =	vand.u32 $0xFFFFFC00, v58;
	v40 =	vadd.f32 v43, v40;
	v41 =	vadd.f32 v41, v42  }
0x424: {  	v43 =	vand.u32 $0xFFFFFC00, v62;
	v60 =	vunpack.i.u.bf16.f32 v4;
	v4 =	vunpack.i.l.bf16.f32 v4  }
0x425: {  	v40 =	vadd.f32 v59, v40;
	v4 =	vmul.f32 v4, v7;
	v5 =	vadd.f32 v5, v41  }
0x426: {  	v42 =	vmul.f32 v60, v7;
	v59 =	vadd.s32 s0, v20;
	v60 =	vadd.s32 v8, v43  }
0x427: {  	v41 =	vand.u32 $0x7F, v61;
	v61 =	vadd.s32 v8, v46;
	v48 =	vor.u32 v3, v60  }
0x428: {  	v43 =	vadd.s32 v37, v43;
	v49 =	vor.u32 v3, v61;
	v48 =	vor.u32 v41, v48  }
0x429: {  	v63 =	vor.u32 v38, v43;
	v4 =	vadd.f32 v4, v40;
	v62 =	vor.u32 v44, v49  }
0x42a: {  	v5 =	vadd.f32 v42, v5;
	v45 =	vor.u32 v41, v63  }
0x42b: {  	[tilespmem:v57+s8+$0x0] =	vst.idx.msk $0xffff, v4  }
0x42c: {  	v47 =	vadd.s32 v37, v46;
	[tilespmem:v59+s8+$0x0] =	vst.idx.msk $0xffff, v5  }
0x42d: {  	v5 =	vor.u32 v38, v47;
	v48 =	vld.idx.msk [tilespmem:v48+s26+$0x0], $0xffff  }
0x42e: {  	v5 =	vor.u32 v44, v5;
	v40 =	vld.idx.msk [tilespmem:v62+s26+$0x0], $0xffff  }
0x42f: {  	v4 =	vld.idx.msk [tilespmem:v45+s26+$0x0], $0xffff  }
0x430: {  	v63 =	vadd.s32 v21, v36  }
0x431: {  	v61 =	vadd.s32 v21, v1;
	v44 =	vand.u32 $0x7F, v63  }
0x432: {  	v62 =	vshll.u32 v61, $0x3;
	v49 =	vunpack.i.u.bf16.f32 v48;
	v41 =	vunpack.i.l.bf16.f32 v48  }
0x433: {  	v5 =	vld.idx.msk [tilespmem:v5+s26+$0x0], $0xffff;
	v57 =	vunpack.i.l.bf16.f32 v40;
	v40 =	vunpack.i.u.bf16.f32 v40;
	v41 =	vmul.f32 v41, v6  }
0x434: {  	v58 =	vunpack.i.l.bf16.f32 v4;
	v43 =	vmul.f32 v57, v35;
	v42 =	vmul.f32 v49, v6  }
0x435: {  	v4 =	vunpack.i.u.bf16.f32 v4;
	v40 =	vmul.f32 v40, v35;
	v59 =	vmul.f32 v58, v2  }
0x436: {  	v4 =	vmul.f32 v4, v2;
	v57 =	vadd.s32 s0, v22;
	v58 =	vshll.u32 v63, $0x3  }
0x437: {  	v46 =	vand.u32 $0xFFFFFC00, v58;
	v41 =	vadd.f32 v43, v41;
	v40 =	vadd.f32 v40, v42  }
0x438: {  	v43 =	vand.u32 $0xFFFFFC00, v62;
	v60 =	vunpack.i.u.bf16.f32 v5;
	v5 =	vunpack.i.l.bf16.f32 v5  }
0x439: {  	v41 =	vadd.f32 v59, v41;
	v5 =	vmul.f32 v5, v7;
	v4 =	vadd.f32 v4, v40  }
0x43a: {  	v42 =	vmul.f32 v60, v7;
	v59 =	vadd.s32 s0, v23;
	v60 =	vadd.s32 v8, v43  }
0x43b: {  	v40 =	vand.u32 $0x7F, v61;
	v61 =	vadd.s32 v8, v46;
	v48 =	vor.u32 v3, v60  }
0x43c: {  	v43 =	vadd.s32 v37, v43;
	v49 =	vor.u32 v3, v61;
	v48 =	vor.u32 v40, v48  }
0x43d: {  	v63 =	vor.u32 v38, v43;
	v5 =	vadd.f32 v5, v41;
	v62 =	vor.u32 v44, v49  }
0x43e: {  	v4 =	vadd.f32 v42, v4;
	v45 =	vor.u32 v40, v63  }
0x43f: {  	[tilespmem:v57+s8+$0x0] =	vst.idx.msk $0xffff, v5  }
0x440: {  	v47 =	vadd.s32 v37, v46;
	[tilespmem:v59+s8+$0x0] =	vst.idx.msk $0xffff, v4  }
0x441: {  	v4 =	vor.u32 v38, v47;
	v48 =	vld.idx.msk [tilespmem:v48+s26+$0x0], $0xffff  }
0x442: {  	v4 =	vor.u32 v44, v4;
	v41 =	vld.idx.msk [tilespmem:v62+s26+$0x0], $0xffff  }
0x443: {  	v5 =	vld.idx.msk [tilespmem:v45+s26+$0x0], $0xffff  }
0x444: {  	v63 =	vadd.s32 v24, v36  }
0x445: {  	v61 =	vadd.s32 v24, v1;
	v44 =	vand.u32 $0x7F, v63  }
0x446: {  	v62 =	vshll.u32 v61, $0x3;
	v49 =	vunpack.i.u.bf16.f32 v48;
	v40 =	vunpack.i.l.bf16.f32 v48  }
0x447: {  	v4 =	vld.idx.msk [tilespmem:v4+s26+$0x0], $0xffff;
	v57 =	vunpack.i.l.bf16.f32 v41;
	v41 =	vunpack.i.u.bf16.f32 v41;
	v40 =	vmul.f32 v40, v6  }
0x448: {  	v58 =	vunpack.i.l.bf16.f32 v5;
	v43 =	vmul.f32 v57, v35;
	v42 =	vmul.f32 v49, v6  }
0x449: {  	v5 =	vunpack.i.u.bf16.f32 v5;
	v41 =	vmul.f32 v41, v35;
	v59 =	vmul.f32 v58, v2  }
0x44a: {  	v5 =	vmul.f32 v5, v2;
	v57 =	vadd.s32 s0, v25;
	v58 =	vshll.u32 v63, $0x3  }
0x44b: {  	v46 =	vand.u32 $0xFFFFFC00, v58;
	v40 =	vadd.f32 v43, v40;
	v41 =	vadd.f32 v41, v42  }
0x44c: {  	v43 =	vand.u32 $0xFFFFFC00, v62;
	v60 =	vunpack.i.u.bf16.f32 v4;
	v4 =	vunpack.i.l.bf16.f32 v4  }
0x44d: {  	v40 =	vadd.f32 v59, v40;
	v4 =	vmul.f32 v4, v7;
	v5 =	vadd.f32 v5, v41  }
0x44e: {  	v42 =	vmul.f32 v60, v7;
	v59 =	vadd.s32 s0, v26;
	v60 =	vadd.s32 v8, v43  }
0x44f: {  	v41 =	vand.u32 $0x7F, v61;
	v61 =	vadd.s32 v8, v46;
	v48 =	vor.u32 v3, v60  }
0x450: {  	v43 =	vadd.s32 v37, v43;
	v49 =	vor.u32 v3, v61;
	v48 =	vor.u32 v41, v48  }
0x451: {  	v63 =	vor.u32 v38, v43;
	v4 =	vadd.f32 v4, v40;
	v62 =	vor.u32 v44, v49  }
0x452: {  	v5 =	vadd.f32 v42, v5;
	v45 =	vor.u32 v41, v63  }
0x453: {  	[tilespmem:v57+s8+$0x0] =	vst.idx.msk $0xffff, v4  }
0x454: {  	v46 =	vadd.s32 v37, v46;
	[tilespmem:v59+s8+$0x0] =	vst.idx.msk $0xffff, v5  }
0x455: {  	v5 =	vor.u32 v38, v46;
	v47 =	vld.idx.msk [tilespmem:v48+s26+$0x0], $0xffff  }
0x456: {  	v5 =	vor.u32 v44, v5;
	v40 =	vld.idx.msk [tilespmem:v62+s26+$0x0], $0xffff  }
0x457: {  	v4 =	vld.idx.msk [tilespmem:v45+s26+$0x0], $0xffff  }
0x458: {  	v60 =	vadd.s32 v27, v1  }
0x459: {  	v61 =	vshll.u32 v60, $0x3  }
0x45a: {  	v63 =	vadd.s32 s0, v28;
	v62 =	vadd.s32 v27, v36;
	v48 =	vunpack.i.u.bf16.f32 v47  }
0x45b: {  	v5 =	vld.idx.msk [tilespmem:v5+s26+$0x0], $0xffff;
	v41 =	vunpack.i.l.bf16.f32 v47;
	v49 =	vunpack.i.l.bf16.f32 v40;
	v40 =	vunpack.i.u.bf16.f32 v40  }
0x45c: {  	v57 =	vunpack.i.l.bf16.f32 v4;
	v41 =	vmul.f32 v41, v6;
	v43 =	vmul.f32 v49, v35  }
0x45d: {  	v4 =	vunpack.i.u.bf16.f32 v4;
	v42 =	vmul.f32 v48, v6;
	v40 =	vmul.f32 v40, v35  }
0x45e: {  	v58 =	vmul.f32 v57, v2;
	v4 =	vmul.f32 v4, v2;
	v57 =	vshll.u32 v62, $0x3  }
0x45f: {  	v46 =	vand.u32 $0xFFFFFC00, v57;
	v41 =	vadd.f32 v43, v41;
	v40 =	vadd.f32 v40, v42  }
0x460: {  	v43 =	vand.u32 $0xFFFFFC00, v61;
	v59 =	vunpack.i.u.bf16.f32 v5;
	v5 =	vunpack.i.l.bf16.f32 v5  }
0x461: {  	v41 =	vadd.f32 v58, v41;
	v5 =	vmul.f32 v5, v7;
	v4 =	vadd.f32 v4, v40  }
0x462: {  	v42 =	vmul.f32 v59, v7;
	v58 =	vadd.s32 s0, v29;
	v59 =	vadd.s32 v8, v43  }
0x463: {  	v40 =	vand.u32 $0x7F, v60;
	v60 =	vadd.s32 v8, v46;
	v48 =	vor.u32 v3, v59  }
0x464: {  	v44 =	vand.u32 $0x7F, v62;
	v49 =	vor.u32 v3, v60;
	v48 =	vor.u32 v40, v48  }
0x465: {  	v5 =	vadd.f32 v5, v41;
	v61 =	vor.u32 v44, v49  }
0x466: {  	v43 =	vadd.s32 v37, v43;
	v4 =	vadd.f32 v42, v4  }
0x467: {  	v62 =	vor.u32 v38, v43;
	[tilespmem:v63+s8+$0x0] =	vst.idx.msk $0xffff, v5  }
0x468: {  	v45 =	vadd.s32 v37, v46;
	v63 =	vor.u32 v40, v62;
	[tilespmem:v58+s8+$0x0] =	vst.idx.msk $0xffff, v4  }
0x469: {  	v4 =	vor.u32 v38, v45;
	v46 =	vld.idx.msk [tilespmem:v48+s26+$0x0], $0xffff  }
0x46a: {  	v1 =	vadd.s32 v30, v1;
	v4 =	vor.u32 v44, v4;
	v41 =	vld.idx.msk [tilespmem:v61+s26+$0x0], $0xffff  }
0x46b: {  	v59 =	vshll.u32 v1, $0x3  }
0x46c: {  	v60 =	vand.u32 $0xFFFFFC00, v59  }
0x46d: {  	v36 =	vadd.s32 v30, v36;
	v1 =	vand.u32 $0x7F, v1;
	v5 =	vld.idx.msk [tilespmem:v63+s26+$0x0], $0xffff;
	v63 =	vadd.s32 v8, v60  }
0x46e: {  	v61 =	vshll.u32 v36, $0x3;
	v36 =	vand.u32 $0x7F, v36;
	v44 =	vor.u32 v3, v63  }
0x46f: {  	v4 =	vld.idx.msk [tilespmem:v4+s26+$0x0], $0xffff;
	v47 =	vunpack.i.l.bf16.f32 v46;
	v48 =	vunpack.i.l.bf16.f32 v41;
	v40 =	vunpack.i.u.bf16.f32 v46  }
0x470: {  	v41 =	vunpack.i.u.bf16.f32 v41;
	v42 =	vmul.f32 v47, v6;
	v43 =	vmul.f32 v48, v35  }
0x471: {  	v44 =	vor.u32 v1, v44;
	v40 =	vmul.f32 v40, v6;
	v41 =	vmul.f32 v41, v35  }
0x472: {  	v48 =	vadd.s32 s0, v31;
	v49 =	vunpack.i.l.bf16.f32 v5;
	v5 =	vunpack.i.u.bf16.f32 v5  }
0x473: {  	v42 =	vadd.f32 v43, v42;
	v57 =	vmul.f32 v49, v2;
	v40 =	vadd.f32 v41, v40  }
0x474: {  	v5 =	vmul.f32 v5, v2;
	v41 =	vand.u32 $0xFFFFFC00, v61;
	v58 =	vunpack.i.u.bf16.f32 v4  }
0x475: {  	v4 =	vunpack.i.l.bf16.f32 v4;
	v8 =	vadd.s32 v8, v41;
	v42 =	vadd.f32 v57, v42  }
0x476: {  	v4 =	vmul.f32 v4, v7;
	v3 =	vor.u32 v3, v8;
	v8 =	vadd.s32 s0, v32  }
0x477: {  	v5 =	vadd.f32 v5, v40;
	v62 =	vmul.f32 v58, v7;
	v40 =	vadd.s32 v37, v60  }
0x478: {  	v3 =	vor.u32 v36, v3;
	v40 =	vor.u32 v38, v40;
	v4 =	vadd.f32 v4, v42  }
0x479: {  	v5 =	vadd.f32 v62, v5;
	v1 =	vor.u32 v1, v40  }
0x47a: {  	v37 =	vadd.s32 v37, v41;
	[tilespmem:v48+s8+$0x0] =	vst.idx.msk $0xffff, v4  }
0x47b: {  	v49 =	vor.u32 v38, v37;
	[tilespmem:v8+s8+$0x0] =	vst.idx.msk $0xffff, v5  }
0x47c: {  	v4 =	vor.u32 v36, v49;
	v5 =	vld.idx.msk [tilespmem:v44+s26+$0x0], $0xffff  }
0x47d: {  	v3 =	vld.idx.msk [tilespmem:v3+s26+$0x0], $0xffff  }
0x47e: {  	v1 =	vld.idx.msk [tilespmem:v1+s26+$0x0], $0xffff;
	_ =	sdelay $0x2  }
0x47f: {  	v61 =	vadd.s32 s0, v33;
	v4 =	vld.idx.msk [tilespmem:v4+s26+$0x0], $0xffff;
	v8 =	vunpack.i.u.bf16.f32 v5  }
0x480: {  	v5 =	vunpack.i.l.bf16.f32 v5;
	v57 =	vunpack.i.u.bf16.f32 v3;
	v3 =	vunpack.i.l.bf16.f32 v3  }
0x481: {  	v58 =	vunpack.i.u.bf16.f32 v1;
	v5 =	vmul.f32 v5, v6;
	v3 =	vmul.f32 v3, v35  }
0x482: {  	v1 =	vunpack.i.l.bf16.f32 v1;
	v6 =	vmul.f32 v8, v6;
	v8 =	vmul.f32 v57, v35  }
0x483: {  	v1 =	vmul.f32 v1, v2;
	v2 =	vmul.f32 v58, v2;
	v3 =	vadd.f32 v3, v5  }
0x484: {  	v59 =	vunpack.i.u.bf16.f32 v4;
	v4 =	vunpack.i.l.bf16.f32 v4;
	v60 =	vadd.f32 v8, v6  }
0x485: {  	p1 =	sne.s32 s0, $0x30;
	v62 =	vadd.s32 s0, v34;
	v1 =	vadd.f32 v1, v3;
	v3 =	vmul.f32 v4, v7  }
.Ltmp2:
0x486: {  	v63 =	vmul.f32 v59, v7;
	v2 =	vadd.f32 v2, v60;
	(pc) =	sbr.rel @p1 .LBB2_7-.Ltmp2, $4  }
0x487: {  	v1 =	vadd.f32 v3, v1  }
0x488: {  	v2 =	vadd.f32 v63, v2  }
0x489: {  	[tilespmem:v61+s8+$0x0] =	vst.idx.msk $0xffff, v1  }
0x48a: {  	s0 =	sadd.s32 $0x1, s0;
	[tilespmem:v62+s8+$0x0] =	vst.idx.msk $0xffff, v2  }
0x48b: {  	s0 =	sadd.s32 s7, s31  }
0x48c: {  	s30 =	sadd.s32 $0x1, s30;
	s0 =	smul.u32 $0x620, s0  }
0x48d: {  	p1 =	sne.s32 s30, $0x10  }
.Ltmp3:
0x48e: {  	s0 =	sadd.s32 s1, s0;
	(pc) =	sbr.rel @p1 .LBB2_4-.Ltmp3, $4  }
0x48f: {  	[hbm4b:s0+s2] =	stream.linear.scatter [tilespmem:s8], [sflag:$0x3], $0x3100, $0x38;
	[tilespmem:$0x13A80] =	vst v63  }
0x490: {  	_ =	swait.ge [sflag:s9], $0x3100  }
0x491: {  	[sflag:s9] =	ssyncset.done $0x0  }
0x492: {  	[sflag:s9] =	ssyncadd.s32 $0xFFFFCF00  }
0x493: {  	_ =	swait.ge [sflag:s3], $0x6800  }
0x494: {  	s14 =	rddreg [dreg:$0x4]  }
0x495: {  	s0 =	rddreg [dreg:$0x3];
	s14 =	sadd.s32 $0x1, s14  }
0x496: {  	p1 =	sne.s32 s14, s0  }
.Ltmp4:
0x497: {  	_ = 	snop;
	(pc) =	sbr.rel @p1 .LBB2_1-.Ltmp4, $3  }
0x498: {  	_ =	sdelay $0x1  }
0x499: {  	[sflag:s3] =	ssyncset.done $0x0  }
0x49a: {  	[sflag:s3] =	ssyncadd.s32 $0xFFFF9800  }
0x49b: {  	_ =	sfence.sel $0x180000  }
0x49c: {  	[bflag:$0x0] =	sbarrier.arrive $0xFFFF  }
0x49d: {  	_ =	strace $0x9000004A  }
0x49e: {  	s0 =	stileid.u32;
	[bflag:$0x2] =	sbarrier.arrive $0xFFFF  }
0x49f: {  	p0 =	sne.s32 s0, $0x0;
	s0 =	rddreg [dreg:$0x2]  }
0x4a0: {  	s0 =	sadd.s32 @!p0 $0x100000, s0  }
0x4a1: {  	[sflag:s0] =	ssyncadd.tile.s32 @!p0 $0x1;
	_ =	shalt  }
.Lfunc_end2:
_tile_overlayer_lowered:
.L_overlay_start_2:
0x4a2: {  	(tag) =	ssettag $0x2  }
0x4a3: {  	s0 =	rddreg [dreg:$0x0];
	s2 =	stileid.u32  }
0x4a4: {  	s1 =	rddreg [dreg:$0x1];
	p0 =	sne.s32 s2, $0x0  }
0x4a5: {  	s3 =	rddreg [dreg:$0x2];
	[bflag:$0x3] =	sbarrier.arrive $0xFFFF;
	s2 =	simm.s32 @!p0 $0x1C03  }
0x4a6: {  	[timem:s3], [sflag:s2] =	dma.local @!p0 [hbm:s0], s1  }
0x4a7: {  	s0 =	simm.s32 @!p0 $0x3  }
0x4a8: {  	_ =	swait.ge @!p0 [sflag:s0], s1  }
0x4a9: {  	s1 =	ssub.s32 @!p0 $0x0, s1;
	[sflag:s0] =	ssyncset.done @!p0 $0x0  }
0x4aa: {  	[sflag:s0] =	ssyncadd.s32 @!p0 s1  }
0x4ab: {  	[bflag:$0x3] =	sbarrier.arrive $0xFFFF  }
0x4ac: {  	_ =	shalt  }

// kernel: sparse-core-data-format-call.1.cloned.1.call-start
scs
called_computation.1_lowered:
.L_overlay_start_0:
0x0: {  	s2 =	sld [smem:$0x3FD9]  }
0x1: {  	s3 =	sld [smem:$0x3FFE];
	_ =	sdelay $0x1  }
0x2: {  	s1 =	srdreg.scid  }
0x3: {  	s0 =	sand.u32 $0x1, s1  }
0x4: {  	s18 =	sshll.u32 s0, $0xA;
	s2 =	sadd.s32 s3, s2  }
0x5: {  	s2 =	sadd.s32 s2, s18  }
0x6: {  	[smem:$0x3FC2] =	sst s2  }
0x7: {  	_ = 	snop  }
0x8: {  	s2 =	sld [smem:$0x3FD0];
	(tm) =	ssettm $0x1  }
0x9: {  	s19 =	sld [smem:$0x3FFB];
	_ =	sdelay $0x3  }
0xa: {  	_ =	strace s19  }
0xb: {  	s3 =	sld [smem:$0x3FFC];
	_ =	sdelay $0x3  }
0xc: {  	_ =	strace s3  }
0xd: {  	s3 =	sld [smem:$0x3FFD];
	_ =	sdelay $0x3  }
0xe: {  	_ =	strace s3  }
0xf: {  	_ =	strace $0x8FFFFFFF  }
0x10: {  	s20 =	sld [smem:$0x3FDB];
	_ =	sdelay $0x1  }
0x11: {  	s4 =	simm.s32 $_scs_section_size  }
0x12: {  	s5 =	simm.s32 $_size__tile_overlayer_lowered;
	s6 =	simm.s32 $_tile_overlayer_lowered  }
0x13: {  	s23 =	simm.s32 $0x1BFF;
	s22 =	sshll.u32 s6, $0x1;
	s3 =	sadd.s32 s4, s20  }
0x14: {  	s7 =	simm.s32 $0x0;
	s21 =	sshll.u32 s5, $0x1;
	s5 =	sadd.s32 s22, s3  }
0x15: {  	[timem:s7], [sflag:s23] =	dma.local [hbm:s5], s21  }
0x16: {  	_ =	swait.ge [sflag:s23], s21  }
0x17: {  	s4 =	ssub.s32 $0x0, s21;
	[sflag:s23] =	ssyncset.done $0x0  }
0x18: {  	[sflag:s23] =	ssyncadd.s32 s4;
	_ =	sdelay $0x1  }
0x19: {  	s24 =	simm.s32 $0x1B8B  }
0x1a: {  	_ =	swait.ge [sflag:s24], $0x1  }
0x1b: {  	[sflag:s24] =	ssyncset.done $0x0  }
0x1c: {  	s26 =	simm.s32 $0x1B8E;
	s25 =	sld [smem:$0x3FFE];
	[sflag:s24] =	ssyncadd.s32 $0xFFFFFFFF  }
0x1d: {  	s27 =	simm.s32 $execute0_lowered;
	[smem:$0x3FD2] =	sst s26  }
0x1e: {  	s5 =	sshll.u32 s27, $0x1;
	_ =	strace $0x80000046;
	[dreg:$0x1] =	wrdreg $0xFFFFFFFF  }
0x1f: {  	s28 =	simm.s32 $_size_execute0_lowered;
	s3 =	sadd.s32 s3, s5;
	[dreg:$0x0] =	wrdreg $0x0  }
0x20: {  	s5 =	sshll.u32 s28, $0x1;
	[dreg:$0x2] =	wrdreg s3  }
0x21: {  	[dreg:$0x3] =	wrdreg s5  }
0x22: {  	[dreg:$0x4] =	wrdreg $0xC0  }
0x23: {  	_ =	task [dreg:s7], $0x5FFFF  }
0x24: {  	[dreg:$0x1] =	wrdreg $0xFFFFFFFF  }
0x25: {  	[dreg:$0x0] =	wrdreg $0x60  }
0x26: {  	[dreg:$0x2] =	wrdreg s2  }
0x27: {  	[dreg:$0x3] =	wrdreg s25  }
0x28: {  	[dreg:$0x4] =	wrdreg $0x9  }
0x29: {  	_ =	task.clear_ibuf [dreg:s7], $0x5FFFF;
	_ =	strace $0x90000046  }
0x2a: {  	s29 =	simm.s32 $0x9;
	_ =	strace $0x80000048  }
0x2b: {  	_ =	swait.ge [sflag:s29], $0x1  }
0x2c: {  	[sflag:s29] =	ssyncadd.s32 $0xFFFFFFFF  }
0x2d: {  	_ =	strace $0x90000048  }
0x2e: {  	_ =	sfence  }
0x2f: {  	s30 =	sld [smem:$0x0];
	_ =	sdelay $0x2  }
0x30: {  	s31 =	sshll.u32 s1, $0xD;
	s1 =	sshrl.u32 s1, $0x2  }
0x31: {  	s3 =	sand.u32 $0x4000, s31;
	s1 =	sadd.s32 s1, s30  }
0x32: {  	s0 =	sor.u32 s3, s0;
	s1 =	sshll.u32 s1, $0x11  }
0x33: {  	s0 =	sor.u32 s1, s0  }
0x34: {  	s0 =	sadd.s32 $0x8F2B, s0  }
0x35: {  	[sflag:s0] =	ssyncadd.remote.s32 $0x1  }
0x36: {  	_ =	sfence.sel $0xFFFF  }
0x37: {  	[dreg:$0x0] =	wrdreg $0xFFFFFFFF;
	(pc) =	sbr.abs _section_cstart, $3  }
0x38: {  	[dreg:$0x1] =	wrdreg $0xFFFFFFFF  }
0x39: {  	_ =	task.clear_ibuf [dreg:s7], $0x2FFFF;
	_ =	strace $0x9FFFFFFF  }
0x3a: {  	(tm) =	ssettm $0x7FFFFFFF  }
0x3b: {  	_ =	shalt  }
tec
execute0_lowered:
.L_overlay_start_1:
0x0: {  	(tag) =	ssettag $0x1  }
0x1: {  	s2 =	rddreg [dreg:$0x0];
	s0 =	srdreg.scid  }
0x2: {  	s3 =	rddreg [dreg:$0x1];
	s1 =	stileid.u32;
	s9 =	simm.s32 $0x2  }
0x3: {  	p0 =	por $0x0, $0x0;
	s13 =	simm.s32 $0x0;
	s14 =	simm.s32 $0x0  }
0x4: {  	s12 =	simm.s32 $0x0;
	s4 =	sshll.u32 s0, $0x4;
	s0 =	rddreg [dreg:$0x2]  }
0x5: {  	_ =	strace $0x80000047;
	s5 =	sand.u32 $0x10, s4;
	s4 =	sand.u32 $0x1, s1  }
.Ltmp0:
0x6: {  	s6 =	sor.u32 s1, s5;
	s7 =	ssub.s32 $0x2, s4;
	(pc) =	sbr.rel .LBB1_1-.Ltmp0, $4  }
0x7: {  	s5 =	simm.s32 $0x1;
	s8 =	sshrl.u32 s7, $0x1;
	s7 =	sand.u32 $0x1, s7  }
0x8: {  	s11 =	smov.u32 s4;
	[sflag:s5] =	ssyncpa.u1 $0x0;
	s7 =	sadd.s32 s7, s8  }
0x9: {  	s6 =	sshrl.u32 s6, $0x1;
	[sflag:s9] =	ssyncpa.u1 $0x0;
	s7 =	sshll.u32 s7, $0x4  }
0xa: {  	s9 =	simm.s32 $0x0;
	s10 =	smov.u32 s6;
	s8 =	sor.u32 $0x1, s7  }
.LBB1_4:
0xb: {  	_ =	sdelay $0x3  }
0xc: {  	[tilespmem:v0+s16+$0xFFFFFFA0 ss:$0x1] =	vst.idx.msk $0xffff, v6  }
0xd: {  	v56 =	vld.idx.msk [tilespmem:v1+s17+$0x30 ss:$0x1], $0xffff;
	[tilespmem:v0+s16+$0xFFFFFFB0 ss:$0x1] =	vst.idx.msk $0xffff, v4  }
0xe: {  	v57 =	vld.idx.msk [tilespmem:v1+s17+$0xFFFFFFC0 ss:$0x1], $0xffff;
	[tilespmem:v0+s16+$0xFFFFFFC0 ss:$0x1] =	vst.idx.msk $0xffff, v2  }
0xf: {  	v58 =	vld.idx.msk [tilespmem:v1+s17+$0xFFFFFFD0 ss:$0x1], $0xffff;
	[tilespmem:v0+s16+$0xFFFFFFD0 ss:$0x1] =	vst.idx.msk $0xffff, v3  }
0x10: {  	v59 =	vld.idx.msk [tilespmem:v1+s17+$0xFFFFFFE0 ss:$0x1], $0xffff;
	[tilespmem:v0+s16+$0xFFFFFFE0 ss:$0x1] =	vst.idx.msk $0xffff, v5  }
0x11: {  	v60 =	vld.idx.msk [tilespmem:v1+s17+$0xFFFFFFF0 ss:$0x1], $0xffff;
	[tilespmem:v0+s16+$0xFFFFFFF0 ss:$0x1] =	vst.idx.msk $0xffff, v7  }
0x12: {  	v61 =	vld.idx.msk [tilespmem:v1+s17+$0x0 ss:$0x1], $0xffff;
	[tilespmem:v0+s17+$0x0 ss:$0x1] =	vst.idx.msk $0xffff, v56  }
0x13: {  	v62 =	vld.idx.msk [tilespmem:v1+s17+$0x10 ss:$0x1], $0xffff;
	[tilespmem:v0+s17+$0xFFFFFF90 ss:$0x1] =	vst.idx.msk $0xffff, v57  }
0x14: {  	v63 =	vld.idx.msk [tilespmem:v1+s17+$0x20 ss:$0x1], $0xffff;
	[tilespmem:v0+s17+$0xFFFFFFA0 ss:$0x1] =	vst.idx.msk $0xffff, v58  }
0x15: {  	[tilespmem:v0+s17+$0xFFFFFFB0 ss:$0x1] =	vst.idx.msk $0xffff, v59  }
0x16: {  	[tilespmem:v0+s17+$0xFFFFFFC0 ss:$0x1] =	vst.idx.msk $0xffff, v60  }
0x17: {  	s14 =	sshll.u32 s14, $0xB;
	[tilespmem:v0+s17+$0xFFFFFFD0 ss:$0x1] =	vst.idx.msk $0xffff, v61  }
0x18: {  	s13 =	sshll.u32 s13, $0xC;
	s14 =	sadd.s32 s3, s14;
	[tilespmem:v0+s17+$0xFFFFFFE0 ss:$0x1] =	vst.idx.msk $0xffff, v62  }
0x19: {  	s13 =	sadd.s32 s13, s14;
	[tilespmem:v0+s17+$0xFFFFFFF0 ss:$0x1] =	vst.idx.msk $0xffff, v63  }
0x1a: {  	[hbm4b:s13+s9] =	stream.linear.scatter [tilespmem:s15], [sflag:$0x2], $0x4000, $0x38;
	[tilespmem:$0x10000] =	vst v63  }
.LBB1_5:
0x1b: {  	s15 =	sadd.s32 $0x10, s10  }
0x1c: {  	s13 =	sadd.s32 $0x2, s11;
	s17 =	smov.u32 s11;
	p2 =	sgt.s32 s15, $0xFF  }
0x1d: {  	s17 =	smov.u32 @p2 s13  }
0x1e: {  	s15 =	smov.u32 @p2 s6;
	p2 =	sgt.s32 s17, $0x1  }
0x1f: {  	s17 =	smov.u32 @p2 s4;
	p2 =	sne.s32 s12, s8  }
.Ltmp1:
0x20: {  	p1 =	slt.u32 s12, $0x2;
	(pc) =	sbr.rel @!p2 .LBB1_6-.Ltmp1, $4  }
0x21: {  	s16 =	simm.s32 @!p1 $0x2  }
0x22: {  	s14 =	smov.u32 s11;
	p0 =	por !p0, !p0;
	_ =	swait.ge @!p1 [sflag:s16], $0x4000  }
0x23: {  	s13 =	smov.u32 s10;
	[sflag:s16] =	ssyncset.done @!p1 $0x0;
	s10 =	smov.u32 s15  }
0x24: {  	s12 =	sadd.s32 $0x1, s12;
	[sflag:s16] =	ssyncadd.s32 @!p1 $0xFFFFC000;
	s11 =	smov.u32 s17  }
.LBB1_1:
0x25: {  	p1 =	sge.u32 s12, s7  }
0x26: {  	s31 =	sadd.s32 $0xFFFFFFFF, s12;
	s15 =	sxor.u32 @!p1 $0xFFFFFFFF, s12;
	s16 =	sshll.u32 @!p1 s11, $0x13  }
0x27: {  	s17 =	sshll.u32 @!p1 s10, $0xB;
	s15 =	sshll.u32 @!p1 s15, $0xE;
	s16 =	sadd.s32 @!p1 s2, s16  }
0x28: {  	s15 =	sand.u32 @!p1 $0x4000, s15;
	s16 =	sadd.s32 @!p1 s17, s16;
	s17 =	simm.s32 @!p1 $0x0  }
0x29: {  	[tilespmem:s15], [sflag:$0x1] =	stream.linear.gather @!p1 [hbm4b:s16+s17], $0x4000, $0x38;
	[tilespmem:$0x10000] =	vst v63  }
0x2a: {  	p1 =	sge.u32 s31, s7  }
.Ltmp2:
0x2b: {  	_ = 	snop;
	(pc) =	sbr.rel @p1 .LBB1_5-.Ltmp2, $1  }
0x2c: {  	_ =	sdelay $0x3  }
0x2d: {  	s15 =	simm.s32 $0x1  }
0x2e: {  	s15 =	simm.s32 @!p0 $0x0  }
0x2f: {  	s15 =	sshll.u32 s15, $0xE  }
0x30: {  	s16 =	sor.u32 $0x40, s15  }
0x31: {  	v1 =	vmov s16;
	_ =	sdelay $0x1  }
0x32: {  	_ =	swait.ge [sflag:s5], $0x4000  }
0x33: {  	[sflag:s5] =	ssyncset.done $0x0  }
0x34: {  	[sflag:s5] =	ssyncadd.s32 $0xFFFFC000;
	s16 =	simm.s32 $0x0  }
0x35: {  	s15 =	sor.u32 $0x8070, s15;
	v7 =	vld.idx.msk [tilespmem:v1+s16+$0x30 ss:$0x1], $0xffff  }
0x36: {  	v0 =	vmov s15;
	v8 =	vld.idx.msk [tilespmem:v1+s16+$0xFFFFFFC0 ss:$0x1], $0xffff  }
0x37: {  	v6 =	vld.idx.msk [tilespmem:v1+s16+$0xFFFFFFD0 ss:$0x1], $0xffff  }
0x38: {  	v4 =	vld.idx.msk [tilespmem:v1+s16+$0xFFFFFFE0 ss:$0x1], $0xffff  }
0x39: {  	v2 =	vld.idx.msk [tilespmem:v1+s16+$0xFFFFFFF0 ss:$0x1], $0xffff  }
0x3a: {  	s31 =	sshll.u32 s12, $0xE;
	v3 =	vld.idx.msk [tilespmem:v1+s16+$0x0 ss:$0x1], $0xffff  }
0x3b: {  	s15 =	sand.u32 $0x4000, s31;
	v5 =	vld.idx.msk [tilespmem:v1+s16+$0x10 ss:$0x1], $0xffff;
	[tilespmem:v0+s16+$0x0 ss:$0x1] =	vst.idx.msk $0xffff, v7  }
0x3c: {  	s17 =	simm.s32 $0x80;
	s18 =	simm.s32 $0x400;
	s15 =	sor.u32 $0x8000, s15;
	[tilespmem:v0+s16+$0xFFFFFF90 ss:$0x1] =	vst.idx.msk $0xffff, v8;
	v7 =	vld.idx.msk [tilespmem:v1+s16+$0x20 ss:$0x1], $0xffff  }
.LBB1_3:
0x3d: {  	p1 =	sne.s32 s18, $0xFE00;
	v8 =	vld.idx.msk [tilespmem:v1+s17+$0x30 ss:$0x1], $0xffff;
	[tilespmem:v0+s16+$0xFFFFFFA0 ss:$0x1] =	vst.idx.msk $0xffff, v6  }
0x3e: {  	v9 =	vld.idx.msk [tilespmem:v1+s17+$0xFFFFFFC0 ss:$0x1], $0xffff;
	[tilespmem:v0+s16+$0xFFFFFFB0 ss:$0x1] =	vst.idx.msk $0xffff, v4  }
0x3f: {  	v6 =	vld.idx.msk [tilespmem:v1+s17+$0xFFFFFFD0 ss:$0x1], $0xffff;
	[tilespmem:v0+s16+$0xFFFFFFC0 ss:$0x1] =	vst.idx.msk $0xffff, v2  }
.Ltmp3:
0x40: {  	v4 =	vld.idx.msk [tilespmem:v1+s17+$0xFFFFFFE0 ss:$0x1], $0xffff;
	[tilespmem:v0+s16+$0xFFFFFFD0 ss:$0x1] =	vst.idx.msk $0xffff, v3;
	(pc) =	sbr.rel @p1 .LBB1_3-.Ltmp3, $4  }
0x41: {  	v2 =	vld.idx.msk [tilespmem:v1+s17+$0xFFFFFFF0 ss:$0x1], $0xffff;
	[tilespmem:v0+s16+$0xFFFFFFE0 ss:$0x1] =	vst.idx.msk $0xffff, v5  }
0x42: {  	v3 =	vld.idx.msk [tilespmem:v1+s17+$0x0 ss:$0x1], $0xffff;
	[tilespmem:v0+s16+$0xFFFFFFF0 ss:$0x1] =	vst.idx.msk $0xffff, v7;
	s16 =	smov.u32 s17  }
0x43: {  	v5 =	vld.idx.msk [tilespmem:v1+s16+$0x10 ss:$0x1], $0xffff;
	[tilespmem:v0+s16+$0x0 ss:$0x1] =	vst.idx.msk $0xffff, v8  }
0x44: {  	s17 =	sshra.s32 s18, $0x2;
	s18 =	sadd.s32 $0x200, s18;
	[tilespmem:v0+s16+$0xFFFFFF90 ss:$0x1] =	vst.idx.msk $0xffff, v9;
	v7 =	vld.idx.msk [tilespmem:v1+s16+$0x20 ss:$0x1], $0xffff  }
.Ltmp4:
0x45: {  	_ = 	snop;
	(pc) =	sbr.rel .LBB1_4-.Ltmp4, $1  }
0x46: {  	_ =	sdelay $0x3  }
.LBB1_6:
0x47: {  	_ =	sfence.sel $0x180000  }
0x48: {  	s2 =	simm.s32 $0x1;
	[bflag:$0x0] =	sbarrier.arrive $0xFFFF  }
0x49: {  	s31 =	simm.s32 $0x2;
	[sflag:s2] =	ssyncpa.u1 $0x1  }
0x4a: {  	[sflag:s31] =	ssyncpa.u1 $0x1  }
0x4b: {  	p0 =	sne.s32 s1, $0x0;
	_ =	strace $0x90000047  }
0x4c: {  	s0 =	sadd.s32 @!p0 $0x100000, s0;
	[bflag:$0x2] =	sbarrier.arrive $0xFFFF  }
0x4d: {  	[sflag:s0] =	ssyncadd.tile.s32 @!p0 $0x1;
	_ =	shalt  }
.Lfunc_end1:
_tile_overlayer_lowered:
.L_overlay_start_2:
0x4e: {  	(tag) =	ssettag $0x2  }
0x4f: {  	s0 =	rddreg [dreg:$0x0];
	s2 =	stileid.u32  }
0x50: {  	s1 =	rddreg [dreg:$0x1];
	p0 =	sne.s32 s2, $0x0  }
0x51: {  	s3 =	rddreg [dreg:$0x2];
	[bflag:$0x3] =	sbarrier.arrive $0xFFFF;
	s2 =	simm.s32 @!p0 $0x1C01  }
0x52: {  	[timem:s3], [sflag:s2] =	dma.local @!p0 [hbm:s0], s1  }
0x53: {  	s0 =	simm.s32 @!p0 $0x1  }
0x54: {  	_ =	swait.ge @!p0 [sflag:s0], s1  }
0x55: {  	s1 =	ssub.s32 @!p0 $0x0, s1;
	[sflag:s0] =	ssyncset.done @!p0 $0x0  }
0x56: {  	[sflag:s0] =	ssyncadd.s32 @!p0 s1  }
0x57: {  	[bflag:$0x3] =	sbarrier.arrive $0xFFFF  }
0x58: {  	_ =	shalt  }

// kernel: sparse-core-data-format-call.cloned.1.call-start
scs
called_computation_lowered:
.L_overlay_start_0:
0x0: {  	s2 =	sld [smem:$0x3FD9]  }
0x1: {  	s3 =	sld [smem:$0x3FFE];
	_ =	sdelay $0x1  }
0x2: {  	s1 =	srdreg.scid  }
0x3: {  	s0 =	sand.u32 $0x1, s1  }
0x4: {  	s18 =	sshll.u32 s0, $0xA;
	s2 =	sadd.s32 s3, s2  }
0x5: {  	s2 =	sadd.s32 s2, s18  }
0x6: {  	[smem:$0x3FC2] =	sst s2  }
0x7: {  	_ = 	snop  }
0x8: {  	s2 =	sld [smem:$0x3FD0];
	(tm) =	ssettm $0x1  }
0x9: {  	s19 =	sld [smem:$0x3FFB];
	_ =	sdelay $0x3  }
0xa: {  	_ =	strace s19  }
0xb: {  	s3 =	sld [smem:$0x3FFC];
	_ =	sdelay $0x3  }
0xc: {  	_ =	strace s3  }
0xd: {  	s3 =	sld [smem:$0x3FFD];
	_ =	sdelay $0x3  }
0xe: {  	_ =	strace s3  }
0xf: {  	_ =	strace $0x8FFFFFFF  }
0x10: {  	s20 =	sld [smem:$0x3FDB];
	_ =	sdelay $0x1  }
0x11: {  	s4 =	simm.s32 $_scs_section_size  }
0x12: {  	s5 =	simm.s32 $_size__tile_overlayer_lowered;
	s6 =	simm.s32 $_tile_overlayer_lowered  }
0x13: {  	s23 =	simm.s32 $0x1BFF;
	s22 =	sshll.u32 s6, $0x1;
	s3 =	sadd.s32 s4, s20  }
0x14: {  	s7 =	simm.s32 $0x0;
	s21 =	sshll.u32 s5, $0x1;
	s5 =	sadd.s32 s22, s3  }
0x15: {  	[timem:s7], [sflag:s23] =	dma.local [hbm:s5], s21  }
0x16: {  	_ =	swait.ge [sflag:s23], s21  }
0x17: {  	s4 =	ssub.s32 $0x0, s21;
	[sflag:s23] =	ssyncset.done $0x0  }
0x18: {  	[sflag:s23] =	ssyncadd.s32 s4;
	_ =	sdelay $0x1  }
0x19: {  	s24 =	simm.s32 $0x1B8B  }
0x1a: {  	_ =	swait.ge [sflag:s24], $0x1  }
0x1b: {  	[sflag:s24] =	ssyncset.done $0x0  }
0x1c: {  	s26 =	simm.s32 $0x1B8E;
	s25 =	sld [smem:$0x3FFE];
	[sflag:s24] =	ssyncadd.s32 $0xFFFFFFFF  }
0x1d: {  	s27 =	simm.s32 $execute0_lowered;
	[smem:$0x3FD2] =	sst s26  }
0x1e: {  	s5 =	sshll.u32 s27, $0x1;
	_ =	strace $0x8000004C;
	[dreg:$0x1] =	wrdreg $0xFFFFFFFF  }
0x1f: {  	s28 =	simm.s32 $_size_execute0_lowered;
	s3 =	sadd.s32 s3, s5;
	[dreg:$0x0] =	wrdreg $0x0  }
0x20: {  	s5 =	sshll.u32 s28, $0x1;
	[dreg:$0x2] =	wrdreg s3  }
0x21: {  	[dreg:$0x3] =	wrdreg s5  }
0x22: {  	[dreg:$0x4] =	wrdreg $0xC0  }
0x23: {  	_ =	task [dreg:s7], $0x5FFFF  }
0x24: {  	[dreg:$0x1] =	wrdreg $0xFFFFFFFF  }
0x25: {  	[dreg:$0x0] =	wrdreg $0x60  }
0x26: {  	[dreg:$0x2] =	wrdreg s25  }
0x27: {  	[dreg:$0x3] =	wrdreg s2  }
0x28: {  	[dreg:$0x4] =	wrdreg $0x9  }
0x29: {  	_ =	task.clear_ibuf [dreg:s7], $0x5FFFF;
	_ =	strace $0x9000004C  }
0x2a: {  	s29 =	simm.s32 $0x9;
	_ =	strace $0x8000004E  }
0x2b: {  	_ =	swait.ge [sflag:s29], $0x1  }
0x2c: {  	[sflag:s29] =	ssyncadd.s32 $0xFFFFFFFF  }
0x2d: {  	_ =	strace $0x9000004E  }
0x2e: {  	_ =	sfence  }
0x2f: {  	s30 =	sld [smem:$0x0];
	_ =	sdelay $0x2  }
0x30: {  	s31 =	sshll.u32 s1, $0xD;
	s1 =	sshrl.u32 s1, $0x2  }
0x31: {  	s3 =	sand.u32 $0x4000, s31;
	s1 =	sadd.s32 s1, s30  }
0x32: {  	s0 =	sor.u32 s3, s0;
	s1 =	sshll.u32 s1, $0x11  }
0x33: {  	s0 =	sor.u32 s1, s0  }
0x34: {  	s0 =	sadd.s32 $0x8F2B, s0  }
0x35: {  	[sflag:s0] =	ssyncadd.remote.s32 $0x1  }
0x36: {  	_ =	sfence.sel $0xFFFF  }
0x37: {  	[dreg:$0x0] =	wrdreg $0xFFFFFFFF;
	(pc) =	sbr.abs _section_cstart, $3  }
0x38: {  	[dreg:$0x1] =	wrdreg $0xFFFFFFFF  }
0x39: {  	_ =	task.clear_ibuf [dreg:s7], $0x2FFFF;
	_ =	strace $0x9FFFFFFF  }
0x3a: {  	(tm) =	ssettm $0x7FFFFFFF  }
0x3b: {  	_ =	shalt  }
tec
execute0_lowered:
.L_overlay_start_1:
0x0: {  	(tag) =	ssettag $0x1  }
0x1: {  	s0 =	srdreg.scid  }
0x2: {  	s31 =	stileid.u32;
	s2 =	rddreg [dreg:$0x0]  }
0x3: {  	s4 =	rddreg [dreg:$0x1];
	_ =	strace $0x8000004D;
	s7 =	simm.s32 $0x1  }
0x4: {  	s8 =	simm.s32 $0x2;
	s25 =	simm.s32 $0x0;
	s1 =	sshll.u32 s0, $0x4  }
0x5: {  	s15 =	simm.s32 $0x40000;
	s23 =	simm.s32 $0x0;
	s1 =	sand.u32 $0x10, s1  }
0x6: {  	s24 =	simm.s32 $0x0;
	s16 =	simm.s32 $0x0;
	s1 =	sor.u32 s31, s1  }
0x7: {  	s17 =	simm.s32 $0x0;
	s18 =	simm.s32 $0x0;
	s3 =	sshll.u32 s1, $0x3  }
0x8: {  	s19 =	simm.s32 $0x0;
	s20 =	simm.s32 $0x0;
	s6 =	ssub.s32 $0x400, s3  }
0x9: {  	s22 =	simm.s32 $0x0;
	s9 =	sadd.s32 $0x18000, s2;
	s5 =	sand.u32 $0xF8, s6  }
0xa: {  	s10 =	sadd.s32 $0x20000, s2;
	s11 =	sadd.s32 $0x28000, s2;
	p0 =	sne.s32 s5, $0x0  }
.Ltmp0:
0xb: {  	s6 =	sshrl.u32 s6, $0x8;
	s7 =	simm.s32 @!p0 $0x0;
	(pc) =	sbr.rel .LBB1_1-.Ltmp0, $4  }
0xc: {  	s12 =	sadd.s32 $0x30000, s2;
	s5 =	simm.s32 $0x1;
	s6 =	sadd.s32 s7, s6  }
0xd: {  	s13 =	sadd.s32 $0x38000, s2;
	[sflag:s5] =	ssyncpa.u1 $0x0;
	s6 =	smul.u32 $0xE, s6  }
0xe: {  	s21 =	smov.u32 s3;
	p0 =	por $0x0, $0x0;
	[sflag:s8] =	ssyncpa.u1 $0x0  }
0xf: {  	s7 =	sadd.s32 $0x8000, s2;
	s8 =	sadd.s32 $0x10000, s2;
	s14 =	sor.u32 $0x1, s6  }
.LBB1_7:
0x10: {  	p1 =	slt.u32 s22, $0x2  }
0x11: {  	s0 =	smov.u32 s25;
	s27 =	smov.u32 s20;
	p2 =	sgt.s32 @!p1 s25, $0x6  }
0x12: {  	s1 =	sshra.s32 @!p1 s25, $0x1F;
	s26 =	sshra.s32 @!p1 s23, $0x1F;
	p2 =	por !p2, p1  }
0x13: {  	s1 =	sand.u32 @!p1 s1, s25;
	s0 =	simm.s32 @p2 $0x6;
	p2 =	sgt.s32 @!p1 s24, $0x3F8  }
0x14: {  	s0 =	ssub.s32 @!p1 s0, s1;
	p2 =	por !p2, p1;
	s1 =	smov.u32 s24  }
0x15: {  	s25 =	sshra.s32 @!p1 s24, $0x1F;
	s1 =	simm.s32 @p2 $0x3F8;
	p2 =	sgt.s32 @!p1 s23, $0x80  }
0x16: {  	s24 =	sand.u32 @!p1 s25, s24;
	s25 =	smov.u32 s23;
	p2 =	por !p2, p1  }
0x17: {  	s23 =	sand.u32 @!p1 s26, s23;
	s1 =	ssub.s32 @!p1 s1, s24;
	s25 =	simm.s32 @p2 $0x80  }
0x18: {  	s24 =	sadd.s32 @!p1 $0xFFFFFFFA, s0;
	s23 =	ssub.s32 @!p1 s25, s23;
	s25 =	sadd.s32 @!p1 $0xFFFFFC08, s1  }
0x19: {  	s0 =	ssub.s32 @!p1 $0x7, s0;
	p2 =	sgt.s32 @!p1 s25, $0x7;
	s25 =	sadd.s32 @!p1 $0xFFFFFF80, s23  }
0x1a: {  	s1 =	ssub.s32 @!p1 $0x400, s1;
	p2 =	por !p2, p1;
	p3 =	sgt.s32 @!p1 s25, $0x7F  }
0x1b: {  	s23 =	ssub.s32 @!p1 $0x100, s23;
	s1 =	simm.s32 @!p2 $0x0;
	p2 =	por !p3, p1  }
0x1c: {  	s0 =	smul.u32 @!p1 $0x7, s0;
	p3 =	sgt.s32 @!p1 s24, $0x0;
	s23 =	simm.s32 @!p2 $0x0  }
0x1d: {  	s26 =	sadd.s32 $0x1, s19;
	p2 =	por !p3, p1;
	s1 =	smul.u32 @!p1 s1, s23  }
0x1e: {  	s0 =	simm.s32 @!p2 $0x0;
	p2 =	sgt.s32 s26, $0x6;
	s23 =	sadd.s32 $0x80, s20  }
0x1f: {  	s28 =	smov.u32 s21;
	s27 =	smov.u32 @p2 s23  }
0x20: {  	s0 =	smul.u32 @!p1 s0, s1;
	p3 =	sgt.s32 s27, $0xFF;
	s1 =	sadd.s32 $0x100, s21  }
0x21: {  	p0 =	por !p0, !p0;
	s25 =	smov.u32 s16;
	s28 =	smov.u32 @p3 s1  }
0x22: {  	s16 =	smov.u32 s19;
	s26 =	simm.s32 @p2 $0x0;
	p2 =	sgt.s32 s28, $0x3FF  }
0x23: {  	s24 =	smov.u32 s18;
	s28 =	smov.u32 @p2 s3;
	p2 =	sne.s32 s22, s14  }
.Ltmp1:
0x24: {  	s18 =	smov.u32 s21;
	s23 =	smov.u32 s17;
	(pc) =	sbr.rel @!p2 .LBB1_8-.Ltmp1, $4  }
0x25: {  	s17 =	smov.u32 s20;
	s1 =	simm.s32 @!p1 $0x2;
	s0 =	sand.u32 @!p1 $0x3FFFFFFF, s0  }
0x26: {  	s19 =	smov.u32 s26;
	s27 =	simm.s32 @p3 $0x0;
	_ =	swait.ge @!p1 [sflag:s1], s0  }
0x27: {  	s20 =	smov.u32 s27;
	s0 =	ssub.s32 @!p1 $0x0, s0;
	[sflag:s1] =	ssyncset.done @!p1 $0x0  }
0x28: {  	s22 =	sadd.s32 $0x1, s22;
	s21 =	smov.u32 s28;
	[sflag:s1] =	ssyncadd.s32 @!p1 s0  }
.LBB1_1:
0x29: {  	p1 =	sge.u32 s22, s6  }
0x2a: {  	s26 =	sxor.u32 @!p1 $0xFFFFFFFF, s22;
	s27 =	sshll.u32 @!p1 s21, $0xF;
	s28 =	sshll.u32 @!p1 s20, $0x7  }
0x2b: {  	s30 =	sshll.u32 @!p1 s19, $0x4;
	s31 =	simm.s32 @!p1 $0x8;
	s29 =	sadd.s32 @!p1 s27, s28  }
0x2c: {  	s26 =	sshll.u32 @!p1 s26, $0xD;
	s30 =	sand.u32 @!p1 $0x70, s30;
	s29 =	sadd.s32 @!p1 s2, s29  }
0x2d: {  	s1 =	simm.s32 @!p1 $0x400;
	s26 =	sand.u32 @!p1 $0x2000, s26;
	s29 =	sadd.s32 @!p1 s30, s29  }
0x2e: {  	[tilespmem:s26], [sflag:$0x1] =	stream.strided.gather @!p1 [hbm4b:s29+s31], $0x400, s1, s31, $0x38;
	[tilespmem:$0x8080] =	vst v63  }
0x2f: {  	s29 =	sadd.s32 @!p1 s27, s7  }
0x30: {  	s29 =	sadd.s32 @!p1 s28, s29  }
0x31: {  	s0 =	sor.u32 @!p1 $0x400, s26;
	s29 =	sadd.s32 @!p1 s30, s29  }
0x32: {  	[tilespmem:s0], [sflag:$0x1] =	stream.strided.gather @!p1 [hbm4b:s29+s31], $0x400, s1, s31, $0x38;
	[tilespmem:$0x8080] =	vst v63  }
0x33: {  	s0 =	sadd.s32 @!p1 s27, s8  }
0x34: {  	s0 =	sadd.s32 @!p1 s28, s0  }
0x35: {  	s29 =	sor.u32 @!p1 $0x800, s26;
	s0 =	sadd.s32 @!p1 s30, s0  }
0x36: {  	[tilespmem:s29], [sflag:$0x1] =	stream.strided.gather @!p1 [hbm4b:s0+s31], $0x400, s1, s31, $0x38;
	[tilespmem:$0x8080] =	vst v63  }
0x37: {  	s0 =	sadd.s32 @!p1 s27, s9  }
0x38: {  	s0 =	sadd.s32 @!p1 s28, s0  }
0x39: {  	s29 =	sor.u32 @!p1 $0xC00, s26;
	s0 =	sadd.s32 @!p1 s30, s0  }
0x3a: {  	[tilespmem:s29], [sflag:$0x1] =	stream.strided.gather @!p1 [hbm4b:s0+s31], $0x400, s1, s31, $0x38;
	[tilespmem:$0x8080] =	vst v63  }
0x3b: {  	s0 =	sadd.s32 @!p1 s27, s10  }
0x3c: {  	s0 =	sadd.s32 @!p1 s28, s0  }
0x3d: {  	s29 =	sor.u32 @!p1 $0x1000, s26;
	s0 =	sadd.s32 @!p1 s30, s0  }
0x3e: {  	[tilespmem:s29], [sflag:$0x1] =	stream.strided.gather @!p1 [hbm4b:s0+s31], $0x400, s1, s31, $0x38;
	[tilespmem:$0x8080] =	vst v63  }
0x3f: {  	s0 =	sadd.s32 @!p1 s27, s11  }
0x40: {  	s0 =	sadd.s32 @!p1 s28, s0  }
0x41: {  	s29 =	sor.u32 @!p1 $0x1400, s26;
	s0 =	sadd.s32 @!p1 s30, s0  }
0x42: {  	[tilespmem:s29], [sflag:$0x1] =	stream.strided.gather @!p1 [hbm4b:s0+s31], $0x400, s1, s31, $0x38;
	[tilespmem:$0x8080] =	vst v63  }
0x43: {  	s0 =	sadd.s32 @!p1 s27, s12  }
0x44: {  	s0 =	sadd.s32 @!p1 s28, s0  }
0x45: {  	s29 =	sor.u32 @!p1 $0x1800, s26;
	s0 =	sadd.s32 @!p1 s30, s0  }
0x46: {  	[tilespmem:s29], [sflag:$0x1] =	stream.strided.gather @!p1 [hbm4b:s0+s31], $0x400, s1, s31, $0x38;
	[tilespmem:$0x8080] =	vst v63  }
0x47: {  	s0 =	sadd.s32 @!p1 s27, s13  }
0x48: {  	s0 =	sadd.s32 @!p1 s28, s0  }
0x49: {  	s26 =	sor.u32 @!p1 $0x1C00, s26;
	s0 =	sadd.s32 @!p1 s30, s0  }
0x4a: {  	[tilespmem:s26], [sflag:$0x1] =	stream.strided.gather @!p1 [hbm4b:s0+s31], $0x400, s1, s31, $0x38;
	[tilespmem:$0x8080] =	vst v63  }
0x4b: {  	s31 =	sadd.s32 $0xFFFFFFFF, s22  }
0x4c: {  	p1 =	sge.u32 s31, s6  }
.Ltmp2:
0x4d: {  	_ = 	snop;
	(pc) =	sbr.rel @p1 .LBB1_7-.Ltmp2, $1  }
0x4e: {  	_ =	sdelay $0x3  }
0x4f: {  	s0 =	simm.s32 $0x1;
	s26 =	sand.u32 $0x1, s22  }
0x50: {  	s0 =	simm.s32 @!p0 $0x0;
	s26 =	smul.u32 $0x8100, s26  }
0x51: {  	_ =	swait.ge [sflag:s5], $0x2000;
	s1 =	smul.u32 $0x8100, s0  }
0x52: {  	s29 =	simm.s32 $0x0;
	[sflag:s5] =	ssyncset.done $0x0  }
0x53: {  	s27 =	sshll.u32 s0, $0xD;
	s31 =	sshrl.u32 s26, $0x2;
	s30 =	sshrl.u32 s1, $0x2  }
0x54: {  	[sflag:s5] =	ssyncadd.s32 $0xFFFFE000;
	s26 =	sor.u32 $0x4000, s31;
	s28 =	sor.u32 $0x4000, s30  }
.LBB1_3:
0x55: {  	v0 =	vmov s27;
	_ =	sdelay $0x3  }
0x56: {  	s0 =	simm.s32 $0x0  }
0x57: {  	v1 =	vld.idx.msk [tilespmem:v0+s0+$0x0 ss:$0x1], $0xff;
	_ =	sdelay $0x2  }
0x58: {  	s31 =	simm.s32 $0x20;
	s30 =	smov.u32 s28  }
.LBB1_4:
0x59: {  	s0 =	sshra.s32 s31, $0x2;
	p1 =	sne.s32 s31, $0xFE0;
	s31 =	sadd.s32 $0x20, s31  }
.Ltmp3:
0x5a: {  	[tilespmem:s30+$0x0 ss:$0x408] =	vst.msk $0xff, v1;
	v1 =	vld.idx.msk [tilespmem:v0+s0+$0x0 ss:$0x1], $0xff;
	(pc) =	sbr.rel @p1 .LBB1_4-.Ltmp3, $2  }
0x5b: {  	_ =	sdelay $0x2  }
0x5c: {  	s30 =	sadd.s32 $0x1, s30  }
0x5d: {  	s29 =	sadd.s32 $0x1, s29  }
0x5e: {  	p1 =	sne.s32 s29, $0x8  }
.Ltmp4:
0x5f: {  	_ = 	snop;
	(pc) =	sbr.rel @p1 .LBB1_3-.Ltmp4, $2  }
0x60: {  	_ =	sdelay $0x2  }
0x61: {  	[tilespmem:s30+$0x0 ss:$0x408] =	vst.msk $0xff, v1;
	s27 =	sadd.s32 $0x400, s27;
	s28 =	sadd.s32 $0x81, s28  }
0x62: {  	s0 =	sshll.u32 s18, $0x8;
	s1 =	sshll.u32 s17, $0x3  }
0x63: {  	s27 =	sshll.u32 s18, $0x7;
	p1 =	sgt.s32 s18, $0x3F8;
	s28 =	sshra.s32 s18, $0x1F  }
0x64: {  	p2 =	sgt.s32 s16, $0x6;
	s29 =	sshra.s32 s17, $0x1F;
	s31 =	sshra.s32 s16, $0x1F  }
0x65: {  	s0 =	sand.u32 $0x3F800, s0;
	s1 =	sand.u32 $0x3FC00, s1;
	s30 =	sand.u32 $0x300, s27  }
0x66: {  	s28 =	sand.u32 s28, s18;
	s0 =	sadd.s32 s0, s1;
	s1 =	smov.u32 s18  }
0x67: {  	s29 =	sand.u32 s29, s17;
	s27 =	sand.u32 $0x80, s27;
	s1 =	simm.s32 @!p1 $0x3F8  }
0x68: {  	p1 =	sgt.s32 s17, $0x80;
	s1 =	ssub.s32 s1, s28;
	s28 =	smov.u32 s17  }
0x69: {  	s0 =	sor.u32 s30, s0;
	s30 =	sadd.s32 $0xFFFFFC08, s1;
	s28 =	simm.s32 @!p1 $0x80  }
0x6a: {  	s1 =	ssub.s32 $0x400, s1;
	p1 =	sgt.s32 s30, $0x7;
	s30 =	smov.u32 s16  }
0x6b: {  	s28 =	ssub.s32 s28, s29;
	s29 =	sand.u32 s31, s16;
	s30 =	simm.s32 @!p2 $0x6  }
0x6c: {  	s1 =	simm.s32 @p1 $0x0;
	s31 =	sadd.s32 $0xFFFFFF80, s28;
	s29 =	ssub.s32 s30, s29  }
0x6d: {  	s28 =	ssub.s32 $0x100, s28;
	p1 =	sgt.s32 s31, $0x7F;
	s31 =	ssub.s32 $0x7, s29  }
0x6e: {  	s29 =	sadd.s32 $0xFFFFFFFA, s29;
	s28 =	simm.s32 @p1 $0x0;
	s30 =	smul.u32 $0x7, s31  }
0x6f: {  	p1 =	sgt.s32 s29, $0x0;
	s29 =	sand.u32 $0x78, s17;
	s1 =	smul.u32 s1, s28  }
0x70: {  	s0 =	sshrl.u32 s0, $0x3;
	s31 =	smul.u32 $0x38000, s16;
	s27 =	sor.u32 s29, s27  }
.Ltmp5:
0x71: {  	s30 =	simm.s32 @p1 $0x0;
	s27 =	sshrl.u32 s27, $0x3;
	(pc) =	sbr.rel .LBB1_7-.Ltmp5, $4  }
0x72: {  	s28 =	sadd.s32 s4, s31;
	s31 =	sand.u32 $0x7, s17;
	s1 =	smul.u32 s30, s1  }
0x73: {  	s0 =	sand.u32 $0x7FE0, s0;
	s27 =	sadd.s32 s27, s28;
	s30 =	sshll.u32 s31, $0x12  }
0x74: {  	s0 =	sadd.s32 s0, s27;
	s31 =	sor.u32 $0x400, s30;
	s1 =	sand.u32 $0x3FFFFFFF, s1  }
0x75: {  	[hbm4b:s0+s31] =	stream.strided.scatter [tilespmem:s26], [sflag:$0x2], s1, s15, s31, $0x20;
	[tilespmem:$0x8080] =	vst v63  }
.LBB1_8:
0x76: {  	_ =	sfence.sel $0x180000  }
0x77: {  	s0 =	simm.s32 $0x1;
	[bflag:$0x0] =	sbarrier.arrive $0xFFFF  }
0x78: {  	s30 =	simm.s32 $0x2;
	[sflag:s0] =	ssyncpa.u1 $0x1  }
0x79: {  	[sflag:s30] =	ssyncpa.u1 $0x1  }
0x7a: {  	_ =	strace $0x9000004D  }
0x7b: {  	s31 =	stileid.u32;
	[bflag:$0x2] =	sbarrier.arrive $0xFFFF  }
0x7c: {  	p0 =	sne.s32 s31, $0x0;
	s0 =	rddreg [dreg:$0x2]  }
0x7d: {  	s0 =	sadd.s32 @!p0 $0x100000, s0  }
0x7e: {  	[sflag:s0] =	ssyncadd.tile.s32 @!p0 $0x1;
	_ =	shalt  }
.Lfunc_end1:
_tile_overlayer_lowered:
.L_overlay_start_2:
0x7f: {  	(tag) =	ssettag $0x2  }
0x80: {  	s0 =	rddreg [dreg:$0x0];
	s2 =	stileid.u32  }
0x81: {  	s1 =	rddreg [dreg:$0x1];
	p0 =	sne.s32 s2, $0x0  }
0x82: {  	s3 =	rddreg [dreg:$0x2];
	[bflag:$0x3] =	sbarrier.arrive $0xFFFF;
	s2 =	simm.s32 @!p0 $0x1C01  }
0x83: {  	[timem:s3], [sflag:s2] =	dma.local @!p0 [hbm:s0], s1  }
0x84: {  	s0 =	simm.s32 @!p0 $0x1  }
0x85: {  	_ =	swait.ge @!p0 [sflag:s0], s1  }
0x86: {  	s1 =	ssub.s32 @!p0 $0x0, s1;
	[sflag:s0] =	ssyncset.done @!p0 $0x0  }
0x87: {  	[sflag:s0] =	ssyncadd.s32 @!p0 s1  }
0x88: {  	[bflag:$0x3] =	sbarrier.arrive $0xFFFF  }
0x89: {  	_ =	shalt  }

</sc_bundles>
